<compile_context>
chip_gen: v7x
topology: tpu7x:2x2x1
jax: 0.10.2.dev20260603
libtpu: 0.0.44.dev20260713+nightly
codegen_flags: <defaults>
</compile_context>

<pallas_src>
import functools

import jax
import jax.numpy as jnp
from jax import lax
from jax.experimental import pallas as pl
from jax.experimental.pallas import tpu as pltpu
from jax.experimental.pallas import tpu_sc as plsc

_E = 16
_D = 1024
_DFF = 512
_S = 2048
_TM = 128
_NT = 48
_PAD = _NT * _TM
_NW = 32
_RPW = _PAD // _NW
_TPW = _S // _NW



def _router_body(x_ref, gate_ref, pos_ref, prob_ref, te_ref):
    x = x_ref[:]
    scores = lax.dot_general(gate_ref[:], x, (((1,), (1,)), ((), ())),
                             preferred_element_type=jnp.float32)
    ie = lax.broadcasted_iota(jnp.int32, (_E, _S), 0)
    m1 = jnp.max(scores, axis=0, keepdims=True)
    i1 = jnp.min(jnp.where(scores == m1, ie, _E), axis=0, keepdims=True)
    masked = jnp.where(ie == i1, -jnp.inf, scores)
    m2 = jnp.max(masked, axis=0, keepdims=True)
    i2 = jnp.min(jnp.where(masked == m2, ie, _E), axis=0, keepdims=True)
    t = jnp.exp(m2 - m1)
    p1 = 1.0 / (1.0 + t)
    p2 = 1.0 - p1
    maskf = jnp.logical_or(ie == i1, ie == i2).astype(jnp.float32)

    lu = (lax.broadcasted_iota(jnp.int32, (_TM, _TM), 0)
          <= lax.broadcasted_iota(jnp.int32, (_TM, _TM), 1)).astype(jnp.float32)
    chunks = []
    carry = jnp.zeros((_E, 1), jnp.float32)
    for c in range(_S // _TM):
        mc = maskf[:, c * _TM:(c + 1) * _TM]
        cs = lax.dot_general(mc, lu, (((1,), (0,)), ((), ())),
                             preferred_element_type=jnp.float32)
        chunks.append(cs + carry)
        carry = carry + cs[:, _TM - 1:_TM]
    incl = jnp.concatenate(chunks, axis=1)

    cnt = incl[:, _S - 1:_S]
    cntp = jnp.ceil(cnt * (1.0 / _TM)) * float(_TM)
    slm = (lax.broadcasted_iota(jnp.int32, (_E, _E), 1)
           < lax.broadcasted_iota(jnp.int32, (_E, _E), 0)).astype(jnp.float32)
    offp = lax.dot_general(slm, cntp, (((1,), (0,)), ((), ())),
                           preferred_element_type=jnp.float32)
    posmat = offp + incl - 1.0
    on1 = (ie == i1).astype(jnp.float32)
    on2 = (ie == i2).astype(jnp.float32)
    pos1 = jnp.sum(on1 * posmat, axis=0, keepdims=True)
    pos2 = jnp.sum(on2 * posmat, axis=0, keepdims=True)
    pos_ref[:] = jnp.concatenate([pos1, pos2], axis=0).astype(jnp.int32)
    prob_ref[:] = jnp.concatenate([p1, p2], axis=0)

    ends = offp + cntp
    jv = (lax.broadcasted_iota(jnp.int32, (_E, _NT), 1) * _TM).astype(jnp.float32)
    tef = jnp.sum((ends <= jv).astype(jnp.float32), axis=0, keepdims=True)
    te_ref[:] = jnp.minimum(tef, float(_E - 1)).astype(jnp.int32)


def _router(x2d, gate_w, interpret=False):
    return pl.pallas_call(
        _router_body,
        out_shape=(
            jax.ShapeDtypeStruct((2, _S), jnp.int32),
            jax.ShapeDtypeStruct((2, _S), jnp.float32),
            jax.ShapeDtypeStruct((1, _NT), jnp.int32),
        ),
        interpret=interpret,
    )(x2d, gate_w)



def _scatter_body(pos_hbm, prob_hbm, src_hbm, ps_hbm, pos_v, prob_v, srcb, psb):
    cid = lax.axis_index("c")
    sid = lax.axis_index("s")

    @pl.when(jnp.logical_and(cid == 0, sid == 0))
    def _():
        pltpu.sync_copy(pos_hbm, pos_v)
        pltpu.sync_copy(prob_hbm, prob_v)
        lane = lax.iota(jnp.int32, 16)
        zf = jnp.zeros((16,), jnp.float32)

        def init(i, c):
            srcb[pl.ds(i * 16, 16)] = lane + lax.rem(i * 16, _S)
            psb[pl.ds(i * 16, 16)] = zf
            return c

        lax.fori_loop(0, _PAD // 16, init, 0)

        def body(i, c):
            base = i * 16
            p = pos_v[pl.ds(base, 16)]
            pr = prob_v[pl.ds(base, 16)]
            tok = lane + lax.rem(base, _S)
            plsc.store_scatter(srcb, [p], tok)
            plsc.store_scatter(psb, [p], pr)
            return c

        lax.fori_loop(0, (2 * _S) // 16, body, 0)
        pltpu.sync_copy(srcb, src_hbm)
        pltpu.sync_copy(psb, ps_hbm)



_GCH = 32
_GNB = 3


def _gather_body(src_hbm, x_hbm, xs_hbm, i1_v, i2_v, r1_v, r2_v, sem1, sem2):
    wid = lax.axis_index("s") * 2 + lax.axis_index("c")
    base = wid * _RPW
    for c in range(_RPW // (2 * _GCH)):
        cb = base + c * 2 * _GCH
        pltpu.sync_copy(src_hbm.at[pl.ds(cb, _GCH)], i1_v)
        pltpu.sync_copy(src_hbm.at[pl.ds(cb + _GCH, _GCH)], i2_v)
        cp1 = pltpu.async_copy(x_hbm.at[i1_v], r1_v, sem1)
        cp2 = pltpu.async_copy(x_hbm.at[i2_v], r2_v, sem2)
        cp1.wait()
        cp2.wait()
        pltpu.sync_copy(r1_v, xs_hbm.at[pl.ds(cb, _GCH)])
        pltpu.sync_copy(r2_v, xs_hbm.at[pl.ds(cb + _GCH, _GCH)])



def _grouped_body(te_ref, x_ref, wg_ref, wu_ref, wd_ref, pb_ref, o_ref):
    x = x_ref[:]
    g = lax.dot_general(x, wg_ref[0], (((1,), (1,)), ((), ())),
                        preferred_element_type=jnp.float32,
                        precision=lax.Precision.DEFAULT)
    u = lax.dot_general(x, wu_ref[0], (((1,), (1,)), ((), ())),
                        preferred_element_type=jnp.float32,
                        precision=lax.Precision.DEFAULT)
    h = (g * (1.0 / (1.0 + jnp.exp(-g)))) * u
    out = lax.dot_general(h, wd_ref[0], (((1,), (1,)), ((), ())),
                          preferred_element_type=jnp.float32,
                          precision=lax.Precision.DEFAULT)
    o_ref[:] = out * pb_ref[:]


def _grouped(te, xs, Wg, Wu, Wd, ps, interpret=False):
    grid_spec = pltpu.PrefetchScalarGridSpec(
        num_scalar_prefetch=1,
        grid=(_NT,),
        in_specs=[
            pl.BlockSpec((_TM, _D), lambda j, te: (j, 0)),
            pl.BlockSpec((1, _DFF, _D), lambda j, te: (te[j], 0, 0)),
            pl.BlockSpec((1, _DFF, _D), lambda j, te: (te[j], 0, 0)),
            pl.BlockSpec((1, _D, _DFF), lambda j, te: (te[j], 0, 0)),
            pl.BlockSpec((_TM, 1), lambda j, te: (j, 0)),
        ],
        out_specs=pl.BlockSpec((_TM, _D), lambda j, te: (j, 0)),
    )
    return pl.pallas_call(
        _grouped_body,
        grid_spec=grid_spec,
        out_shape=jax.ShapeDtypeStruct((_PAD, _D), jnp.float32),
        interpret=interpret,
    )(te, xs, Wg, Wu, Wd, ps)



_CCH = 32


def _combine_body(ys_hbm, pos_hbm, y_hbm, i1_v, i2_v, r1_v, r2_v, sem1, sem2):
    wid = lax.axis_index("s") * 2 + lax.axis_index("c")
    base = wid * _TPW
    for c in range(_TPW // _CCH):
        tb = base + c * _CCH
        pltpu.sync_copy(pos_hbm.at[0, pl.ds(tb, _CCH)], i1_v)
        pltpu.sync_copy(pos_hbm.at[1, pl.ds(tb, _CCH)], i2_v)
        cp1 = pltpu.async_copy(ys_hbm.at[i1_v], r1_v, sem1)
        cp2 = pltpu.async_copy(ys_hbm.at[i2_v], r2_v, sem2)
        cp1.wait()
        cp2.wait()

        def addt(t, carry):
            for k in range(_D // 16):
                sl = pl.ds(k * 16, 16)
                r1_v[t, sl] = r1_v[t, sl] + r2_v[t, sl]
            return carry

        lax.fori_loop(0, _CCH, addt, 0)
        pltpu.sync_copy(r1_v, y_hbm.at[pl.ds(tb, _CCH)])



@functools.cache
def _sc_kernels():
    mesh = plsc.VectorSubcoreMesh(core_axis_name="c", subcore_axis_name="s")
    no_layout = pltpu.CompilerParams(needs_layout_passes=False)
    scatter = pl.kernel(
        _scatter_body,
        compiler_params=no_layout,
        out_type=(
            jax.ShapeDtypeStruct((_PAD,), jnp.int32),
            jax.ShapeDtypeStruct((_PAD,), jnp.float32),
        ),
        mesh=mesh,
        scratch_types=[
            pltpu.VMEM((2 * _S,), jnp.int32),
            pltpu.VMEM((2 * _S,), jnp.float32),
            pltpu.VMEM((_PAD,), jnp.int32),
            pltpu.VMEM((_PAD,), jnp.float32),
        ],
    )
    gather = pl.kernel(
        _gather_body,
        out_type=jax.ShapeDtypeStruct((_PAD, _D), jnp.float32),
        mesh=mesh,
        scratch_types=[
            pltpu.VMEM((_GCH,), jnp.int32),
            pltpu.VMEM((_GCH,), jnp.int32),
            pltpu.VMEM((_GCH, _D), jnp.float32),
            pltpu.VMEM((_GCH, _D), jnp.float32),
            pltpu.SemaphoreType.DMA,
            pltpu.SemaphoreType.DMA,
        ],
    )
    combine = pl.kernel(
        _combine_body,
        out_type=jax.ShapeDtypeStruct((_S, _D), jnp.float32),
        mesh=mesh,
        scratch_types=[
            pltpu.VMEM((_CCH,), jnp.int32),
            pltpu.VMEM((_CCH,), jnp.int32),
            pltpu.VMEM((_CCH, _D), jnp.float32),
            pltpu.VMEM((_CCH, _D), jnp.float32),
            pltpu.SemaphoreType.DMA,
            pltpu.SemaphoreType.DMA,
        ],
    )
    return scatter, gather, combine


def kernel(x, gate_w, Wg, Wu, Wd):
    b, s, d = x.shape
    scatter, gather, combine = _sc_kernels()
    x2d = x.reshape(s, d)
    pos12, probs12, te = _router(x2d, gate_w)
    src, ps = scatter(pos12.reshape(2 * _S), probs12.reshape(2 * _S))
    xs = gather(src, x2d)
    ys = _grouped(te.reshape(_NT), xs, Wg, Wu, Wd, ps.reshape(_PAD, 1))
    y = combine(ys, pos12)
    return y.reshape(b, s, d)

# --- scband reference (transcript-rebuilt; emitter-appended) ---
"""Pipeline reference for scband-mo-efeed-forward-39642548142369 (READ-ONLY COPY).

The authoritative reference and input builder live on the scoring server;
editing this copy changes nothing except your own understanding.
"""

import jax, jax.numpy as jnp
import numpy as np

E = 16      # num_experts
K = 2       # num_experts_per_tok
D = 1024    # n_embed
DFF = 512   # moe_intermediate_size
B = 1
S = 2048


def setup_inputs(seed: int = 0) -> dict:
    key = jax.random.key(seed)
    k0, k1, k2, k3, k4 = jax.random.split(key, 5)
    x = jax.random.normal(k0, (B, S, D), dtype=jnp.float32)
    gate_w = jax.random.normal(k1, (E, D), dtype=jnp.float32) * 0.02
    Wg = jax.random.normal(k2, (E, DFF, D), dtype=jnp.float32) * 0.02
    Wu = jax.random.normal(k3, (E, DFF, D), dtype=jnp.float32) * 0.02
    Wd = jax.random.normal(k4, (E, D, DFF), dtype=jnp.float32) * 0.02
    return {"x": x, "gate_w": gate_w, "Wg": Wg, "Wu": Wu, "Wd": Wd}


def reference(x, gate_w, Wg, Wu, Wd):
    # router scores: F.linear(x, gate_weight) -> x @ gate_w.T
    scores = jnp.einsum('bsd,ed->bse', x, gate_w)
    topk_scores, topk_idx = jax.lax.top_k(scores, K)
    topk_probs = jax.nn.softmax(topk_scores, axis=-1)

    # dense evaluation of ALL experts on all tokens (faithful to the torch loop)
    g_pre = jnp.einsum('bsd,efd->bsef', x, Wg)   # gate_proj per expert
    u = jnp.einsum('bsd,efd->bsef', x, Wu)       # up_proj per expert
    hidden = jax.nn.silu(g_pre) * u
    expert_outputs = jnp.einsum('bsef,edf->bsed', hidden, Wd)  # (b, s, E, D)

    # scatter top-k probs into a dense (b, s, E) gating tensor (overwrite semantics)
    gating = jnp.zeros_like(scores)
    eid = jnp.arange(E)[None, None, :]
    for i in range(K):
        onehot = (eid == topk_idx[..., i:i + 1])
        gating = jnp.where(onehot, topk_probs[..., i:i + 1], gating)

    y = jnp.sum(gating[..., None] * expert_outputs, axis=-2)  # (b, s, D)
    return y

if __name__ == "__main__":
    import jax
    _d = setup_inputs()
    print(jax.jit(kernel)(*tuple(_d.values())))

</pallas_src>

<mosaic_0001>
#map = affine_map<(d0, d1) -> (0, 0)>
module attributes {stable_mosaic.version = 14 : i64} {
  func.func @_combine_body(%arg0: i32, %arg1: i32, %arg2: memref<6144x1024xf32, #tpu.memory_space<hbm>>, %arg3: memref<2x2048xi32, #tpu.memory_space<hbm>>, %arg4: memref<2048x1024xf32, #tpu.memory_space<hbm>>, %arg5: memref<32xi32, #tpu.memory_space<vmem>>, %arg6: memref<32xi32, #tpu.memory_space<vmem>>, %arg7: memref<32x1024xf32, #tpu.memory_space<vmem>>, %arg8: memref<32x1024xf32, #tpu.memory_space<vmem>>, %arg9: memref<!tpu.dma_semaphore, #tpu.memory_space<semaphore_mem>>, %arg10: memref<!tpu.dma_semaphore, #tpu.memory_space<semaphore_mem>>) attributes {dimension_semantics = [#tpu.dimension_semantics<core_parallel>, #tpu.dimension_semantics<subcore_parallel>], iteration_bounds = array<i64: 2, 16>, scalar_prefetch = 0 : i64, scratch_operands = 6 : i64, tpu.core_type = #tpu.core_type<sc_vector_subcore>, window_params = [{transform_indices = #map}, {transform_indices = #map}, {transform_indices = #map}]} {
    %mul3A = arith.constant 2 : i32
    %mul3A_0 = arith.muli %arg1, %mul3A : i32
    %add3A = arith.addi %mul3A_0, %arg0 : i32
    %mul3A_1 = arith.constant 64 : i32
    %mul3A_2 = arith.muli %add3A, %mul3A_1 : i32
    %add3A_3 = arith.constant 0 : i32
    %add3A_4 = arith.addi %mul3A_2, %add3A_3 : i32
    %run_scoped3A = arith.constant 0 : i32
    "tpu.region"() ({
      %run_scoped3A_43 = tpu.sem_alloc : memref<!tpu.dma_semaphore, #tpu.memory_space<semaphore_mem>>
      %dma_start3A_44 = tpu.memref_slice %arg3[%run_scoped3A, %add3A_4] : memref<2x2048xi32, #tpu.memory_space<hbm>> -> memref<1x32xi32, #tpu.memory_space<hbm>>
      %dma_start3A_45 = tpu.memref_squeeze %dma_start3A_44 : memref<1x32xi32, #tpu.memory_space<hbm>> -> memref<32xi32, #tpu.memory_space<hbm>>
      %dma_start3A_46 = tpu.memref_slice %arg3[%run_scoped3A, %add3A_4] : memref<2x2048xi32, #tpu.memory_space<hbm>> -> memref<1x32xi32, #tpu.memory_space<hbm>>
      %dma_start3A_47 = tpu.memref_squeeze %dma_start3A_46 : memref<1x32xi32, #tpu.memory_space<hbm>> -> memref<32xi32, #tpu.memory_space<hbm>>
      tpu.enqueue_dma source(%dma_start3A_47 : memref<32xi32, #tpu.memory_space<hbm>>) target(%arg5 : memref<32xi32, #tpu.memory_space<vmem>>) target_semaphore(%run_scoped3A_43 : memref<!tpu.dma_semaphore, #tpu.memory_space<semaphore_mem>>)
      %dma_wait3A_48 = tpu.memref_slice %arg3[%run_scoped3A, %add3A_4] : memref<2x2048xi32, #tpu.memory_space<hbm>> -> memref<1x32xi32, #tpu.memory_space<hbm>>
      %dma_wait3A_49 = tpu.memref_squeeze %dma_wait3A_48 : memref<1x32xi32, #tpu.memory_space<hbm>> -> memref<32xi32, #tpu.memory_space<hbm>>
      %dma_wait3A_50 = tpu.memref_slice %arg3[%run_scoped3A, %add3A_4] : memref<2x2048xi32, #tpu.memory_space<hbm>> -> memref<1x32xi32, #tpu.memory_space<hbm>>
      %dma_wait3A_51 = tpu.memref_squeeze %dma_wait3A_50 : memref<1x32xi32, #tpu.memory_space<hbm>> -> memref<32xi32, #tpu.memory_space<hbm>>
      tpu.wait_dma2 semaphore(%run_scoped3A_43 : memref<!tpu.dma_semaphore, #tpu.memory_space<semaphore_mem>>) src(%dma_wait3A_51 : memref<32xi32, #tpu.memory_space<hbm>>) dst(%arg5 : memref<32xi32, #tpu.memory_space<vmem>>)
      tpu.yield
    }) : () -> ()
    %run_scoped3A_5 = arith.constant 1 : i32
    "tpu.region"() ({
      %run_scoped3A_43 = tpu.sem_alloc : memref<!tpu.dma_semaphore, #tpu.memory_space<semaphore_mem>>
      %dma_start3A_44 = tpu.memref_slice %arg3[%run_scoped3A_5, %add3A_4] : memref<2x2048xi32, #tpu.memory_space<hbm>> -> memref<1x32xi32, #tpu.memory_space<hbm>>
      %dma_start3A_45 = tpu.memref_squeeze %dma_start3A_44 : memref<1x32xi32, #tpu.memory_space<hbm>> -> memref<32xi32, #tpu.memory_space<hbm>>
      %dma_start3A_46 = tpu.memref_slice %arg3[%run_scoped3A_5, %add3A_4] : memref<2x2048xi32, #tpu.memory_space<hbm>> -> memref<1x32xi32, #tpu.memory_space<hbm>>
      %dma_start3A_47 = tpu.memref_squeeze %dma_start3A_46 : memref<1x32xi32, #tpu.memory_space<hbm>> -> memref<32xi32, #tpu.memory_space<hbm>>
      tpu.enqueue_dma source(%dma_start3A_47 : memref<32xi32, #tpu.memory_space<hbm>>) target(%arg6 : memref<32xi32, #tpu.memory_space<vmem>>) target_semaphore(%run_scoped3A_43 : memref<!tpu.dma_semaphore, #tpu.memory_space<semaphore_mem>>)
      %dma_wait3A_48 = tpu.memref_slice %arg3[%run_scoped3A_5, %add3A_4] : memref<2x2048xi32, #tpu.memory_space<hbm>> -> memref<1x32xi32, #tpu.memory_space<hbm>>
      %dma_wait3A_49 = tpu.memref_squeeze %dma_wait3A_48 : memref<1x32xi32, #tpu.memory_space<hbm>> -> memref<32xi32, #tpu.memory_space<hbm>>
      %dma_wait3A_50 = tpu.memref_slice %arg3[%run_scoped3A_5, %add3A_4] : memref<2x2048xi32, #tpu.memory_space<hbm>> -> memref<1x32xi32, #tpu.memory_space<hbm>>
      %dma_wait3A_51 = tpu.memref_squeeze %dma_wait3A_50 : memref<1x32xi32, #tpu.memory_space<hbm>> -> memref<32xi32, #tpu.memory_space<hbm>>
      tpu.wait_dma2 semaphore(%run_scoped3A_43 : memref<!tpu.dma_semaphore, #tpu.memory_space<semaphore_mem>>) src(%dma_wait3A_51 : memref<32xi32, #tpu.memory_space<hbm>>) dst(%arg6 : memref<32xi32, #tpu.memory_space<vmem>>)
      tpu.yield
    }) : () -> ()
    %dma_start3A = arith.constant 0 : i32
    %dma_start3A_6 = arith.constant 0 : i32
    %dma_start3A_7 = tpu.memref_slice %arg2[%dma_start3A, %dma_start3A_6] : memref<6144x1024xf32, #tpu.memory_space<hbm>> -> memref<6144x1024xf32, #tpu.memory_space<hbm>>
    tpu.enqueue_indirect_dma source(%dma_start3A_7 : memref<6144x1024xf32, #tpu.memory_space<hbm>>) target(%arg7 : memref<32x1024xf32, #tpu.memory_space<vmem>>) offsets(%arg5 : memref<32xi32, #tpu.memory_space<vmem>>) semaphore(%arg9 : memref<!tpu.dma_semaphore, #tpu.memory_space<semaphore_mem>>)
    %dma_start3A_8 = arith.constant 0 : i32
    %dma_start3A_9 = arith.constant 0 : i32
    %dma_start3A_10 = tpu.memref_slice %arg2[%dma_start3A_8, %dma_start3A_9] : memref<6144x1024xf32, #tpu.memory_space<hbm>> -> memref<6144x1024xf32, #tpu.memory_space<hbm>>
    tpu.enqueue_indirect_dma source(%dma_start3A_10 : memref<6144x1024xf32, #tpu.memory_space<hbm>>) target(%arg8 : memref<32x1024xf32, #tpu.memory_space<vmem>>) offsets(%arg6 : memref<32xi32, #tpu.memory_space<vmem>>) semaphore(%arg10 : memref<!tpu.dma_semaphore, #tpu.memory_space<semaphore_mem>>)
    %dma_wait3A = arith.constant 0 : i32
    %dma_wait3A_11 = arith.constant 0 : i32
    %dma_wait3A_12 = tpu.memref_slice %arg2[%dma_wait3A, %dma_wait3A_11] : memref<6144x1024xf32, #tpu.memory_space<hbm>> -> memref<6144x1024xf32, #tpu.memory_space<hbm>>
    tpu.wait_indirect_dma semaphore(%arg9 : memref<!tpu.dma_semaphore, #tpu.memory_space<semaphore_mem>>) src(%dma_wait3A_12 : memref<6144x1024xf32, #tpu.memory_space<hbm>>) dst(%arg7 : memref<32x1024xf32, #tpu.memory_space<vmem>>)
    %dma_wait3A_13 = arith.constant 0 : i32
    %dma_wait3A_14 = arith.constant 0 : i32
    %dma_wait3A_15 = tpu.memref_slice %arg2[%dma_wait3A_13, %dma_wait3A_14] : memref<6144x1024xf32, #tpu.memory_space<hbm>> -> memref<6144x1024xf32, #tpu.memory_space<hbm>>
    tpu.wait_indirect_dma semaphore(%arg10 : memref<!tpu.dma_semaphore, #tpu.memory_space<semaphore_mem>>) src(%dma_wait3A_15 : memref<6144x1024xf32, #tpu.memory_space<hbm>>) dst(%arg8 : memref<32x1024xf32, #tpu.memory_space<vmem>>)
    %scan3A = arith.constant 0 : i32
    %scan3A_16 = arith.constant 0 : i32
    %scan3A_17 = arith.constant 32 : i32
    %scan3A_18 = arith.addi %scan3A_16, %scan3A_17 : i32
    %scan3A_19 = arith.constant 1 : i32
    scf.for %scan3A_43 = %scan3A_16 to %scan3A_18 step %scan3A_19  : i32 {
      %get3A = arith.index_cast %scan3A_43 : i32 to index
      %get3A_44 = arith.constant 0 : index
      %get3A_45 = tpu.vector_load %arg7[%get3A, %get3A_44] {strides = array<i32>} : memref<32x1024xf32, #tpu.memory_space<vmem>>, vector<1x16xf32>,
      %get3A_46 = vector.shape_cast %get3A_45 : vector<1x16xf32> to vector<16xf32>
      %get3A_47 = arith.index_cast %scan3A_43 : i32 to index
      %get3A_48 = arith.constant 0 : index
      %get3A_49 = tpu.vector_load %arg8[%get3A_47, %get3A_48] {strides = array<i32>} : memref<32x1024xf32, #tpu.memory_space<vmem>>, vector<1x16xf32>,
      %get3A_50 = vector.shape_cast %get3A_49 : vector<1x16xf32> to vector<16xf32>
      %add3A_51 = arith.addf %get3A_46, %get3A_50 : vector<16xf32>
      %swap3A = arith.index_cast %scan3A_43 : i32 to index
      %swap3A_52 = arith.constant 0 : index
      %swap3A_53 = tpu.vector_load %arg7[%swap3A, %swap3A_52] {strides = array<i32>} : memref<32x1024xf32, #tpu.memory_space<vmem>>, vector<1x16xf32>,
      %swap3A_54 = vector.shape_cast %swap3A_53 : vector<1x16xf32> to vector<16xf32>
      %swap3A_55 = vector.shape_cast %add3A_51 : vector<16xf32> to vector<1x16xf32>
      tpu.vector_store %arg7[%swap3A, %swap3A_52], %swap3A_55 {strides = array<i32>} : memref<32x1024xf32, #tpu.memory_space<vmem>>, vector<1x16xf32>,
      %get3A_56 = arith.index_cast %scan3A_43 : i32 to index
      %get3A_57 = arith.constant 16 : index
      %get3A_58 = tpu.vector_load %arg7[%get3A_56, %get3A_57] {strides = array<i32>} : memref<32x1024xf32, #tpu.memory_space<vmem>>, vector<1x16xf32>,
      %get3A_59 = vector.shape_cast %get3A_58 : vector<1x16xf32> to vector<16xf32>
      %get3A_60 = arith.index_cast %scan3A_43 : i32 to index
      %get3A_61 = arith.constant 16 : index
      %get3A_62 = tpu.vector_load %arg8[%get3A_60, %get3A_61] {strides = array<i32>} : memref<32x1024xf32, #tpu.memory_space<vmem>>, vector<1x16xf32>,
      %get3A_63 = vector.shape_cast %get3A_62 : vector<1x16xf32> to vector<16xf32>
      %add3A_64 = arith.addf %get3A_59, %get3A_63 : vector<16xf32>
      %swap3A_65 = arith.index_cast %scan3A_43 : i32 to index
      %swap3A_66 = arith.constant 16 : index
      %swap3A_67 = tpu.vector_load %arg7[%swap3A_65, %swap3A_66] {strides = array<i32>} : memref<32x1024xf32, #tpu.memory_space<vmem>>, vector<1x16xf32>,
      %swap3A_68 = vector.shape_cast %swap3A_67 : vector<1x16xf32> to vector<16xf32>
      %swap3A_69 = vector.shape_cast %add3A_64 : vector<16xf32> to vector<1x16xf32>
      tpu.vector_store %arg7[%swap3A_65, %swap3A_66], %swap3A_69 {strides = array<i32>} : memref<32x1024xf32, #tpu.memory_space<vmem>>, vector<1x16xf32>,
      %get3A_70 = arith.index_cast %scan3A_43 : i32 to index
      %get3A_71 = arith.constant 32 : index
      %get3A_72 = tpu.vector_load %arg7[%get3A_70, %get3A_71] {strides = array<i32>} : memref<32x1024xf32, #tpu.memory_space<vmem>>, vector<1x16xf32>,
      %get3A_73 = vector.shape_cast %get3A_72 : vector<1x16xf32> to vector<16xf32>
      %get3A_74 = arith.index_cast %scan3A_43 : i32 to index
      %get3A_75 = arith.constant 32 : index
      %get3A_76 = tpu.vector_load %arg8[%get3A_74, %get3A_75] {strides = array<i32>} : memref<32x1024xf32, #tpu.memory_space<vmem>>, vector<1x16xf32>,
      %get3A_77 = vector.shape_cast %get3A_76 : vector<1x16xf32> to vector<16xf32>
      %add3A_78 = arith.addf %get3A_73, %get3A_77 : vector<16xf32>
      %swap3A_79 = arith.index_cast %scan3A_43 : i32 to index
      %swap3A_80 = arith.constant 32 : index
      %swap3A_81 = tpu.vector_load %arg7[%swap3A_79, %swap3A_80] {strides = array<i32>} : memref<32x1024xf32, #tpu.memory_space<vmem>>, vector<1x16xf32>,
      %swap3A_82 = vector.shape_cast %swap3A_81 : vector<1x16xf32> to vector<16xf32>
      %swap3A_83 = vector.shape_cast %add3A_78 : vector<16xf32> to vector<1x16xf32>
      tpu.vector_store %arg7[%swap3A_79, %swap3A_80], %swap3A_83 {strides = array<i32>} : memref<32x1024xf32, #tpu.memory_space<vmem>>, vector<1x16xf32>,
      %get3A_84 = arith.index_cast %scan3A_43 : i32 to index
      %get3A_85 = arith.constant 48 : index
      %get3A_86 = tpu.vector_load %arg7[%get3A_84, %get3A_85] {strides = array<i32>} : memref<32x1024xf32, #tpu.memory_space<vmem>>, vector<1x16xf32>,
      %get3A_87 = vector.shape_cast %get3A_86 : vector<1x16xf32> to vector<16xf32>
      %get3A_88 = arith.index_cast %scan3A_43 : i32 to index
      %get3A_89 = arith.constant 48 : index
      %get3A_90 = tpu.vector_load %arg8[%get3A_88, %get3A_89] {strides = array<i32>} : memref<32x1024xf32, #tpu.memory_space<vmem>>, vector<1x16xf32>,
      %get3A_91 = vector.shape_cast %get3A_90 : vector<1x16xf32> to vector<16xf32>
      %add3A_92 = arith.addf %get3A_87, %get3A_91 : vector<16xf32>
      %swap3A_93 = arith.index_cast %scan3A_43 : i32 to index
      %swap3A_94 = arith.constant 48 : index
      %swap3A_95 = tpu.vector_load %arg7[%swap3A_93, %swap3A_94] {strides = array<i32>} : memref<32x1024xf32, #tpu.memory_space<vmem>>, vector<1x16xf32>,
      %swap3A_96 = vector.shape_cast %swap3A_95 : vector<1x16xf32> to vector<16xf32>
      %swap3A_97 = vector.shape_cast %add3A_92 : vector<16xf32> to vector<1x16xf32>
      tpu.vector_store %arg7[%swap3A_93, %swap3A_94], %swap3A_97 {strides = array<i32>} : memref<32x1024xf32, #tpu.memory_space<vmem>>, vector<1x16xf32>,
      %get3A_98 = arith.index_cast %scan3A_43 : i32 to index
      %get3A_99 = arith.constant 64 : index
      %get3A_100 = tpu.vector_load %arg7[%get3A_98, %get3A_99] {strides = array<i32>} : memref<32x1024xf32, #tpu.memory_space<vmem>>, vector<1x16xf32>,
      %get3A_101 = vector.shape_cast %get3A_100 : vector<1x16xf32> to vector<16xf32>
      %get3A_102 = arith.index_cast %scan3A_43 : i32 to index
      %get3A_103 = arith.constant 64 : index
      %get3A_104 = tpu.vector_load %arg8[%get3A_102, %get3A_103] {strides = array<i32>} : memref<32x1024xf32, #tpu.memory_space<vmem>>, vector<1x16xf32>,
      %get3A_105 = vector.shape_cast %get3A_104 : vector<1x16xf32> to vector<16xf32>
      %add3A_106 = arith.addf %get3A_101, %get3A_105 : vector<16xf32>
      %swap3A_107 = arith.index_cast %scan3A_43 : i32 to index
      %swap3A_108 = arith.constant 64 : index
      %swap3A_109 = tpu.vector_load %arg7[%swap3A_107, %swap3A_108] {strides = array<i32>} : memref<32x1024xf32, #tpu.memory_space<vmem>>, vector<1x16xf32>,
      %swap3A_110 = vector.shape_cast %swap3A_109 : vector<1x16xf32> to vector<16xf32>
      %swap3A_111 = vector.shape_cast %add3A_106 : vector<16xf32> to vector<1x16xf32>
      tpu.vector_store %arg7[%swap3A_107, %swap3A_108], %swap3A_111 {strides = array<i32>} : memref<32x1024xf32, #tpu.memory_space<vmem>>, vector<1x16xf32>,
      %get3A_112 = arith.index_cast %scan3A_43 : i32 to index
      %get3A_113 = arith.constant 80 : index
      %get3A_114 = tpu.vector_load %arg7[%get3A_112, %get3A_113] {strides = array<i32>} : memref<32x1024xf32, #tpu.memory_space<vmem>>, vector<1x16xf32>,
      %get3A_115 = vector.shape_cast %get3A_114 : vector<1x16xf32> to vector<16xf32>
      %get3A_116 = arith.index_cast %scan3A_43 : i32 to index
      %get3A_117 = arith.constant 80 : index
      %get3A_118 = tpu.vector_load %arg8[%get3A_116, %get3A_117] {strides = array<i32>} : memref<32x1024xf32, #tpu.memory_space<vmem>>, vector<1x16xf32>,
      %get3A_119 = vector.shape_cast %get3A_118 : vector<1x16xf32> to vector<16xf32>
      %add3A_120 = arith.addf %get3A_115, %get3A_119 : vector<16xf32>
      %swap3A_121 = arith.index_cast %scan3A_43 : i32 to index
      %swap3A_122 = arith.constant 80 : index
      %swap3A_123 = tpu.vector_load %arg7[%swap3A_121, %swap3A_122] {strides = array<i32>} : memref<32x1024xf32, #tpu.memory_space<vmem>>, vector<1x16xf32>,
      %swap3A_124 = vector.shape_cast %swap3A_123 : vector<1x16xf32> to vector<16xf32>
      %swap3A_125 = vector.shape_cast %add3A_120 : vector<16xf32> to vector<1x16xf32>
      tpu.vector_store %arg7[%swap3A_121, %swap3A_122], %swap3A_125 {strides = array<i32>} : memref<32x1024xf32, #tpu.memory_space<vmem>>, vector<1x16xf32>,
      %get3A_126 = arith.index_cast %scan3A_43 : i32 to index
      %get3A_127 = arith.constant 96 : index
      %get3A_128 = tpu.vector_load %arg7[%get3A_126, %get3A_127] {strides = array<i32>} : memref<32x1024xf32, #tpu.memory_space<vmem>>, vector<1x16xf32>,
      %get3A_129 = vector.shape_cast %get3A_128 : vector<1x16xf32> to vector<16xf32>
      %get3A_130 = arith.index_cast %scan3A_43 : i32 to index
      %get3A_131 = arith.constant 96 : index
      %get3A_132 = tpu.vector_load %arg8[%get3A_130, %get3A_131] {strides = array<i32>} : memref<32x1024xf32, #tpu.memory_space<vmem>>, vector<1x16xf32>,
      %get3A_133 = vector.shape_cast %get3A_132 : vector<1x16xf32> to vector<16xf32>
      %add3A_134 = arith.addf %get3A_129, %get3A_133 : vector<16xf32>
      %swap3A_135 = arith.index_cast %scan3A_43 : i32 to index
      %swap3A_136 = arith.constant 96 : index
      %swap3A_137 = tpu.vector_load %arg7[%swap3A_135, %swap3A_136] {strides = array<i32>} : memref<32x1024xf32, #tpu.memory_space<vmem>>, vector<1x16xf32>,
      %swap3A_138 = vector.shape_cast %swap3A_137 : vector<1x16xf32> to vector<16xf32>
      %swap3A_139 = vector.shape_cast %add3A_134 : vector<16xf32> to vector<1x16xf32>
      tpu.vector_store %arg7[%swap3A_135, %swap3A_136], %swap3A_139 {strides = array<i32>} : memref<32x1024xf32, #tpu.memory_space<vmem>>, vector<1x16xf32>,
      %get3A_140 = arith.index_cast %scan3A_43 : i32 to index
      %get3A_141 = arith.constant 112 : index
      %get3A_142 = tpu.vector_load %arg7[%get3A_140, %get3A_141] {strides = array<i32>} : memref<32x1024xf32, #tpu.memory_space<vmem>>, vector<1x16xf32>,
      %get3A_143 = vector.shape_cast %get3A_142 : vector<1x16xf32> to vector<16xf32>
      %get3A_144 = arith.index_cast %scan3A_43 : i32 to index
      %get3A_145 = arith.constant 112 : index
      %get3A_146 = tpu.vector_load %arg8[%get3A_144, %get3A_145] {strides = array<i32>} : memref<32x1024xf32, #tpu.memory_space<vmem>>, vector<1x16xf32>,
      %get3A_147 = vector.shape_cast %get3A_146 : vector<1x16xf32> to vector<16xf32>
      %add3A_148 = arith.addf %get3A_143, %get3A_147 : vector<16xf32>
      %swap3A_149 = arith.index_cast %scan3A_43 : i32 to index
      %swap3A_150 = arith.constant 112 : index
      %swap3A_151 = tpu.vector_load %arg7[%swap3A_149, %swap3A_150] {strides = array<i32>} : memref<32x1024xf32, #tpu.memory_space<vmem>>, vector<1x16xf32>,
      %swap3A_152 = vector.shape_cast %swap3A_151 : vector<1x16xf32> to vector<16xf32>
      %swap3A_153 = vector.shape_cast %add3A_148 : vector<16xf32> to vector<1x16xf32>
      tpu.vector_store %arg7[%swap3A_149, %swap3A_150], %swap3A_153 {strides = array<i32>} : memref<32x1024xf32, #tpu.memory_space<vmem>>, vector<1x16xf32>,
      %get3A_154 = arith.index_cast %scan3A_43 : i32 to index
      %get3A_155 = arith.constant 128 : index
      %get3A_156 = tpu.vector_load %arg7[%get3A_154, %get3A_155] {strides = array<i32>} : memref<32x1024xf32, #tpu.memory_space<vmem>>, vector<1x16xf32>,
      %get3A_157 = vector.shape_cast %get3A_156 : vector<1x16xf32> to vector<16xf32>
      %get3A_158 = arith.index_cast %scan3A_43 : i32 to index
      %get3A_159 = arith.constant 128 : index
      %get3A_160 = tpu.vector_load %arg8[%get3A_158, %get3A_159] {strides = array<i32>} : memref<32x1024xf32, #tpu.memory_space<vmem>>, vector<1x16xf32>,
      %get3A_161 = vector.shape_cast %get3A_160 : vector<1x16xf32> to vector<16xf32>
      %add3A_162 = arith.addf %get3A_157, %get3A_161 : vector<16xf32>
      %swap3A_163 = arith.index_cast %scan3A_43 : i32 to index
      %swap3A_164 = arith.constant 128 : index
      %swap3A_165 = tpu.vector_load %arg7[%swap3A_163, %swap3A_164] {strides = array<i32>} : memref<32x1024xf32, #tpu.memory_space<vmem>>, vector<1x16xf32>,
      %swap3A_166 = vector.shape_cast %swap3A_165 : vector<1x16xf32> to vector<16xf32>
      %swap3A_167 = vector.shape_cast %add3A_162 : vector<16xf32> to vector<1x16xf32>
      tpu.vector_store %arg7[%swap3A_163, %swap3A_164], %swap3A_167 {strides = array<i32>} : memref<32x1024xf32, #tpu.memory_space<vmem>>, vector<1x16xf32>,
      %get3A_168 = arith.index_cast %scan3A_43 : i32 to index
      %get3A_169 = arith.constant 144 : index
      %get3A_170 = tpu.vector_load %arg7[%get3A_168, %get3A_169] {strides = array<i32>} : memref<32x1024xf32, #tpu.memory_space<vmem>>, vector<1x16xf32>,
      %get3A_171 = vector.shape_cast %get3A_170 : vector<1x16xf32> to vector<16xf32>
      %get3A_172 = arith.index_cast %scan3A_43 : i32 to index
      %get3A_173 = arith.constant 144 : index
      %get3A_174 = tpu.vector_load %arg8[%get3A_172, %get3A_173] {strides = array<i32>} : memref<32x1024xf32, #tpu.memory_space<vmem>>, vector<1x16xf32>,
      %get3A_175 = vector.shape_cast %get3A_174 : vector<1x16xf32> to vector<16xf32>
      %add3A_176 = arith.addf %get3A_171, %get3A_175 : vector<16xf32>
      %swap3A_177 = arith.index_cast %scan3A_43 : i32 to index
      %swap3A_178 = arith.constant 144 : index
      %swap3A_179 = tpu.vector_load %arg7[%swap3A_177, %swap3A_178] {strides = array<i32>} : memref<32x1024xf32, #tpu.memory_space<vmem>>, vector<1x16xf32>,
      %swap3A_180 = vector.shape_cast %swap3A_179 : vector<1x16xf32> to vector<16xf32>
      %swap3A_181 = vector.shape_cast %add3A_176 : vector<16xf32> to vector<1x16xf32>
      tpu.vector_store %arg7[%swap3A_177, %swap3A_178], %swap3A_181 {strides = array<i32>} : memref<32x1024xf32, #tpu.memory_space<vmem>>, vector<1x16xf32>,
      %get3A_182 = arith.index_cast %scan3A_43 : i32 to index
      %get3A_183 = arith.constant 160 : index
      %get3A_184 = tpu.vector_load %arg7[%get3A_182, %get3A_183] {strides = array<i32>} : memref<32x1024xf32, #tpu.memory_space<vmem>>, vector<1x16xf32>,
      %get3A_185 = vector.shape_cast %get3A_184 : vector<1x16xf32> to vector<16xf32>
      %get3A_186 = arith.index_cast %scan3A_43 : i32 to index
      %get3A_187 = arith.constant 160 : index
      %get3A_188 = tpu.vector_load %arg8[%get3A_186, %get3A_187] {strides = array<i32>} : memref<32x1024xf32, #tpu.memory_space<vmem>>, vector<1x16xf32>,
      %get3A_189 = vector.shape_cast %get3A_188 : vector<1x16xf32> to vector<16xf32>
      %add3A_190 = arith.addf %get3A_185, %get3A_189 : vector<16xf32>
      %swap3A_191 = arith.index_cast %scan3A_43 : i32 to index
      %swap3A_192 = arith.constant 160 : index
      %swap3A_193 = tpu.vector_load %arg7[%swap3A_191, %swap3A_192] {strides = array<i32>} : memref<32x1024xf32, #tpu.memory_space<vmem>>, vector<1x16xf32>,
      %swap3A_194 = vector.shape_cast %swap3A_193 : vector<1x16xf32> to vector<16xf32>
      %swap3A_195 = vector.shape_cast %add3A_190 : vector<16xf32> to vector<1x16xf32>
      tpu.vector_store %arg7[%swap3A_191, %swap3A_192], %swap3A_195 {strides = array<i32>} : memref<32x1024xf32, #tpu.memory_space<vmem>>, vector<1x16xf32>,
      %get3A_196 = arith.index_cast %scan3A_43 : i32 to index
      %get3A_197 = arith.constant 176 : index
      %get3A_198 = tpu.vector_load %arg7[%get3A_196, %get3A_197] {strides = array<i32>} : memref<32x1024xf32, #tpu.memory_space<vmem>>, vector<1x16xf32>,
      %get3A_199 = vector.shape_cast %get3A_198 : vector<1x16xf32> to vector<16xf32>
      %get3A_200 = arith.index_cast %scan3A_43 : i32 to index
      %get3A_201 = arith.constant 176 : index
      %get3A_202 = tpu.vector_load %arg8[%get3A_200, %get3A_201] {strides = array<i32>} : memref<32x1024xf32, #tpu.memory_space<vmem>>, vector<1x16xf32>,
      %get3A_203 = vector.shape_cast %get3A_202 : vector<1x16xf32> to vector<16xf32>
      %add3A_204 = arith.addf %get3A_199, %get3A_203 : vector<16xf32>
      %swap3A_205 = arith.index_cast %scan3A_43 : i32 to index
      %swap3A_206 = arith.constant 176 : index
      %swap3A_207 = tpu.vector_load %arg7[%swap3A_205, %swap3A_206] {strides = array<i32>} : memref<32x1024xf32, #tpu.memory_space<vmem>>, vector<1x16xf32>,
      %swap3A_208 = vector.shape_cast %swap3A_207 : vector<1x16xf32> to vector<16xf32>
      %swap3A_209 = vector.shape_cast %add3A_204 : vector<16xf32> to vector<1x16xf32>
      tpu.vector_store %arg7[%swap3A_205, %swap3A_206], %swap3A_209 {strides = array<i32>} : memref<32x1024xf32, #tpu.memory_space<vmem>>, vector<1x16xf32>,
      %get3A_210 = arith.index_cast %scan3A_43 : i32 to index
      %get3A_211 = arith.constant 192 : index
      %get3A_212 = tpu.vector_load %arg7[%get3A_210, %get3A_211] {strides = array<i32>} : memref<32x1024xf32, #tpu.memory_space<vmem>>, vector<1x16xf32>,
      %get3A_213 = vector.shape_cast %get3A_212 : vector<1x16xf32> to vector<16xf32>
      %get3A_214 = arith.index_cast %scan3A_43 : i32 to index
      %get3A_215 = arith.constant 192 : index
      %get3A_216 = tpu.vector_load %arg8[%get3A_214, %get3A_215] {strides = array<i32>} : memref<32x1024xf32, #tpu.memory_space<vmem>>, vector<1x16xf32>,
      %get3A_217 = vector.shape_cast %get3A_216 : vector<1x16xf32> to vector<16xf32>
      %add3A_218 = arith.addf %get3A_213, %get3A_217 : vector<16xf32>
      %swap3A_219 = arith.index_cast %scan3A_43 : i32 to index
      %swap3A_220 = arith.constant 192 : index
      %swap3A_221 = tpu.vector_load %arg7[%swap3A_219, %swap3A_220] {strides = array<i32>} : memref<32x1024xf32, #tpu.memory_space<vmem>>, vector<1x16xf32>,
      %swap3A_222 = vector.shape_cast %swap3A_221 : vector<1x16xf32> to vector<16xf32>
      %swap3A_223 = vector.shape_cast %add3A_218 : vector<16xf32> to vector<1x16xf32>
      tpu.vector_store %arg7[%swap3A_219, %swap3A_220], %swap3A_223 {strides = array<i32>} : memref<32x1024xf32, #tpu.memory_space<vmem>>, vector<1x16xf32>,
      %get3A_224 = arith.index_cast %scan3A_43 : i32 to index
      %get3A_225 = arith.constant 208 : index
      %get3A_226 = tpu.vector_load %arg7[%get3A_224, %get3A_225] {strides = array<i32>} : memref<32x1024xf32, #tpu.memory_space<vmem>>, vector<1x16xf32>,
      %get3A_227 = vector.shape_cast %get3A_226 : vector<1x16xf32> to vector<16xf32>
      %get3A_228 = arith.index_cast %scan3A_43 : i32 to index
      %get3A_229 = arith.constant 208 : index
      %get3A_230 = tpu.vector_load %arg8[%get3A_228, %get3A_229] {strides = array<i32>} : memref<32x1024xf32, #tpu.memory_space<vmem>>, vector<1x16xf32>,
      %get3A_231 = vector.shape_cast %get3A_230 : vector<1x16xf32> to vector<16xf32>
      %add3A_232 = arith.addf %get3A_227, %get3A_231 : vector<16xf32>
      %swap3A_233 = arith.index_cast %scan3A_43 : i32 to index
      %swap3A_234 = arith.constant 208 : index
      %swap3A_235 = tpu.vector_load %arg7[%swap3A_233, %swap3A_234] {strides = array<i32>} : memref<32x1024xf32, #tpu.memory_space<vmem>>, vector<1x16xf32>,
      %swap3A_236 = vector.shape_cast %swap3A_235 : vector<1x16xf32> to vector<16xf32>
      %swap3A_237 = vector.shape_cast %add3A_232 : vector<16xf32> to vector<1x16xf32>
      tpu.vector_store %arg7[%swap3A_233, %swap3A_234], %swap3A_237 {strides = array<i32>} : memref<32x1024xf32, #tpu.memory_space<vmem>>, vector<1x16xf32>,
      %get3A_238 = arith.index_cast %scan3A_43 : i32 to index
      %get3A_239 = arith.constant 224 : index
      %get3A_240 = tpu.vector_load %arg7[%get3A_238, %get3A_239] {strides = array<i32>} : memref<32x1024xf32, #tpu.memory_space<vmem>>, vector<1x16xf32>,
      %get3A_241 = vector.shape_cast %get3A_240 : vector<1x16xf32> to vector<16xf32>
      %get3A_242 = arith.index_cast %scan3A_43 : i32 to index
      %get3A_243 = arith.constant 224 : index
      %get3A_244 = tpu.vector_load %arg8[%get3A_242, %get3A_243] {strides = array<i32>} : memref<32x1024xf32, #tpu.memory_space<vmem>>, vector<1x16xf32>,
      %get3A_245 = vector.shape_cast %get3A_244 : vector<1x16xf32> to vector<16xf32>
      %add3A_246 = arith.addf %get3A_241, %get3A_245 : vector<16xf32>
      %swap3A_247 = arith.index_cast %scan3A_43 : i32 to index
      %swap3A_248 = arith.constant 224 : index
      %swap3A_249 = tpu.vector_load %arg7[%swap3A_247, %swap3A_248] {strides = array<i32>} : memref<32x1024xf32, #tpu.memory_space<vmem>>, vector<1x16xf32>,
      %swap3A_250 = vector.shape_cast %swap3A_249 : vector<1x16xf32> to vector<16xf32>
      %swap3A_251 = vector.shape_cast %add3A_246 : vector<16xf32> to vector<1x16xf32>
      tpu.vector_store %arg7[%swap3A_247, %swap3A_248], %swap3A_251 {strides = array<i32>} : memref<32x1024xf32, #tpu.memory_space<vmem>>, vector<1x16xf32>,
      %get3A_252 = arith.index_cast %scan3A_43 : i32 to index
      %get3A_253 = arith.constant 240 : index
      %get3A_254 = tpu.vector_load %arg7[%get3A_252, %get3A_253] {strides = array<i32>} : memref<32x1024xf32, #tpu.memory_space<vmem>>, vector<1x16xf32>,
      %get3A_255 = vector.shape_cast %get3A_254 : vector<1x16xf32> to vector<16xf32>
      %get3A_256 = arith.index_cast %scan3A_43 : i32 to index
      %get3A_257 = arith.constant 240 : index
      %get3A_258 = tpu.vector_load %arg8[%get3A_256, %get3A_257] {strides = array<i32>} : memref<32x1024xf32, #tpu.memory_space<vmem>>, vector<1x16xf32>,
      %get3A_259 = vector.shape_cast %get3A_258 : vector<1x16xf32> to vector<16xf32>
      %add3A_260 = arith.addf %get3A_255, %get3A_259 : vector<16xf32>
      %swap3A_261 = arith.index_cast %scan3A_43 : i32 to index
      %swap3A_262 = arith.constant 240 : index
      %swap3A_263 = tpu.vector_load %arg7[%swap3A_261, %swap3A_262] {strides = array<i32>} : memref<32x1024xf32, #tpu.memory_space<vmem>>, vector<1x16xf32>,
      %swap3A_264 = vector.shape_cast %swap3A_263 : vector<1x16xf32> to vector<16xf32>
      %swap3A_265 = vector.shape_cast %add3A_260 : vector<16xf32> to vector<1x16xf32>
      tpu.vector_store %arg7[%swap3A_261, %swap3A_262], %swap3A_265 {strides = array<i32>} : memref<32x1024xf32, #tpu.memory_space<vmem>>, vector<1x16xf32>,
      %get3A_266 = arith.index_cast %scan3A_43 : i32 to index
      %get3A_267 = arith.constant 256 : index
      %get3A_268 = tpu.vector_load %arg7[%get3A_266, %get3A_267] {strides = array<i32>} : memref<32x1024xf32, #tpu.memory_space<vmem>>, vector<1x16xf32>,
      %get3A_269 = vector.shape_cast %get3A_268 : vector<1x16xf32> to vector<16xf32>
      %get3A_270 = arith.index_cast %scan3A_43 : i32 to index
      %get3A_271 = arith.constant 256 : index
      %get3A_272 = tpu.vector_load %arg8[%get3A_270, %get3A_271] {strides = array<i32>} : memref<32x1024xf32, #tpu.memory_space<vmem>>, vector<1x16xf32>,
      %get3A_273 = vector.shape_cast %get3A_272 : vector<1x16xf32> to vector<16xf32>
      %add3A_274 = arith.addf %get3A_269, %get3A_273 : vector<16xf32>
      %swap3A_275 = arith.index_cast %scan3A_43 : i32 to index
      %swap3A_276 = arith.constant 256 : index
      %swap3A_277 = tpu.vector_load %arg7[%swap3A_275, %swap3A_276] {strides = array<i32>} : memref<32x1024xf32, #tpu.memory_space<vmem>>, vector<1x16xf32>,
      %swap3A_278 = vector.shape_cast %swap3A_277 : vector<1x16xf32> to vector<16xf32>
      %swap3A_279 = vector.shape_cast %add3A_274 : vector<16xf32> to vector<1x16xf32>
      tpu.vector_store %arg7[%swap3A_275, %swap3A_276], %swap3A_279 {strides = array<i32>} : memref<32x1024xf32, #tpu.memory_space<vmem>>, vector<1x16xf32>,
      %get3A_280 = arith.index_cast %scan3A_43 : i32 to index
      %get3A_281 = arith.constant 272 : index
      %get3A_282 = tpu.vector_load %arg7[%get3A_280, %get3A_281] {strides = array<i32>} : memref<32x1024xf32, #tpu.memory_space<vmem>>, vector<1x16xf32>,
      %get3A_283 = vector.shape_cast %get3A_282 : vector<1x16xf32> to vector<16xf32>
      %get3A_284 = arith.index_cast %scan3A_43 : i32 to index
      %get3A_285 = arith.constant 272 : index
      %get3A_286 = tpu.vector_load %arg8[%get3A_284, %get3A_285] {strides = array<i32>} : memref<32x1024xf32, #tpu.memory_space<vmem>>, vector<1x16xf32>,
      %get3A_287 = vector.shape_cast %get3A_286 : vector<1x16xf32> to vector<16xf32>
      %add3A_288 = arith.addf %get3A_283, %get3A_287 : vector<16xf32>
      %swap3A_289 = arith.index_cast %scan3A_43 : i32 to index
      %swap3A_290 = arith.constant 272 : index
      %swap3A_291 = tpu.vector_load %arg7[%swap3A_289, %swap3A_290] {strides = array<i32>} : memref<32x1024xf32, #tpu.memory_space<vmem>>, vector<1x16xf32>,
      %swap3A_292 = vector.shape_cast %swap3A_291 : vector<1x16xf32> to vector<16xf32>
      %swap3A_293 = vector.shape_cast %add3A_288 : vector<16xf32> to vector<1x16xf32>
      tpu.vector_store %arg7[%swap3A_289, %swap3A_290], %swap3A_293 {strides = array<i32>} : memref<32x1024xf32, #tpu.memory_space<vmem>>, vector<1x16xf32>,
      %get3A_294 = arith.index_cast %scan3A_43 : i32 to index
      %get3A_295 = arith.constant 288 : index
      %get3A_296 = tpu.vector_load %arg7[%get3A_294, %get3A_295] {strides = array<i32>} : memref<32x1024xf32, #tpu.memory_space<vmem>>, vector<1x16xf32>,
      %get3A_297 = vector.shape_cast %get3A_296 : vector<1x16xf32> to vector<16xf32>
      %get3A_298 = arith.index_cast %scan3A_43 : i32 to index
      %get3A_299 = arith.constant 288 : index
      %get3A_300 = tpu.vector_load %arg8[%get3A_298, %get3A_299] {strides = array<i32>} : memref<32x1024xf32, #tpu.memory_space<vmem>>, vector<1x16xf32>,
      %get3A_301 = vector.shape_cast %get3A_300 : vector<1x16xf32> to vector<16xf32>
      %add3A_302 = arith.addf %get3A_297, %get3A_301 : vector<16xf32>
      %swap3A_303 = arith.index_cast %scan3A_43 : i32 to index
      %swap3A_304 = arith.constant 288 : index
      %swap3A_305 = tpu.vector_load %arg7[%swap3A_303, %swap3A_304] {strides = array<i32>} : memref<32x1024xf32, #tpu.memory_space<vmem>>, vector<1x16xf32>,
      %swap3A_306 = vector.shape_cast %swap3A_305 : vector<1x16xf32> to vector<16xf32>
      %swap3A_307 = vector.shape_cast %add3A_302 : vector<16xf32> to vector<1x16xf32>
      tpu.vector_store %arg7[%swap3A_303, %swap3A_304], %swap3A_307 {strides = array<i32>} : memref<32x1024xf32, #tpu.memory_space<vmem>>, vector<1x16xf32>,
      %get3A_308 = arith.index_cast %scan3A_43 : i32 to index
      %get3A_309 = arith.constant 304 : index
      %get3A_310 = tpu.vector_load %arg7[%get3A_308, %get3A_309] {strides = array<i32>} : memref<32x1024xf32, #tpu.memory_space<vmem>>, vector<1x16xf32>,
      %get3A_311 = vector.shape_cast %get3A_310 : vector<1x16xf32> to vector<16xf32>
      %get3A_312 = arith.index_cast %scan3A_43 : i32 to index
      %get3A_313 = arith.constant 304 : index
      %get3A_314 = tpu.vector_load %arg8[%get3A_312, %get3A_313] {strides = array<i32>} : memref<32x1024xf32, #tpu.memory_space<vmem>>, vector<1x16xf32>,
      %get3A_315 = vector.shape_cast %get3A_314 : vector<1x16xf32> to vector<16xf32>
      %add3A_316 = arith.addf %get3A_311, %get3A_315 : vector<16xf32>
      %swap3A_317 = arith.index_cast %scan3A_43 : i32 to index
      %swap3A_318 = arith.constant 304 : index
      %swap3A_319 = tpu.vector_load %arg7[%swap3A_317, %swap3A_318] {strides = array<i32>} : memref<32x1024xf32, #tpu.memory_space<vmem>>, vector<1x16xf32>,
      %swap3A_320 = vector.shape_cast %swap3A_319 : vector<1x16xf32> to vector<16xf32>
      %swap3A_321 = vector.shape_cast %add3A_316 : vector<16xf32> to vector<1x16xf32>
      tpu.vector_store %arg7[%swap3A_317, %swap3A_318], %swap3A_321 {strides = array<i32>} : memref<32x1024xf32, #tpu.memory_space<vmem>>, vector<1x16xf32>,
      %get3A_322 = arith.index_cast %scan3A_43 : i32 to index
      %get3A_323 = arith.constant 320 : index
      %get3A_324 = tpu.vector_load %arg7[%get3A_322, %get3A_323] {strides = array<i32>} : memref<32x1024xf32, #tpu.memory_space<vmem>>, vector<1x16xf32>,
      %get3A_325 = vector.shape_cast %get3A_324 : vector<1x16xf32> to vector<16xf32>
      %get3A_326 = arith.index_cast %scan3A_43 : i32 to index
      %get3A_327 = arith.constant 320 : index
      %get3A_328 = tpu.vector_load %arg8[%get3A_326, %get3A_327] {strides = array<i32>} : memref<32x1024xf32, #tpu.memory_space<vmem>>, vector<1x16xf32>,
      %get3A_329 = vector.shape_cast %get3A_328 : vector<1x16xf32> to vector<16xf32>
      %add3A_330 = arith.addf %get3A_325, %get3A_329 : vector<16xf32>
      %swap3A_331 = arith.index_cast %scan3A_43 : i32 to index
      %swap3A_332 = arith.constant 320 : index
      %swap3A_333 = tpu.vector_load %arg7[%swap3A_331, %swap3A_332] {strides = array<i32>} : memref<32x1024xf32, #tpu.memory_space<vmem>>, vector<1x16xf32>,
      %swap3A_334 = vector.shape_cast %swap3A_333 : vector<1x16xf32> to vector<16xf32>
      %swap3A_335 = vector.shape_cast %add3A_330 : vector<16xf32> to vector<1x16xf32>
      tpu.vector_store %arg7[%swap3A_331, %swap3A_332], %swap3A_335 {strides = array<i32>} : memref<32x1024xf32, #tpu.memory_space<vmem>>, vector<1x16xf32>,
      %get3A_336 = arith.index_cast %scan3A_43 : i32 to index
      %get3A_337 = arith.constant 336 : index
      %get3A_338 = tpu.vector_load %arg7[%get3A_336, %get3A_337] {strides = array<i32>} : memref<32x1024xf32, #tpu.memory_space<vmem>>, vector<1x16xf32>,
      %get3A_339 = vector.shape_cast %get3A_338 : vector<1x16xf32> to vector<16xf32>
      %get3A_340 = arith.index_cast %scan3A_43 : i32 to index
      %get3A_341 = arith.constant 336 : index
      %get3A_342 = tpu.vector_load %arg8[%get3A_340, %get3A_341] {strides = array<i32>} : memref<32x1024xf32, #tpu.memory_space<vmem>>, vector<1x16xf32>,
      %get3A_343 = vector.shape_cast %get3A_342 : vector<1x16xf32> to vector<16xf32>
      %add3A_344 = arith.addf %get3A_339, %get3A_343 : vector<16xf32>
      %swap3A_345 = arith.index_cast %scan3A_43 : i32 to index
      %swap3A_346 = arith.constant 336 : index
      %swap3A_347 = tpu.vector_load %arg7[%swap3A_345, %swap3A_346] {strides = array<i32>} : memref<32x1024xf32, #tpu.memory_space<vmem>>, vector<1x16xf32>,
      %swap3A_348 = vector.shape_cast %swap3A_347 : vector<1x16xf32> to vector<16xf32>
      %swap3A_349 = vector.shape_cast %add3A_344 : vector<16xf32> to vector<1x16xf32>
      tpu.vector_store %arg7[%swap3A_345, %swap3A_346], %swap3A_349 {strides = array<i32>} : memref<32x1024xf32, #tpu.memory_space<vmem>>, vector<1x16xf32>,
      %get3A_350 = arith.index_cast %scan3A_43 : i32 to index
      %get3A_351 = arith.constant 352 : index
      %get3A_352 = tpu.vector_load %arg7[%get3A_350, %get3A_351] {strides = array<i32>} : memref<32x1024xf32, #tpu.memory_space<vmem>>, vector<1x16xf32>,
      %get3A_353 = vector.shape_cast %get3A_352 : vector<1x16xf32> to vector<16xf32>
      %get3A_354 = arith.index_cast %scan3A_43 : i32 to index
      %get3A_355 = arith.constant 352 : index
      %get3A_356 = tpu.vector_load %arg8[%get3A_354, %get3A_355] {strides = array<i32>} : memref<32x1024xf32, #tpu.memory_space<vmem>>, vector<1x16xf32>,
      %get3A_357 = vector.shape_cast %get3A_356 : vector<1x16xf32> to vector<16xf32>
      %add3A_358 = arith.addf %get3A_353, %get3A_357 : vector<16xf32>
      %swap3A_359 = arith.index_cast %scan3A_43 : i32 to index
      %swap3A_360 = arith.constant 352 : index
      %swap3A_361 = tpu.vector_load %arg7[%swap3A_359, %swap3A_360] {strides = array<i32>} : memref<32x1024xf32, #tpu.memory_space<vmem>>, vector<1x16xf32>,
      %swap3A_362 = vector.shape_cast %swap3A_361 : vector<1x16xf32> to vector<16xf32>
      %swap3A_363 = vector.shape_cast %add3A_358 : vector<16xf32> to vector<1x16xf32>
      tpu.vector_store %arg7[%swap3A_359, %swap3A_360], %swap3A_363 {strides = array<i32>} : memref<32x1024xf32, #tpu.memory_space<vmem>>, vector<1x16xf32>,
      %get3A_364 = arith.index_cast %scan3A_43 : i32 to index
      %get3A_365 = arith.constant 368 : index
      %get3A_366 = tpu.vector_load %arg7[%get3A_364, %get3A_365] {strides = array<i32>} : memref<32x1024xf32, #tpu.memory_space<vmem>>, vector<1x16xf32>,
      %get3A_367 = vector.shape_cast %get3A_366 : vector<1x16xf32> to vector<16xf32>
      %get3A_368 = arith.index_cast %scan3A_43 : i32 to index
      %get3A_369 = arith.constant 368 : index
      %get3A_370 = tpu.vector_load %arg8[%get3A_368, %get3A_369] {strides = array<i32>} : memref<32x1024xf32, #tpu.memory_space<vmem>>, vector<1x16xf32>,
      %get3A_371 = vector.shape_cast %get3A_370 : vector<1x16xf32> to vector<16xf32>
      %add3A_372 = arith.addf %get3A_367, %get3A_371 : vector<16xf32>
      %swap3A_373 = arith.index_cast %scan3A_43 : i32 to index
      %swap3A_374 = arith.constant 368 : index
      %swap3A_375 = tpu.vector_load %arg7[%swap3A_373, %swap3A_374] {strides = array<i32>} : memref<32x1024xf32, #tpu.memory_space<vmem>>, vector<1x16xf32>,
      %swap3A_376 = vector.shape_cast %swap3A_375 : vector<1x16xf32> to vector<16xf32>
      %swap3A_377 = vector.shape_cast %add3A_372 : vector<16xf32> to vector<1x16xf32>
      tpu.vector_store %arg7[%swap3A_373, %swap3A_374], %swap3A_377 {strides = array<i32>} : memref<32x1024xf32, #tpu.memory_space<vmem>>, vector<1x16xf32>,
      %get3A_378 = arith.index_cast %scan3A_43 : i32 to index
      %get3A_379 = arith.constant 384 : index
      %get3A_380 = tpu.vector_load %arg7[%get3A_378, %get3A_379] {strides = array<i32>} : memref<32x1024xf32, #tpu.memory_space<vmem>>, vector<1x16xf32>,
      %get3A_381 = vector.shape_cast %get3A_380 : vector<1x16xf32> to vector<16xf32>
      %get3A_382 = arith.index_cast %scan3A_43 : i32 to index
      %get3A_383 = arith.constant 384 : index
      %get3A_384 = tpu.vector_load %arg8[%get3A_382, %get3A_383] {strides = array<i32>} : memref<32x1024xf32, #tpu.memory_space<vmem>>, vector<1x16xf32>,
      %get3A_385 = vector.shape_cast %get3A_384 : vector<1x16xf32> to vector<16xf32>
      %add3A_386 = arith.addf %get3A_381, %get3A_385 : vector<16xf32>
      %swap3A_387 = arith.index_cast %scan3A_43 : i32 to index
      %swap3A_388 = arith.constant 384 : index
      %swap3A_389 = tpu.vector_load %arg7[%swap3A_387, %swap3A_388] {strides = array<i32>} : memref<32x1024xf32, #tpu.memory_space<vmem>>, vector<1x16xf32>,
      %swap3A_390 = vector.shape_cast %swap3A_389 : vector<1x16xf32> to vector<16xf32>
      %swap3A_391 = vector.shape_cast %add3A_386 : vector<16xf32> to vector<1x16xf32>
      tpu.vector_store %arg7[%swap3A_387, %swap3A_388], %swap3A_391 {strides = array<i32>} : memref<32x1024xf32, #tpu.memory_space<vmem>>, vector<1x16xf32>,
      %get3A_392 = arith.index_cast %scan3A_43 : i32 to index
      %get3A_393 = arith.constant 400 : index
      %get3A_394 = tpu.vector_load %arg7[%get3A_392, %get3A_393] {strides = array<i32>} : memref<32x1024xf32, #tpu.memory_space<vmem>>, vector<1x16xf32>,
      %get3A_395 = vector.shape_cast %get3A_394 : vector<1x16xf32> to vector<16xf32>
      %get3A_396 = arith.index_cast %scan3A_43 : i32 to index
      %get3A_397 = arith.constant 400 : index
      %get3A_398 = tpu.vector_load %arg8[%get3A_396, %get3A_397] {strides = array<i32>} : memref<32x1024xf32, #tpu.memory_space<vmem>>, vector<1x16xf32>,
      %get3A_399 = vector.shape_cast %get3A_398 : vector<1x16xf32> to vector<16xf32>
      %add3A_400 = arith.addf %get3A_395, %get3A_399 : vector<16xf32>
      %swap3A_401 = arith.index_cast %scan3A_43 : i32 to index
      %swap3A_402 = arith.constant 400 : index
      %swap3A_403 = tpu.vector_load %arg7[%swap3A_401, %swap3A_402] {strides = array<i32>} : memref<32x1024xf32, #tpu.memory_space<vmem>>, vector<1x16xf32>,
      %swap3A_404 = vector.shape_cast %swap3A_403 : vector<1x16xf32> to vector<16xf32>
      %swap3A_405 = vector.shape_cast %add3A_400 : vector<16xf32> to vector<1x16xf32>
      tpu.vector_store %arg7[%swap3A_401, %swap3A_402], %swap3A_405 {strides = array<i32>} : memref<32x1024xf32, #tpu.memory_space<vmem>>, vector<1x16xf32>,
      %get3A_406 = arith.index_cast %scan3A_43 : i32 to index
      %get3A_407 = arith.constant 416 : index
      %get3A_408 = tpu.vector_load %arg7[%get3A_406, %get3A_407] {strides = array<i32>} : memref<32x1024xf32, #tpu.memory_space<vmem>>, vector<1x16xf32>,
      %get3A_409 = vector.shape_cast %get3A_408 : vector<1x16xf32> to vector<16xf32>
      %get3A_410 = arith.index_cast %scan3A_43 : i32 to index
      %get3A_411 = arith.constant 416 : index
      %get3A_412 = tpu.vector_load %arg8[%get3A_410, %get3A_411] {strides = array<i32>} : memref<32x1024xf32, #tpu.memory_space<vmem>>, vector<1x16xf32>,
      %get3A_413 = vector.shape_cast %get3A_412 : vector<1x16xf32> to vector<16xf32>
      %add3A_414 = arith.addf %get3A_409, %get3A_413 : vector<16xf32>
      %swap3A_415 = arith.index_cast %scan3A_43 : i32 to index
      %swap3A_416 = arith.constant 416 : index
      %swap3A_417 = tpu.vector_load %arg7[%swap3A_415, %swap3A_416] {strides = array<i32>} : memref<32x1024xf32, #tpu.memory_space<vmem>>, vector<1x16xf32>,
      %swap3A_418 = vector.shape_cast %swap3A_417 : vector<1x16xf32> to vector<16xf32>
      %swap3A_419 = vector.shape_cast %add3A_414 : vector<16xf32> to vector<1x16xf32>
      tpu.vector_store %arg7[%swap3A_415, %swap3A_416], %swap3A_419 {strides = array<i32>} : memref<32x1024xf32, #tpu.memory_space<vmem>>, vector<1x16xf32>,
      %get3A_420 = arith.index_cast %scan3A_43 : i32 to index
      %get3A_421 = arith.constant 432 : index
      %get3A_422 = tpu.vector_load %arg7[%get3A_420, %get3A_421] {strides = array<i32>} : memref<32x1024xf32, #tpu.memory_space<vmem>>, vector<1x16xf32>,
      %get3A_423 = vector.shape_cast %get3A_422 : vector<1x16xf32> to vector<16xf32>
      %get3A_424 = arith.index_cast %scan3A_43 : i32 to index
      %get3A_425 = arith.constant 432 : index
      %get3A_426 = tpu.vector_load %arg8[%get3A_424, %get3A_425] {strides = array<i32>} : memref<32x1024xf32, #tpu.memory_space<vmem>>, vector<1x16xf32>,
      %get3A_427 = vector.shape_cast %get3A_426 : vector<1x16xf32> to vector<16xf32>
      %add3A_428 = arith.addf %get3A_423, %get3A_427 : vector<16xf32>
      %swap3A_429 = arith.index_cast %scan3A_43 : i32 to index
      %swap3A_430 = arith.constant 432 : index
      %swap3A_431 = tpu.vector_load %arg7[%swap3A_429, %swap3A_430] {strides = array<i32>} : memref<32x1024xf32, #tpu.memory_space<vmem>>, vector<1x16xf32>,
      %swap3A_432 = vector.shape_cast %swap3A_431 : vector<1x16xf32> to vector<16xf32>
      %swap3A_433 = vector.shape_cast %add3A_428 : vector<16xf32> to vector<1x16xf32>
      tpu.vector_store %arg7[%swap3A_429, %swap3A_430], %swap3A_433 {strides = array<i32>} : memref<32x1024xf32, #tpu.memory_space<vmem>>, vector<1x16xf32>,
      %get3A_434 = arith.index_cast %scan3A_43 : i32 to index
      %get3A_435 = arith.constant 448 : index
      %get3A_436 = tpu.vector_load %arg7[%get3A_434, %get3A_435] {strides = array<i32>} : memref<32x1024xf32, #tpu.memory_space<vmem>>, vector<1x16xf32>,
      %get3A_437 = vector.shape_cast %get3A_436 : vector<1x16xf32> to vector<16xf32>
      %get3A_438 = arith.index_cast %scan3A_43 : i32 to index
      %get3A_439 = arith.constant 448 : index
      %get3A_440 = tpu.vector_load %arg8[%get3A_438, %get3A_439] {strides = array<i32>} : memref<32x1024xf32, #tpu.memory_space<vmem>>, vector<1x16xf32>,
      %get3A_441 = vector.shape_cast %get3A_440 : vector<1x16xf32> to vector<16xf32>
      %add3A_442 = arith.addf %get3A_437, %get3A_441 : vector<16xf32>
      %swap3A_443 = arith.index_cast %scan3A_43 : i32 to index
      %swap3A_444 = arith.constant 448 : index
      %swap3A_445 = tpu.vector_load %arg7[%swap3A_443, %swap3A_444] {strides = array<i32>} : memref<32x1024xf32, #tpu.memory_space<vmem>>, vector<1x16xf32>,
      %swap3A_446 = vector.shape_cast %swap3A_445 : vector<1x16xf32> to vector<16xf32>
      %swap3A_447 = vector.shape_cast %add3A_442 : vector<16xf32> to vector<1x16xf32>
      tpu.vector_store %arg7[%swap3A_443, %swap3A_444], %swap3A_447 {strides = array<i32>} : memref<32x1024xf32, #tpu.memory_space<vmem>>, vector<1x16xf32>,
      %get3A_448 = arith.index_cast %scan3A_43 : i32 to index
      %get3A_449 = arith.constant 464 : index
      %get3A_450 = tpu.vector_load %arg7[%get3A_448, %get3A_449] {strides = array<i32>} : memref<32x1024xf32, #tpu.memory_space<vmem>>, vector<1x16xf32>,
      %get3A_451 = vector.shape_cast %get3A_450 : vector<1x16xf32> to vector<16xf32>
      %get3A_452 = arith.index_cast %scan3A_43 : i32 to index
      %get3A_453 = arith.constant 464 : index
      %get3A_454 = tpu.vector_load %arg8[%get3A_452, %get3A_453] {strides = array<i32>} : memref<32x1024xf32, #tpu.memory_space<vmem>>, vector<1x16xf32>,
      %get3A_455 = vector.shape_cast %get3A_454 : vector<1x16xf32> to vector<16xf32>
      %add3A_456 = arith.addf %get3A_451, %get3A_455 : vector<16xf32>
      %swap3A_457 = arith.index_cast %scan3A_43 : i32 to index
      %swap3A_458 = arith.constant 464 : index
      %swap3A_459 = tpu.vector_load %arg7[%swap3A_457, %swap3A_458] {strides = array<i32>} : memref<32x1024xf32, #tpu.memory_space<vmem>>, vector<1x16xf32>,
      %swap3A_460 = vector.shape_cast %swap3A_459 : vector<1x16xf32> to vector<16xf32>
      %swap3A_461 = vector.shape_cast %add3A_456 : vector<16xf32> to vector<1x16xf32>
      tpu.vector_store %arg7[%swap3A_457, %swap3A_458], %swap3A_461 {strides = array<i32>} : memref<32x1024xf32, #tpu.memory_space<vmem>>, vector<1x16xf32>,
      %get3A_462 = arith.index_cast %scan3A_43 : i32 to index
      %get3A_463 = arith.constant 480 : index
      %get3A_464 = tpu.vector_load %arg7[%get3A_462, %get3A_463] {strides = array<i32>} : memref<32x1024xf32, #tpu.memory_space<vmem>>, vector<1x16xf32>,
      %get3A_465 = vector.shape_cast %get3A_464 : vector<1x16xf32> to vector<16xf32>
      %get3A_466 = arith.index_cast %scan3A_43 : i32 to index
      %get3A_467 = arith.constant 480 : index
      %get3A_468 = tpu.vector_load %arg8[%get3A_466, %get3A_467] {strides = array<i32>} : memref<32x1024xf32, #tpu.memory_space<vmem>>, vector<1x16xf32>,
      %get3A_469 = vector.shape_cast %get3A_468 : vector<1x16xf32> to vector<16xf32>
      %add3A_470 = arith.addf %get3A_465, %get3A_469 : vector<16xf32>
      %swap3A_471 = arith.index_cast %scan3A_43 : i32 to index
      %swap3A_472 = arith.constant 480 : index
      %swap3A_473 = tpu.vector_load %arg7[%swap3A_471, %swap3A_472] {strides = array<i32>} : memref<32x1024xf32, #tpu.memory_space<vmem>>, vector<1x16xf32>,
      %swap3A_474 = vector.shape_cast %swap3A_473 : vector<1x16xf32> to vector<16xf32>
      %swap3A_475 = vector.shape_cast %add3A_470 : vector<16xf32> to vector<1x16xf32>
      tpu.vector_store %arg7[%swap3A_471, %swap3A_472], %swap3A_475 {strides = array<i32>} : memref<32x1024xf32, #tpu.memory_space<vmem>>, vector<1x16xf32>,
      %get3A_476 = arith.index_cast %scan3A_43 : i32 to index
      %get3A_477 = arith.constant 496 : index
      %get3A_478 = tpu.vector_load %arg7[%get3A_476, %get3A_477] {strides = array<i32>} : memref<32x1024xf32, #tpu.memory_space<vmem>>, vector<1x16xf32>,
      %get3A_479 = vector.shape_cast %get3A_478 : vector<1x16xf32> to vector<16xf32>
      %get3A_480 = arith.index_cast %scan3A_43 : i32 to index
      %get3A_481 = arith.constant 496 : index
      %get3A_482 = tpu.vector_load %arg8[%get3A_480, %get3A_481] {strides = array<i32>} : memref<32x1024xf32, #tpu.memory_space<vmem>>, vector<1x16xf32>,
      %get3A_483 = vector.shape_cast %get3A_482 : vector<1x16xf32> to vector<16xf32>
      %add3A_484 = arith.addf %get3A_479, %get3A_483 : vector<16xf32>
      %swap3A_485 = arith.index_cast %scan3A_43 : i32 to index
      %swap3A_486 = arith.constant 496 : index
      %swap3A_487 = tpu.vector_load %arg7[%swap3A_485, %swap3A_486] {strides = array<i32>} : memref<32x1024xf32, #tpu.memory_space<vmem>>, vector<1x16xf32>,
      %swap3A_488 = vector.shape_cast %swap3A_487 : vector<1x16xf32> to vector<16xf32>
      %swap3A_489 = vector.shape_cast %add3A_484 : vector<16xf32> to vector<1x16xf32>
      tpu.vector_store %arg7[%swap3A_485, %swap3A_486], %swap3A_489 {strides = array<i32>} : memref<32x1024xf32, #tpu.memory_space<vmem>>, vector<1x16xf32>,
      %get3A_490 = arith.index_cast %scan3A_43 : i32 to index
      %get3A_491 = arith.constant 512 : index
      %get3A_492 = tpu.vector_load %arg7[%get3A_490, %get3A_491] {strides = array<i32>} : memref<32x1024xf32, #tpu.memory_space<vmem>>, vector<1x16xf32>,
      %get3A_493 = vector.shape_cast %get3A_492 : vector<1x16xf32> to vector<16xf32>
      %get3A_494 = arith.index_cast %scan3A_43 : i32 to index
      %get3A_495 = arith.constant 512 : index
      %get3A_496 = tpu.vector_load %arg8[%get3A_494, %get3A_495] {strides = array<i32>} : memref<32x1024xf32, #tpu.memory_space<vmem>>, vector<1x16xf32>,
      %get3A_497 = vector.shape_cast %get3A_496 : vector<1x16xf32> to vector<16xf32>
      %add3A_498 = arith.addf %get3A_493, %get3A_497 : vector<16xf32>
      %swap3A_499 = arith.index_cast %scan3A_43 : i32 to index
      %swap3A_500 = arith.constant 512 : index
      %swap3A_501 = tpu.vector_load %arg7[%swap3A_499, %swap3A_500] {strides = array<i32>} : memref<32x1024xf32, #tpu.memory_space<vmem>>, vector<1x16xf32>,
      %swap3A_502 = vector.shape_cast %swap3A_501 : vector<1x16xf32> to vector<16xf32>
      %swap3A_503 = vector.shape_cast %add3A_498 : vector<16xf32> to vector<1x16xf32>
      tpu.vector_store %arg7[%swap3A_499, %swap3A_500], %swap3A_503 {strides = array<i32>} : memref<32x1024xf32, #tpu.memory_space<vmem>>, vector<1x16xf32>,
      %get3A_504 = arith.index_cast %scan3A_43 : i32 to index
      %get3A_505 = arith.constant 528 : index
      %get3A_506 = tpu.vector_load %arg7[%get3A_504, %get3A_505] {strides = array<i32>} : memref<32x1024xf32, #tpu.memory_space<vmem>>, vector<1x16xf32>,
      %get3A_507 = vector.shape_cast %get3A_506 : vector<1x16xf32> to vector<16xf32>
      %get3A_508 = arith.index_cast %scan3A_43 : i32 to index
      %get3A_509 = arith.constant 528 : index
      %get3A_510 = tpu.vector_load %arg8[%get3A_508, %get3A_509] {strides = array<i32>} : memref<32x1024xf32, #tpu.memory_space<vmem>>, vector<1x16xf32>,
      %get3A_511 = vector.shape_cast %get3A_510 : vector<1x16xf32> to vector<16xf32>
      %add3A_512 = arith.addf %get3A_507, %get3A_511 : vector<16xf32>
      %swap3A_513 = arith.index_cast %scan3A_43 : i32 to index
      %swap3A_514 = arith.constant 528 : index
      %swap3A_515 = tpu.vector_load %arg7[%swap3A_513, %swap3A_514] {strides = array<i32>} : memref<32x1024xf32, #tpu.memory_space<vmem>>, vector<1x16xf32>,
      %swap3A_516 = vector.shape_cast %swap3A_515 : vector<1x16xf32> to vector<16xf32>
      %swap3A_517 = vector.shape_cast %add3A_512 : vector<16xf32> to vector<1x16xf32>
      tpu.vector_store %arg7[%swap3A_513, %swap3A_514], %swap3A_517 {strides = array<i32>} : memref<32x1024xf32, #tpu.memory_space<vmem>>, vector<1x16xf32>,
      %get3A_518 = arith.index_cast %scan3A_43 : i32 to index
      %get3A_519 = arith.constant 544 : index
      %get3A_520 = tpu.vector_load %arg7[%get3A_518, %get3A_519] {strides = array<i32>} : memref<32x1024xf32, #tpu.memory_space<vmem>>, vector<1x16xf32>,
      %get3A_521 = vector.shape_cast %get3A_520 : vector<1x16xf32> to vector<16xf32>
      %get3A_522 = arith.index_cast %scan3A_43 : i32 to index
      %get3A_523 = arith.constant 544 : index
      %get3A_524 = tpu.vector_load %arg8[%get3A_522, %get3A_523] {strides = array<i32>} : memref<32x1024xf32, #tpu.memory_space<vmem>>, vector<1x16xf32>,
      %get3A_525 = vector.shape_cast %get3A_524 : vector<1x16xf32> to vector<16xf32>
      %add3A_526 = arith.addf %get3A_521, %get3A_525 : vector<16xf32>
      %swap3A_527 = arith.index_cast %scan3A_43 : i32 to index
      %swap3A_528 = arith.constant 544 : index
      %swap3A_529 = tpu.vector_load %arg7[%swap3A_527, %swap3A_528] {strides = array<i32>} : memref<32x1024xf32, #tpu.memory_space<vmem>>, vector<1x16xf32>,
      %swap3A_530 = vector.shape_cast %swap3A_529 : vector<1x16xf32> to vector<16xf32>
      %swap3A_531 = vector.shape_cast %add3A_526 : vector<16xf32> to vector<1x16xf32>
      tpu.vector_store %arg7[%swap3A_527, %swap3A_528], %swap3A_531 {strides = array<i32>} : memref<32x1024xf32, #tpu.memory_space<vmem>>, vector<1x16xf32>,
      %get3A_532 = arith.index_cast %scan3A_43 : i32 to index
      %get3A_533 = arith.constant 560 : index
      %get3A_534 = tpu.vector_load %arg7[%get3A_532, %get3A_533] {strides = array<i32>} : memref<32x1024xf32, #tpu.memory_space<vmem>>, vector<1x16xf32>,
      %get3A_535 = vector.shape_cast %get3A_534 : vector<1x16xf32> to vector<16xf32>
      %get3A_536 = arith.index_cast %scan3A_43 : i32 to index
      %get3A_537 = arith.constant 560 : index
      %get3A_538 = tpu.vector_load %arg8[%get3A_536, %get3A_537] {strides = array<i32>} : memref<32x1024xf32, #tpu.memory_space<vmem>>, vector<1x16xf32>,
      %get3A_539 = vector.shape_cast %get3A_538 : vector<1x16xf32> to vector<16xf32>
      %add3A_540 = arith.addf %get3A_535, %get3A_539 : vector<16xf32>
      %swap3A_541 = arith.index_cast %scan3A_43 : i32 to index
      %swap3A_542 = arith.constant 560 : index
      %swap3A_543 = tpu.vector_load %arg7[%swap3A_541, %swap3A_542] {strides = array<i32>} : memref<32x1024xf32, #tpu.memory_space<vmem>>, vector<1x16xf32>,
      %swap3A_544 = vector.shape_cast %swap3A_543 : vector<1x16xf32> to vector<16xf32>
      %swap3A_545 = vector.shape_cast %add3A_540 : vector<16xf32> to vector<1x16xf32>
      tpu.vector_store %arg7[%swap3A_541, %swap3A_542], %swap3A_545 {strides = array<i32>} : memref<32x1024xf32, #tpu.memory_space<vmem>>, vector<1x16xf32>,
      %get3A_546 = arith.index_cast %scan3A_43 : i32 to index
      %get3A_547 = arith.constant 576 : index
      %get3A_548 = tpu.vector_load %arg7[%get3A_546, %get3A_547] {strides = array<i32>} : memref<32x1024xf32, #tpu.memory_space<vmem>>, vector<1x16xf32>,
      %get3A_549 = vector.shape_cast %get3A_548 : vector<1x16xf32> to vector<16xf32>
      %get3A_550 = arith.index_cast %scan3A_43 : i32 to index
      %get3A_551 = arith.constant 576 : index
      %get3A_552 = tpu.vector_load %arg8[%get3A_550, %get3A_551] {strides = array<i32>} : memref<32x1024xf32, #tpu.memory_space<vmem>>, vector<1x16xf32>,
      %get3A_553 = vector.shape_cast %get3A_552 : vector<1x16xf32> to vector<16xf32>
      %add3A_554 = arith.addf %get3A_549, %get3A_553 : vector<16xf32>
      %swap3A_555 = arith.index_cast %scan3A_43 : i32 to index
      %swap3A_556 = arith.constant 576 : index
      %swap3A_557 = tpu.vector_load %arg7[%swap3A_555, %swap3A_556] {strides = array<i32>} : memref<32x1024xf32, #tpu.memory_space<vmem>>, vector<1x16xf32>,
      %swap3A_558 = vector.shape_cast %swap3A_557 : vector<1x16xf32> to vector<16xf32>
      %swap3A_559 = vector.shape_cast %add3A_554 : vector<16xf32> to vector<1x16xf32>
      tpu.vector_store %arg7[%swap3A_555, %swap3A_556], %swap3A_559 {strides = array<i32>} : memref<32x1024xf32, #tpu.memory_space<vmem>>, vector<1x16xf32>,
      %get3A_560 = arith.index_cast %scan3A_43 : i32 to index
      %get3A_561 = arith.constant 592 : index
      %get3A_562 = tpu.vector_load %arg7[%get3A_560, %get3A_561] {strides = array<i32>} : memref<32x1024xf32, #tpu.memory_space<vmem>>, vector<1x16xf32>,
      %get3A_563 = vector.shape_cast %get3A_562 : vector<1x16xf32> to vector<16xf32>
      %get3A_564 = arith.index_cast %scan3A_43 : i32 to index
      %get3A_565 = arith.constant 592 : index
      %get3A_566 = tpu.vector_load %arg8[%get3A_564, %get3A_565] {strides = array<i32>} : memref<32x1024xf32, #tpu.memory_space<vmem>>, vector<1x16xf32>,
      %get3A_567 = vector.shape_cast %get3A_566 : vector<1x16xf32> to vector<16xf32>
      %add3A_568 = arith.addf %get3A_563, %get3A_567 : vector<16xf32>
      %swap3A_569 = arith.index_cast %scan3A_43 : i32 to index
      %swap3A_570 = arith.constant 592 : index
      %swap3A_571 = tpu.vector_load %arg7[%swap3A_569, %swap3A_570] {strides = array<i32>} : memref<32x1024xf32, #tpu.memory_space<vmem>>, vector<1x16xf32>,
      %swap3A_572 = vector.shape_cast %swap3A_571 : vector<1x16xf32> to vector<16xf32>
      %swap3A_573 = vector.shape_cast %add3A_568 : vector<16xf32> to vector<1x16xf32>
      tpu.vector_store %arg7[%swap3A_569, %swap3A_570], %swap3A_573 {strides = array<i32>} : memref<32x1024xf32, #tpu.memory_space<vmem>>, vector<1x16xf32>,
      %get3A_574 = arith.index_cast %scan3A_43 : i32 to index
      %get3A_575 = arith.constant 608 : index
      %get3A_576 = tpu.vector_load %arg7[%get3A_574, %get3A_575] {strides = array<i32>} : memref<32x1024xf32, #tpu.memory_space<vmem>>, vector<1x16xf32>,
      %get3A_577 = vector.shape_cast %get3A_576 : vector<1x16xf32> to vector<16xf32>
      %get3A_578 = arith.index_cast %scan3A_43 : i32 to index
      %get3A_579 = arith.constant 608 : index
      %get3A_580 = tpu.vector_load %arg8[%get3A_578, %get3A_579] {strides = array<i32>} : memref<32x1024xf32, #tpu.memory_space<vmem>>, vector<1x16xf32>,
      %get3A_581 = vector.shape_cast %get3A_580 : vector<1x16xf32> to vector<16xf32>
      %add3A_582 = arith.addf %get3A_577, %get3A_581 : vector<16xf32>
      %swap3A_583 = arith.index_cast %scan3A_43 : i32 to index
      %swap3A_584 = arith.constant 608 : index
      %swap3A_585 = tpu.vector_load %arg7[%swap3A_583, %swap3A_584] {strides = array<i32>} : memref<32x1024xf32, #tpu.memory_space<vmem>>, vector<1x16xf32>,
      %swap3A_586 = vector.shape_cast %swap3A_585 : vector<1x16xf32> to vector<16xf32>
      %swap3A_587 = vector.shape_cast %add3A_582 : vector<16xf32> to vector<1x16xf32>
      tpu.vector_store %arg7[%swap3A_583, %swap3A_584], %swap3A_587 {strides = array<i32>} : memref<32x1024xf32, #tpu.memory_space<vmem>>, vector<1x16xf32>,
      %get3A_588 = arith.index_cast %scan3A_43 : i32 to index
      %get3A_589 = arith.constant 624 : index
      %get3A_590 = tpu.vector_load %arg7[%get3A_588, %get3A_589] {strides = array<i32>} : memref<32x1024xf32, #tpu.memory_space<vmem>>, vector<1x16xf32>,
      %get3A_591 = vector.shape_cast %get3A_590 : vector<1x16xf32> to vector<16xf32>
      %get3A_592 = arith.index_cast %scan3A_43 : i32 to index
      %get3A_593 = arith.constant 624 : index
      %get3A_594 = tpu.vector_load %arg8[%get3A_592, %get3A_593] {strides = array<i32>} : memref<32x1024xf32, #tpu.memory_space<vmem>>, vector<1x16xf32>,
      %get3A_595 = vector.shape_cast %get3A_594 : vector<1x16xf32> to vector<16xf32>
      %add3A_596 = arith.addf %get3A_591, %get3A_595 : vector<16xf32>
      %swap3A_597 = arith.index_cast %scan3A_43 : i32 to index
      %swap3A_598 = arith.constant 624 : index
      %swap3A_599 = tpu.vector_load %arg7[%swap3A_597, %swap3A_598] {strides = array<i32>} : memref<32x1024xf32, #tpu.memory_space<vmem>>, vector<1x16xf32>,
      %swap3A_600 = vector.shape_cast %swap3A_599 : vector<1x16xf32> to vector<16xf32>
      %swap3A_601 = vector.shape_cast %add3A_596 : vector<16xf32> to vector<1x16xf32>
      tpu.vector_store %arg7[%swap3A_597, %swap3A_598], %swap3A_601 {strides = array<i32>} : memref<32x1024xf32, #tpu.memory_space<vmem>>, vector<1x16xf32>,
      %get3A_602 = arith.index_cast %scan3A_43 : i32 to index
      %get3A_603 = arith.constant 640 : index
      %get3A_604 = tpu.vector_load %arg7[%get3A_602, %get3A_603] {strides = array<i32>} : memref<32x1024xf32, #tpu.memory_space<vmem>>, vector<1x16xf32>,
      %get3A_605 = vector.shape_cast %get3A_604 : vector<1x16xf32> to vector<16xf32>
      %get3A_606 = arith.index_cast %scan3A_43 : i32 to index
      %get3A_607 = arith.constant 640 : index
      %get3A_608 = tpu.vector_load %arg8[%get3A_606, %get3A_607] {strides = array<i32>} : memref<32x1024xf32, #tpu.memory_space<vmem>>, vector<1x16xf32>,
      %get3A_609 = vector.shape_cast %get3A_608 : vector<1x16xf32> to vector<16xf32>
      %add3A_610 = arith.addf %get3A_605, %get3A_609 : vector<16xf32>
      %swap3A_611 = arith.index_cast %scan3A_43 : i32 to index
      %swap3A_612 = arith.constant 640 : index
      %swap3A_613 = tpu.vector_load %arg7[%swap3A_611, %swap3A_612] {strides = array<i32>} : memref<32x1024xf32, #tpu.memory_space<vmem>>, vector<1x16xf32>,
      %swap3A_614 = vector.shape_cast %swap3A_613 : vector<1x16xf32> to vector<16xf32>
      %swap3A_615 = vector.shape_cast %add3A_610 : vector<16xf32> to vector<1x16xf32>
      tpu.vector_store %arg7[%swap3A_611, %swap3A_612], %swap3A_615 {strides = array<i32>} : memref<32x1024xf32, #tpu.memory_space<vmem>>, vector<1x16xf32>,
      %get3A_616 = arith.index_cast %scan3A_43 : i32 to index
      %get3A_617 = arith.constant 656 : index
      %get3A_618 = tpu.vector_load %arg7[%get3A_616, %get3A_617] {strides = array<i32>} : memref<32x1024xf32, #tpu.memory_space<vmem>>, vector<1x16xf32>,
      %get3A_619 = vector.shape_cast %get3A_618 : vector<1x16xf32> to vector<16xf32>
      %get3A_620 = arith.index_cast %scan3A_43 : i32 to index
      %get3A_621 = arith.constant 656 : index
      %get3A_622 = tpu.vector_load %arg8[%get3A_620, %get3A_621] {strides = array<i32>} : memref<32x1024xf32, #tpu.memory_space<vmem>>, vector<1x16xf32>,
      %get3A_623 = vector.shape_cast %get3A_622 : vector<1x16xf32> to vector<16xf32>
      %add3A_624 = arith.addf %get3A_619, %get3A_623 : vector<16xf32>
      %swap3A_625 = arith.index_cast %scan3A_43 : i32 to index
      %swap3A_626 = arith.constant 656 : index
      %swap3A_627 = tpu.vector_load %arg7[%swap3A_625, %swap3A_626] {strides = array<i32>} : memref<32x1024xf32, #tpu.memory_space<vmem>>, vector<1x16xf32>,
      %swap3A_628 = vector.shape_cast %swap3A_627 : vector<1x16xf32> to vector<16xf32>
      %swap3A_629 = vector.shape_cast %add3A_624 : vector<16xf32> to vector<1x16xf32>
      tpu.vector_store %arg7[%swap3A_625, %swap3A_626], %swap3A_629 {strides = array<i32>} : memref<32x1024xf32, #tpu.memory_space<vmem>>, vector<1x16xf32>,
      %get3A_630 = arith.index_cast %scan3A_43 : i32 to index
      %get3A_631 = arith.constant 672 : index
      %get3A_632 = tpu.vector_load %arg7[%get3A_630, %get3A_631] {strides = array<i32>} : memref<32x1024xf32, #tpu.memory_space<vmem>>, vector<1x16xf32>,
      %get3A_633 = vector.shape_cast %get3A_632 : vector<1x16xf32> to vector<16xf32>
      %get3A_634 = arith.index_cast %scan3A_43 : i32 to index
      %get3A_635 = arith.constant 672 : index
      %get3A_636 = tpu.vector_load %arg8[%get3A_634, %get3A_635] {strides = array<i32>} : memref<32x1024xf32, #tpu.memory_space<vmem>>, vector<1x16xf32>,
      %get3A_637 = vector.shape_cast %get3A_636 : vector<1x16xf32> to vector<16xf32>
      %add3A_638 = arith.addf %get3A_633, %get3A_637 : vector<16xf32>
      %swap3A_639 = arith.index_cast %scan3A_43 : i32 to index
      %swap3A_640 = arith.constant 672 : index
      %swap3A_641 = tpu.vector_load %arg7[%swap3A_639, %swap3A_640] {strides = array<i32>} : memref<32x1024xf32, #tpu.memory_space<vmem>>, vector<1x16xf32>,
      %swap3A_642 = vector.shape_cast %swap3A_641 : vector<1x16xf32> to vector<16xf32>
      %swap3A_643 = vector.shape_cast %add3A_638 : vector<16xf32> to vector<1x16xf32>
      tpu.vector_store %arg7[%swap3A_639, %swap3A_640], %swap3A_643 {strides = array<i32>} : memref<32x1024xf32, #tpu.memory_space<vmem>>, vector<1x16xf32>,
      %get3A_644 = arith.index_cast %scan3A_43 : i32 to index
      %get3A_645 = arith.constant 688 : index
      %get3A_646 = tpu.vector_load %arg7[%get3A_644, %get3A_645] {strides = array<i32>} : memref<32x1024xf32, #tpu.memory_space<vmem>>, vector<1x16xf32>,
      %get3A_647 = vector.shape_cast %get3A_646 : vector<1x16xf32> to vector<16xf32>
      %get3A_648 = arith.index_cast %scan3A_43 : i32 to index
      %get3A_649 = arith.constant 688 : index
      %get3A_650 = tpu.vector_load %arg8[%get3A_648, %get3A_649] {strides = array<i32>} : memref<32x1024xf32, #tpu.memory_space<vmem>>, vector<1x16xf32>,
      %get3A_651 = vector.shape_cast %get3A_650 : vector<1x16xf32> to vector<16xf32>
      %add3A_652 = arith.addf %get3A_647, %get3A_651 : vector<16xf32>
      %swap3A_653 = arith.index_cast %scan3A_43 : i32 to index
      %swap3A_654 = arith.constant 688 : index
      %swap3A_655 = tpu.vector_load %arg7[%swap3A_653, %swap3A_654] {strides = array<i32>} : memref<32x1024xf32, #tpu.memory_space<vmem>>, vector<1x16xf32>,
      %swap3A_656 = vector.shape_cast %swap3A_655 : vector<1x16xf32> to vector<16xf32>
      %swap3A_657 = vector.shape_cast %add3A_652 : vector<16xf32> to vector<1x16xf32>
      tpu.vector_store %arg7[%swap3A_653, %swap3A_654], %swap3A_657 {strides = array<i32>} : memref<32x1024xf32, #tpu.memory_space<vmem>>, vector<1x16xf32>,
      %get3A_658 = arith.index_cast %scan3A_43 : i32 to index
      %get3A_659 = arith.constant 704 : index
      %get3A_660 = tpu.vector_load %arg7[%get3A_658, %get3A_659] {strides = array<i32>} : memref<32x1024xf32, #tpu.memory_space<vmem>>, vector<1x16xf32>,
      %get3A_661 = vector.shape_cast %get3A_660 : vector<1x16xf32> to vector<16xf32>
      %get3A_662 = arith.index_cast %scan3A_43 : i32 to index
      %get3A_663 = arith.constant 704 : index
      %get3A_664 = tpu.vector_load %arg8[%get3A_662, %get3A_663] {strides = array<i32>} : memref<32x1024xf32, #tpu.memory_space<vmem>>, vector<1x16xf32>,
      %get3A_665 = vector.shape_cast %get3A_664 : vector<1x16xf32> to vector<16xf32>
      %add3A_666 = arith.addf %get3A_661, %get3A_665 : vector<16xf32>
      %swap3A_667 = arith.index_cast %scan3A_43 : i32 to index
      %swap3A_668 = arith.constant 704 : index
      %swap3A_669 = tpu.vector_load %arg7[%swap3A_667, %swap3A_668] {strides = array<i32>} : memref<32x1024xf32, #tpu.memory_space<vmem>>, vector<1x16xf32>,
      %swap3A_670 = vector.shape_cast %swap3A_669 : vector<1x16xf32> to vector<16xf32>
      %swap3A_671 = vector.shape_cast %add3A_666 : vector<16xf32> to vector<1x16xf32>
      tpu.vector_store %arg7[%swap3A_667, %swap3A_668], %swap3A_671 {strides = array<i32>} : memref<32x1024xf32, #tpu.memory_space<vmem>>, vector<1x16xf32>,
      %get3A_672 = arith.index_cast %scan3A_43 : i32 to index
      %get3A_673 = arith.constant 720 : index
      %get3A_674 = tpu.vector_load %arg7[%get3A_672, %get3A_673] {strides = array<i32>} : memref<32x1024xf32, #tpu.memory_space<vmem>>, vector<1x16xf32>,
      %get3A_675 = vector.shape_cast %get3A_674 : vector<1x16xf32> to vector<16xf32>
      %get3A_676 = arith.index_cast %scan3A_43 : i32 to index
      %get3A_677 = arith.constant 720 : index
      %get3A_678 = tpu.vector_load %arg8[%get3A_676, %get3A_677] {strides = array<i32>} : memref<32x1024xf32, #tpu.memory_space<vmem>>, vector<1x16xf32>,
      %get3A_679 = vector.shape_cast %get3A_678 : vector<1x16xf32> to vector<16xf32>
      %add3A_680 = arith.addf %get3A_675, %get3A_679 : vector<16xf32>
      %swap3A_681 = arith.index_cast %scan3A_43 : i32 to index
      %swap3A_682 = arith.constant 720 : index
      %swap3A_683 = tpu.vector_load %arg7[%swap3A_681, %swap3A_682] {strides = array<i32>} : memref<32x1024xf32, #tpu.memory_space<vmem>>, vector<1x16xf32>,
      %swap3A_684 = vector.shape_cast %swap3A_683 : vector<1x16xf32> to vector<16xf32>
      %swap3A_685 = vector.shape_cast %add3A_680 : vector<16xf32> to vector<1x16xf32>
      tpu.vector_store %arg7[%swap3A_681, %swap3A_682], %swap3A_685 {strides = array<i32>} : memref<32x1024xf32, #tpu.memory_space<vmem>>, vector<1x16xf32>,
      %get3A_686 = arith.index_cast %scan3A_43 : i32 to index
      %get3A_687 = arith.constant 736 : index
      %get3A_688 = tpu.vector_load %arg7[%get3A_686, %get3A_687] {strides = array<i32>} : memref<32x1024xf32, #tpu.memory_space<vmem>>, vector<1x16xf32>,
      %get3A_689 = vector.shape_cast %get3A_688 : vector<1x16xf32> to vector<16xf32>
      %get3A_690 = arith.index_cast %scan3A_43 : i32 to index
      %get3A_691 = arith.constant 736 : index
      %get3A_692 = tpu.vector_load %arg8[%get3A_690, %get3A_691] {strides = array<i32>} : memref<32x1024xf32, #tpu.memory_space<vmem>>, vector<1x16xf32>,
      %get3A_693 = vector.shape_cast %get3A_692 : vector<1x16xf32> to vector<16xf32>
      %add3A_694 = arith.addf %get3A_689, %get3A_693 : vector<16xf32>
      %swap3A_695 = arith.index_cast %scan3A_43 : i32 to index
      %swap3A_696 = arith.constant 736 : index
      %swap3A_697 = tpu.vector_load %arg7[%swap3A_695, %swap3A_696] {strides = array<i32>} : memref<32x1024xf32, #tpu.memory_space<vmem>>, vector<1x16xf32>,
      %swap3A_698 = vector.shape_cast %swap3A_697 : vector<1x16xf32> to vector<16xf32>
      %swap3A_699 = vector.shape_cast %add3A_694 : vector<16xf32> to vector<1x16xf32>
      tpu.vector_store %arg7[%swap3A_695, %swap3A_696], %swap3A_699 {strides = array<i32>} : memref<32x1024xf32, #tpu.memory_space<vmem>>, vector<1x16xf32>,
      %get3A_700 = arith.index_cast %scan3A_43 : i32 to index
      %get3A_701 = arith.constant 752 : index
      %get3A_702 = tpu.vector_load %arg7[%get3A_700, %get3A_701] {strides = array<i32>} : memref<32x1024xf32, #tpu.memory_space<vmem>>, vector<1x16xf32>,
      %get3A_703 = vector.shape_cast %get3A_702 : vector<1x16xf32> to vector<16xf32>
      %get3A_704 = arith.index_cast %scan3A_43 : i32 to index
      %get3A_705 = arith.constant 752 : index
      %get3A_706 = tpu.vector_load %arg8[%get3A_704, %get3A_705] {strides = array<i32>} : memref<32x1024xf32, #tpu.memory_space<vmem>>, vector<1x16xf32>,
      %get3A_707 = vector.shape_cast %get3A_706 : vector<1x16xf32> to vector<16xf32>
      %add3A_708 = arith.addf %get3A_703, %get3A_707 : vector<16xf32>
      %swap3A_709 = arith.index_cast %scan3A_43 : i32 to index
      %swap3A_710 = arith.constant 752 : index
      %swap3A_711 = tpu.vector_load %arg7[%swap3A_709, %swap3A_710] {strides = array<i32>} : memref<32x1024xf32, #tpu.memory_space<vmem>>, vector<1x16xf32>,
      %swap3A_712 = vector.shape_cast %swap3A_711 : vector<1x16xf32> to vector<16xf32>
      %swap3A_713 = vector.shape_cast %add3A_708 : vector<16xf32> to vector<1x16xf32>
      tpu.vector_store %arg7[%swap3A_709, %swap3A_710], %swap3A_713 {strides = array<i32>} : memref<32x1024xf32, #tpu.memory_space<vmem>>, vector<1x16xf32>,
      %get3A_714 = arith.index_cast %scan3A_43 : i32 to index
      %get3A_715 = arith.constant 768 : index
      %get3A_716 = tpu.vector_load %arg7[%get3A_714, %get3A_715] {strides = array<i32>} : memref<32x1024xf32, #tpu.memory_space<vmem>>, vector<1x16xf32>,
      %get3A_717 = vector.shape_cast %get3A_716 : vector<1x16xf32> to vector<16xf32>
      %get3A_718 = arith.index_cast %scan3A_43 : i32 to index
      %get3A_719 = arith.constant 768 : index
      %get3A_720 = tpu.vector_load %arg8[%get3A_718, %get3A_719] {strides = array<i32>} : memref<32x1024xf32, #tpu.memory_space<vmem>>, vector<1x16xf32>,
      %get3A_721 = vector.shape_cast %get3A_720 : vector<1x16xf32> to vector<16xf32>
      %add3A_722 = arith.addf %get3A_717, %get3A_721 : vector<16xf32>
      %swap3A_723 = arith.index_cast %scan3A_43 : i32 to index
      %swap3A_724 = arith.constant 768 : index
      %swap3A_725 = tpu.vector_load %arg7[%swap3A_723, %swap3A_724] {strides = array<i32>} : memref<32x1024xf32, #tpu.memory_space<vmem>>, vector<1x16xf32>,
      %swap3A_726 = vector.shape_cast %swap3A_725 : vector<1x16xf32> to vector<16xf32>
      %swap3A_727 = vector.shape_cast %add3A_722 : vector<16xf32> to vector<1x16xf32>
      tpu.vector_store %arg7[%swap3A_723, %swap3A_724], %swap3A_727 {strides = array<i32>} : memref<32x1024xf32, #tpu.memory_space<vmem>>, vector<1x16xf32>,
      %get3A_728 = arith.index_cast %scan3A_43 : i32 to index
      %get3A_729 = arith.constant 784 : index
      %get3A_730 = tpu.vector_load %arg7[%get3A_728, %get3A_729] {strides = array<i32>} : memref<32x1024xf32, #tpu.memory_space<vmem>>, vector<1x16xf32>,
      %get3A_731 = vector.shape_cast %get3A_730 : vector<1x16xf32> to vector<16xf32>
      %get3A_732 = arith.index_cast %scan3A_43 : i32 to index
      %get3A_733 = arith.constant 784 : index
      %get3A_734 = tpu.vector_load %arg8[%get3A_732, %get3A_733] {strides = array<i32>} : memref<32x1024xf32, #tpu.memory_space<vmem>>, vector<1x16xf32>,
      %get3A_735 = vector.shape_cast %get3A_734 : vector<1x16xf32> to vector<16xf32>
      %add3A_736 = arith.addf %get3A_731, %get3A_735 : vector<16xf32>
      %swap3A_737 = arith.index_cast %scan3A_43 : i32 to index
      %swap3A_738 = arith.constant 784 : index
      %swap3A_739 = tpu.vector_load %arg7[%swap3A_737, %swap3A_738] {strides = array<i32>} : memref<32x1024xf32, #tpu.memory_space<vmem>>, vector<1x16xf32>,
      %swap3A_740 = vector.shape_cast %swap3A_739 : vector<1x16xf32> to vector<16xf32>
      %swap3A_741 = vector.shape_cast %add3A_736 : vector<16xf32> to vector<1x16xf32>
      tpu.vector_store %arg7[%swap3A_737, %swap3A_738], %swap3A_741 {strides = array<i32>} : memref<32x1024xf32, #tpu.memory_space<vmem>>, vector<1x16xf32>,
      %get3A_742 = arith.index_cast %scan3A_43 : i32 to index
      %get3A_743 = arith.constant 800 : index
      %get3A_744 = tpu.vector_load %arg7[%get3A_742, %get3A_743] {strides = array<i32>} : memref<32x1024xf32, #tpu.memory_space<vmem>>, vector<1x16xf32>,
      %get3A_745 = vector.shape_cast %get3A_744 : vector<1x16xf32> to vector<16xf32>
      %get3A_746 = arith.index_cast %scan3A_43 : i32 to index
      %get3A_747 = arith.constant 800 : index
      %get3A_748 = tpu.vector_load %arg8[%get3A_746, %get3A_747] {strides = array<i32>} : memref<32x1024xf32, #tpu.memory_space<vmem>>, vector<1x16xf32>,
      %get3A_749 = vector.shape_cast %get3A_748 : vector<1x16xf32> to vector<16xf32>
      %add3A_750 = arith.addf %get3A_745, %get3A_749 : vector<16xf32>
      %swap3A_751 = arith.index_cast %scan3A_43 : i32 to index
      %swap3A_752 = arith.constant 800 : index
      %swap3A_753 = tpu.vector_load %arg7[%swap3A_751, %swap3A_752] {strides = array<i32>} : memref<32x1024xf32, #tpu.memory_space<vmem>>, vector<1x16xf32>,
      %swap3A_754 = vector.shape_cast %swap3A_753 : vector<1x16xf32> to vector<16xf32>
      %swap3A_755 = vector.shape_cast %add3A_750 : vector<16xf32> to vector<1x16xf32>
      tpu.vector_store %arg7[%swap3A_751, %swap3A_752], %swap3A_755 {strides = array<i32>} : memref<32x1024xf32, #tpu.memory_space<vmem>>, vector<1x16xf32>,
      %get3A_756 = arith.index_cast %scan3A_43 : i32 to index
      %get3A_757 = arith.constant 816 : index
      %get3A_758 = tpu.vector_load %arg7[%get3A_756, %get3A_757] {strides = array<i32>} : memref<32x1024xf32, #tpu.memory_space<vmem>>, vector<1x16xf32>,
      %get3A_759 = vector.shape_cast %get3A_758 : vector<1x16xf32> to vector<16xf32>
      %get3A_760 = arith.index_cast %scan3A_43 : i32 to index
      %get3A_761 = arith.constant 816 : index
      %get3A_762 = tpu.vector_load %arg8[%get3A_760, %get3A_761] {strides = array<i32>} : memref<32x1024xf32, #tpu.memory_space<vmem>>, vector<1x16xf32>,
      %get3A_763 = vector.shape_cast %get3A_762 : vector<1x16xf32> to vector<16xf32>
      %add3A_764 = arith.addf %get3A_759, %get3A_763 : vector<16xf32>
      %swap3A_765 = arith.index_cast %scan3A_43 : i32 to index
      %swap3A_766 = arith.constant 816 : index
      %swap3A_767 = tpu.vector_load %arg7[%swap3A_765, %swap3A_766] {strides = array<i32>} : memref<32x1024xf32, #tpu.memory_space<vmem>>, vector<1x16xf32>,
      %swap3A_768 = vector.shape_cast %swap3A_767 : vector<1x16xf32> to vector<16xf32>
      %swap3A_769 = vector.shape_cast %add3A_764 : vector<16xf32> to vector<1x16xf32>
      tpu.vector_store %arg7[%swap3A_765, %swap3A_766], %swap3A_769 {strides = array<i32>} : memref<32x1024xf32, #tpu.memory_space<vmem>>, vector<1x16xf32>,
      %get3A_770 = arith.index_cast %scan3A_43 : i32 to index
      %get3A_771 = arith.constant 832 : index
      %get3A_772 = tpu.vector_load %arg7[%get3A_770, %get3A_771] {strides = array<i32>} : memref<32x1024xf32, #tpu.memory_space<vmem>>, vector<1x16xf32>,
      %get3A_773 = vector.shape_cast %get3A_772 : vector<1x16xf32> to vector<16xf32>
      %get3A_774 = arith.index_cast %scan3A_43 : i32 to index
      %get3A_775 = arith.constant 832 : index
      %get3A_776 = tpu.vector_load %arg8[%get3A_774, %get3A_775] {strides = array<i32>} : memref<32x1024xf32, #tpu.memory_space<vmem>>, vector<1x16xf32>,
      %get3A_777 = vector.shape_cast %get3A_776 : vector<1x16xf32> to vector<16xf32>
      %add3A_778 = arith.addf %get3A_773, %get3A_777 : vector<16xf32>
      %swap3A_779 = arith.index_cast %scan3A_43 : i32 to index
      %swap3A_780 = arith.constant 832 : index
      %swap3A_781 = tpu.vector_load %arg7[%swap3A_779, %swap3A_780] {strides = array<i32>} : memref<32x1024xf32, #tpu.memory_space<vmem>>, vector<1x16xf32>,
      %swap3A_782 = vector.shape_cast %swap3A_781 : vector<1x16xf32> to vector<16xf32>
      %swap3A_783 = vector.shape_cast %add3A_778 : vector<16xf32> to vector<1x16xf32>
      tpu.vector_store %arg7[%swap3A_779, %swap3A_780], %swap3A_783 {strides = array<i32>} : memref<32x1024xf32, #tpu.memory_space<vmem>>, vector<1x16xf32>,
      %get3A_784 = arith.index_cast %scan3A_43 : i32 to index
      %get3A_785 = arith.constant 848 : index
      %get3A_786 = tpu.vector_load %arg7[%get3A_784, %get3A_785] {strides = array<i32>} : memref<32x1024xf32, #tpu.memory_space<vmem>>, vector<1x16xf32>,
      %get3A_787 = vector.shape_cast %get3A_786 : vector<1x16xf32> to vector<16xf32>
      %get3A_788 = arith.index_cast %scan3A_43 : i32 to index
      %get3A_789 = arith.constant 848 : index
      %get3A_790 = tpu.vector_load %arg8[%get3A_788, %get3A_789] {strides = array<i32>} : memref<32x1024xf32, #tpu.memory_space<vmem>>, vector<1x16xf32>,
      %get3A_791 = vector.shape_cast %get3A_790 : vector<1x16xf32> to vector<16xf32>
      %add3A_792 = arith.addf %get3A_787, %get3A_791 : vector<16xf32>
      %swap3A_793 = arith.index_cast %scan3A_43 : i32 to index
      %swap3A_794 = arith.constant 848 : index
      %swap3A_795 = tpu.vector_load %arg7[%swap3A_793, %swap3A_794] {strides = array<i32>} : memref<32x1024xf32, #tpu.memory_space<vmem>>, vector<1x16xf32>,
      %swap3A_796 = vector.shape_cast %swap3A_795 : vector<1x16xf32> to vector<16xf32>
      %swap3A_797 = vector.shape_cast %add3A_792 : vector<16xf32> to vector<1x16xf32>
      tpu.vector_store %arg7[%swap3A_793, %swap3A_794], %swap3A_797 {strides = array<i32>} : memref<32x1024xf32, #tpu.memory_space<vmem>>, vector<1x16xf32>,
      %get3A_798 = arith.index_cast %scan3A_43 : i32 to index
      %get3A_799 = arith.constant 864 : index
      %get3A_800 = tpu.vector_load %arg7[%get3A_798, %get3A_799] {strides = array<i32>} : memref<32x1024xf32, #tpu.memory_space<vmem>>, vector<1x16xf32>,
      %get3A_801 = vector.shape_cast %get3A_800 : vector<1x16xf32> to vector<16xf32>
      %get3A_802 = arith.index_cast %scan3A_43 : i32 to index
      %get3A_803 = arith.constant 864 : index
      %get3A_804 = tpu.vector_load %arg8[%get3A_802, %get3A_803] {strides = array<i32>} : memref<32x1024xf32, #tpu.memory_space<vmem>>, vector<1x16xf32>,
      %get3A_805 = vector.shape_cast %get3A_804 : vector<1x16xf32> to vector<16xf32>
      %add3A_806 = arith.addf %get3A_801, %get3A_805 : vector<16xf32>
      %swap3A_807 = arith.index_cast %scan3A_43 : i32 to index
      %swap3A_808 = arith.constant 864 : index
      %swap3A_809 = tpu.vector_load %arg7[%swap3A_807, %swap3A_808] {strides = array<i32>} : memref<32x1024xf32, #tpu.memory_space<vmem>>, vector<1x16xf32>,
      %swap3A_810 = vector.shape_cast %swap3A_809 : vector<1x16xf32> to vector<16xf32>
      %swap3A_811 = vector.shape_cast %add3A_806 : vector<16xf32> to vector<1x16xf32>
      tpu.vector_store %arg7[%swap3A_807, %swap3A_808], %swap3A_811 {strides = array<i32>} : memref<32x1024xf32, #tpu.memory_space<vmem>>, vector<1x16xf32>,
      %get3A_812 = arith.index_cast %scan3A_43 : i32 to index
      %get3A_813 = arith.constant 880 : index
      %get3A_814 = tpu.vector_load %arg7[%get3A_812, %get3A_813] {strides = array<i32>} : memref<32x1024xf32, #tpu.memory_space<vmem>>, vector<1x16xf32>,
      %get3A_815 = vector.shape_cast %get3A_814 : vector<1x16xf32> to vector<16xf32>
      %get3A_816 = arith.index_cast %scan3A_43 : i32 to index
      %get3A_817 = arith.constant 880 : index
      %get3A_818 = tpu.vector_load %arg8[%get3A_816, %get3A_817] {strides = array<i32>} : memref<32x1024xf32, #tpu.memory_space<vmem>>, vector<1x16xf32>,
      %get3A_819 = vector.shape_cast %get3A_818 : vector<1x16xf32> to vector<16xf32>
      %add3A_820 = arith.addf %get3A_815, %get3A_819 : vector<16xf32>
      %swap3A_821 = arith.index_cast %scan3A_43 : i32 to index
      %swap3A_822 = arith.constant 880 : index
      %swap3A_823 = tpu.vector_load %arg7[%swap3A_821, %swap3A_822] {strides = array<i32>} : memref<32x1024xf32, #tpu.memory_space<vmem>>, vector<1x16xf32>,
      %swap3A_824 = vector.shape_cast %swap3A_823 : vector<1x16xf32> to vector<16xf32>
      %swap3A_825 = vector.shape_cast %add3A_820 : vector<16xf32> to vector<1x16xf32>
      tpu.vector_store %arg7[%swap3A_821, %swap3A_822], %swap3A_825 {strides = array<i32>} : memref<32x1024xf32, #tpu.memory_space<vmem>>, vector<1x16xf32>,
      %get3A_826 = arith.index_cast %scan3A_43 : i32 to index
      %get3A_827 = arith.constant 896 : index
      %get3A_828 = tpu.vector_load %arg7[%get3A_826, %get3A_827] {strides = array<i32>} : memref<32x1024xf32, #tpu.memory_space<vmem>>, vector<1x16xf32>,
      %get3A_829 = vector.shape_cast %get3A_828 : vector<1x16xf32> to vector<16xf32>
      %get3A_830 = arith.index_cast %scan3A_43 : i32 to index
      %get3A_831 = arith.constant 896 : index
      %get3A_832 = tpu.vector_load %arg8[%get3A_830, %get3A_831] {strides = array<i32>} : memref<32x1024xf32, #tpu.memory_space<vmem>>, vector<1x16xf32>,
      %get3A_833 = vector.shape_cast %get3A_832 : vector<1x16xf32> to vector<16xf32>
      %add3A_834 = arith.addf %get3A_829, %get3A_833 : vector<16xf32>
      %swap3A_835 = arith.index_cast %scan3A_43 : i32 to index
      %swap3A_836 = arith.constant 896 : index
      %swap3A_837 = tpu.vector_load %arg7[%swap3A_835, %swap3A_836] {strides = array<i32>} : memref<32x1024xf32, #tpu.memory_space<vmem>>, vector<1x16xf32>,
      %swap3A_838 = vector.shape_cast %swap3A_837 : vector<1x16xf32> to vector<16xf32>
      %swap3A_839 = vector.shape_cast %add3A_834 : vector<16xf32> to vector<1x16xf32>
      tpu.vector_store %arg7[%swap3A_835, %swap3A_836], %swap3A_839 {strides = array<i32>} : memref<32x1024xf32, #tpu.memory_space<vmem>>, vector<1x16xf32>,
      %get3A_840 = arith.index_cast %scan3A_43 : i32 to index
      %get3A_841 = arith.constant 912 : index
      %get3A_842 = tpu.vector_load %arg7[%get3A_840, %get3A_841] {strides = array<i32>} : memref<32x1024xf32, #tpu.memory_space<vmem>>, vector<1x16xf32>,
      %get3A_843 = vector.shape_cast %get3A_842 : vector<1x16xf32> to vector<16xf32>
      %get3A_844 = arith.index_cast %scan3A_43 : i32 to index
      %get3A_845 = arith.constant 912 : index
      %get3A_846 = tpu.vector_load %arg8[%get3A_844, %get3A_845] {strides = array<i32>} : memref<32x1024xf32, #tpu.memory_space<vmem>>, vector<1x16xf32>,
      %get3A_847 = vector.shape_cast %get3A_846 : vector<1x16xf32> to vector<16xf32>
      %add3A_848 = arith.addf %get3A_843, %get3A_847 : vector<16xf32>
      %swap3A_849 = arith.index_cast %scan3A_43 : i32 to index
      %swap3A_850 = arith.constant 912 : index
      %swap3A_851 = tpu.vector_load %arg7[%swap3A_849, %swap3A_850] {strides = array<i32>} : memref<32x1024xf32, #tpu.memory_space<vmem>>, vector<1x16xf32>,
      %swap3A_852 = vector.shape_cast %swap3A_851 : vector<1x16xf32> to vector<16xf32>
      %swap3A_853 = vector.shape_cast %add3A_848 : vector<16xf32> to vector<1x16xf32>
      tpu.vector_store %arg7[%swap3A_849, %swap3A_850], %swap3A_853 {strides = array<i32>} : memref<32x1024xf32, #tpu.memory_space<vmem>>, vector<1x16xf32>,
      %get3A_854 = arith.index_cast %scan3A_43 : i32 to index
      %get3A_855 = arith.constant 928 : index
      %get3A_856 = tpu.vector_load %arg7[%get3A_854, %get3A_855] {strides = array<i32>} : memref<32x1024xf32, #tpu.memory_space<vmem>>, vector<1x16xf32>,
      %get3A_857 = vector.shape_cast %get3A_856 : vector<1x16xf32> to vector<16xf32>
      %get3A_858 = arith.index_cast %scan3A_43 : i32 to index
      %get3A_859 = arith.constant 928 : index
      %get3A_860 = tpu.vector_load %arg8[%get3A_858, %get3A_859] {strides = array<i32>} : memref<32x1024xf32, #tpu.memory_space<vmem>>, vector<1x16xf32>,
      %get3A_861 = vector.shape_cast %get3A_860 : vector<1x16xf32> to vector<16xf32>
      %add3A_862 = arith.addf %get3A_857, %get3A_861 : vector<16xf32>
      %swap3A_863 = arith.index_cast %scan3A_43 : i32 to index
      %swap3A_864 = arith.constant 928 : index
      %swap3A_865 = tpu.vector_load %arg7[%swap3A_863, %swap3A_864] {strides = array<i32>} : memref<32x1024xf32, #tpu.memory_space<vmem>>, vector<1x16xf32>,
      %swap3A_866 = vector.shape_cast %swap3A_865 : vector<1x16xf32> to vector<16xf32>
      %swap3A_867 = vector.shape_cast %add3A_862 : vector<16xf32> to vector<1x16xf32>
      tpu.vector_store %arg7[%swap3A_863, %swap3A_864], %swap3A_867 {strides = array<i32>} : memref<32x1024xf32, #tpu.memory_space<vmem>>, vector<1x16xf32>,
      %get3A_868 = arith.index_cast %scan3A_43 : i32 to index
      %get3A_869 = arith.constant 944 : index
      %get3A_870 = tpu.vector_load %arg7[%get3A_868, %get3A_869] {strides = array<i32>} : memref<32x1024xf32, #tpu.memory_space<vmem>>, vector<1x16xf32>,
      %get3A_871 = vector.shape_cast %get3A_870 : vector<1x16xf32> to vector<16xf32>
      %get3A_872 = arith.index_cast %scan3A_43 : i32 to index
      %get3A_873 = arith.constant 944 : index
      %get3A_874 = tpu.vector_load %arg8[%get3A_872, %get3A_873] {strides = array<i32>} : memref<32x1024xf32, #tpu.memory_space<vmem>>, vector<1x16xf32>,
      %get3A_875 = vector.shape_cast %get3A_874 : vector<1x16xf32> to vector<16xf32>
      %add3A_876 = arith.addf %get3A_871, %get3A_875 : vector<16xf32>
      %swap3A_877 = arith.index_cast %scan3A_43 : i32 to index
      %swap3A_878 = arith.constant 944 : index
      %swap3A_879 = tpu.vector_load %arg7[%swap3A_877, %swap3A_878] {strides = array<i32>} : memref<32x1024xf32, #tpu.memory_space<vmem>>, vector<1x16xf32>,
      %swap3A_880 = vector.shape_cast %swap3A_879 : vector<1x16xf32> to vector<16xf32>
      %swap3A_881 = vector.shape_cast %add3A_876 : vector<16xf32> to vector<1x16xf32>
      tpu.vector_store %arg7[%swap3A_877, %swap3A_878], %swap3A_881 {strides = array<i32>} : memref<32x1024xf32, #tpu.memory_space<vmem>>, vector<1x16xf32>,
      %get3A_882 = arith.index_cast %scan3A_43 : i32 to index
      %get3A_883 = arith.constant 960 : index
      %get3A_884 = tpu.vector_load %arg7[%get3A_882, %get3A_883] {strides = array<i32>} : memref<32x1024xf32, #tpu.memory_space<vmem>>, vector<1x16xf32>,
      %get3A_885 = vector.shape_cast %get3A_884 : vector<1x16xf32> to vector<16xf32>
      %get3A_886 = arith.index_cast %scan3A_43 : i32 to index
      %get3A_887 = arith.constant 960 : index
      %get3A_888 = tpu.vector_load %arg8[%get3A_886, %get3A_887] {strides = array<i32>} : memref<32x1024xf32, #tpu.memory_space<vmem>>, vector<1x16xf32>,
      %get3A_889 = vector.shape_cast %get3A_888 : vector<1x16xf32> to vector<16xf32>
      %add3A_890 = arith.addf %get3A_885, %get3A_889 : vector<16xf32>
      %swap3A_891 = arith.index_cast %scan3A_43 : i32 to index
      %swap3A_892 = arith.constant 960 : index
      %swap3A_893 = tpu.vector_load %arg7[%swap3A_891, %swap3A_892] {strides = array<i32>} : memref<32x1024xf32, #tpu.memory_space<vmem>>, vector<1x16xf32>,
      %swap3A_894 = vector.shape_cast %swap3A_893 : vector<1x16xf32> to vector<16xf32>
      %swap3A_895 = vector.shape_cast %add3A_890 : vector<16xf32> to vector<1x16xf32>
      tpu.vector_store %arg7[%swap3A_891, %swap3A_892], %swap3A_895 {strides = array<i32>} : memref<32x1024xf32, #tpu.memory_space<vmem>>, vector<1x16xf32>,
      %get3A_896 = arith.index_cast %scan3A_43 : i32 to index
      %get3A_897 = arith.constant 976 : index
      %get3A_898 = tpu.vector_load %arg7[%get3A_896, %get3A_897] {strides = array<i32>} : memref<32x1024xf32, #tpu.memory_space<vmem>>, vector<1x16xf32>,
      %get3A_899 = vector.shape_cast %get3A_898 : vector<1x16xf32> to vector<16xf32>
      %get3A_900 = arith.index_cast %scan3A_43 : i32 to index
      %get3A_901 = arith.constant 976 : index
      %get3A_902 = tpu.vector_load %arg8[%get3A_900, %get3A_901] {strides = array<i32>} : memref<32x1024xf32, #tpu.memory_space<vmem>>, vector<1x16xf32>,
      %get3A_903 = vector.shape_cast %get3A_902 : vector<1x16xf32> to vector<16xf32>
      %add3A_904 = arith.addf %get3A_899, %get3A_903 : vector<16xf32>
      %swap3A_905 = arith.index_cast %scan3A_43 : i32 to index
      %swap3A_906 = arith.constant 976 : index
      %swap3A_907 = tpu.vector_load %arg7[%swap3A_905, %swap3A_906] {strides = array<i32>} : memref<32x1024xf32, #tpu.memory_space<vmem>>, vector<1x16xf32>,
      %swap3A_908 = vector.shape_cast %swap3A_907 : vector<1x16xf32> to vector<16xf32>
      %swap3A_909 = vector.shape_cast %add3A_904 : vector<16xf32> to vector<1x16xf32>
      tpu.vector_store %arg7[%swap3A_905, %swap3A_906], %swap3A_909 {strides = array<i32>} : memref<32x1024xf32, #tpu.memory_space<vmem>>, vector<1x16xf32>,
      %get3A_910 = arith.index_cast %scan3A_43 : i32 to index
      %get3A_911 = arith.constant 992 : index
      %get3A_912 = tpu.vector_load %arg7[%get3A_910, %get3A_911] {strides = array<i32>} : memref<32x1024xf32, #tpu.memory_space<vmem>>, vector<1x16xf32>,
      %get3A_913 = vector.shape_cast %get3A_912 : vector<1x16xf32> to vector<16xf32>
      %get3A_914 = arith.index_cast %scan3A_43 : i32 to index
      %get3A_915 = arith.constant 992 : index
      %get3A_916 = tpu.vector_load %arg8[%get3A_914, %get3A_915] {strides = array<i32>} : memref<32x1024xf32, #tpu.memory_space<vmem>>, vector<1x16xf32>,
      %get3A_917 = vector.shape_cast %get3A_916 : vector<1x16xf32> to vector<16xf32>
      %add3A_918 = arith.addf %get3A_913, %get3A_917 : vector<16xf32>
      %swap3A_919 = arith.index_cast %scan3A_43 : i32 to index
      %swap3A_920 = arith.constant 992 : index
      %swap3A_921 = tpu.vector_load %arg7[%swap3A_919, %swap3A_920] {strides = array<i32>} : memref<32x1024xf32, #tpu.memory_space<vmem>>, vector<1x16xf32>,
      %swap3A_922 = vector.shape_cast %swap3A_921 : vector<1x16xf32> to vector<16xf32>
      %swap3A_923 = vector.shape_cast %add3A_918 : vector<16xf32> to vector<1x16xf32>
      tpu.vector_store %arg7[%swap3A_919, %swap3A_920], %swap3A_923 {strides = array<i32>} : memref<32x1024xf32, #tpu.memory_space<vmem>>, vector<1x16xf32>,
      %get3A_924 = arith.index_cast %scan3A_43 : i32 to index
      %get3A_925 = arith.constant 1008 : index
      %get3A_926 = tpu.vector_load %arg7[%get3A_924, %get3A_925] {strides = array<i32>} : memref<32x1024xf32, #tpu.memory_space<vmem>>, vector<1x16xf32>,
      %get3A_927 = vector.shape_cast %get3A_926 : vector<1x16xf32> to vector<16xf32>
      %get3A_928 = arith.index_cast %scan3A_43 : i32 to index
      %get3A_929 = arith.constant 1008 : index
      %get3A_930 = tpu.vector_load %arg8[%get3A_928, %get3A_929] {strides = array<i32>} : memref<32x1024xf32, #tpu.memory_space<vmem>>, vector<1x16xf32>,
      %get3A_931 = vector.shape_cast %get3A_930 : vector<1x16xf32> to vector<16xf32>
      %add3A_932 = arith.addf %get3A_927, %get3A_931 : vector<16xf32>
      %swap3A_933 = arith.index_cast %scan3A_43 : i32 to index
      %swap3A_934 = arith.constant 1008 : index
      %swap3A_935 = tpu.vector_load %arg7[%swap3A_933, %swap3A_934] {strides = array<i32>} : memref<32x1024xf32, #tpu.memory_space<vmem>>, vector<1x16xf32>,
      %swap3A_936 = vector.shape_cast %swap3A_935 : vector<1x16xf32> to vector<16xf32>
      %swap3A_937 = vector.shape_cast %add3A_932 : vector<16xf32> to vector<1x16xf32>
      tpu.vector_store %arg7[%swap3A_933, %swap3A_934], %swap3A_937 {strides = array<i32>} : memref<32x1024xf32, #tpu.memory_space<vmem>>, vector<1x16xf32>,
    }
    %scan3A_20 = arith.constant 32 : i32
    "tpu.region"() ({
      %run_scoped3A_43 = tpu.sem_alloc : memref<!tpu.dma_semaphore, #tpu.memory_space<semaphore_mem>>
      %dma_start3A_44 = arith.constant 0 : i32
      %dma_start3A_45 = tpu.memref_slice %arg4[%add3A_4, %dma_start3A_44] : memref<2048x1024xf32, #tpu.memory_space<hbm>> -> memref<32x1024xf32, #tpu.memory_space<hbm>>
      %dma_start3A_46 = arith.constant 0 : i32
      %dma_start3A_47 = tpu.memref_slice %arg4[%add3A_4, %dma_start3A_46] : memref<2048x1024xf32, #tpu.memory_space<hbm>> -> memref<32x1024xf32, #tpu.memory_space<hbm>>
      tpu.enqueue_dma source(%arg7 : memref<32x1024xf32, #tpu.memory_space<vmem>>) target(%dma_start3A_47 : memref<32x1024xf32, #tpu.memory_space<hbm>>) target_semaphore(%run_scoped3A_43 : memref<!tpu.dma_semaphore, #tpu.memory_space<semaphore_mem>>)
      %dma_wait3A_48 = arith.constant 0 : i32
      %dma_wait3A_49 = tpu.memref_slice %arg4[%add3A_4, %dma_wait3A_48] : memref<2048x1024xf32, #tpu.memory_space<hbm>> -> memref<32x1024xf32, #tpu.memory_space<hbm>>
      %dma_wait3A_50 = arith.constant 0 : i32
      %dma_wait3A_51 = tpu.memref_slice %arg4[%add3A_4, %dma_wait3A_50] : memref<2048x1024xf32, #tpu.memory_space<hbm>> -> memref<32x1024xf32, #tpu.memory_space<hbm>>
      tpu.wait_dma2 semaphore(%run_scoped3A_43 : memref<!tpu.dma_semaphore, #tpu.memory_space<semaphore_mem>>) src(%arg7 : memref<32x1024xf32, #tpu.memory_space<vmem>>) dst(%dma_wait3A_51 : memref<32x1024xf32, #tpu.memory_space<hbm>>)
      tpu.yield
    }) : () -> ()
    %add3A_21 = arith.constant 32 : i32
    %add3A_22 = arith.addi %mul3A_2, %add3A_21 : i32
    %run_scoped3A_23 = arith.constant 0 : i32
    "tpu.region"() ({
      %run_scoped3A_43 = tpu.sem_alloc : memref<!tpu.dma_semaphore, #tpu.memory_space<semaphore_mem>>
      %dma_start3A_44 = tpu.memref_slice %arg3[%run_scoped3A_23, %add3A_22] : memref<2x2048xi32, #tpu.memory_space<hbm>> -> memref<1x32xi32, #tpu.memory_space<hbm>>
      %dma_start3A_45 = tpu.memref_squeeze %dma_start3A_44 : memref<1x32xi32, #tpu.memory_space<hbm>> -> memref<32xi32, #tpu.memory_space<hbm>>
      %dma_start3A_46 = tpu.memref_slice %arg3[%run_scoped3A_23, %add3A_22] : memref<2x2048xi32, #tpu.memory_space<hbm>> -> memref<1x32xi32, #tpu.memory_space<hbm>>
      %dma_start3A_47 = tpu.memref_squeeze %dma_start3A_46 : memref<1x32xi32, #tpu.memory_space<hbm>> -> memref<32xi32, #tpu.memory_space<hbm>>
      tpu.enqueue_dma source(%dma_start3A_47 : memref<32xi32, #tpu.memory_space<hbm>>) target(%arg5 : memref<32xi32, #tpu.memory_space<vmem>>) target_semaphore(%run_scoped3A_43 : memref<!tpu.dma_semaphore, #tpu.memory_space<semaphore_mem>>)
      %dma_wait3A_48 = tpu.memref_slice %arg3[%run_scoped3A_23, %add3A_22] : memref<2x2048xi32, #tpu.memory_space<hbm>> -> memref<1x32xi32, #tpu.memory_space<hbm>>
      %dma_wait3A_49 = tpu.memref_squeeze %dma_wait3A_48 : memref<1x32xi32, #tpu.memory_space<hbm>> -> memref<32xi32, #tpu.memory_space<hbm>>
      %dma_wait3A_50 = tpu.memref_slice %arg3[%run_scoped3A_23, %add3A_22] : memref<2x2048xi32, #tpu.memory_space<hbm>> -> memref<1x32xi32, #tpu.memory_space<hbm>>
      %dma_wait3A_51 = tpu.memref_squeeze %dma_wait3A_50 : memref<1x32xi32, #tpu.memory_space<hbm>> -> memref<32xi32, #tpu.memory_space<hbm>>
      tpu.wait_dma2 semaphore(%run_scoped3A_43 : memref<!tpu.dma_semaphore, #tpu.memory_space<semaphore_mem>>) src(%dma_wait3A_51 : memref<32xi32, #tpu.memory_space<hbm>>) dst(%arg5 : memref<32xi32, #tpu.memory_space<vmem>>)
      tpu.yield
    }) : () -> ()
    %run_scoped3A_24 = arith.constant 1 : i32
    "tpu.region"() ({
      %run_scoped3A_43 = tpu.sem_alloc : memref<!tpu.dma_semaphore, #tpu.memory_space<semaphore_mem>>
      %dma_start3A_44 = tpu.memref_slice %arg3[%run_scoped3A_24, %add3A_22] : memref<2x2048xi32, #tpu.memory_space<hbm>> -> memref<1x32xi32, #tpu.memory_space<hbm>>
      %dma_start3A_45 = tpu.memref_squeeze %dma_start3A_44 : memref<1x32xi32, #tpu.memory_space<hbm>> -> memref<32xi32, #tpu.memory_space<hbm>>
      %dma_start3A_46 = tpu.memref_slice %arg3[%run_scoped3A_24, %add3A_22] : memref<2x2048xi32, #tpu.memory_space<hbm>> -> memref<1x32xi32, #tpu.memory_space<hbm>>
      %dma_start3A_47 = tpu.memref_squeeze %dma_start3A_46 : memref<1x32xi32, #tpu.memory_space<hbm>> -> memref<32xi32, #tpu.memory_space<hbm>>
      tpu.enqueue_dma source(%dma_start3A_47 : memref<32xi32, #tpu.memory_space<hbm>>) target(%arg6 : memref<32xi32, #tpu.memory_space<vmem>>) target_semaphore(%run_scoped3A_43 : memref<!tpu.dma_semaphore, #tpu.memory_space<semaphore_mem>>)
      %dma_wait3A_48 = tpu.memref_slice %arg3[%run_scoped3A_24, %add3A_22] : memref<2x2048xi32, #tpu.memory_space<hbm>> -> memref<1x32xi32, #tpu.memory_space<hbm>>
      %dma_wait3A_49 = tpu.memref_squeeze %dma_wait3A_48 : memref<1x32xi32, #tpu.memory_space<hbm>> -> memref<32xi32, #tpu.memory_space<hbm>>
      %dma_wait3A_50 = tpu.memref_slice %arg3[%run_scoped3A_24, %add3A_22] : memref<2x2048xi32, #tpu.memory_space<hbm>> -> memref<1x32xi32, #tpu.memory_space<hbm>>
      %dma_wait3A_51 = tpu.memref_squeeze %dma_wait3A_50 : memref<1x32xi32, #tpu.memory_space<hbm>> -> memref<32xi32, #tpu.memory_space<hbm>>
      tpu.wait_dma2 semaphore(%run_scoped3A_43 : memref<!tpu.dma_semaphore, #tpu.memory_space<semaphore_mem>>) src(%dma_wait3A_51 : memref<32xi32, #tpu.memory_space<hbm>>) dst(%arg6 : memref<32xi32, #tpu.memory_space<vmem>>)
      tpu.yield
    }) : () -> ()
    %dma_start3A_25 = arith.constant 0 : i32
    %dma_start3A_26 = arith.constant 0 : i32
    %dma_start3A_27 = tpu.memref_slice %arg2[%dma_start3A_25, %dma_start3A_26] : memref<6144x1024xf32, #tpu.memory_space<hbm>> -> memref<6144x1024xf32, #tpu.memory_space<hbm>>
    tpu.enqueue_indirect_dma source(%dma_start3A_27 : memref<6144x1024xf32, #tpu.memory_space<hbm>>) target(%arg7 : memref<32x1024xf32, #tpu.memory_space<vmem>>) offsets(%arg5 : memref<32xi32, #tpu.memory_space<vmem>>) semaphore(%arg9 : memref<!tpu.dma_semaphore, #tpu.memory_space<semaphore_mem>>)
    %dma_start3A_28 = arith.constant 0 : i32
    %dma_start3A_29 = arith.constant 0 : i32
    %dma_start3A_30 = tpu.memref_slice %arg2[%dma_start3A_28, %dma_start3A_29] : memref<6144x1024xf32, #tpu.memory_space<hbm>> -> memref<6144x1024xf32, #tpu.memory_space<hbm>>
    tpu.enqueue_indirect_dma source(%dma_start3A_30 : memref<6144x1024xf32, #tpu.memory_space<hbm>>) target(%arg8 : memref<32x1024xf32, #tpu.memory_space<vmem>>) offsets(%arg6 : memref<32xi32, #tpu.memory_space<vmem>>) semaphore(%arg10 : memref<!tpu.dma_semaphore, #tpu.memory_space<semaphore_mem>>)
    %dma_wait3A_31 = arith.constant 0 : i32
    %dma_wait3A_32 = arith.constant 0 : i32
    %dma_wait3A_33 = tpu.memref_slice %arg2[%dma_wait3A_31, %dma_wait3A_32] : memref<6144x1024xf32, #tpu.memory_space<hbm>> -> memref<6144x1024xf32, #tpu.memory_space<hbm>>
    tpu.wait_indirect_dma semaphore(%arg9 : memref<!tpu.dma_semaphore, #tpu.memory_space<semaphore_mem>>) src(%dma_wait3A_33 : memref<6144x1024xf32, #tpu.memory_space<hbm>>) dst(%arg7 : memref<32x1024xf32, #tpu.memory_space<vmem>>)
    %dma_wait3A_34 = arith.constant 0 : i32
    %dma_wait3A_35 = arith.constant 0 : i32
    %dma_wait3A_36 = tpu.memref_slice %arg2[%dma_wait3A_34, %dma_wait3A_35] : memref<6144x1024xf32, #tpu.memory_space<hbm>> -> memref<6144x1024xf32, #tpu.memory_space<hbm>>
    tpu.wait_indirect_dma semaphore(%arg10 : memref<!tpu.dma_semaphore, #tpu.memory_space<semaphore_mem>>) src(%dma_wait3A_36 : memref<6144x1024xf32, #tpu.memory_space<hbm>>) dst(%arg8 : memref<32x1024xf32, #tpu.memory_space<vmem>>)
    %scan3A_37 = arith.constant 0 : i32
    %scan3A_38 = arith.constant 0 : i32
    %scan3A_39 = arith.constant 32 : i32
    %scan3A_40 = arith.addi %scan3A_38, %scan3A_39 : i32
    %scan3A_41 = arith.constant 1 : i32
    scf.for %scan3A_43 = %scan3A_38 to %scan3A_40 step %scan3A_41  : i32 {
      %get3A = arith.index_cast %scan3A_43 : i32 to index
      %get3A_44 = arith.constant 0 : index
      %get3A_45 = tpu.vector_load %arg7[%get3A, %get3A_44] {strides = array<i32>} : memref<32x1024xf32, #tpu.memory_space<vmem>>, vector<1x16xf32>,
      %get3A_46 = vector.shape_cast %get3A_45 : vector<1x16xf32> to vector<16xf32>
      %get3A_47 = arith.index_cast %scan3A_43 : i32 to index
      %get3A_48 = arith.constant 0 : index
      %get3A_49 = tpu.vector_load %arg8[%get3A_47, %get3A_48] {strides = array<i32>} : memref<32x1024xf32, #tpu.memory_space<vmem>>, vector<1x16xf32>,
      %get3A_50 = vector.shape_cast %get3A_49 : vector<1x16xf32> to vector<16xf32>
      %add3A_51 = arith.addf %get3A_46, %get3A_50 : vector<16xf32>
      %swap3A = arith.index_cast %scan3A_43 : i32 to index
      %swap3A_52 = arith.constant 0 : index
      %swap3A_53 = tpu.vector_load %arg7[%swap3A, %swap3A_52] {strides = array<i32>} : memref<32x1024xf32, #tpu.memory_space<vmem>>, vector<1x16xf32>,
      %swap3A_54 = vector.shape_cast %swap3A_53 : vector<1x16xf32> to vector<16xf32>
      %swap3A_55 = vector.shape_cast %add3A_51 : vector<16xf32> to vector<1x16xf32>
      tpu.vector_store %arg7[%swap3A, %swap3A_52], %swap3A_55 {strides = array<i32>} : memref<32x1024xf32, #tpu.memory_space<vmem>>, vector<1x16xf32>,
      %get3A_56 = arith.index_cast %scan3A_43 : i32 to index
      %get3A_57 = arith.constant 16 : index
      %get3A_58 = tpu.vector_load %arg7[%get3A_56, %get3A_57] {strides = array<i32>} : memref<32x1024xf32, #tpu.memory_space<vmem>>, vector<1x16xf32>,
      %get3A_59 = vector.shape_cast %get3A_58 : vector<1x16xf32> to vector<16xf32>
      %get3A_60 = arith.index_cast %scan3A_43 : i32 to index
      %get3A_61 = arith.constant 16 : index
      %get3A_62 = tpu.vector_load %arg8[%get3A_60, %get3A_61] {strides = array<i32>} : memref<32x1024xf32, #tpu.memory_space<vmem>>, vector<1x16xf32>,
      %get3A_63 = vector.shape_cast %get3A_62 : vector<1x16xf32> to vector<16xf32>
      %add3A_64 = arith.addf %get3A_59, %get3A_63 : vector<16xf32>
      %swap3A_65 = arith.index_cast %scan3A_43 : i32 to index
      %swap3A_66 = arith.constant 16 : index
      %swap3A_67 = tpu.vector_load %arg7[%swap3A_65, %swap3A_66] {strides = array<i32>} : memref<32x1024xf32, #tpu.memory_space<vmem>>, vector<1x16xf32>,
      %swap3A_68 = vector.shape_cast %swap3A_67 : vector<1x16xf32> to vector<16xf32>
      %swap3A_69 = vector.shape_cast %add3A_64 : vector<16xf32> to vector<1x16xf32>
      tpu.vector_store %arg7[%swap3A_65, %swap3A_66], %swap3A_69 {strides = array<i32>} : memref<32x1024xf32, #tpu.memory_space<vmem>>, vector<1x16xf32>,
      %get3A_70 = arith.index_cast %scan3A_43 : i32 to index
      %get3A_71 = arith.constant 32 : index
      %get3A_72 = tpu.vector_load %arg7[%get3A_70, %get3A_71] {strides = array<i32>} : memref<32x1024xf32, #tpu.memory_space<vmem>>, vector<1x16xf32>,
      %get3A_73 = vector.shape_cast %get3A_72 : vector<1x16xf32> to vector<16xf32>
      %get3A_74 = arith.index_cast %scan3A_43 : i32 to index
      %get3A_75 = arith.constant 32 : index
      %get3A_76 = tpu.vector_load %arg8[%get3A_74, %get3A_75] {strides = array<i32>} : memref<32x1024xf32, #tpu.memory_space<vmem>>, vector<1x16xf32>,
      %get3A_77 = vector.shape_cast %get3A_76 : vector<1x16xf32> to vector<16xf32>
      %add3A_78 = arith.addf %get3A_73, %get3A_77 : vector<16xf32>
      %swap3A_79 = arith.index_cast %scan3A_43 : i32 to index
      %swap3A_80 = arith.constant 32 : index
      %swap3A_81 = tpu.vector_load %arg7[%swap3A_79, %swap3A_80] {strides = array<i32>} : memref<32x1024xf32, #tpu.memory_space<vmem>>, vector<1x16xf32>,
      %swap3A_82 = vector.shape_cast %swap3A_81 : vector<1x16xf32> to vector<16xf32>
      %swap3A_83 = vector.shape_cast %add3A_78 : vector<16xf32> to vector<1x16xf32>
      tpu.vector_store %arg7[%swap3A_79, %swap3A_80], %swap3A_83 {strides = array<i32>} : memref<32x1024xf32, #tpu.memory_space<vmem>>, vector<1x16xf32>,
      %get3A_84 = arith.index_cast %scan3A_43 : i32 to index
      %get3A_85 = arith.constant 48 : index
      %get3A_86 = tpu.vector_load %arg7[%get3A_84, %get3A_85] {strides = array<i32>} : memref<32x1024xf32, #tpu.memory_space<vmem>>, vector<1x16xf32>,
      %get3A_87 = vector.shape_cast %get3A_86 : vector<1x16xf32> to vector<16xf32>
      %get3A_88 = arith.index_cast %scan3A_43 : i32 to index
      %get3A_89 = arith.constant 48 : index
      %get3A_90 = tpu.vector_load %arg8[%get3A_88, %get3A_89] {strides = array<i32>} : memref<32x1024xf32, #tpu.memory_space<vmem>>, vector<1x16xf32>,
      %get3A_91 = vector.shape_cast %get3A_90 : vector<1x16xf32> to vector<16xf32>
      %add3A_92 = arith.addf %get3A_87, %get3A_91 : vector<16xf32>
      %swap3A_93 = arith.index_cast %scan3A_43 : i32 to index
      %swap3A_94 = arith.constant 48 : index
      %swap3A_95 = tpu.vector_load %arg7[%swap3A_93, %swap3A_94] {strides = array<i32>} : memref<32x1024xf32, #tpu.memory_space<vmem>>, vector<1x16xf32>,
      %swap3A_96 = vector.shape_cast %swap3A_95 : vector<1x16xf32> to vector<16xf32>
      %swap3A_97 = vector.shape_cast %add3A_92 : vector<16xf32> to vector<1x16xf32>
      tpu.vector_store %arg7[%swap3A_93, %swap3A_94], %swap3A_97 {strides = array<i32>} : memref<32x1024xf32, #tpu.memory_space<vmem>>, vector<1x16xf32>,
      %get3A_98 = arith.index_cast %scan3A_43 : i32 to index
      %get3A_99 = arith.constant 64 : index
      %get3A_100 = tpu.vector_load %arg7[%get3A_98, %get3A_99] {strides = array<i32>} : memref<32x1024xf32, #tpu.memory_space<vmem>>, vector<1x16xf32>,
      %get3A_101 = vector.shape_cast %get3A_100 : vector<1x16xf32> to vector<16xf32>
      %get3A_102 = arith.index_cast %scan3A_43 : i32 to index
      %get3A_103 = arith.constant 64 : index
      %get3A_104 = tpu.vector_load %arg8[%get3A_102, %get3A_103] {strides = array<i32>} : memref<32x1024xf32, #tpu.memory_space<vmem>>, vector<1x16xf32>,
      %get3A_105 = vector.shape_cast %get3A_104 : vector<1x16xf32> to vector<16xf32>
      %add3A_106 = arith.addf %get3A_101, %get3A_105 : vector<16xf32>
      %swap3A_107 = arith.index_cast %scan3A_43 : i32 to index
      %swap3A_108 = arith.constant 64 : index
      %swap3A_109 = tpu.vector_load %arg7[%swap3A_107, %swap3A_108] {strides = array<i32>} : memref<32x1024xf32, #tpu.memory_space<vmem>>, vector<1x16xf32>,
      %swap3A_110 = vector.shape_cast %swap3A_109 : vector<1x16xf32> to vector<16xf32>
      %swap3A_111 = vector.shape_cast %add3A_106 : vector<16xf32> to vector<1x16xf32>
      tpu.vector_store %arg7[%swap3A_107, %swap3A_108], %swap3A_111 {strides = array<i32>} : memref<32x1024xf32, #tpu.memory_space<vmem>>, vector<1x16xf32>,
      %get3A_112 = arith.index_cast %scan3A_43 : i32 to index
      %get3A_113 = arith.constant 80 : index
      %get3A_114 = tpu.vector_load %arg7[%get3A_112, %get3A_113] {strides = array<i32>} : memref<32x1024xf32, #tpu.memory_space<vmem>>, vector<1x16xf32>,
      %get3A_115 = vector.shape_cast %get3A_114 : vector<1x16xf32> to vector<16xf32>
      %get3A_116 = arith.index_cast %scan3A_43 : i32 to index
      %get3A_117 = arith.constant 80 : index
      %get3A_118 = tpu.vector_load %arg8[%get3A_116, %get3A_117] {strides = array<i32>} : memref<32x1024xf32, #tpu.memory_space<vmem>>, vector<1x16xf32>,
      %get3A_119 = vector.shape_cast %get3A_118 : vector<1x16xf32> to vector<16xf32>
      %add3A_120 = arith.addf %get3A_115, %get3A_119 : vector<16xf32>
      %swap3A_121 = arith.index_cast %scan3A_43 : i32 to index
      %swap3A_122 = arith.constant 80 : index
      %swap3A_123 = tpu.vector_load %arg7[%swap3A_121, %swap3A_122] {strides = array<i32>} : memref<32x1024xf32, #tpu.memory_space<vmem>>, vector<1x16xf32>,
      %swap3A_124 = vector.shape_cast %swap3A_123 : vector<1x16xf32> to vector<16xf32>
      %swap3A_125 = vector.shape_cast %add3A_120 : vector<16xf32> to vector<1x16xf32>
      tpu.vector_store %arg7[%swap3A_121, %swap3A_122], %swap3A_125 {strides = array<i32>} : memref<32x1024xf32, #tpu.memory_space<vmem>>, vector<1x16xf32>,
      %get3A_126 = arith.index_cast %scan3A_43 : i32 to index
      %get3A_127 = arith.constant 96 : index
      %get3A_128 = tpu.vector_load %arg7[%get3A_126, %get3A_127] {strides = array<i32>} : memref<32x1024xf32, #tpu.memory_space<vmem>>, vector<1x16xf32>,
      %get3A_129 = vector.shape_cast %get3A_128 : vector<1x16xf32> to vector<16xf32>
      %get3A_130 = arith.index_cast %scan3A_43 : i32 to index
      %get3A_131 = arith.constant 96 : index
      %get3A_132 = tpu.vector_load %arg8[%get3A_130, %get3A_131] {strides = array<i32>} : memref<32x1024xf32, #tpu.memory_space<vmem>>, vector<1x16xf32>,
      %get3A_133 = vector.shape_cast %get3A_132 : vector<1x16xf32> to vector<16xf32>
      %add3A_134 = arith.addf %get3A_129, %get3A_133 : vector<16xf32>
      %swap3A_135 = arith.index_cast %scan3A_43 : i32 to index
      %swap3A_136 = arith.constant 96 : index
      %swap3A_137 = tpu.vector_load %arg7[%swap3A_135, %swap3A_136] {strides = array<i32>} : memref<32x1024xf32, #tpu.memory_space<vmem>>, vector<1x16xf32>,
      %swap3A_138 = vector.shape_cast %swap3A_137 : vector<1x16xf32> to vector<16xf32>
      %swap3A_139 = vector.shape_cast %add3A_134 : vector<16xf32> to vector<1x16xf32>
      tpu.vector_store %arg7[%swap3A_135, %swap3A_136], %swap3A_139 {strides = array<i32>} : memref<32x1024xf32, #tpu.memory_space<vmem>>, vector<1x16xf32>,
      %get3A_140 = arith.index_cast %scan3A_43 : i32 to index
      %get3A_141 = arith.constant 112 : index
      %get3A_142 = tpu.vector_load %arg7[%get3A_140, %get3A_141] {strides = array<i32>} : memref<32x1024xf32, #tpu.memory_space<vmem>>, vector<1x16xf32>,
      %get3A_143 = vector.shape_cast %get3A_142 : vector<1x16xf32> to vector<16xf32>
      %get3A_144 = arith.index_cast %scan3A_43 : i32 to index
      %get3A_145 = arith.constant 112 : index
      %get3A_146 = tpu.vector_load %arg8[%get3A_144, %get3A_145] {strides = array<i32>} : memref<32x1024xf32, #tpu.memory_space<vmem>>, vector<1x16xf32>,
      %get3A_147 = vector.shape_cast %get3A_146 : vector<1x16xf32> to vector<16xf32>
      %add3A_148 = arith.addf %get3A_143, %get3A_147 : vector<16xf32>
      %swap3A_149 = arith.index_cast %scan3A_43 : i32 to index
      %swap3A_150 = arith.constant 112 : index
      %swap3A_151 = tpu.vector_load %arg7[%swap3A_149, %swap3A_150] {strides = array<i32>} : memref<32x1024xf32, #tpu.memory_space<vmem>>, vector<1x16xf32>,
      %swap3A_152 = vector.shape_cast %swap3A_151 : vector<1x16xf32> to vector<16xf32>
      %swap3A_153 = vector.shape_cast %add3A_148 : vector<16xf32> to vector<1x16xf32>
      tpu.vector_store %arg7[%swap3A_149, %swap3A_150], %swap3A_153 {strides = array<i32>} : memref<32x1024xf32, #tpu.memory_space<vmem>>, vector<1x16xf32>,
      %get3A_154 = arith.index_cast %scan3A_43 : i32 to index
      %get3A_155 = arith.constant 128 : index
      %get3A_156 = tpu.vector_load %arg7[%get3A_154, %get3A_155] {strides = array<i32>} : memref<32x1024xf32, #tpu.memory_space<vmem>>, vector<1x16xf32>,
      %get3A_157 = vector.shape_cast %get3A_156 : vector<1x16xf32> to vector<16xf32>
      %get3A_158 = arith.index_cast %scan3A_43 : i32 to index
      %get3A_159 = arith.constant 128 : index
      %get3A_160 = tpu.vector_load %arg8[%get3A_158, %get3A_159] {strides = array<i32>} : memref<32x1024xf32, #tpu.memory_space<vmem>>, vector<1x16xf32>,
      %get3A_161 = vector.shape_cast %get3A_160 : vector<1x16xf32> to vector<16xf32>
      %add3A_162 = arith.addf %get3A_157, %get3A_161 : vector<16xf32>
      %swap3A_163 = arith.index_cast %scan3A_43 : i32 to index
      %swap3A_164 = arith.constant 128 : index
      %swap3A_165 = tpu.vector_load %arg7[%swap3A_163, %swap3A_164] {strides = array<i32>} : memref<32x1024xf32, #tpu.memory_space<vmem>>, vector<1x16xf32>,
      %swap3A_166 = vector.shape_cast %swap3A_165 : vector<1x16xf32> to vector<16xf32>
      %swap3A_167 = vector.shape_cast %add3A_162 : vector<16xf32> to vector<1x16xf32>
      tpu.vector_store %arg7[%swap3A_163, %swap3A_164], %swap3A_167 {strides = array<i32>} : memref<32x1024xf32, #tpu.memory_space<vmem>>, vector<1x16xf32>,
      %get3A_168 = arith.index_cast %scan3A_43 : i32 to index
      %get3A_169 = arith.constant 144 : index
      %get3A_170 = tpu.vector_load %arg7[%get3A_168, %get3A_169] {strides = array<i32>} : memref<32x1024xf32, #tpu.memory_space<vmem>>, vector<1x16xf32>,
      %get3A_171 = vector.shape_cast %get3A_170 : vector<1x16xf32> to vector<16xf32>
      %get3A_172 = arith.index_cast %scan3A_43 : i32 to index
      %get3A_173 = arith.constant 144 : index
      %get3A_174 = tpu.vector_load %arg8[%get3A_172, %get3A_173] {strides = array<i32>} : memref<32x1024xf32, #tpu.memory_space<vmem>>, vector<1x16xf32>,
      %get3A_175 = vector.shape_cast %get3A_174 : vector<1x16xf32> to vector<16xf32>
      %add3A_176 = arith.addf %get3A_171, %get3A_175 : vector<16xf32>
      %swap3A_177 = arith.index_cast %scan3A_43 : i32 to index
      %swap3A_178 = arith.constant 144 : index
      %swap3A_179 = tpu.vector_load %arg7[%swap3A_177, %swap3A_178] {strides = array<i32>} : memref<32x1024xf32, #tpu.memory_space<vmem>>, vector<1x16xf32>,
      %swap3A_180 = vector.shape_cast %swap3A_179 : vector<1x16xf32> to vector<16xf32>
      %swap3A_181 = vector.shape_cast %add3A_176 : vector<16xf32> to vector<1x16xf32>
      tpu.vector_store %arg7[%swap3A_177, %swap3A_178], %swap3A_181 {strides = array<i32>} : memref<32x1024xf32, #tpu.memory_space<vmem>>, vector<1x16xf32>,
      %get3A_182 = arith.index_cast %scan3A_43 : i32 to index
      %get3A_183 = arith.constant 160 : index
      %get3A_184 = tpu.vector_load %arg7[%get3A_182, %get3A_183] {strides = array<i32>} : memref<32x1024xf32, #tpu.memory_space<vmem>>, vector<1x16xf32>,
      %get3A_185 = vector.shape_cast %get3A_184 : vector<1x16xf32> to vector<16xf32>
      %get3A_186 = arith.index_cast %scan3A_43 : i32 to index
      %get3A_187 = arith.constant 160 : index
      %get3A_188 = tpu.vector_load %arg8[%get3A_186, %get3A_187] {strides = array<i32>} : memref<32x1024xf32, #tpu.memory_space<vmem>>, vector<1x16xf32>,
      %get3A_189 = vector.shape_cast %get3A_188 : vector<1x16xf32> to vector<16xf32>
      %add3A_190 = arith.addf %get3A_185, %get3A_189 : vector<16xf32>
      %swap3A_191 = arith.index_cast %scan3A_43 : i32 to index
      %swap3A_192 = arith.constant 160 : index
      %swap3A_193 = tpu.vector_load %arg7[%swap3A_191, %swap3A_192] {strides = array<i32>} : memref<32x1024xf32, #tpu.memory_space<vmem>>, vector<1x16xf32>,
      %swap3A_194 = vector.shape_cast %swap3A_193 : vector<1x16xf32> to vector<16xf32>
      %swap3A_195 = vector.shape_cast %add3A_190 : vector<16xf32> to vector<1x16xf32>
      tpu.vector_store %arg7[%swap3A_191, %swap3A_192], %swap3A_195 {strides = array<i32>} : memref<32x1024xf32, #tpu.memory_space<vmem>>, vector<1x16xf32>,
      %get3A_196 = arith.index_cast %scan3A_43 : i32 to index
      %get3A_197 = arith.constant 176 : index
      %get3A_198 = tpu.vector_load %arg7[%get3A_196, %get3A_197] {strides = array<i32>} : memref<32x1024xf32, #tpu.memory_space<vmem>>, vector<1x16xf32>,
      %get3A_199 = vector.shape_cast %get3A_198 : vector<1x16xf32> to vector<16xf32>
      %get3A_200 = arith.index_cast %scan3A_43 : i32 to index
      %get3A_201 = arith.constant 176 : index
      %get3A_202 = tpu.vector_load %arg8[%get3A_200, %get3A_201] {strides = array<i32>} : memref<32x1024xf32, #tpu.memory_space<vmem>>, vector<1x16xf32>,
      %get3A_203 = vector.shape_cast %get3A_202 : vector<1x16xf32> to vector<16xf32>
      %add3A_204 = arith.addf %get3A_199, %get3A_203 : vector<16xf32>
      %swap3A_205 = arith.index_cast %scan3A_43 : i32 to index
      %swap3A_206 = arith.constant 176 : index
      %swap3A_207 = tpu.vector_load %arg7[%swap3A_205, %swap3A_206] {strides = array<i32>} : memref<32x1024xf32, #tpu.memory_space<vmem>>, vector<1x16xf32>,
      %swap3A_208 = vector.shape_cast %swap3A_207 : vector<1x16xf32> to vector<16xf32>
      %swap3A_209 = vector.shape_cast %add3A_204 : vector<16xf32> to vector<1x16xf32>
      tpu.vector_store %arg7[%swap3A_205, %swap3A_206], %swap3A_209 {strides = array<i32>} : memref<32x1024xf32, #tpu.memory_space<vmem>>, vector<1x16xf32>,
      %get3A_210 = arith.index_cast %scan3A_43 : i32 to index
      %get3A_211 = arith.constant 192 : index
      %get3A_212 = tpu.vector_load %arg7[%get3A_210, %get3A_211] {strides = array<i32>} : memref<32x1024xf32, #tpu.memory_space<vmem>>, vector<1x16xf32>,
      %get3A_213 = vector.shape_cast %get3A_212 : vector<1x16xf32> to vector<16xf32>
      %get3A_214 = arith.index_cast %scan3A_43 : i32 to index
      %get3A_215 = arith.constant 192 : index
      %get3A_216 = tpu.vector_load %arg8[%get3A_214, %get3A_215] {strides = array<i32>} : memref<32x1024xf32, #tpu.memory_space<vmem>>, vector<1x16xf32>,
      %get3A_217 = vector.shape_cast %get3A_216 : vector<1x16xf32> to vector<16xf32>
      %add3A_218 = arith.addf %get3A_213, %get3A_217 : vector<16xf32>
      %swap3A_219 = arith.index_cast %scan3A_43 : i32 to index
      %swap3A_220 = arith.constant 192 : index
      %swap3A_221 = tpu.vector_load %arg7[%swap3A_219, %swap3A_220] {strides = array<i32>} : memref<32x1024xf32, #tpu.memory_space<vmem>>, vector<1x16xf32>,
      %swap3A_222 = vector.shape_cast %swap3A_221 : vector<1x16xf32> to vector<16xf32>
      %swap3A_223 = vector.shape_cast %add3A_218 : vector<16xf32> to vector<1x16xf32>
      tpu.vector_store %arg7[%swap3A_219, %swap3A_220], %swap3A_223 {strides = array<i32>} : memref<32x1024xf32, #tpu.memory_space<vmem>>, vector<1x16xf32>,
      %get3A_224 = arith.index_cast %scan3A_43 : i32 to index
      %get3A_225 = arith.constant 208 : index
      %get3A_226 = tpu.vector_load %arg7[%get3A_224, %get3A_225] {strides = array<i32>} : memref<32x1024xf32, #tpu.memory_space<vmem>>, vector<1x16xf32>,
      %get3A_227 = vector.shape_cast %get3A_226 : vector<1x16xf32> to vector<16xf32>
      %get3A_228 = arith.index_cast %scan3A_43 : i32 to index
      %get3A_229 = arith.constant 208 : index
      %get3A_230 = tpu.vector_load %arg8[%get3A_228, %get3A_229] {strides = array<i32>} : memref<32x1024xf32, #tpu.memory_space<vmem>>, vector<1x16xf32>,
      %get3A_231 = vector.shape_cast %get3A_230 : vector<1x16xf32> to vector<16xf32>
      %add3A_232 = arith.addf %get3A_227, %get3A_231 : vector<16xf32>
      %swap3A_233 = arith.index_cast %scan3A_43 : i32 to index
      %swap3A_234 = arith.constant 208 : index
      %swap3A_235 = tpu.vector_load %arg7[%swap3A_233, %swap3A_234] {strides = array<i32>} : memref<32x1024xf32, #tpu.memory_space<vmem>>, vector<1x16xf32>,
      %swap3A_236 = vector.shape_cast %swap3A_235 : vector<1x16xf32> to vector<16xf32>
      %swap3A_237 = vector.shape_cast %add3A_232 : vector<16xf32> to vector<1x16xf32>
      tpu.vector_store %arg7[%swap3A_233, %swap3A_234], %swap3A_237 {strides = array<i32>} : memref<32x1024xf32, #tpu.memory_space<vmem>>, vector<1x16xf32>,
      %get3A_238 = arith.index_cast %scan3A_43 : i32 to index
      %get3A_239 = arith.constant 224 : index
      %get3A_240 = tpu.vector_load %arg7[%get3A_238, %get3A_239] {strides = array<i32>} : memref<32x1024xf32, #tpu.memory_space<vmem>>, vector<1x16xf32>,
      %get3A_241 = vector.shape_cast %get3A_240 : vector<1x16xf32> to vector<16xf32>
      %get3A_242 = arith.index_cast %scan3A_43 : i32 to index
      %get3A_243 = arith.constant 224 : index
      %get3A_244 = tpu.vector_load %arg8[%get3A_242, %get3A_243] {strides = array<i32>} : memref<32x1024xf32, #tpu.memory_space<vmem>>, vector<1x16xf32>,
      %get3A_245 = vector.shape_cast %get3A_244 : vector<1x16xf32> to vector<16xf32>
      %add3A_246 = arith.addf %get3A_241, %get3A_245 : vector<16xf32>
      %swap3A_247 = arith.index_cast %scan3A_43 : i32 to index
      %swap3A_248 = arith.constant 224 : index
      %swap3A_249 = tpu.vector_load %arg7[%swap3A_247, %swap3A_248] {strides = array<i32>} : memref<32x1024xf32, #tpu.memory_space<vmem>>, vector<1x16xf32>,
      %swap3A_250 = vector.shape_cast %swap3A_249 : vector<1x16xf32> to vector<16xf32>
      %swap3A_251 = vector.shape_cast %add3A_246 : vector<16xf32> to vector<1x16xf32>
      tpu.vector_store %arg7[%swap3A_247, %swap3A_248], %swap3A_251 {strides = array<i32>} : memref<32x1024xf32, #tpu.memory_space<vmem>>, vector<1x16xf32>,
      %get3A_252 = arith.index_cast %scan3A_43 : i32 to index
      %get3A_253 = arith.constant 240 : index
      %get3A_254 = tpu.vector_load %arg7[%get3A_252, %get3A_253] {strides = array<i32>} : memref<32x1024xf32, #tpu.memory_space<vmem>>, vector<1x16xf32>,
      %get3A_255 = vector.shape_cast %get3A_254 : vector<1x16xf32> to vector<16xf32>
      %get3A_256 = arith.index_cast %scan3A_43 : i32 to index
      %get3A_257 = arith.constant 240 : index
      %get3A_258 = tpu.vector_load %arg8[%get3A_256, %get3A_257] {strides = array<i32>} : memref<32x1024xf32, #tpu.memory_space<vmem>>, vector<1x16xf32>,
      %get3A_259 = vector.shape_cast %get3A_258 : vector<1x16xf32> to vector<16xf32>
      %add3A_260 = arith.addf %get3A_255, %get3A_259 : vector<16xf32>
      %swap3A_261 = arith.index_cast %scan3A_43 : i32 to index
      %swap3A_262 = arith.constant 240 : index
      %swap3A_263 = tpu.vector_load %arg7[%swap3A_261, %swap3A_262] {strides = array<i32>} : memref<32x1024xf32, #tpu.memory_space<vmem>>, vector<1x16xf32>,
      %swap3A_264 = vector.shape_cast %swap3A_263 : vector<1x16xf32> to vector<16xf32>
      %swap3A_265 = vector.shape_cast %add3A_260 : vector<16xf32> to vector<1x16xf32>
      tpu.vector_store %arg7[%swap3A_261, %swap3A_262], %swap3A_265 {strides = array<i32>} : memref<32x1024xf32, #tpu.memory_space<vmem>>, vector<1x16xf32>,
      %get3A_266 = arith.index_cast %scan3A_43 : i32 to index
      %get3A_267 = arith.constant 256 : index
      %get3A_268 = tpu.vector_load %arg7[%get3A_266, %get3A_267] {strides = array<i32>} : memref<32x1024xf32, #tpu.memory_space<vmem>>, vector<1x16xf32>,
      %get3A_269 = vector.shape_cast %get3A_268 : vector<1x16xf32> to vector<16xf32>
      %get3A_270 = arith.index_cast %scan3A_43 : i32 to index
      %get3A_271 = arith.constant 256 : index
      %get3A_272 = tpu.vector_load %arg8[%get3A_270, %get3A_271] {strides = array<i32>} : memref<32x1024xf32, #tpu.memory_space<vmem>>, vector<1x16xf32>,
      %get3A_273 = vector.shape_cast %get3A_272 : vector<1x16xf32> to vector<16xf32>
      %add3A_274 = arith.addf %get3A_269, %get3A_273 : vector<16xf32>
      %swap3A_275 = arith.index_cast %scan3A_43 : i32 to index
      %swap3A_276 = arith.constant 256 : index
      %swap3A_277 = tpu.vector_load %arg7[%swap3A_275, %swap3A_276] {strides = array<i32>} : memref<32x1024xf32, #tpu.memory_space<vmem>>, vector<1x16xf32>,
      %swap3A_278 = vector.shape_cast %swap3A_277 : vector<1x16xf32> to vector<16xf32>
      %swap3A_279 = vector.shape_cast %add3A_274 : vector<16xf32> to vector<1x16xf32>
      tpu.vector_store %arg7[%swap3A_275, %swap3A_276], %swap3A_279 {strides = array<i32>} : memref<32x1024xf32, #tpu.memory_space<vmem>>, vector<1x16xf32>,
      %get3A_280 = arith.index_cast %scan3A_43 : i32 to index
      %get3A_281 = arith.constant 272 : index
      %get3A_282 = tpu.vector_load %arg7[%get3A_280, %get3A_281] {strides = array<i32>} : memref<32x1024xf32, #tpu.memory_space<vmem>>, vector<1x16xf32>,
      %get3A_283 = vector.shape_cast %get3A_282 : vector<1x16xf32> to vector<16xf32>
      %get3A_284 = arith.index_cast %scan3A_43 : i32 to index
      %get3A_285 = arith.constant 272 : index
      %get3A_286 = tpu.vector_load %arg8[%get3A_284, %get3A_285] {strides = array<i32>} : memref<32x1024xf32, #tpu.memory_space<vmem>>, vector<1x16xf32>,
      %get3A_287 = vector.shape_cast %get3A_286 : vector<1x16xf32> to vector<16xf32>
      %add3A_288 = arith.addf %get3A_283, %get3A_287 : vector<16xf32>
      %swap3A_289 = arith.index_cast %scan3A_43 : i32 to index
      %swap3A_290 = arith.constant 272 : index
      %swap3A_291 = tpu.vector_load %arg7[%swap3A_289, %swap3A_290] {strides = array<i32>} : memref<32x1024xf32, #tpu.memory_space<vmem>>, vector<1x16xf32>,
      %swap3A_292 = vector.shape_cast %swap3A_291 : vector<1x16xf32> to vector<16xf32>
      %swap3A_293 = vector.shape_cast %add3A_288 : vector<16xf32> to vector<1x16xf32>
      tpu.vector_store %arg7[%swap3A_289, %swap3A_290], %swap3A_293 {strides = array<i32>} : memref<32x1024xf32, #tpu.memory_space<vmem>>, vector<1x16xf32>,
      %get3A_294 = arith.index_cast %scan3A_43 : i32 to index
      %get3A_295 = arith.constant 288 : index
      %get3A_296 = tpu.vector_load %arg7[%get3A_294, %get3A_295] {strides = array<i32>} : memref<32x1024xf32, #tpu.memory_space<vmem>>, vector<1x16xf32>,
      %get3A_297 = vector.shape_cast %get3A_296 : vector<1x16xf32> to vector<16xf32>
      %get3A_298 = arith.index_cast %scan3A_43 : i32 to index
      %get3A_299 = arith.constant 288 : index
      %get3A_300 = tpu.vector_load %arg8[%get3A_298, %get3A_299] {strides = array<i32>} : memref<32x1024xf32, #tpu.memory_space<vmem>>, vector<1x16xf32>,
      %get3A_301 = vector.shape_cast %get3A_300 : vector<1x16xf32> to vector<16xf32>
      %add3A_302 = arith.addf %get3A_297, %get3A_301 : vector<16xf32>
      %swap3A_303 = arith.index_cast %scan3A_43 : i32 to index
      %swap3A_304 = arith.constant 288 : index
      %swap3A_305 = tpu.vector_load %arg7[%swap3A_303, %swap3A_304] {strides = array<i32>} : memref<32x1024xf32, #tpu.memory_space<vmem>>, vector<1x16xf32>,
      %swap3A_306 = vector.shape_cast %swap3A_305 : vector<1x16xf32> to vector<16xf32>
      %swap3A_307 = vector.shape_cast %add3A_302 : vector<16xf32> to vector<1x16xf32>
      tpu.vector_store %arg7[%swap3A_303, %swap3A_304], %swap3A_307 {strides = array<i32>} : memref<32x1024xf32, #tpu.memory_space<vmem>>, vector<1x16xf32>,
      %get3A_308 = arith.index_cast %scan3A_43 : i32 to index
      %get3A_309 = arith.constant 304 : index
      %get3A_310 = tpu.vector_load %arg7[%get3A_308, %get3A_309] {strides = array<i32>} : memref<32x1024xf32, #tpu.memory_space<vmem>>, vector<1x16xf32>,
      %get3A_311 = vector.shape_cast %get3A_310 : vector<1x16xf32> to vector<16xf32>
      %get3A_312 = arith.index_cast %scan3A_43 : i32 to index
      %get3A_313 = arith.constant 304 : index
      %get3A_314 = tpu.vector_load %arg8[%get3A_312, %get3A_313] {strides = array<i32>} : memref<32x1024xf32, #tpu.memory_space<vmem>>, vector<1x16xf32>,
      %get3A_315 = vector.shape_cast %get3A_314 : vector<1x16xf32> to vector<16xf32>
      %add3A_316 = arith.addf %get3A_311, %get3A_315 : vector<16xf32>
      %swap3A_317 = arith.index_cast %scan3A_43 : i32 to index
      %swap3A_318 = arith.constant 304 : index
      %swap3A_319 = tpu.vector_load %arg7[%swap3A_317, %swap3A_318] {strides = array<i32>} : memref<32x1024xf32, #tpu.memory_space<vmem>>, vector<1x16xf32>,
      %swap3A_320 = vector.shape_cast %swap3A_319 : vector<1x16xf32> to vector<16xf32>
      %swap3A_321 = vector.shape_cast %add3A_316 : vector<16xf32> to vector<1x16xf32>
      tpu.vector_store %arg7[%swap3A_317, %swap3A_318], %swap3A_321 {strides = array<i32>} : memref<32x1024xf32, #tpu.memory_space<vmem>>, vector<1x16xf32>,
      %get3A_322 = arith.index_cast %scan3A_43 : i32 to index
      %get3A_323 = arith.constant 320 : index
      %get3A_324 = tpu.vector_load %arg7[%get3A_322, %get3A_323] {strides = array<i32>} : memref<32x1024xf32, #tpu.memory_space<vmem>>, vector<1x16xf32>,
      %get3A_325 = vector.shape_cast %get3A_324 : vector<1x16xf32> to vector<16xf32>
      %get3A_326 = arith.index_cast %scan3A_43 : i32 to index
      %get3A_327 = arith.constant 320 : index
      %get3A_328 = tpu.vector_load %arg8[%get3A_326, %get3A_327] {strides = array<i32>} : memref<32x1024xf32, #tpu.memory_space<vmem>>, vector<1x16xf32>,
      %get3A_329 = vector.shape_cast %get3A_328 : vector<1x16xf32> to vector<16xf32>
      %add3A_330 = arith.addf %get3A_325, %get3A_329 : vector<16xf32>
      %swap3A_331 = arith.index_cast %scan3A_43 : i32 to index
      %swap3A_332 = arith.constant 320 : index
      %swap3A_333 = tpu.vector_load %arg7[%swap3A_331, %swap3A_332] {strides = array<i32>} : memref<32x1024xf32, #tpu.memory_space<vmem>>, vector<1x16xf32>,
      %swap3A_334 = vector.shape_cast %swap3A_333 : vector<1x16xf32> to vector<16xf32>
      %swap3A_335 = vector.shape_cast %add3A_330 : vector<16xf32> to vector<1x16xf32>
      tpu.vector_store %arg7[%swap3A_331, %swap3A_332], %swap3A_335 {strides = array<i32>} : memref<32x1024xf32, #tpu.memory_space<vmem>>, vector<1x16xf32>,
      %get3A_336 = arith.index_cast %scan3A_43 : i32 to index
      %get3A_337 = arith.constant 336 : index
      %get3A_338 = tpu.vector_load %arg7[%get3A_336, %get3A_337] {strides = array<i32>} : memref<32x1024xf32, #tpu.memory_space<vmem>>, vector<1x16xf32>,
      %get3A_339 = vector.shape_cast %get3A_338 : vector<1x16xf32> to vector<16xf32>
      %get3A_340 = arith.index_cast %scan3A_43 : i32 to index
      %get3A_341 = arith.constant 336 : index
      %get3A_342 = tpu.vector_load %arg8[%get3A_340, %get3A_341] {strides = array<i32>} : memref<32x1024xf32, #tpu.memory_space<vmem>>, vector<1x16xf32>,
      %get3A_343 = vector.shape_cast %get3A_342 : vector<1x16xf32> to vector<16xf32>
      %add3A_344 = arith.addf %get3A_339, %get3A_343 : vector<16xf32>
      %swap3A_345 = arith.index_cast %scan3A_43 : i32 to index
      %swap3A_346 = arith.constant 336 : index
      %swap3A_347 = tpu.vector_load %arg7[%swap3A_345, %swap3A_346] {strides = array<i32>} : memref<32x1024xf32, #tpu.memory_space<vmem>>, vector<1x16xf32>,
      %swap3A_348 = vector.shape_cast %swap3A_347 : vector<1x16xf32> to vector<16xf32>
      %swap3A_349 = vector.shape_cast %add3A_344 : vector<16xf32> to vector<1x16xf32>
      tpu.vector_store %arg7[%swap3A_345, %swap3A_346], %swap3A_349 {strides = array<i32>} : memref<32x1024xf32, #tpu.memory_space<vmem>>, vector<1x16xf32>,
      %get3A_350 = arith.index_cast %scan3A_43 : i32 to index
      %get3A_351 = arith.constant 352 : index
      %get3A_352 = tpu.vector_load %arg7[%get3A_350, %get3A_351] {strides = array<i32>} : memref<32x1024xf32, #tpu.memory_space<vmem>>, vector<1x16xf32>,
      %get3A_353 = vector.shape_cast %get3A_352 : vector<1x16xf32> to vector<16xf32>
      %get3A_354 = arith.index_cast %scan3A_43 : i32 to index
      %get3A_355 = arith.constant 352 : index
      %get3A_356 = tpu.vector_load %arg8[%get3A_354, %get3A_355] {strides = array<i32>} : memref<32x1024xf32, #tpu.memory_space<vmem>>, vector<1x16xf32>,
      %get3A_357 = vector.shape_cast %get3A_356 : vector<1x16xf32> to vector<16xf32>
      %add3A_358 = arith.addf %get3A_353, %get3A_357 : vector<16xf32>
      %swap3A_359 = arith.index_cast %scan3A_43 : i32 to index
      %swap3A_360 = arith.constant 352 : index
      %swap3A_361 = tpu.vector_load %arg7[%swap3A_359, %swap3A_360] {strides = array<i32>} : memref<32x1024xf32, #tpu.memory_space<vmem>>, vector<1x16xf32>,
      %swap3A_362 = vector.shape_cast %swap3A_361 : vector<1x16xf32> to vector<16xf32>
      %swap3A_363 = vector.shape_cast %add3A_358 : vector<16xf32> to vector<1x16xf32>
      tpu.vector_store %arg7[%swap3A_359, %swap3A_360], %swap3A_363 {strides = array<i32>} : memref<32x1024xf32, #tpu.memory_space<vmem>>, vector<1x16xf32>,
      %get3A_364 = arith.index_cast %scan3A_43 : i32 to index
      %get3A_365 = arith.constant 368 : index
      %get3A_366 = tpu.vector_load %arg7[%get3A_364, %get3A_365] {strides = array<i32>} : memref<32x1024xf32, #tpu.memory_space<vmem>>, vector<1x16xf32>,
      %get3A_367 = vector.shape_cast %get3A_366 : vector<1x16xf32> to vector<16xf32>
      %get3A_368 = arith.index_cast %scan3A_43 : i32 to index
      %get3A_369 = arith.constant 368 : index
      %get3A_370 = tpu.vector_load %arg8[%get3A_368, %get3A_369] {strides = array<i32>} : memref<32x1024xf32, #tpu.memory_space<vmem>>, vector<1x16xf32>,
      %get3A_371 = vector.shape_cast %get3A_370 : vector<1x16xf32> to vector<16xf32>
      %add3A_372 = arith.addf %get3A_367, %get3A_371 : vector<16xf32>
      %swap3A_373 = arith.index_cast %scan3A_43 : i32 to index
      %swap3A_374 = arith.constant 368 : index
      %swap3A_375 = tpu.vector_load %arg7[%swap3A_373, %swap3A_374] {strides = array<i32>} : memref<32x1024xf32, #tpu.memory_space<vmem>>, vector<1x16xf32>,
      %swap3A_376 = vector.shape_cast %swap3A_375 : vector<1x16xf32> to vector<16xf32>
      %swap3A_377 = vector.shape_cast %add3A_372 : vector<16xf32> to vector<1x16xf32>
      tpu.vector_store %arg7[%swap3A_373, %swap3A_374], %swap3A_377 {strides = array<i32>} : memref<32x1024xf32, #tpu.memory_space<vmem>>, vector<1x16xf32>,
      %get3A_378 = arith.index_cast %scan3A_43 : i32 to index
      %get3A_379 = arith.constant 384 : index
      %get3A_380 = tpu.vector_load %arg7[%get3A_378, %get3A_379] {strides = array<i32>} : memref<32x1024xf32, #tpu.memory_space<vmem>>, vector<1x16xf32>,
      %get3A_381 = vector.shape_cast %get3A_380 : vector<1x16xf32> to vector<16xf32>
      %get3A_382 = arith.index_cast %scan3A_43 : i32 to index
      %get3A_383 = arith.constant 384 : index
      %get3A_384 = tpu.vector_load %arg8[%get3A_382, %get3A_383] {strides = array<i32>} : memref<32x1024xf32, #tpu.memory_space<vmem>>, vector<1x16xf32>,
      %get3A_385 = vector.shape_cast %get3A_384 : vector<1x16xf32> to vector<16xf32>
      %add3A_386 = arith.addf %get3A_381, %get3A_385 : vector<16xf32>
      %swap3A_387 = arith.index_cast %scan3A_43 : i32 to index
      %swap3A_388 = arith.constant 384 : index
      %swap3A_389 = tpu.vector_load %arg7[%swap3A_387, %swap3A_388] {strides = array<i32>} : memref<32x1024xf32, #tpu.memory_space<vmem>>, vector<1x16xf32>,
      %swap3A_390 = vector.shape_cast %swap3A_389 : vector<1x16xf32> to vector<16xf32>
      %swap3A_391 = vector.shape_cast %add3A_386 : vector<16xf32> to vector<1x16xf32>
      tpu.vector_store %arg7[%swap3A_387, %swap3A_388], %swap3A_391 {strides = array<i32>} : memref<32x1024xf32, #tpu.memory_space<vmem>>, vector<1x16xf32>,
      %get3A_392 = arith.index_cast %scan3A_43 : i32 to index
      %get3A_393 = arith.constant 400 : index
      %get3A_394 = tpu.vector_load %arg7[%get3A_392, %get3A_393] {strides = array<i32>} : memref<32x1024xf32, #tpu.memory_space<vmem>>, vector<1x16xf32>,
      %get3A_395 = vector.shape_cast %get3A_394 : vector<1x16xf32> to vector<16xf32>
      %get3A_396 = arith.index_cast %scan3A_43 : i32 to index
      %get3A_397 = arith.constant 400 : index
      %get3A_398 = tpu.vector_load %arg8[%get3A_396, %get3A_397] {strides = array<i32>} : memref<32x1024xf32, #tpu.memory_space<vmem>>, vector<1x16xf32>,
      %get3A_399 = vector.shape_cast %get3A_398 : vector<1x16xf32> to vector<16xf32>
      %add3A_400 = arith.addf %get3A_395, %get3A_399 : vector<16xf32>
      %swap3A_401 = arith.index_cast %scan3A_43 : i32 to index
      %swap3A_402 = arith.constant 400 : index
      %swap3A_403 = tpu.vector_load %arg7[%swap3A_401, %swap3A_402] {strides = array<i32>} : memref<32x1024xf32, #tpu.memory_space<vmem>>, vector<1x16xf32>,
      %swap3A_404 = vector.shape_cast %swap3A_403 : vector<1x16xf32> to vector<16xf32>
      %swap3A_405 = vector.shape_cast %add3A_400 : vector<16xf32> to vector<1x16xf32>
      tpu.vector_store %arg7[%swap3A_401, %swap3A_402], %swap3A_405 {strides = array<i32>} : memref<32x1024xf32, #tpu.memory_space<vmem>>, vector<1x16xf32>,
      %get3A_406 = arith.index_cast %scan3A_43 : i32 to index
      %get3A_407 = arith.constant 416 : index
      %get3A_408 = tpu.vector_load %arg7[%get3A_406, %get3A_407] {strides = array<i32>} : memref<32x1024xf32, #tpu.memory_space<vmem>>, vector<1x16xf32>,
      %get3A_409 = vector.shape_cast %get3A_408 : vector<1x16xf32> to vector<16xf32>
      %get3A_410 = arith.index_cast %scan3A_43 : i32 to index
      %get3A_411 = arith.constant 416 : index
      %get3A_412 = tpu.vector_load %arg8[%get3A_410, %get3A_411] {strides = array<i32>} : memref<32x1024xf32, #tpu.memory_space<vmem>>, vector<1x16xf32>,
      %get3A_413 = vector.shape_cast %get3A_412 : vector<1x16xf32> to vector<16xf32>
      %add3A_414 = arith.addf %get3A_409, %get3A_413 : vector<16xf32>
      %swap3A_415 = arith.index_cast %scan3A_43 : i32 to index
      %swap3A_416 = arith.constant 416 : index
      %swap3A_417 = tpu.vector_load %arg7[%swap3A_415, %swap3A_416] {strides = array<i32>} : memref<32x1024xf32, #tpu.memory_space<vmem>>, vector<1x16xf32>,
      %swap3A_418 = vector.shape_cast %swap3A_417 : vector<1x16xf32> to vector<16xf32>
      %swap3A_419 = vector.shape_cast %add3A_414 : vector<16xf32> to vector<1x16xf32>
      tpu.vector_store %arg7[%swap3A_415, %swap3A_416], %swap3A_419 {strides = array<i32>} : memref<32x1024xf32, #tpu.memory_space<vmem>>, vector<1x16xf32>,
      %get3A_420 = arith.index_cast %scan3A_43 : i32 to index
      %get3A_421 = arith.constant 432 : index
      %get3A_422 = tpu.vector_load %arg7[%get3A_420, %get3A_421] {strides = array<i32>} : memref<32x1024xf32, #tpu.memory_space<vmem>>, vector<1x16xf32>,
      %get3A_423 = vector.shape_cast %get3A_422 : vector<1x16xf32> to vector<16xf32>
      %get3A_424 = arith.index_cast %scan3A_43 : i32 to index
      %get3A_425 = arith.constant 432 : index
      %get3A_426 = tpu.vector_load %arg8[%get3A_424, %get3A_425] {strides = array<i32>} : memref<32x1024xf32, #tpu.memory_space<vmem>>, vector<1x16xf32>,
      %get3A_427 = vector.shape_cast %get3A_426 : vector<1x16xf32> to vector<16xf32>
      %add3A_428 = arith.addf %get3A_423, %get3A_427 : vector<16xf32>
      %swap3A_429 = arith.index_cast %scan3A_43 : i32 to index
      %swap3A_430 = arith.constant 432 : index
      %swap3A_431 = tpu.vector_load %arg7[%swap3A_429, %swap3A_430] {strides = array<i32>} : memref<32x1024xf32, #tpu.memory_space<vmem>>, vector<1x16xf32>,
      %swap3A_432 = vector.shape_cast %swap3A_431 : vector<1x16xf32> to vector<16xf32>
      %swap3A_433 = vector.shape_cast %add3A_428 : vector<16xf32> to vector<1x16xf32>
      tpu.vector_store %arg7[%swap3A_429, %swap3A_430], %swap3A_433 {strides = array<i32>} : memref<32x1024xf32, #tpu.memory_space<vmem>>, vector<1x16xf32>,
      %get3A_434 = arith.index_cast %scan3A_43 : i32 to index
      %get3A_435 = arith.constant 448 : index
      %get3A_436 = tpu.vector_load %arg7[%get3A_434, %get3A_435] {strides = array<i32>} : memref<32x1024xf32, #tpu.memory_space<vmem>>, vector<1x16xf32>,
      %get3A_437 = vector.shape_cast %get3A_436 : vector<1x16xf32> to vector<16xf32>
      %get3A_438 = arith.index_cast %scan3A_43 : i32 to index
      %get3A_439 = arith.constant 448 : index
      %get3A_440 = tpu.vector_load %arg8[%get3A_438, %get3A_439] {strides = array<i32>} : memref<32x1024xf32, #tpu.memory_space<vmem>>, vector<1x16xf32>,
      %get3A_441 = vector.shape_cast %get3A_440 : vector<1x16xf32> to vector<16xf32>
      %add3A_442 = arith.addf %get3A_437, %get3A_441 : vector<16xf32>
      %swap3A_443 = arith.index_cast %scan3A_43 : i32 to index
      %swap3A_444 = arith.constant 448 : index
      %swap3A_445 = tpu.vector_load %arg7[%swap3A_443, %swap3A_444] {strides = array<i32>} : memref<32x1024xf32, #tpu.memory_space<vmem>>, vector<1x16xf32>,
      %swap3A_446 = vector.shape_cast %swap3A_445 : vector<1x16xf32> to vector<16xf32>
      %swap3A_447 = vector.shape_cast %add3A_442 : vector<16xf32> to vector<1x16xf32>
      tpu.vector_store %arg7[%swap3A_443, %swap3A_444], %swap3A_447 {strides = array<i32>} : memref<32x1024xf32, #tpu.memory_space<vmem>>, vector<1x16xf32>,
      %get3A_448 = arith.index_cast %scan3A_43 : i32 to index
      %get3A_449 = arith.constant 464 : index
      %get3A_450 = tpu.vector_load %arg7[%get3A_448, %get3A_449] {strides = array<i32>} : memref<32x1024xf32, #tpu.memory_space<vmem>>, vector<1x16xf32>,
      %get3A_451 = vector.shape_cast %get3A_450 : vector<1x16xf32> to vector<16xf32>
      %get3A_452 = arith.index_cast %scan3A_43 : i32 to index
      %get3A_453 = arith.constant 464 : index
      %get3A_454 = tpu.vector_load %arg8[%get3A_452, %get3A_453] {strides = array<i32>} : memref<32x1024xf32, #tpu.memory_space<vmem>>, vector<1x16xf32>,
      %get3A_455 = vector.shape_cast %get3A_454 : vector<1x16xf32> to vector<16xf32>
      %add3A_456 = arith.addf %get3A_451, %get3A_455 : vector<16xf32>
      %swap3A_457 = arith.index_cast %scan3A_43 : i32 to index
      %swap3A_458 = arith.constant 464 : index
      %swap3A_459 = tpu.vector_load %arg7[%swap3A_457, %swap3A_458] {strides = array<i32>} : memref<32x1024xf32, #tpu.memory_space<vmem>>, vector<1x16xf32>,
      %swap3A_460 = vector.shape_cast %swap3A_459 : vector<1x16xf32> to vector<16xf32>
      %swap3A_461 = vector.shape_cast %add3A_456 : vector<16xf32> to vector<1x16xf32>
      tpu.vector_store %arg7[%swap3A_457, %swap3A_458], %swap3A_461 {strides = array<i32>} : memref<32x1024xf32, #tpu.memory_space<vmem>>, vector<1x16xf32>,
      %get3A_462 = arith.index_cast %scan3A_43 : i32 to index
      %get3A_463 = arith.constant 480 : index
      %get3A_464 = tpu.vector_load %arg7[%get3A_462, %get3A_463] {strides = array<i32>} : memref<32x1024xf32, #tpu.memory_space<vmem>>, vector<1x16xf32>,
      %get3A_465 = vector.shape_cast %get3A_464 : vector<1x16xf32> to vector<16xf32>
      %get3A_466 = arith.index_cast %scan3A_43 : i32 to index
      %get3A_467 = arith.constant 480 : index
      %get3A_468 = tpu.vector_load %arg8[%get3A_466, %get3A_467] {strides = array<i32>} : memref<32x1024xf32, #tpu.memory_space<vmem>>, vector<1x16xf32>,
      %get3A_469 = vector.shape_cast %get3A_468 : vector<1x16xf32> to vector<16xf32>
      %add3A_470 = arith.addf %get3A_465, %get3A_469 : vector<16xf32>
      %swap3A_471 = arith.index_cast %scan3A_43 : i32 to index
      %swap3A_472 = arith.constant 480 : index
      %swap3A_473 = tpu.vector_load %arg7[%swap3A_471, %swap3A_472] {strides = array<i32>} : memref<32x1024xf32, #tpu.memory_space<vmem>>, vector<1x16xf32>,
      %swap3A_474 = vector.shape_cast %swap3A_473 : vector<1x16xf32> to vector<16xf32>
      %swap3A_475 = vector.shape_cast %add3A_470 : vector<16xf32> to vector<1x16xf32>
      tpu.vector_store %arg7[%swap3A_471, %swap3A_472], %swap3A_475 {strides = array<i32>} : memref<32x1024xf32, #tpu.memory_space<vmem>>, vector<1x16xf32>,
      %get3A_476 = arith.index_cast %scan3A_43 : i32 to index
      %get3A_477 = arith.constant 496 : index
      %get3A_478 = tpu.vector_load %arg7[%get3A_476, %get3A_477] {strides = array<i32>} : memref<32x1024xf32, #tpu.memory_space<vmem>>, vector<1x16xf32>,
      %get3A_479 = vector.shape_cast %get3A_478 : vector<1x16xf32> to vector<16xf32>
      %get3A_480 = arith.index_cast %scan3A_43 : i32 to index
      %get3A_481 = arith.constant 496 : index
      %get3A_482 = tpu.vector_load %arg8[%get3A_480, %get3A_481] {strides = array<i32>} : memref<32x1024xf32, #tpu.memory_space<vmem>>, vector<1x16xf32>,
      %get3A_483 = vector.shape_cast %get3A_482 : vector<1x16xf32> to vector<16xf32>
      %add3A_484 = arith.addf %get3A_479, %get3A_483 : vector<16xf32>
      %swap3A_485 = arith.index_cast %scan3A_43 : i32 to index
      %swap3A_486 = arith.constant 496 : index
      %swap3A_487 = tpu.vector_load %arg7[%swap3A_485, %swap3A_486] {strides = array<i32>} : memref<32x1024xf32, #tpu.memory_space<vmem>>, vector<1x16xf32>,
      %swap3A_488 = vector.shape_cast %swap3A_487 : vector<1x16xf32> to vector<16xf32>
      %swap3A_489 = vector.shape_cast %add3A_484 : vector<16xf32> to vector<1x16xf32>
      tpu.vector_store %arg7[%swap3A_485, %swap3A_486], %swap3A_489 {strides = array<i32>} : memref<32x1024xf32, #tpu.memory_space<vmem>>, vector<1x16xf32>,
      %get3A_490 = arith.index_cast %scan3A_43 : i32 to index
      %get3A_491 = arith.constant 512 : index
      %get3A_492 = tpu.vector_load %arg7[%get3A_490, %get3A_491] {strides = array<i32>} : memref<32x1024xf32, #tpu.memory_space<vmem>>, vector<1x16xf32>,
      %get3A_493 = vector.shape_cast %get3A_492 : vector<1x16xf32> to vector<16xf32>
      %get3A_494 = arith.index_cast %scan3A_43 : i32 to index
      %get3A_495 = arith.constant 512 : index
      %get3A_496 = tpu.vector_load %arg8[%get3A_494, %get3A_495] {strides = array<i32>} : memref<32x1024xf32, #tpu.memory_space<vmem>>, vector<1x16xf32>,
      %get3A_497 = vector.shape_cast %get3A_496 : vector<1x16xf32> to vector<16xf32>
      %add3A_498 = arith.addf %get3A_493, %get3A_497 : vector<16xf32>
      %swap3A_499 = arith.index_cast %scan3A_43 : i32 to index
      %swap3A_500 = arith.constant 512 : index
      %swap3A_501 = tpu.vector_load %arg7[%swap3A_499, %swap3A_500] {strides = array<i32>} : memref<32x1024xf32, #tpu.memory_space<vmem>>, vector<1x16xf32>,
      %swap3A_502 = vector.shape_cast %swap3A_501 : vector<1x16xf32> to vector<16xf32>
      %swap3A_503 = vector.shape_cast %add3A_498 : vector<16xf32> to vector<1x16xf32>
      tpu.vector_store %arg7[%swap3A_499, %swap3A_500], %swap3A_503 {strides = array<i32>} : memref<32x1024xf32, #tpu.memory_space<vmem>>, vector<1x16xf32>,
      %get3A_504 = arith.index_cast %scan3A_43 : i32 to index
      %get3A_505 = arith.constant 528 : index
      %get3A_506 = tpu.vector_load %arg7[%get3A_504, %get3A_505] {strides = array<i32>} : memref<32x1024xf32, #tpu.memory_space<vmem>>, vector<1x16xf32>,
      %get3A_507 = vector.shape_cast %get3A_506 : vector<1x16xf32> to vector<16xf32>
      %get3A_508 = arith.index_cast %scan3A_43 : i32 to index
      %get3A_509 = arith.constant 528 : index
      %get3A_510 = tpu.vector_load %arg8[%get3A_508, %get3A_509] {strides = array<i32>} : memref<32x1024xf32, #tpu.memory_space<vmem>>, vector<1x16xf32>,
      %get3A_511 = vector.shape_cast %get3A_510 : vector<1x16xf32> to vector<16xf32>
      %add3A_512 = arith.addf %get3A_507, %get3A_511 : vector<16xf32>
      %swap3A_513 = arith.index_cast %scan3A_43 : i32 to index
      %swap3A_514 = arith.constant 528 : index
      %swap3A_515 = tpu.vector_load %arg7[%swap3A_513, %swap3A_514] {strides = array<i32>} : memref<32x1024xf32, #tpu.memory_space<vmem>>, vector<1x16xf32>,
      %swap3A_516 = vector.shape_cast %swap3A_515 : vector<1x16xf32> to vector<16xf32>
      %swap3A_517 = vector.shape_cast %add3A_512 : vector<16xf32> to vector<1x16xf32>
      tpu.vector_store %arg7[%swap3A_513, %swap3A_514], %swap3A_517 {strides = array<i32>} : memref<32x1024xf32, #tpu.memory_space<vmem>>, vector<1x16xf32>,
      %get3A_518 = arith.index_cast %scan3A_43 : i32 to index
      %get3A_519 = arith.constant 544 : index
      %get3A_520 = tpu.vector_load %arg7[%get3A_518, %get3A_519] {strides = array<i32>} : memref<32x1024xf32, #tpu.memory_space<vmem>>, vector<1x16xf32>,
      %get3A_521 = vector.shape_cast %get3A_520 : vector<1x16xf32> to vector<16xf32>
      %get3A_522 = arith.index_cast %scan3A_43 : i32 to index
      %get3A_523 = arith.constant 544 : index
      %get3A_524 = tpu.vector_load %arg8[%get3A_522, %get3A_523] {strides = array<i32>} : memref<32x1024xf32, #tpu.memory_space<vmem>>, vector<1x16xf32>,
      %get3A_525 = vector.shape_cast %get3A_524 : vector<1x16xf32> to vector<16xf32>
      %add3A_526 = arith.addf %get3A_521, %get3A_525 : vector<16xf32>
      %swap3A_527 = arith.index_cast %scan3A_43 : i32 to index
      %swap3A_528 = arith.constant 544 : index
      %swap3A_529 = tpu.vector_load %arg7[%swap3A_527, %swap3A_528] {strides = array<i32>} : memref<32x1024xf32, #tpu.memory_space<vmem>>, vector<1x16xf32>,
      %swap3A_530 = vector.shape_cast %swap3A_529 : vector<1x16xf32> to vector<16xf32>
      %swap3A_531 = vector.shape_cast %add3A_526 : vector<16xf32> to vector<1x16xf32>
      tpu.vector_store %arg7[%swap3A_527, %swap3A_528], %swap3A_531 {strides = array<i32>} : memref<32x1024xf32, #tpu.memory_space<vmem>>, vector<1x16xf32>,
      %get3A_532 = arith.index_cast %scan3A_43 : i32 to index
      %get3A_533 = arith.constant 560 : index
      %get3A_534 = tpu.vector_load %arg7[%get3A_532, %get3A_533] {strides = array<i32>} : memref<32x1024xf32, #tpu.memory_space<vmem>>, vector<1x16xf32>,
      %get3A_535 = vector.shape_cast %get3A_534 : vector<1x16xf32> to vector<16xf32>
      %get3A_536 = arith.index_cast %scan3A_43 : i32 to index
      %get3A_537 = arith.constant 560 : index
      %get3A_538 = tpu.vector_load %arg8[%get3A_536, %get3A_537] {strides = array<i32>} : memref<32x1024xf32, #tpu.memory_space<vmem>>, vector<1x16xf32>,
      %get3A_539 = vector.shape_cast %get3A_538 : vector<1x16xf32> to vector<16xf32>
      %add3A_540 = arith.addf %get3A_535, %get3A_539 : vector<16xf32>
      %swap3A_541 = arith.index_cast %scan3A_43 : i32 to index
      %swap3A_542 = arith.constant 560 : index
      %swap3A_543 = tpu.vector_load %arg7[%swap3A_541, %swap3A_542] {strides = array<i32>} : memref<32x1024xf32, #tpu.memory_space<vmem>>, vector<1x16xf32>,
      %swap3A_544 = vector.shape_cast %swap3A_543 : vector<1x16xf32> to vector<16xf32>
      %swap3A_545 = vector.shape_cast %add3A_540 : vector<16xf32> to vector<1x16xf32>
      tpu.vector_store %arg7[%swap3A_541, %swap3A_542], %swap3A_545 {strides = array<i32>} : memref<32x1024xf32, #tpu.memory_space<vmem>>, vector<1x16xf32>,
      %get3A_546 = arith.index_cast %scan3A_43 : i32 to index
      %get3A_547 = arith.constant 576 : index
      %get3A_548 = tpu.vector_load %arg7[%get3A_546, %get3A_547] {strides = array<i32>} : memref<32x1024xf32, #tpu.memory_space<vmem>>, vector<1x16xf32>,
      %get3A_549 = vector.shape_cast %get3A_548 : vector<1x16xf32> to vector<16xf32>
      %get3A_550 = arith.index_cast %scan3A_43 : i32 to index
      %get3A_551 = arith.constant 576 : index
      %get3A_552 = tpu.vector_load %arg8[%get3A_550, %get3A_551] {strides = array<i32>} : memref<32x1024xf32, #tpu.memory_space<vmem>>, vector<1x16xf32>,
      %get3A_553 = vector.shape_cast %get3A_552 : vector<1x16xf32> to vector<16xf32>
      %add3A_554 = arith.addf %get3A_549, %get3A_553 : vector<16xf32>
      %swap3A_555 = arith.index_cast %scan3A_43 : i32 to index
      %swap3A_556 = arith.constant 576 : index
      %swap3A_557 = tpu.vector_load %arg7[%swap3A_555, %swap3A_556] {strides = array<i32>} : memref<32x1024xf32, #tpu.memory_space<vmem>>, vector<1x16xf32>,
      %swap3A_558 = vector.shape_cast %swap3A_557 : vector<1x16xf32> to vector<16xf32>
      %swap3A_559 = vector.shape_cast %add3A_554 : vector<16xf32> to vector<1x16xf32>
      tpu.vector_store %arg7[%swap3A_555, %swap3A_556], %swap3A_559 {strides = array<i32>} : memref<32x1024xf32, #tpu.memory_space<vmem>>, vector<1x16xf32>,
      %get3A_560 = arith.index_cast %scan3A_43 : i32 to index
      %get3A_561 = arith.constant 592 : index
      %get3A_562 = tpu.vector_load %arg7[%get3A_560, %get3A_561] {strides = array<i32>} : memref<32x1024xf32, #tpu.memory_space<vmem>>, vector<1x16xf32>,
      %get3A_563 = vector.shape_cast %get3A_562 : vector<1x16xf32> to vector<16xf32>
      %get3A_564 = arith.index_cast %scan3A_43 : i32 to index
      %get3A_565 = arith.constant 592 : index
      %get3A_566 = tpu.vector_load %arg8[%get3A_564, %get3A_565] {strides = array<i32>} : memref<32x1024xf32, #tpu.memory_space<vmem>>, vector<1x16xf32>,
      %get3A_567 = vector.shape_cast %get3A_566 : vector<1x16xf32> to vector<16xf32>
      %add3A_568 = arith.addf %get3A_563, %get3A_567 : vector<16xf32>
      %swap3A_569 = arith.index_cast %scan3A_43 : i32 to index
      %swap3A_570 = arith.constant 592 : index
      %swap3A_571 = tpu.vector_load %arg7[%swap3A_569, %swap3A_570] {strides = array<i32>} : memref<32x1024xf32, #tpu.memory_space<vmem>>, vector<1x16xf32>,
      %swap3A_572 = vector.shape_cast %swap3A_571 : vector<1x16xf32> to vector<16xf32>
      %swap3A_573 = vector.shape_cast %add3A_568 : vector<16xf32> to vector<1x16xf32>
      tpu.vector_store %arg7[%swap3A_569, %swap3A_570], %swap3A_573 {strides = array<i32>} : memref<32x1024xf32, #tpu.memory_space<vmem>>, vector<1x16xf32>,
      %get3A_574 = arith.index_cast %scan3A_43 : i32 to index
      %get3A_575 = arith.constant 608 : index
      %get3A_576 = tpu.vector_load %arg7[%get3A_574, %get3A_575] {strides = array<i32>} : memref<32x1024xf32, #tpu.memory_space<vmem>>, vector<1x16xf32>,
      %get3A_577 = vector.shape_cast %get3A_576 : vector<1x16xf32> to vector<16xf32>
      %get3A_578 = arith.index_cast %scan3A_43 : i32 to index
      %get3A_579 = arith.constant 608 : index
      %get3A_580 = tpu.vector_load %arg8[%get3A_578, %get3A_579] {strides = array<i32>} : memref<32x1024xf32, #tpu.memory_space<vmem>>, vector<1x16xf32>,
      %get3A_581 = vector.shape_cast %get3A_580 : vector<1x16xf32> to vector<16xf32>
      %add3A_582 = arith.addf %get3A_577, %get3A_581 : vector<16xf32>
      %swap3A_583 = arith.index_cast %scan3A_43 : i32 to index
      %swap3A_584 = arith.constant 608 : index
      %swap3A_585 = tpu.vector_load %arg7[%swap3A_583, %swap3A_584] {strides = array<i32>} : memref<32x1024xf32, #tpu.memory_space<vmem>>, vector<1x16xf32>,
      %swap3A_586 = vector.shape_cast %swap3A_585 : vector<1x16xf32> to vector<16xf32>
      %swap3A_587 = vector.shape_cast %add3A_582 : vector<16xf32> to vector<1x16xf32>
      tpu.vector_store %arg7[%swap3A_583, %swap3A_584], %swap3A_587 {strides = array<i32>} : memref<32x1024xf32, #tpu.memory_space<vmem>>, vector<1x16xf32>,
      %get3A_588 = arith.index_cast %scan3A_43 : i32 to index
      %get3A_589 = arith.constant 624 : index
      %get3A_590 = tpu.vector_load %arg7[%get3A_588, %get3A_589] {strides = array<i32>} : memref<32x1024xf32, #tpu.memory_space<vmem>>, vector<1x16xf32>,
      %get3A_591 = vector.shape_cast %get3A_590 : vector<1x16xf32> to vector<16xf32>
      %get3A_592 = arith.index_cast %scan3A_43 : i32 to index
      %get3A_593 = arith.constant 624 : index
      %get3A_594 = tpu.vector_load %arg8[%get3A_592, %get3A_593] {strides = array<i32>} : memref<32x1024xf32, #tpu.memory_space<vmem>>, vector<1x16xf32>,
      %get3A_595 = vector.shape_cast %get3A_594 : vector<1x16xf32> to vector<16xf32>
      %add3A_596 = arith.addf %get3A_591, %get3A_595 : vector<16xf32>
      %swap3A_597 = arith.index_cast %scan3A_43 : i32 to index
      %swap3A_598 = arith.constant 624 : index
      %swap3A_599 = tpu.vector_load %arg7[%swap3A_597, %swap3A_598] {strides = array<i32>} : memref<32x1024xf32, #tpu.memory_space<vmem>>, vector<1x16xf32>,
      %swap3A_600 = vector.shape_cast %swap3A_599 : vector<1x16xf32> to vector<16xf32>
      %swap3A_601 = vector.shape_cast %add3A_596 : vector<16xf32> to vector<1x16xf32>
      tpu.vector_store %arg7[%swap3A_597, %swap3A_598], %swap3A_601 {strides = array<i32>} : memref<32x1024xf32, #tpu.memory_space<vmem>>, vector<1x16xf32>,
      %get3A_602 = arith.index_cast %scan3A_43 : i32 to index
      %get3A_603 = arith.constant 640 : index
      %get3A_604 = tpu.vector_load %arg7[%get3A_602, %get3A_603] {strides = array<i32>} : memref<32x1024xf32, #tpu.memory_space<vmem>>, vector<1x16xf32>,
      %get3A_605 = vector.shape_cast %get3A_604 : vector<1x16xf32> to vector<16xf32>
      %get3A_606 = arith.index_cast %scan3A_43 : i32 to index
      %get3A_607 = arith.constant 640 : index
      %get3A_608 = tpu.vector_load %arg8[%get3A_606, %get3A_607] {strides = array<i32>} : memref<32x1024xf32, #tpu.memory_space<vmem>>, vector<1x16xf32>,
      %get3A_609 = vector.shape_cast %get3A_608 : vector<1x16xf32> to vector<16xf32>
      %add3A_610 = arith.addf %get3A_605, %get3A_609 : vector<16xf32>
      %swap3A_611 = arith.index_cast %scan3A_43 : i32 to index
      %swap3A_612 = arith.constant 640 : index
      %swap3A_613 = tpu.vector_load %arg7[%swap3A_611, %swap3A_612] {strides = array<i32>} : memref<32x1024xf32, #tpu.memory_space<vmem>>, vector<1x16xf32>,
      %swap3A_614 = vector.shape_cast %swap3A_613 : vector<1x16xf32> to vector<16xf32>
      %swap3A_615 = vector.shape_cast %add3A_610 : vector<16xf32> to vector<1x16xf32>
      tpu.vector_store %arg7[%swap3A_611, %swap3A_612], %swap3A_615 {strides = array<i32>} : memref<32x1024xf32, #tpu.memory_space<vmem>>, vector<1x16xf32>,
      %get3A_616 = arith.index_cast %scan3A_43 : i32 to index
      %get3A_617 = arith.constant 656 : index
      %get3A_618 = tpu.vector_load %arg7[%get3A_616, %get3A_617] {strides = array<i32>} : memref<32x1024xf32, #tpu.memory_space<vmem>>, vector<1x16xf32>,
      %get3A_619 = vector.shape_cast %get3A_618 : vector<1x16xf32> to vector<16xf32>
      %get3A_620 = arith.index_cast %scan3A_43 : i32 to index
      %get3A_621 = arith.constant 656 : index
      %get3A_622 = tpu.vector_load %arg8[%get3A_620, %get3A_621] {strides = array<i32>} : memref<32x1024xf32, #tpu.memory_space<vmem>>, vector<1x16xf32>,
      %get3A_623 = vector.shape_cast %get3A_622 : vector<1x16xf32> to vector<16xf32>
      %add3A_624 = arith.addf %get3A_619, %get3A_623 : vector<16xf32>
      %swap3A_625 = arith.index_cast %scan3A_43 : i32 to index
      %swap3A_626 = arith.constant 656 : index
      %swap3A_627 = tpu.vector_load %arg7[%swap3A_625, %swap3A_626] {strides = array<i32>} : memref<32x1024xf32, #tpu.memory_space<vmem>>, vector<1x16xf32>,
      %swap3A_628 = vector.shape_cast %swap3A_627 : vector<1x16xf32> to vector<16xf32>
      %swap3A_629 = vector.shape_cast %add3A_624 : vector<16xf32> to vector<1x16xf32>
      tpu.vector_store %arg7[%swap3A_625, %swap3A_626], %swap3A_629 {strides = array<i32>} : memref<32x1024xf32, #tpu.memory_space<vmem>>, vector<1x16xf32>,
      %get3A_630 = arith.index_cast %scan3A_43 : i32 to index
      %get3A_631 = arith.constant 672 : index
      %get3A_632 = tpu.vector_load %arg7[%get3A_630, %get3A_631] {strides = array<i32>} : memref<32x1024xf32, #tpu.memory_space<vmem>>, vector<1x16xf32>,
      %get3A_633 = vector.shape_cast %get3A_632 : vector<1x16xf32> to vector<16xf32>
      %get3A_634 = arith.index_cast %scan3A_43 : i32 to index
      %get3A_635 = arith.constant 672 : index
      %get3A_636 = tpu.vector_load %arg8[%get3A_634, %get3A_635] {strides = array<i32>} : memref<32x1024xf32, #tpu.memory_space<vmem>>, vector<1x16xf32>,
      %get3A_637 = vector.shape_cast %get3A_636 : vector<1x16xf32> to vector<16xf32>
      %add3A_638 = arith.addf %get3A_633, %get3A_637 : vector<16xf32>
      %swap3A_639 = arith.index_cast %scan3A_43 : i32 to index
      %swap3A_640 = arith.constant 672 : index
      %swap3A_641 = tpu.vector_load %arg7[%swap3A_639, %swap3A_640] {strides = array<i32>} : memref<32x1024xf32, #tpu.memory_space<vmem>>, vector<1x16xf32>,
      %swap3A_642 = vector.shape_cast %swap3A_641 : vector<1x16xf32> to vector<16xf32>
      %swap3A_643 = vector.shape_cast %add3A_638 : vector<16xf32> to vector<1x16xf32>
      tpu.vector_store %arg7[%swap3A_639, %swap3A_640], %swap3A_643 {strides = array<i32>} : memref<32x1024xf32, #tpu.memory_space<vmem>>, vector<1x16xf32>,
      %get3A_644 = arith.index_cast %scan3A_43 : i32 to index
      %get3A_645 = arith.constant 688 : index
      %get3A_646 = tpu.vector_load %arg7[%get3A_644, %get3A_645] {strides = array<i32>} : memref<32x1024xf32, #tpu.memory_space<vmem>>, vector<1x16xf32>,
      %get3A_647 = vector.shape_cast %get3A_646 : vector<1x16xf32> to vector<16xf32>
      %get3A_648 = arith.index_cast %scan3A_43 : i32 to index
      %get3A_649 = arith.constant 688 : index
      %get3A_650 = tpu.vector_load %arg8[%get3A_648, %get3A_649] {strides = array<i32>} : memref<32x1024xf32, #tpu.memory_space<vmem>>, vector<1x16xf32>,
      %get3A_651 = vector.shape_cast %get3A_650 : vector<1x16xf32> to vector<16xf32>
      %add3A_652 = arith.addf %get3A_647, %get3A_651 : vector<16xf32>
      %swap3A_653 = arith.index_cast %scan3A_43 : i32 to index
      %swap3A_654 = arith.constant 688 : index
      %swap3A_655 = tpu.vector_load %arg7[%swap3A_653, %swap3A_654] {strides = array<i32>} : memref<32x1024xf32, #tpu.memory_space<vmem>>, vector<1x16xf32>,
      %swap3A_656 = vector.shape_cast %swap3A_655 : vector<1x16xf32> to vector<16xf32>
      %swap3A_657 = vector.shape_cast %add3A_652 : vector<16xf32> to vector<1x16xf32>
      tpu.vector_store %arg7[%swap3A_653, %swap3A_654], %swap3A_657 {strides = array<i32>} : memref<32x1024xf32, #tpu.memory_space<vmem>>, vector<1x16xf32>,
      %get3A_658 = arith.index_cast %scan3A_43 : i32 to index
      %get3A_659 = arith.constant 704 : index
      %get3A_660 = tpu.vector_load %arg7[%get3A_658, %get3A_659] {strides = array<i32>} : memref<32x1024xf32, #tpu.memory_space<vmem>>, vector<1x16xf32>,
      %get3A_661 = vector.shape_cast %get3A_660 : vector<1x16xf32> to vector<16xf32>
      %get3A_662 = arith.index_cast %scan3A_43 : i32 to index
      %get3A_663 = arith.constant 704 : index
      %get3A_664 = tpu.vector_load %arg8[%get3A_662, %get3A_663] {strides = array<i32>} : memref<32x1024xf32, #tpu.memory_space<vmem>>, vector<1x16xf32>,
      %get3A_665 = vector.shape_cast %get3A_664 : vector<1x16xf32> to vector<16xf32>
      %add3A_666 = arith.addf %get3A_661, %get3A_665 : vector<16xf32>
      %swap3A_667 = arith.index_cast %scan3A_43 : i32 to index
      %swap3A_668 = arith.constant 704 : index
      %swap3A_669 = tpu.vector_load %arg7[%swap3A_667, %swap3A_668] {strides = array<i32>} : memref<32x1024xf32, #tpu.memory_space<vmem>>, vector<1x16xf32>,
      %swap3A_670 = vector.shape_cast %swap3A_669 : vector<1x16xf32> to vector<16xf32>
      %swap3A_671 = vector.shape_cast %add3A_666 : vector<16xf32> to vector<1x16xf32>
      tpu.vector_store %arg7[%swap3A_667, %swap3A_668], %swap3A_671 {strides = array<i32>} : memref<32x1024xf32, #tpu.memory_space<vmem>>, vector<1x16xf32>,
      %get3A_672 = arith.index_cast %scan3A_43 : i32 to index
      %get3A_673 = arith.constant 720 : index
      %get3A_674 = tpu.vector_load %arg7[%get3A_672, %get3A_673] {strides = array<i32>} : memref<32x1024xf32, #tpu.memory_space<vmem>>, vector<1x16xf32>,
      %get3A_675 = vector.shape_cast %get3A_674 : vector<1x16xf32> to vector<16xf32>
      %get3A_676 = arith.index_cast %scan3A_43 : i32 to index
      %get3A_677 = arith.constant 720 : index
      %get3A_678 = tpu.vector_load %arg8[%get3A_676, %get3A_677] {strides = array<i32>} : memref<32x1024xf32, #tpu.memory_space<vmem>>, vector<1x16xf32>,
      %get3A_679 = vector.shape_cast %get3A_678 : vector<1x16xf32> to vector<16xf32>
      %add3A_680 = arith.addf %get3A_675, %get3A_679 : vector<16xf32>
      %swap3A_681 = arith.index_cast %scan3A_43 : i32 to index
      %swap3A_682 = arith.constant 720 : index
      %swap3A_683 = tpu.vector_load %arg7[%swap3A_681, %swap3A_682] {strides = array<i32>} : memref<32x1024xf32, #tpu.memory_space<vmem>>, vector<1x16xf32>,
      %swap3A_684 = vector.shape_cast %swap3A_683 : vector<1x16xf32> to vector<16xf32>
      %swap3A_685 = vector.shape_cast %add3A_680 : vector<16xf32> to vector<1x16xf32>
      tpu.vector_store %arg7[%swap3A_681, %swap3A_682], %swap3A_685 {strides = array<i32>} : memref<32x1024xf32, #tpu.memory_space<vmem>>, vector<1x16xf32>,
      %get3A_686 = arith.index_cast %scan3A_43 : i32 to index
      %get3A_687 = arith.constant 736 : index
      %get3A_688 = tpu.vector_load %arg7[%get3A_686, %get3A_687] {strides = array<i32>} : memref<32x1024xf32, #tpu.memory_space<vmem>>, vector<1x16xf32>,
      %get3A_689 = vector.shape_cast %get3A_688 : vector<1x16xf32> to vector<16xf32>
      %get3A_690 = arith.index_cast %scan3A_43 : i32 to index
      %get3A_691 = arith.constant 736 : index
      %get3A_692 = tpu.vector_load %arg8[%get3A_690, %get3A_691] {strides = array<i32>} : memref<32x1024xf32, #tpu.memory_space<vmem>>, vector<1x16xf32>,
      %get3A_693 = vector.shape_cast %get3A_692 : vector<1x16xf32> to vector<16xf32>
      %add3A_694 = arith.addf %get3A_689, %get3A_693 : vector<16xf32>
      %swap3A_695 = arith.index_cast %scan3A_43 : i32 to index
      %swap3A_696 = arith.constant 736 : index
      %swap3A_697 = tpu.vector_load %arg7[%swap3A_695, %swap3A_696] {strides = array<i32>} : memref<32x1024xf32, #tpu.memory_space<vmem>>, vector<1x16xf32>,
      %swap3A_698 = vector.shape_cast %swap3A_697 : vector<1x16xf32> to vector<16xf32>
      %swap3A_699 = vector.shape_cast %add3A_694 : vector<16xf32> to vector<1x16xf32>
      tpu.vector_store %arg7[%swap3A_695, %swap3A_696], %swap3A_699 {strides = array<i32>} : memref<32x1024xf32, #tpu.memory_space<vmem>>, vector<1x16xf32>,
      %get3A_700 = arith.index_cast %scan3A_43 : i32 to index
      %get3A_701 = arith.constant 752 : index
      %get3A_702 = tpu.vector_load %arg7[%get3A_700, %get3A_701] {strides = array<i32>} : memref<32x1024xf32, #tpu.memory_space<vmem>>, vector<1x16xf32>,
      %get3A_703 = vector.shape_cast %get3A_702 : vector<1x16xf32> to vector<16xf32>
      %get3A_704 = arith.index_cast %scan3A_43 : i32 to index
      %get3A_705 = arith.constant 752 : index
      %get3A_706 = tpu.vector_load %arg8[%get3A_704, %get3A_705] {strides = array<i32>} : memref<32x1024xf32, #tpu.memory_space<vmem>>, vector<1x16xf32>,
      %get3A_707 = vector.shape_cast %get3A_706 : vector<1x16xf32> to vector<16xf32>
      %add3A_708 = arith.addf %get3A_703, %get3A_707 : vector<16xf32>
      %swap3A_709 = arith.index_cast %scan3A_43 : i32 to index
      %swap3A_710 = arith.constant 752 : index
      %swap3A_711 = tpu.vector_load %arg7[%swap3A_709, %swap3A_710] {strides = array<i32>} : memref<32x1024xf32, #tpu.memory_space<vmem>>, vector<1x16xf32>,
      %swap3A_712 = vector.shape_cast %swap3A_711 : vector<1x16xf32> to vector<16xf32>
      %swap3A_713 = vector.shape_cast %add3A_708 : vector<16xf32> to vector<1x16xf32>
      tpu.vector_store %arg7[%swap3A_709, %swap3A_710], %swap3A_713 {strides = array<i32>} : memref<32x1024xf32, #tpu.memory_space<vmem>>, vector<1x16xf32>,
      %get3A_714 = arith.index_cast %scan3A_43 : i32 to index
      %get3A_715 = arith.constant 768 : index
      %get3A_716 = tpu.vector_load %arg7[%get3A_714, %get3A_715] {strides = array<i32>} : memref<32x1024xf32, #tpu.memory_space<vmem>>, vector<1x16xf32>,
      %get3A_717 = vector.shape_cast %get3A_716 : vector<1x16xf32> to vector<16xf32>
      %get3A_718 = arith.index_cast %scan3A_43 : i32 to index
      %get3A_719 = arith.constant 768 : index
      %get3A_720 = tpu.vector_load %arg8[%get3A_718, %get3A_719] {strides = array<i32>} : memref<32x1024xf32, #tpu.memory_space<vmem>>, vector<1x16xf32>,
      %get3A_721 = vector.shape_cast %get3A_720 : vector<1x16xf32> to vector<16xf32>
      %add3A_722 = arith.addf %get3A_717, %get3A_721 : vector<16xf32>
      %swap3A_723 = arith.index_cast %scan3A_43 : i32 to index
      %swap3A_724 = arith.constant 768 : index
      %swap3A_725 = tpu.vector_load %arg7[%swap3A_723, %swap3A_724] {strides = array<i32>} : memref<32x1024xf32, #tpu.memory_space<vmem>>, vector<1x16xf32>,
      %swap3A_726 = vector.shape_cast %swap3A_725 : vector<1x16xf32> to vector<16xf32>
      %swap3A_727 = vector.shape_cast %add3A_722 : vector<16xf32> to vector<1x16xf32>
      tpu.vector_store %arg7[%swap3A_723, %swap3A_724], %swap3A_727 {strides = array<i32>} : memref<32x1024xf32, #tpu.memory_space<vmem>>, vector<1x16xf32>,
      %get3A_728 = arith.index_cast %scan3A_43 : i32 to index
      %get3A_729 = arith.constant 784 : index
      %get3A_730 = tpu.vector_load %arg7[%get3A_728, %get3A_729] {strides = array<i32>} : memref<32x1024xf32, #tpu.memory_space<vmem>>, vector<1x16xf32>,
      %get3A_731 = vector.shape_cast %get3A_730 : vector<1x16xf32> to vector<16xf32>
      %get3A_732 = arith.index_cast %scan3A_43 : i32 to index
      %get3A_733 = arith.constant 784 : index
      %get3A_734 = tpu.vector_load %arg8[%get3A_732, %get3A_733] {strides = array<i32>} : memref<32x1024xf32, #tpu.memory_space<vmem>>, vector<1x16xf32>,
      %get3A_735 = vector.shape_cast %get3A_734 : vector<1x16xf32> to vector<16xf32>
      %add3A_736 = arith.addf %get3A_731, %get3A_735 : vector<16xf32>
      %swap3A_737 = arith.index_cast %scan3A_43 : i32 to index
      %swap3A_738 = arith.constant 784 : index
      %swap3A_739 = tpu.vector_load %arg7[%swap3A_737, %swap3A_738] {strides = array<i32>} : memref<32x1024xf32, #tpu.memory_space<vmem>>, vector<1x16xf32>,
      %swap3A_740 = vector.shape_cast %swap3A_739 : vector<1x16xf32> to vector<16xf32>
      %swap3A_741 = vector.shape_cast %add3A_736 : vector<16xf32> to vector<1x16xf32>
      tpu.vector_store %arg7[%swap3A_737, %swap3A_738], %swap3A_741 {strides = array<i32>} : memref<32x1024xf32, #tpu.memory_space<vmem>>, vector<1x16xf32>,
      %get3A_742 = arith.index_cast %scan3A_43 : i32 to index
      %get3A_743 = arith.constant 800 : index
      %get3A_744 = tpu.vector_load %arg7[%get3A_742, %get3A_743] {strides = array<i32>} : memref<32x1024xf32, #tpu.memory_space<vmem>>, vector<1x16xf32>,
      %get3A_745 = vector.shape_cast %get3A_744 : vector<1x16xf32> to vector<16xf32>
      %get3A_746 = arith.index_cast %scan3A_43 : i32 to index
      %get3A_747 = arith.constant 800 : index
      %get3A_748 = tpu.vector_load %arg8[%get3A_746, %get3A_747] {strides = array<i32>} : memref<32x1024xf32, #tpu.memory_space<vmem>>, vector<1x16xf32>,
      %get3A_749 = vector.shape_cast %get3A_748 : vector<1x16xf32> to vector<16xf32>
      %add3A_750 = arith.addf %get3A_745, %get3A_749 : vector<16xf32>
      %swap3A_751 = arith.index_cast %scan3A_43 : i32 to index
      %swap3A_752 = arith.constant 800 : index
      %swap3A_753 = tpu.vector_load %arg7[%swap3A_751, %swap3A_752] {strides = array<i32>} : memref<32x1024xf32, #tpu.memory_space<vmem>>, vector<1x16xf32>,
      %swap3A_754 = vector.shape_cast %swap3A_753 : vector<1x16xf32> to vector<16xf32>
      %swap3A_755 = vector.shape_cast %add3A_750 : vector<16xf32> to vector<1x16xf32>
      tpu.vector_store %arg7[%swap3A_751, %swap3A_752], %swap3A_755 {strides = array<i32>} : memref<32x1024xf32, #tpu.memory_space<vmem>>, vector<1x16xf32>,
      %get3A_756 = arith.index_cast %scan3A_43 : i32 to index
      %get3A_757 = arith.constant 816 : index
      %get3A_758 = tpu.vector_load %arg7[%get3A_756, %get3A_757] {strides = array<i32>} : memref<32x1024xf32, #tpu.memory_space<vmem>>, vector<1x16xf32>,
      %get3A_759 = vector.shape_cast %get3A_758 : vector<1x16xf32> to vector<16xf32>
      %get3A_760 = arith.index_cast %scan3A_43 : i32 to index
      %get3A_761 = arith.constant 816 : index
      %get3A_762 = tpu.vector_load %arg8[%get3A_760, %get3A_761] {strides = array<i32>} : memref<32x1024xf32, #tpu.memory_space<vmem>>, vector<1x16xf32>,
      %get3A_763 = vector.shape_cast %get3A_762 : vector<1x16xf32> to vector<16xf32>
      %add3A_764 = arith.addf %get3A_759, %get3A_763 : vector<16xf32>
      %swap3A_765 = arith.index_cast %scan3A_43 : i32 to index
      %swap3A_766 = arith.constant 816 : index
      %swap3A_767 = tpu.vector_load %arg7[%swap3A_765, %swap3A_766] {strides = array<i32>} : memref<32x1024xf32, #tpu.memory_space<vmem>>, vector<1x16xf32>,
      %swap3A_768 = vector.shape_cast %swap3A_767 : vector<1x16xf32> to vector<16xf32>
      %swap3A_769 = vector.shape_cast %add3A_764 : vector<16xf32> to vector<1x16xf32>
      tpu.vector_store %arg7[%swap3A_765, %swap3A_766], %swap3A_769 {strides = array<i32>} : memref<32x1024xf32, #tpu.memory_space<vmem>>, vector<1x16xf32>,
      %get3A_770 = arith.index_cast %scan3A_43 : i32 to index
      %get3A_771 = arith.constant 832 : index
      %get3A_772 = tpu.vector_load %arg7[%get3A_770, %get3A_771] {strides = array<i32>} : memref<32x1024xf32, #tpu.memory_space<vmem>>, vector<1x16xf32>,
      %get3A_773 = vector.shape_cast %get3A_772 : vector<1x16xf32> to vector<16xf32>
      %get3A_774 = arith.index_cast %scan3A_43 : i32 to index
      %get3A_775 = arith.constant 832 : index
      %get3A_776 = tpu.vector_load %arg8[%get3A_774, %get3A_775] {strides = array<i32>} : memref<32x1024xf32, #tpu.memory_space<vmem>>, vector<1x16xf32>,
      %get3A_777 = vector.shape_cast %get3A_776 : vector<1x16xf32> to vector<16xf32>
      %add3A_778 = arith.addf %get3A_773, %get3A_777 : vector<16xf32>
      %swap3A_779 = arith.index_cast %scan3A_43 : i32 to index
      %swap3A_780 = arith.constant 832 : index
      %swap3A_781 = tpu.vector_load %arg7[%swap3A_779, %swap3A_780] {strides = array<i32>} : memref<32x1024xf32, #tpu.memory_space<vmem>>, vector<1x16xf32>,
      %swap3A_782 = vector.shape_cast %swap3A_781 : vector<1x16xf32> to vector<16xf32>
      %swap3A_783 = vector.shape_cast %add3A_778 : vector<16xf32> to vector<1x16xf32>
      tpu.vector_store %arg7[%swap3A_779, %swap3A_780], %swap3A_783 {strides = array<i32>} : memref<32x1024xf32, #tpu.memory_space<vmem>>, vector<1x16xf32>,
      %get3A_784 = arith.index_cast %scan3A_43 : i32 to index
      %get3A_785 = arith.constant 848 : index
      %get3A_786 = tpu.vector_load %arg7[%get3A_784, %get3A_785] {strides = array<i32>} : memref<32x1024xf32, #tpu.memory_space<vmem>>, vector<1x16xf32>,
      %get3A_787 = vector.shape_cast %get3A_786 : vector<1x16xf32> to vector<16xf32>
      %get3A_788 = arith.index_cast %scan3A_43 : i32 to index
      %get3A_789 = arith.constant 848 : index
      %get3A_790 = tpu.vector_load %arg8[%get3A_788, %get3A_789] {strides = array<i32>} : memref<32x1024xf32, #tpu.memory_space<vmem>>, vector<1x16xf32>,
      %get3A_791 = vector.shape_cast %get3A_790 : vector<1x16xf32> to vector<16xf32>
      %add3A_792 = arith.addf %get3A_787, %get3A_791 : vector<16xf32>
      %swap3A_793 = arith.index_cast %scan3A_43 : i32 to index
      %swap3A_794 = arith.constant 848 : index
      %swap3A_795 = tpu.vector_load %arg7[%swap3A_793, %swap3A_794] {strides = array<i32>} : memref<32x1024xf32, #tpu.memory_space<vmem>>, vector<1x16xf32>,
      %swap3A_796 = vector.shape_cast %swap3A_795 : vector<1x16xf32> to vector<16xf32>
      %swap3A_797 = vector.shape_cast %add3A_792 : vector<16xf32> to vector<1x16xf32>
      tpu.vector_store %arg7[%swap3A_793, %swap3A_794], %swap3A_797 {strides = array<i32>} : memref<32x1024xf32, #tpu.memory_space<vmem>>, vector<1x16xf32>,
      %get3A_798 = arith.index_cast %scan3A_43 : i32 to index
      %get3A_799 = arith.constant 864 : index
      %get3A_800 = tpu.vector_load %arg7[%get3A_798, %get3A_799] {strides = array<i32>} : memref<32x1024xf32, #tpu.memory_space<vmem>>, vector<1x16xf32>,
      %get3A_801 = vector.shape_cast %get3A_800 : vector<1x16xf32> to vector<16xf32>
      %get3A_802 = arith.index_cast %scan3A_43 : i32 to index
      %get3A_803 = arith.constant 864 : index
      %get3A_804 = tpu.vector_load %arg8[%get3A_802, %get3A_803] {strides = array<i32>} : memref<32x1024xf32, #tpu.memory_space<vmem>>, vector<1x16xf32>,
      %get3A_805 = vector.shape_cast %get3A_804 : vector<1x16xf32> to vector<16xf32>
      %add3A_806 = arith.addf %get3A_801, %get3A_805 : vector<16xf32>
      %swap3A_807 = arith.index_cast %scan3A_43 : i32 to index
      %swap3A_808 = arith.constant 864 : index
      %swap3A_809 = tpu.vector_load %arg7[%swap3A_807, %swap3A_808] {strides = array<i32>} : memref<32x1024xf32, #tpu.memory_space<vmem>>, vector<1x16xf32>,
      %swap3A_810 = vector.shape_cast %swap3A_809 : vector<1x16xf32> to vector<16xf32>
      %swap3A_811 = vector.shape_cast %add3A_806 : vector<16xf32> to vector<1x16xf32>
      tpu.vector_store %arg7[%swap3A_807, %swap3A_808], %swap3A_811 {strides = array<i32>} : memref<32x1024xf32, #tpu.memory_space<vmem>>, vector<1x16xf32>,
      %get3A_812 = arith.index_cast %scan3A_43 : i32 to index
      %get3A_813 = arith.constant 880 : index
      %get3A_814 = tpu.vector_load %arg7[%get3A_812, %get3A_813] {strides = array<i32>} : memref<32x1024xf32, #tpu.memory_space<vmem>>, vector<1x16xf32>,
      %get3A_815 = vector.shape_cast %get3A_814 : vector<1x16xf32> to vector<16xf32>
      %get3A_816 = arith.index_cast %scan3A_43 : i32 to index
      %get3A_817 = arith.constant 880 : index
      %get3A_818 = tpu.vector_load %arg8[%get3A_816, %get3A_817] {strides = array<i32>} : memref<32x1024xf32, #tpu.memory_space<vmem>>, vector<1x16xf32>,
      %get3A_819 = vector.shape_cast %get3A_818 : vector<1x16xf32> to vector<16xf32>
      %add3A_820 = arith.addf %get3A_815, %get3A_819 : vector<16xf32>
      %swap3A_821 = arith.index_cast %scan3A_43 : i32 to index
      %swap3A_822 = arith.constant 880 : index
      %swap3A_823 = tpu.vector_load %arg7[%swap3A_821, %swap3A_822] {strides = array<i32>} : memref<32x1024xf32, #tpu.memory_space<vmem>>, vector<1x16xf32>,
      %swap3A_824 = vector.shape_cast %swap3A_823 : vector<1x16xf32> to vector<16xf32>
      %swap3A_825 = vector.shape_cast %add3A_820 : vector<16xf32> to vector<1x16xf32>
      tpu.vector_store %arg7[%swap3A_821, %swap3A_822], %swap3A_825 {strides = array<i32>} : memref<32x1024xf32, #tpu.memory_space<vmem>>, vector<1x16xf32>,
      %get3A_826 = arith.index_cast %scan3A_43 : i32 to index
      %get3A_827 = arith.constant 896 : index
      %get3A_828 = tpu.vector_load %arg7[%get3A_826, %get3A_827] {strides = array<i32>} : memref<32x1024xf32, #tpu.memory_space<vmem>>, vector<1x16xf32>,
      %get3A_829 = vector.shape_cast %get3A_828 : vector<1x16xf32> to vector<16xf32>
      %get3A_830 = arith.index_cast %scan3A_43 : i32 to index
      %get3A_831 = arith.constant 896 : index
      %get3A_832 = tpu.vector_load %arg8[%get3A_830, %get3A_831] {strides = array<i32>} : memref<32x1024xf32, #tpu.memory_space<vmem>>, vector<1x16xf32>,
      %get3A_833 = vector.shape_cast %get3A_832 : vector<1x16xf32> to vector<16xf32>
      %add3A_834 = arith.addf %get3A_829, %get3A_833 : vector<16xf32>
      %swap3A_835 = arith.index_cast %scan3A_43 : i32 to index
      %swap3A_836 = arith.constant 896 : index
      %swap3A_837 = tpu.vector_load %arg7[%swap3A_835, %swap3A_836] {strides = array<i32>} : memref<32x1024xf32, #tpu.memory_space<vmem>>, vector<1x16xf32>,
      %swap3A_838 = vector.shape_cast %swap3A_837 : vector<1x16xf32> to vector<16xf32>
      %swap3A_839 = vector.shape_cast %add3A_834 : vector<16xf32> to vector<1x16xf32>
      tpu.vector_store %arg7[%swap3A_835, %swap3A_836], %swap3A_839 {strides = array<i32>} : memref<32x1024xf32, #tpu.memory_space<vmem>>, vector<1x16xf32>,
      %get3A_840 = arith.index_cast %scan3A_43 : i32 to index
      %get3A_841 = arith.constant 912 : index
      %get3A_842 = tpu.vector_load %arg7[%get3A_840, %get3A_841] {strides = array<i32>} : memref<32x1024xf32, #tpu.memory_space<vmem>>, vector<1x16xf32>,
      %get3A_843 = vector.shape_cast %get3A_842 : vector<1x16xf32> to vector<16xf32>
      %get3A_844 = arith.index_cast %scan3A_43 : i32 to index
      %get3A_845 = arith.constant 912 : index
      %get3A_846 = tpu.vector_load %arg8[%get3A_844, %get3A_845] {strides = array<i32>} : memref<32x1024xf32, #tpu.memory_space<vmem>>, vector<1x16xf32>,
      %get3A_847 = vector.shape_cast %get3A_846 : vector<1x16xf32> to vector<16xf32>
      %add3A_848 = arith.addf %get3A_843, %get3A_847 : vector<16xf32>
      %swap3A_849 = arith.index_cast %scan3A_43 : i32 to index
      %swap3A_850 = arith.constant 912 : index
      %swap3A_851 = tpu.vector_load %arg7[%swap3A_849, %swap3A_850] {strides = array<i32>} : memref<32x1024xf32, #tpu.memory_space<vmem>>, vector<1x16xf32>,
      %swap3A_852 = vector.shape_cast %swap3A_851 : vector<1x16xf32> to vector<16xf32>
      %swap3A_853 = vector.shape_cast %add3A_848 : vector<16xf32> to vector<1x16xf32>
      tpu.vector_store %arg7[%swap3A_849, %swap3A_850], %swap3A_853 {strides = array<i32>} : memref<32x1024xf32, #tpu.memory_space<vmem>>, vector<1x16xf32>,
      %get3A_854 = arith.index_cast %scan3A_43 : i32 to index
      %get3A_855 = arith.constant 928 : index
      %get3A_856 = tpu.vector_load %arg7[%get3A_854, %get3A_855] {strides = array<i32>} : memref<32x1024xf32, #tpu.memory_space<vmem>>, vector<1x16xf32>,
      %get3A_857 = vector.shape_cast %get3A_856 : vector<1x16xf32> to vector<16xf32>
      %get3A_858 = arith.index_cast %scan3A_43 : i32 to index
      %get3A_859 = arith.constant 928 : index
      %get3A_860 = tpu.vector_load %arg8[%get3A_858, %get3A_859] {strides = array<i32>} : memref<32x1024xf32, #tpu.memory_space<vmem>>, vector<1x16xf32>,
      %get3A_861 = vector.shape_cast %get3A_860 : vector<1x16xf32> to vector<16xf32>
      %add3A_862 = arith.addf %get3A_857, %get3A_861 : vector<16xf32>
      %swap3A_863 = arith.index_cast %scan3A_43 : i32 to index
      %swap3A_864 = arith.constant 928 : index
      %swap3A_865 = tpu.vector_load %arg7[%swap3A_863, %swap3A_864] {strides = array<i32>} : memref<32x1024xf32, #tpu.memory_space<vmem>>, vector<1x16xf32>,
      %swap3A_866 = vector.shape_cast %swap3A_865 : vector<1x16xf32> to vector<16xf32>
      %swap3A_867 = vector.shape_cast %add3A_862 : vector<16xf32> to vector<1x16xf32>
      tpu.vector_store %arg7[%swap3A_863, %swap3A_864], %swap3A_867 {strides = array<i32>} : memref<32x1024xf32, #tpu.memory_space<vmem>>, vector<1x16xf32>,
      %get3A_868 = arith.index_cast %scan3A_43 : i32 to index
      %get3A_869 = arith.constant 944 : index
      %get3A_870 = tpu.vector_load %arg7[%get3A_868, %get3A_869] {strides = array<i32>} : memref<32x1024xf32, #tpu.memory_space<vmem>>, vector<1x16xf32>,
      %get3A_871 = vector.shape_cast %get3A_870 : vector<1x16xf32> to vector<16xf32>
      %get3A_872 = arith.index_cast %scan3A_43 : i32 to index
      %get3A_873 = arith.constant 944 : index
      %get3A_874 = tpu.vector_load %arg8[%get3A_872, %get3A_873] {strides = array<i32>} : memref<32x1024xf32, #tpu.memory_space<vmem>>, vector<1x16xf32>,
      %get3A_875 = vector.shape_cast %get3A_874 : vector<1x16xf32> to vector<16xf32>
      %add3A_876 = arith.addf %get3A_871, %get3A_875 : vector<16xf32>
      %swap3A_877 = arith.index_cast %scan3A_43 : i32 to index
      %swap3A_878 = arith.constant 944 : index
      %swap3A_879 = tpu.vector_load %arg7[%swap3A_877, %swap3A_878] {strides = array<i32>} : memref<32x1024xf32, #tpu.memory_space<vmem>>, vector<1x16xf32>,
      %swap3A_880 = vector.shape_cast %swap3A_879 : vector<1x16xf32> to vector<16xf32>
      %swap3A_881 = vector.shape_cast %add3A_876 : vector<16xf32> to vector<1x16xf32>
      tpu.vector_store %arg7[%swap3A_877, %swap3A_878], %swap3A_881 {strides = array<i32>} : memref<32x1024xf32, #tpu.memory_space<vmem>>, vector<1x16xf32>,
      %get3A_882 = arith.index_cast %scan3A_43 : i32 to index
      %get3A_883 = arith.constant 960 : index
      %get3A_884 = tpu.vector_load %arg7[%get3A_882, %get3A_883] {strides = array<i32>} : memref<32x1024xf32, #tpu.memory_space<vmem>>, vector<1x16xf32>,
      %get3A_885 = vector.shape_cast %get3A_884 : vector<1x16xf32> to vector<16xf32>
      %get3A_886 = arith.index_cast %scan3A_43 : i32 to index
      %get3A_887 = arith.constant 960 : index
      %get3A_888 = tpu.vector_load %arg8[%get3A_886, %get3A_887] {strides = array<i32>} : memref<32x1024xf32, #tpu.memory_space<vmem>>, vector<1x16xf32>,
      %get3A_889 = vector.shape_cast %get3A_888 : vector<1x16xf32> to vector<16xf32>
      %add3A_890 = arith.addf %get3A_885, %get3A_889 : vector<16xf32>
      %swap3A_891 = arith.index_cast %scan3A_43 : i32 to index
      %swap3A_892 = arith.constant 960 : index
      %swap3A_893 = tpu.vector_load %arg7[%swap3A_891, %swap3A_892] {strides = array<i32>} : memref<32x1024xf32, #tpu.memory_space<vmem>>, vector<1x16xf32>,
      %swap3A_894 = vector.shape_cast %swap3A_893 : vector<1x16xf32> to vector<16xf32>
      %swap3A_895 = vector.shape_cast %add3A_890 : vector<16xf32> to vector<1x16xf32>
      tpu.vector_store %arg7[%swap3A_891, %swap3A_892], %swap3A_895 {strides = array<i32>} : memref<32x1024xf32, #tpu.memory_space<vmem>>, vector<1x16xf32>,
      %get3A_896 = arith.index_cast %scan3A_43 : i32 to index
      %get3A_897 = arith.constant 976 : index
      %get3A_898 = tpu.vector_load %arg7[%get3A_896, %get3A_897] {strides = array<i32>} : memref<32x1024xf32, #tpu.memory_space<vmem>>, vector<1x16xf32>,
      %get3A_899 = vector.shape_cast %get3A_898 : vector<1x16xf32> to vector<16xf32>
      %get3A_900 = arith.index_cast %scan3A_43 : i32 to index
      %get3A_901 = arith.constant 976 : index
      %get3A_902 = tpu.vector_load %arg8[%get3A_900, %get3A_901] {strides = array<i32>} : memref<32x1024xf32, #tpu.memory_space<vmem>>, vector<1x16xf32>,
      %get3A_903 = vector.shape_cast %get3A_902 : vector<1x16xf32> to vector<16xf32>
      %add3A_904 = arith.addf %get3A_899, %get3A_903 : vector<16xf32>
      %swap3A_905 = arith.index_cast %scan3A_43 : i32 to index
      %swap3A_906 = arith.constant 976 : index
      %swap3A_907 = tpu.vector_load %arg7[%swap3A_905, %swap3A_906] {strides = array<i32>} : memref<32x1024xf32, #tpu.memory_space<vmem>>, vector<1x16xf32>,
      %swap3A_908 = vector.shape_cast %swap3A_907 : vector<1x16xf32> to vector<16xf32>
      %swap3A_909 = vector.shape_cast %add3A_904 : vector<16xf32> to vector<1x16xf32>
      tpu.vector_store %arg7[%swap3A_905, %swap3A_906], %swap3A_909 {strides = array<i32>} : memref<32x1024xf32, #tpu.memory_space<vmem>>, vector<1x16xf32>,
      %get3A_910 = arith.index_cast %scan3A_43 : i32 to index
      %get3A_911 = arith.constant 992 : index
      %get3A_912 = tpu.vector_load %arg7[%get3A_910, %get3A_911] {strides = array<i32>} : memref<32x1024xf32, #tpu.memory_space<vmem>>, vector<1x16xf32>,
      %get3A_913 = vector.shape_cast %get3A_912 : vector<1x16xf32> to vector<16xf32>
      %get3A_914 = arith.index_cast %scan3A_43 : i32 to index
      %get3A_915 = arith.constant 992 : index
      %get3A_916 = tpu.vector_load %arg8[%get3A_914, %get3A_915] {strides = array<i32>} : memref<32x1024xf32, #tpu.memory_space<vmem>>, vector<1x16xf32>,
      %get3A_917 = vector.shape_cast %get3A_916 : vector<1x16xf32> to vector<16xf32>
      %add3A_918 = arith.addf %get3A_913, %get3A_917 : vector<16xf32>
      %swap3A_919 = arith.index_cast %scan3A_43 : i32 to index
      %swap3A_920 = arith.constant 992 : index
      %swap3A_921 = tpu.vector_load %arg7[%swap3A_919, %swap3A_920] {strides = array<i32>} : memref<32x1024xf32, #tpu.memory_space<vmem>>, vector<1x16xf32>,
      %swap3A_922 = vector.shape_cast %swap3A_921 : vector<1x16xf32> to vector<16xf32>
      %swap3A_923 = vector.shape_cast %add3A_918 : vector<16xf32> to vector<1x16xf32>
      tpu.vector_store %arg7[%swap3A_919, %swap3A_920], %swap3A_923 {strides = array<i32>} : memref<32x1024xf32, #tpu.memory_space<vmem>>, vector<1x16xf32>,
      %get3A_924 = arith.index_cast %scan3A_43 : i32 to index
      %get3A_925 = arith.constant 1008 : index
      %get3A_926 = tpu.vector_load %arg7[%get3A_924, %get3A_925] {strides = array<i32>} : memref<32x1024xf32, #tpu.memory_space<vmem>>, vector<1x16xf32>,
      %get3A_927 = vector.shape_cast %get3A_926 : vector<1x16xf32> to vector<16xf32>
      %get3A_928 = arith.index_cast %scan3A_43 : i32 to index
      %get3A_929 = arith.constant 1008 : index
      %get3A_930 = tpu.vector_load %arg8[%get3A_928, %get3A_929] {strides = array<i32>} : memref<32x1024xf32, #tpu.memory_space<vmem>>, vector<1x16xf32>,
      %get3A_931 = vector.shape_cast %get3A_930 : vector<1x16xf32> to vector<16xf32>
      %add3A_932 = arith.addf %get3A_927, %get3A_931 : vector<16xf32>
      %swap3A_933 = arith.index_cast %scan3A_43 : i32 to index
      %swap3A_934 = arith.constant 1008 : index
      %swap3A_935 = tpu.vector_load %arg7[%swap3A_933, %swap3A_934] {strides = array<i32>} : memref<32x1024xf32, #tpu.memory_space<vmem>>, vector<1x16xf32>,
      %swap3A_936 = vector.shape_cast %swap3A_935 : vector<1x16xf32> to vector<16xf32>
      %swap3A_937 = vector.shape_cast %add3A_932 : vector<16xf32> to vector<1x16xf32>
      tpu.vector_store %arg7[%swap3A_933, %swap3A_934], %swap3A_937 {strides = array<i32>} : memref<32x1024xf32, #tpu.memory_space<vmem>>, vector<1x16xf32>,
    }
    %scan3A_42 = arith.constant 32 : i32
    "tpu.region"() ({
      %run_scoped3A_43 = tpu.sem_alloc : memref<!tpu.dma_semaphore, #tpu.memory_space<semaphore_mem>>
      %dma_start3A_44 = arith.constant 0 : i32
      %dma_start3A_45 = tpu.memref_slice %arg4[%add3A_22, %dma_start3A_44] : memref<2048x1024xf32, #tpu.memory_space<hbm>> -> memref<32x1024xf32, #tpu.memory_space<hbm>>
      %dma_start3A_46 = arith.constant 0 : i32
      %dma_start3A_47 = tpu.memref_slice %arg4[%add3A_22, %dma_start3A_46] : memref<2048x1024xf32, #tpu.memory_space<hbm>> -> memref<32x1024xf32, #tpu.memory_space<hbm>>
      tpu.enqueue_dma source(%arg7 : memref<32x1024xf32, #tpu.memory_space<vmem>>) target(%dma_start3A_47 : memref<32x1024xf32, #tpu.memory_space<hbm>>) target_semaphore(%run_scoped3A_43 : memref<!tpu.dma_semaphore, #tpu.memory_space<semaphore_mem>>)
      %dma_wait3A_48 = arith.constant 0 : i32
      %dma_wait3A_49 = tpu.memref_slice %arg4[%add3A_22, %dma_wait3A_48] : memref<2048x1024xf32, #tpu.memory_space<hbm>> -> memref<32x1024xf32, #tpu.memory_space<hbm>>
      %dma_wait3A_50 = arith.constant 0 : i32
      %dma_wait3A_51 = tpu.memref_slice %arg4[%add3A_22, %dma_wait3A_50] : memref<2048x1024xf32, #tpu.memory_space<hbm>> -> memref<32x1024xf32, #tpu.memory_space<hbm>>
      tpu.wait_dma2 semaphore(%run_scoped3A_43 : memref<!tpu.dma_semaphore, #tpu.memory_space<semaphore_mem>>) src(%arg7 : memref<32x1024xf32, #tpu.memory_space<vmem>>) dst(%dma_wait3A_51 : memref<32x1024xf32, #tpu.memory_space<hbm>>)
      tpu.yield
    }) : () -> ()
    return
  }
}

#map = affine_map<(d0, d1) -> (0)>
module attributes {stable_mosaic.version = 14 : i64} {
  func.func @_scatter_body(%arg0: i32, %arg1: i32, %arg2: memref<4096xi32, #tpu.memory_space<hbm>>, %arg3: memref<4096xf32, #tpu.memory_space<hbm>>, %arg4: memref<6144xi32, #tpu.memory_space<hbm>>, %arg5: memref<6144xf32, #tpu.memory_space<hbm>>, %arg6: memref<4096xi32, #tpu.memory_space<vmem>>, %arg7: memref<4096xf32, #tpu.memory_space<vmem>>, %arg8: memref<6144xi32, #tpu.memory_space<vmem>>, %arg9: memref<6144xf32, #tpu.memory_space<vmem>>) attributes {dimension_semantics = [#tpu.dimension_semantics<core_parallel>, #tpu.dimension_semantics<subcore_parallel>], iteration_bounds = array<i64: 2, 16>, scalar_prefetch = 0 : i64, scratch_operands = 4 : i64, tpu.core_type = #tpu.core_type<sc_vector_subcore>, window_params = [{transform_indices = #map}, {transform_indices = #map}, {transform_indices = #map}, {transform_indices = #map}]} {
    %eq3A = arith.constant 0 : i32
    %eq3A_0 = arith.cmpi eq, %arg0, %eq3A : i32
    %eq3A_1 = arith.constant 0 : i32
    %eq3A_2 = arith.cmpi eq, %arg1, %eq3A_1 : i32
    %and3A = arith.andi %eq3A_0, %eq3A_2 : i1
    %convert_element_type3A = arith.extui %and3A : i1 to i32
    %cond3A = arith.constant 0 : i32
    %cond3A_3 = arith.cmpi ne, %convert_element_type3A, %cond3A : i32
    scf.if %cond3A_3 {
      "tpu.region"() ({
        %run_scoped3A = tpu.sem_alloc : memref<!tpu.dma_semaphore, #tpu.memory_space<semaphore_mem>>
        tpu.enqueue_dma source(%arg2 : memref<4096xi32, #tpu.memory_space<hbm>>) target(%arg6 : memref<4096xi32, #tpu.memory_space<vmem>>) target_semaphore(%run_scoped3A : memref<!tpu.dma_semaphore, #tpu.memory_space<semaphore_mem>>)
        tpu.wait_dma2 semaphore(%run_scoped3A : memref<!tpu.dma_semaphore, #tpu.memory_space<semaphore_mem>>) src(%arg2 : memref<4096xi32, #tpu.memory_space<hbm>>) dst(%arg6 : memref<4096xi32, #tpu.memory_space<vmem>>)
        tpu.yield
      }) : () -> ()
      "tpu.region"() ({
        %run_scoped3A = tpu.sem_alloc : memref<!tpu.dma_semaphore, #tpu.memory_space<semaphore_mem>>
        tpu.enqueue_dma source(%arg3 : memref<4096xf32, #tpu.memory_space<hbm>>) target(%arg7 : memref<4096xf32, #tpu.memory_space<vmem>>) target_semaphore(%run_scoped3A : memref<!tpu.dma_semaphore, #tpu.memory_space<semaphore_mem>>)
        tpu.wait_dma2 semaphore(%run_scoped3A : memref<!tpu.dma_semaphore, #tpu.memory_space<semaphore_mem>>) src(%arg3 : memref<4096xf32, #tpu.memory_space<hbm>>) dst(%arg7 : memref<4096xf32, #tpu.memory_space<vmem>>)
        tpu.yield
      }) : () -> ()
      %iota3A = tpu.iota {dimensions = array<i32: 0>} : vector<16xi32>
      %broadcast_in_dim3A = arith.constant 0.000000e+00 : f32
      %broadcast_in_dim3A_4 = vector.broadcast %broadcast_in_dim3A : f32 to vector<16xf32>
      %scan3A = arith.constant 0 : i32
      %scan3A_5 = arith.constant 0 : i32
      %scan3A_6 = arith.constant 384 : i32
      %scan3A_7 = arith.addi %scan3A_5, %scan3A_6 : i32
      %scan3A_8 = arith.constant 1 : i32
      scf.for %scan3A_16 = %scan3A_5 to %scan3A_7 step %scan3A_8  : i32 {
        %mul3A = arith.constant 16 : i32
        %mul3A_17 = arith.muli %scan3A_16, %mul3A : i32
        %rem3A = arith.constant 2048 : i32
        %rem3A_18 = arith.remsi %mul3A_17, %rem3A : i32
        %add3A = vector.broadcast %rem3A_18 : i32 to vector<16xi32>
        %add3A_19 = arith.addi %iota3A, %add3A : vector<16xi32>
        %mul3A_20 = arith.constant 16 : i32
        %mul3A_21 = arith.muli %scan3A_16, %mul3A_20 : i32
        %swap3A = arith.index_cast %mul3A_21 : i32 to index
        %swap3A_22 = tpu.vector_load %arg8[%swap3A] {strides = array<i32>} : memref<6144xi32, #tpu.memory_space<vmem>>, vector<16xi32>,
        tpu.vector_store %arg8[%swap3A], %add3A_19 {strides = array<i32>} : memref<6144xi32, #tpu.memory_space<vmem>>, vector<16xi32>,
        %mul3A_23 = arith.constant 16 : i32
        %mul3A_24 = arith.muli %scan3A_16, %mul3A_23 : i32
        %swap3A_25 = arith.index_cast %mul3A_24 : i32 to index
        %swap3A_26 = tpu.vector_load %arg9[%swap3A_25] {strides = array<i32>} : memref<6144xf32, #tpu.memory_space<vmem>>, vector<16xf32>,
        tpu.vector_store %arg9[%swap3A_25], %broadcast_in_dim3A_4 {strides = array<i32>} : memref<6144xf32, #tpu.memory_space<vmem>>, vector<16xf32>,
      }
      %scan3A_9 = arith.constant 384 : i32
      %scan3A_10 = arith.constant 0 : i32
      %scan3A_11 = arith.constant 0 : i32
      %scan3A_12 = arith.constant 256 : i32
      %scan3A_13 = arith.addi %scan3A_11, %scan3A_12 : i32
      %scan3A_14 = arith.constant 1 : i32
      scf.for %scan3A_16 = %scan3A_11 to %scan3A_13 step %scan3A_14  : i32 {
        %mul3A = arith.constant 16 : i32
        %mul3A_17 = arith.muli %scan3A_16, %mul3A : i32
        %get3A = arith.index_cast %mul3A_17 : i32 to index
        %get3A_18 = tpu.vector_load %arg6[%get3A] {strides = array<i32>} : memref<4096xi32, #tpu.memory_space<vmem>>, vector<16xi32>,
        %get3A_19 = arith.index_cast %mul3A_17 : i32 to index
        %get3A_20 = tpu.vector_load %arg7[%get3A_19] {strides = array<i32>} : memref<4096xf32, #tpu.memory_space<vmem>>, vector<16xf32>,
        %rem3A = arith.constant 2048 : i32
        %rem3A_21 = arith.remsi %mul3A_17, %rem3A : i32
        %add3A = vector.broadcast %rem3A_21 : i32 to vector<16xi32>
        %add3A_22 = arith.addi %iota3A, %add3A : vector<16xi32>
        tpu.vector_store_idx %arg8[%get3A_18], %add3A_22 : memref<6144xi32, #tpu.memory_space<vmem>>[vector<16xi32>], vector<16xi32>,
        tpu.vector_store_idx %arg9[%get3A_18], %get3A_20 : memref<6144xf32, #tpu.memory_space<vmem>>[vector<16xi32>], vector<16xf32>,
      }
      %scan3A_15 = arith.constant 256 : i32
      "tpu.region"() ({
        %run_scoped3A = tpu.sem_alloc : memref<!tpu.dma_semaphore, #tpu.memory_space<semaphore_mem>>
        tpu.enqueue_dma source(%arg8 : memref<6144xi32, #tpu.memory_space<vmem>>) target(%arg4 : memref<6144xi32, #tpu.memory_space<hbm>>) target_semaphore(%run_scoped3A : memref<!tpu.dma_semaphore, #tpu.memory_space<semaphore_mem>>)
        tpu.wait_dma2 semaphore(%run_scoped3A : memref<!tpu.dma_semaphore, #tpu.memory_space<semaphore_mem>>) src(%arg8 : memref<6144xi32, #tpu.memory_space<vmem>>) dst(%arg4 : memref<6144xi32, #tpu.memory_space<hbm>>)
        tpu.yield
      }) : () -> ()
      "tpu.region"() ({
        %run_scoped3A = tpu.sem_alloc : memref<!tpu.dma_semaphore, #tpu.memory_space<semaphore_mem>>
        tpu.enqueue_dma source(%arg9 : memref<6144xf32, #tpu.memory_space<vmem>>) target(%arg5 : memref<6144xf32, #tpu.memory_space<hbm>>) target_semaphore(%run_scoped3A : memref<!tpu.dma_semaphore, #tpu.memory_space<semaphore_mem>>)
        tpu.wait_dma2 semaphore(%run_scoped3A : memref<!tpu.dma_semaphore, #tpu.memory_space<semaphore_mem>>) src(%arg9 : memref<6144xf32, #tpu.memory_space<vmem>>) dst(%arg5 : memref<6144xf32, #tpu.memory_space<hbm>>)
        tpu.yield
      }) : () -> ()
    } else {
    }
    return
  }
}

#map = affine_map<(d0, d1) -> (0)>
#map1 = affine_map<(d0, d1) -> (0, 0)>
module attributes {stable_mosaic.version = 14 : i64} {
  func.func @_gather_body(%arg0: i32, %arg1: i32, %arg2: memref<6144xi32, #tpu.memory_space<hbm>>, %arg3: memref<2048x1024xf32, #tpu.memory_space<hbm>>, %arg4: memref<6144x1024xf32, #tpu.memory_space<hbm>>, %arg5: memref<32xi32, #tpu.memory_space<vmem>>, %arg6: memref<32xi32, #tpu.memory_space<vmem>>, %arg7: memref<32x1024xf32, #tpu.memory_space<vmem>>, %arg8: memref<32x1024xf32, #tpu.memory_space<vmem>>, %arg9: memref<!tpu.dma_semaphore, #tpu.memory_space<semaphore_mem>>, %arg10: memref<!tpu.dma_semaphore, #tpu.memory_space<semaphore_mem>>) attributes {dimension_semantics = [#tpu.dimension_semantics<core_parallel>, #tpu.dimension_semantics<subcore_parallel>], iteration_bounds = array<i64: 2, 16>, scalar_prefetch = 0 : i64, scratch_operands = 6 : i64, tpu.core_type = #tpu.core_type<sc_vector_subcore>, window_params = [{transform_indices = #map}, {transform_indices = #map1}, {transform_indices = #map1}]} {
    %mul3A = arith.constant 2 : i32
    %mul3A_0 = arith.muli %arg1, %mul3A : i32
    %add3A = arith.addi %mul3A_0, %arg0 : i32
    %mul3A_1 = arith.constant 192 : i32
    %mul3A_2 = arith.muli %add3A, %mul3A_1 : i32
    %add3A_3 = arith.constant 0 : i32
    %add3A_4 = arith.addi %mul3A_2, %add3A_3 : i32
    "tpu.region"() ({
      %run_scoped3A = tpu.sem_alloc : memref<!tpu.dma_semaphore, #tpu.memory_space<semaphore_mem>>
      %dma_start3A_55 = tpu.memref_slice %arg2[%add3A_4] : memref<6144xi32, #tpu.memory_space<hbm>> -> memref<32xi32, #tpu.memory_space<hbm>>
      %dma_start3A_56 = tpu.memref_slice %arg2[%add3A_4] : memref<6144xi32, #tpu.memory_space<hbm>> -> memref<32xi32, #tpu.memory_space<hbm>>
      tpu.enqueue_dma source(%dma_start3A_56 : memref<32xi32, #tpu.memory_space<hbm>>) target(%arg5 : memref<32xi32, #tpu.memory_space<vmem>>) target_semaphore(%run_scoped3A : memref<!tpu.dma_semaphore, #tpu.memory_space<semaphore_mem>>)
      %dma_wait3A_57 = tpu.memref_slice %arg2[%add3A_4] : memref<6144xi32, #tpu.memory_space<hbm>> -> memref<32xi32, #tpu.memory_space<hbm>>
      %dma_wait3A_58 = tpu.memref_slice %arg2[%add3A_4] : memref<6144xi32, #tpu.memory_space<hbm>> -> memref<32xi32, #tpu.memory_space<hbm>>
      tpu.wait_dma2 semaphore(%run_scoped3A : memref<!tpu.dma_semaphore, #tpu.memory_space<semaphore_mem>>) src(%dma_wait3A_58 : memref<32xi32, #tpu.memory_space<hbm>>) dst(%arg5 : memref<32xi32, #tpu.memory_space<vmem>>)
      tpu.yield
    }) : () -> ()
    %add3A_5 = arith.constant 32 : i32
    %add3A_6 = arith.addi %add3A_4, %add3A_5 : i32
    "tpu.region"() ({
      %run_scoped3A = tpu.sem_alloc : memref<!tpu.dma_semaphore, #tpu.memory_space<semaphore_mem>>
      %dma_start3A_55 = tpu.memref_slice %arg2[%add3A_6] : memref<6144xi32, #tpu.memory_space<hbm>> -> memref<32xi32, #tpu.memory_space<hbm>>
      %dma_start3A_56 = tpu.memref_slice %arg2[%add3A_6] : memref<6144xi32, #tpu.memory_space<hbm>> -> memref<32xi32, #tpu.memory_space<hbm>>
      tpu.enqueue_dma source(%dma_start3A_56 : memref<32xi32, #tpu.memory_space<hbm>>) target(%arg6 : memref<32xi32, #tpu.memory_space<vmem>>) target_semaphore(%run_scoped3A : memref<!tpu.dma_semaphore, #tpu.memory_space<semaphore_mem>>)
      %dma_wait3A_57 = tpu.memref_slice %arg2[%add3A_6] : memref<6144xi32, #tpu.memory_space<hbm>> -> memref<32xi32, #tpu.memory_space<hbm>>
      %dma_wait3A_58 = tpu.memref_slice %arg2[%add3A_6] : memref<6144xi32, #tpu.memory_space<hbm>> -> memref<32xi32, #tpu.memory_space<hbm>>
      tpu.wait_dma2 semaphore(%run_scoped3A : memref<!tpu.dma_semaphore, #tpu.memory_space<semaphore_mem>>) src(%dma_wait3A_58 : memref<32xi32, #tpu.memory_space<hbm>>) dst(%arg6 : memref<32xi32, #tpu.memory_space<vmem>>)
      tpu.yield
    }) : () -> ()
    %dma_start3A = arith.constant 0 : i32
    %dma_start3A_7 = arith.constant 0 : i32
    %dma_start3A_8 = tpu.memref_slice %arg3[%dma_start3A, %dma_start3A_7] : memref<2048x1024xf32, #tpu.memory_space<hbm>> -> memref<2048x1024xf32, #tpu.memory_space<hbm>>
    tpu.enqueue_indirect_dma source(%dma_start3A_8 : memref<2048x1024xf32, #tpu.memory_space<hbm>>) target(%arg7 : memref<32x1024xf32, #tpu.memory_space<vmem>>) offsets(%arg5 : memref<32xi32, #tpu.memory_space<vmem>>) semaphore(%arg9 : memref<!tpu.dma_semaphore, #tpu.memory_space<semaphore_mem>>)
    %dma_start3A_9 = arith.constant 0 : i32
    %dma_start3A_10 = arith.constant 0 : i32
    %dma_start3A_11 = tpu.memref_slice %arg3[%dma_start3A_9, %dma_start3A_10] : memref<2048x1024xf32, #tpu.memory_space<hbm>> -> memref<2048x1024xf32, #tpu.memory_space<hbm>>
    tpu.enqueue_indirect_dma source(%dma_start3A_11 : memref<2048x1024xf32, #tpu.memory_space<hbm>>) target(%arg8 : memref<32x1024xf32, #tpu.memory_space<vmem>>) offsets(%arg6 : memref<32xi32, #tpu.memory_space<vmem>>) semaphore(%arg10 : memref<!tpu.dma_semaphore, #tpu.memory_space<semaphore_mem>>)
    %dma_wait3A = arith.constant 0 : i32
    %dma_wait3A_12 = arith.constant 0 : i32
    %dma_wait3A_13 = tpu.memref_slice %arg3[%dma_wait3A, %dma_wait3A_12] : memref<2048x1024xf32, #tpu.memory_space<hbm>> -> memref<2048x1024xf32, #tpu.memory_space<hbm>>
    tpu.wait_indirect_dma semaphore(%arg9 : memref<!tpu.dma_semaphore, #tpu.memory_space<semaphore_mem>>) src(%dma_wait3A_13 : memref<2048x1024xf32, #tpu.memory_space<hbm>>) dst(%arg7 : memref<32x1024xf32, #tpu.memory_space<vmem>>)
    %dma_wait3A_14 = arith.constant 0 : i32
    %dma_wait3A_15 = arith.constant 0 : i32
    %dma_wait3A_16 = tpu.memref_slice %arg3[%dma_wait3A_14, %dma_wait3A_15] : memref<2048x1024xf32, #tpu.memory_space<hbm>> -> memref<2048x1024xf32, #tpu.memory_space<hbm>>
    tpu.wait_indirect_dma semaphore(%arg10 : memref<!tpu.dma_semaphore, #tpu.memory_space<semaphore_mem>>) src(%dma_wait3A_16 : memref<2048x1024xf32, #tpu.memory_space<hbm>>) dst(%arg8 : memref<32x1024xf32, #tpu.memory_space<vmem>>)
    "tpu.region"() ({
      %run_scoped3A = tpu.sem_alloc : memref<!tpu.dma_semaphore, #tpu.memory_space<semaphore_mem>>
      %dma_start3A_55 = arith.constant 0 : i32
      %dma_start3A_56 = tpu.memref_slice %arg4[%add3A_4, %dma_start3A_55] : memref<6144x1024xf32, #tpu.memory_space<hbm>> -> memref<32x1024xf32, #tpu.memory_space<hbm>>
      %dma_start3A_57 = arith.constant 0 : i32
      %dma_start3A_58 = tpu.memref_slice %arg4[%add3A_4, %dma_start3A_57] : memref<6144x1024xf32, #tpu.memory_space<hbm>> -> memref<32x1024xf32, #tpu.memory_space<hbm>>
      tpu.enqueue_dma source(%arg7 : memref<32x1024xf32, #tpu.memory_space<vmem>>) target(%dma_start3A_58 : memref<32x1024xf32, #tpu.memory_space<hbm>>) target_semaphore(%run_scoped3A : memref<!tpu.dma_semaphore, #tpu.memory_space<semaphore_mem>>)
      %dma_wait3A_59 = arith.constant 0 : i32
      %dma_wait3A_60 = tpu.memref_slice %arg4[%add3A_4, %dma_wait3A_59] : memref<6144x1024xf32, #tpu.memory_space<hbm>> -> memref<32x1024xf32, #tpu.memory_space<hbm>>
      %dma_wait3A_61 = arith.constant 0 : i32
      %dma_wait3A_62 = tpu.memref_slice %arg4[%add3A_4, %dma_wait3A_61] : memref<6144x1024xf32, #tpu.memory_space<hbm>> -> memref<32x1024xf32, #tpu.memory_space<hbm>>
      tpu.wait_dma2 semaphore(%run_scoped3A : memref<!tpu.dma_semaphore, #tpu.memory_space<semaphore_mem>>) src(%arg7 : memref<32x1024xf32, #tpu.memory_space<vmem>>) dst(%dma_wait3A_62 : memref<32x1024xf32, #tpu.memory_space<hbm>>)
      tpu.yield
    }) : () -> ()
    %add3A_17 = arith.constant 32 : i32
    %add3A_18 = arith.addi %add3A_4, %add3A_17 : i32
    "tpu.region"() ({
      %run_scoped3A = tpu.sem_alloc : memref<!tpu.dma_semaphore, #tpu.memory_space<semaphore_mem>>
      %dma_start3A_55 = arith.constant 0 : i32
      %dma_start3A_56 = tpu.memref_slice %arg4[%add3A_18, %dma_start3A_55] : memref<6144x1024xf32, #tpu.memory_space<hbm>> -> memref<32x1024xf32, #tpu.memory_space<hbm>>
      %dma_start3A_57 = arith.constant 0 : i32
      %dma_start3A_58 = tpu.memref_slice %arg4[%add3A_18, %dma_start3A_57] : memref<6144x1024xf32, #tpu.memory_space<hbm>> -> memref<32x1024xf32, #tpu.memory_space<hbm>>
      tpu.enqueue_dma source(%arg8 : memref<32x1024xf32, #tpu.memory_space<vmem>>) target(%dma_start3A_58 : memref<32x1024xf32, #tpu.memory_space<hbm>>) target_semaphore(%run_scoped3A : memref<!tpu.dma_semaphore, #tpu.memory_space<semaphore_mem>>)
      %dma_wait3A_59 = arith.constant 0 : i32
      %dma_wait3A_60 = tpu.memref_slice %arg4[%add3A_18, %dma_wait3A_59] : memref<6144x1024xf32, #tpu.memory_space<hbm>> -> memref<32x1024xf32, #tpu.memory_space<hbm>>
      %dma_wait3A_61 = arith.constant 0 : i32
      %dma_wait3A_62 = tpu.memref_slice %arg4[%add3A_18, %dma_wait3A_61] : memref<6144x1024xf32, #tpu.memory_space<hbm>> -> memref<32x1024xf32, #tpu.memory_space<hbm>>
      tpu.wait_dma2 semaphore(%run_scoped3A : memref<!tpu.dma_semaphore, #tpu.memory_space<semaphore_mem>>) src(%arg8 : memref<32x1024xf32, #tpu.memory_space<vmem>>) dst(%dma_wait3A_62 : memref<32x1024xf32, #tpu.memory_space<hbm>>)
      tpu.yield
    }) : () -> ()
    %add3A_19 = arith.constant 64 : i32
    %add3A_20 = arith.addi %mul3A_2, %add3A_19 : i32
    "tpu.region"() ({
      %run_scoped3A = tpu.sem_alloc : memref<!tpu.dma_semaphore, #tpu.memory_space<semaphore_mem>>
      %dma_start3A_55 = tpu.memref_slice %arg2[%add3A_20] : memref<6144xi32, #tpu.memory_space<hbm>> -> memref<32xi32, #tpu.memory_space<hbm>>
      %dma_start3A_56 = tpu.memref_slice %arg2[%add3A_20] : memref<6144xi32, #tpu.memory_space<hbm>> -> memref<32xi32, #tpu.memory_space<hbm>>
      tpu.enqueue_dma source(%dma_start3A_56 : memref<32xi32, #tpu.memory_space<hbm>>) target(%arg5 : memref<32xi32, #tpu.memory_space<vmem>>) target_semaphore(%run_scoped3A : memref<!tpu.dma_semaphore, #tpu.memory_space<semaphore_mem>>)
      %dma_wait3A_57 = tpu.memref_slice %arg2[%add3A_20] : memref<6144xi32, #tpu.memory_space<hbm>> -> memref<32xi32, #tpu.memory_space<hbm>>
      %dma_wait3A_58 = tpu.memref_slice %arg2[%add3A_20] : memref<6144xi32, #tpu.memory_space<hbm>> -> memref<32xi32, #tpu.memory_space<hbm>>
      tpu.wait_dma2 semaphore(%run_scoped3A : memref<!tpu.dma_semaphore, #tpu.memory_space<semaphore_mem>>) src(%dma_wait3A_58 : memref<32xi32, #tpu.memory_space<hbm>>) dst(%arg5 : memref<32xi32, #tpu.memory_space<vmem>>)
      tpu.yield
    }) : () -> ()
    %add3A_21 = arith.constant 32 : i32
    %add3A_22 = arith.addi %add3A_20, %add3A_21 : i32
    "tpu.region"() ({
      %run_scoped3A = tpu.sem_alloc : memref<!tpu.dma_semaphore, #tpu.memory_space<semaphore_mem>>
      %dma_start3A_55 = tpu.memref_slice %arg2[%add3A_22] : memref<6144xi32, #tpu.memory_space<hbm>> -> memref<32xi32, #tpu.memory_space<hbm>>
      %dma_start3A_56 = tpu.memref_slice %arg2[%add3A_22] : memref<6144xi32, #tpu.memory_space<hbm>> -> memref<32xi32, #tpu.memory_space<hbm>>
      tpu.enqueue_dma source(%dma_start3A_56 : memref<32xi32, #tpu.memory_space<hbm>>) target(%arg6 : memref<32xi32, #tpu.memory_space<vmem>>) target_semaphore(%run_scoped3A : memref<!tpu.dma_semaphore, #tpu.memory_space<semaphore_mem>>)
      %dma_wait3A_57 = tpu.memref_slice %arg2[%add3A_22] : memref<6144xi32, #tpu.memory_space<hbm>> -> memref<32xi32, #tpu.memory_space<hbm>>
      %dma_wait3A_58 = tpu.memref_slice %arg2[%add3A_22] : memref<6144xi32, #tpu.memory_space<hbm>> -> memref<32xi32, #tpu.memory_space<hbm>>
      tpu.wait_dma2 semaphore(%run_scoped3A : memref<!tpu.dma_semaphore, #tpu.memory_space<semaphore_mem>>) src(%dma_wait3A_58 : memref<32xi32, #tpu.memory_space<hbm>>) dst(%arg6 : memref<32xi32, #tpu.memory_space<vmem>>)
      tpu.yield
    }) : () -> ()
    %dma_start3A_23 = arith.constant 0 : i32
    %dma_start3A_24 = arith.constant 0 : i32
    %dma_start3A_25 = tpu.memref_slice %arg3[%dma_start3A_23, %dma_start3A_24] : memref<2048x1024xf32, #tpu.memory_space<hbm>> -> memref<2048x1024xf32, #tpu.memory_space<hbm>>
    tpu.enqueue_indirect_dma source(%dma_start3A_25 : memref<2048x1024xf32, #tpu.memory_space<hbm>>) target(%arg7 : memref<32x1024xf32, #tpu.memory_space<vmem>>) offsets(%arg5 : memref<32xi32, #tpu.memory_space<vmem>>) semaphore(%arg9 : memref<!tpu.dma_semaphore, #tpu.memory_space<semaphore_mem>>)
    %dma_start3A_26 = arith.constant 0 : i32
    %dma_start3A_27 = arith.constant 0 : i32
    %dma_start3A_28 = tpu.memref_slice %arg3[%dma_start3A_26, %dma_start3A_27] : memref<2048x1024xf32, #tpu.memory_space<hbm>> -> memref<2048x1024xf32, #tpu.memory_space<hbm>>
    tpu.enqueue_indirect_dma source(%dma_start3A_28 : memref<2048x1024xf32, #tpu.memory_space<hbm>>) target(%arg8 : memref<32x1024xf32, #tpu.memory_space<vmem>>) offsets(%arg6 : memref<32xi32, #tpu.memory_space<vmem>>) semaphore(%arg10 : memref<!tpu.dma_semaphore, #tpu.memory_space<semaphore_mem>>)
    %dma_wait3A_29 = arith.constant 0 : i32
    %dma_wait3A_30 = arith.constant 0 : i32
    %dma_wait3A_31 = tpu.memref_slice %arg3[%dma_wait3A_29, %dma_wait3A_30] : memref<2048x1024xf32, #tpu.memory_space<hbm>> -> memref<2048x1024xf32, #tpu.memory_space<hbm>>
    tpu.wait_indirect_dma semaphore(%arg9 : memref<!tpu.dma_semaphore, #tpu.memory_space<semaphore_mem>>) src(%dma_wait3A_31 : memref<2048x1024xf32, #tpu.memory_space<hbm>>) dst(%arg7 : memref<32x1024xf32, #tpu.memory_space<vmem>>)
    %dma_wait3A_32 = arith.constant 0 : i32
    %dma_wait3A_33 = arith.constant 0 : i32
    %dma_wait3A_34 = tpu.memref_slice %arg3[%dma_wait3A_32, %dma_wait3A_33] : memref<2048x1024xf32, #tpu.memory_space<hbm>> -> memref<2048x1024xf32, #tpu.memory_space<hbm>>
    tpu.wait_indirect_dma semaphore(%arg10 : memref<!tpu.dma_semaphore, #tpu.memory_space<semaphore_mem>>) src(%dma_wait3A_34 : memref<2048x1024xf32, #tpu.memory_space<hbm>>) dst(%arg8 : memref<32x1024xf32, #tpu.memory_space<vmem>>)
    "tpu.region"() ({
      %run_scoped3A = tpu.sem_alloc : memref<!tpu.dma_semaphore, #tpu.memory_space<semaphore_mem>>
      %dma_start3A_55 = arith.constant 0 : i32
      %dma_start3A_56 = tpu.memref_slice %arg4[%add3A_20, %dma_start3A_55] : memref<6144x1024xf32, #tpu.memory_space<hbm>> -> memref<32x1024xf32, #tpu.memory_space<hbm>>
      %dma_start3A_57 = arith.constant 0 : i32
      %dma_start3A_58 = tpu.memref_slice %arg4[%add3A_20, %dma_start3A_57] : memref<6144x1024xf32, #tpu.memory_space<hbm>> -> memref<32x1024xf32, #tpu.memory_space<hbm>>
      tpu.enqueue_dma source(%arg7 : memref<32x1024xf32, #tpu.memory_space<vmem>>) target(%dma_start3A_58 : memref<32x1024xf32, #tpu.memory_space<hbm>>) target_semaphore(%run_scoped3A : memref<!tpu.dma_semaphore, #tpu.memory_space<semaphore_mem>>)
      %dma_wait3A_59 = arith.constant 0 : i32
      %dma_wait3A_60 = tpu.memref_slice %arg4[%add3A_20, %dma_wait3A_59] : memref<6144x1024xf32, #tpu.memory_space<hbm>> -> memref<32x1024xf32, #tpu.memory_space<hbm>>
      %dma_wait3A_61 = arith.constant 0 : i32
      %dma_wait3A_62 = tpu.memref_slice %arg4[%add3A_20, %dma_wait3A_61] : memref<6144x1024xf32, #tpu.memory_space<hbm>> -> memref<32x1024xf32, #tpu.memory_space<hbm>>
      tpu.wait_dma2 semaphore(%run_scoped3A : memref<!tpu.dma_semaphore, #tpu.memory_space<semaphore_mem>>) src(%arg7 : memref<32x1024xf32, #tpu.memory_space<vmem>>) dst(%dma_wait3A_62 : memref<32x1024xf32, #tpu.memory_space<hbm>>)
      tpu.yield
    }) : () -> ()
    %add3A_35 = arith.constant 32 : i32
    %add3A_36 = arith.addi %add3A_20, %add3A_35 : i32
    "tpu.region"() ({
      %run_scoped3A = tpu.sem_alloc : memref<!tpu.dma_semaphore, #tpu.memory_space<semaphore_mem>>
      %dma_start3A_55 = arith.constant 0 : i32
      %dma_start3A_56 = tpu.memref_slice %arg4[%add3A_36, %dma_start3A_55] : memref<6144x1024xf32, #tpu.memory_space<hbm>> -> memref<32x1024xf32, #tpu.memory_space<hbm>>
      %dma_start3A_57 = arith.constant 0 : i32
      %dma_start3A_58 = tpu.memref_slice %arg4[%add3A_36, %dma_start3A_57] : memref<6144x1024xf32, #tpu.memory_space<hbm>> -> memref<32x1024xf32, #tpu.memory_space<hbm>>
      tpu.enqueue_dma source(%arg8 : memref<32x1024xf32, #tpu.memory_space<vmem>>) target(%dma_start3A_58 : memref<32x1024xf32, #tpu.memory_space<hbm>>) target_semaphore(%run_scoped3A : memref<!tpu.dma_semaphore, #tpu.memory_space<semaphore_mem>>)
      %dma_wait3A_59 = arith.constant 0 : i32
      %dma_wait3A_60 = tpu.memref_slice %arg4[%add3A_36, %dma_wait3A_59] : memref<6144x1024xf32, #tpu.memory_space<hbm>> -> memref<32x1024xf32, #tpu.memory_space<hbm>>
      %dma_wait3A_61 = arith.constant 0 : i32
      %dma_wait3A_62 = tpu.memref_slice %arg4[%add3A_36, %dma_wait3A_61] : memref<6144x1024xf32, #tpu.memory_space<hbm>> -> memref<32x1024xf32, #tpu.memory_space<hbm>>
      tpu.wait_dma2 semaphore(%run_scoped3A : memref<!tpu.dma_semaphore, #tpu.memory_space<semaphore_mem>>) src(%arg8 : memref<32x1024xf32, #tpu.memory_space<vmem>>) dst(%dma_wait3A_62 : memref<32x1024xf32, #tpu.memory_space<hbm>>)
      tpu.yield
    }) : () -> ()
    %add3A_37 = arith.constant 128 : i32
    %add3A_38 = arith.addi %mul3A_2, %add3A_37 : i32
    "tpu.region"() ({
      %run_scoped3A = tpu.sem_alloc : memref<!tpu.dma_semaphore, #tpu.memory_space<semaphore_mem>>
      %dma_start3A_55 = tpu.memref_slice %arg2[%add3A_38] : memref<6144xi32, #tpu.memory_space<hbm>> -> memref<32xi32, #tpu.memory_space<hbm>>
      %dma_start3A_56 = tpu.memref_slice %arg2[%add3A_38] : memref<6144xi32, #tpu.memory_space<hbm>> -> memref<32xi32, #tpu.memory_space<hbm>>
      tpu.enqueue_dma source(%dma_start3A_56 : memref<32xi32, #tpu.memory_space<hbm>>) target(%arg5 : memref<32xi32, #tpu.memory_space<vmem>>) target_semaphore(%run_scoped3A : memref<!tpu.dma_semaphore, #tpu.memory_space<semaphore_mem>>)
      %dma_wait3A_57 = tpu.memref_slice %arg2[%add3A_38] : memref<6144xi32, #tpu.memory_space<hbm>> -> memref<32xi32, #tpu.memory_space<hbm>>
      %dma_wait3A_58 = tpu.memref_slice %arg2[%add3A_38] : memref<6144xi32, #tpu.memory_space<hbm>> -> memref<32xi32, #tpu.memory_space<hbm>>
      tpu.wait_dma2 semaphore(%run_scoped3A : memref<!tpu.dma_semaphore, #tpu.memory_space<semaphore_mem>>) src(%dma_wait3A_58 : memref<32xi32, #tpu.memory_space<hbm>>) dst(%arg5 : memref<32xi32, #tpu.memory_space<vmem>>)
      tpu.yield
    }) : () -> ()
    %add3A_39 = arith.constant 32 : i32
    %add3A_40 = arith.addi %add3A_38, %add3A_39 : i32
    "tpu.region"() ({
      %run_scoped3A = tpu.sem_alloc : memref<!tpu.dma_semaphore, #tpu.memory_space<semaphore_mem>>
      %dma_start3A_55 = tpu.memref_slice %arg2[%add3A_40] : memref<6144xi32, #tpu.memory_space<hbm>> -> memref<32xi32, #tpu.memory_space<hbm>>
      %dma_start3A_56 = tpu.memref_slice %arg2[%add3A_40] : memref<6144xi32, #tpu.memory_space<hbm>> -> memref<32xi32, #tpu.memory_space<hbm>>
      tpu.enqueue_dma source(%dma_start3A_56 : memref<32xi32, #tpu.memory_space<hbm>>) target(%arg6 : memref<32xi32, #tpu.memory_space<vmem>>) target_semaphore(%run_scoped3A : memref<!tpu.dma_semaphore, #tpu.memory_space<semaphore_mem>>)
      %dma_wait3A_57 = tpu.memref_slice %arg2[%add3A_40] : memref<6144xi32, #tpu.memory_space<hbm>> -> memref<32xi32, #tpu.memory_space<hbm>>
      %dma_wait3A_58 = tpu.memref_slice %arg2[%add3A_40] : memref<6144xi32, #tpu.memory_space<hbm>> -> memref<32xi32, #tpu.memory_space<hbm>>
      tpu.wait_dma2 semaphore(%run_scoped3A : memref<!tpu.dma_semaphore, #tpu.memory_space<semaphore_mem>>) src(%dma_wait3A_58 : memref<32xi32, #tpu.memory_space<hbm>>) dst(%arg6 : memref<32xi32, #tpu.memory_space<vmem>>)
      tpu.yield
    }) : () -> ()
    %dma_start3A_41 = arith.constant 0 : i32
    %dma_start3A_42 = arith.constant 0 : i32
    %dma_start3A_43 = tpu.memref_slice %arg3[%dma_start3A_41, %dma_start3A_42] : memref<2048x1024xf32, #tpu.memory_space<hbm>> -> memref<2048x1024xf32, #tpu.memory_space<hbm>>
    tpu.enqueue_indirect_dma source(%dma_start3A_43 : memref<2048x1024xf32, #tpu.memory_space<hbm>>) target(%arg7 : memref<32x1024xf32, #tpu.memory_space<vmem>>) offsets(%arg5 : memref<32xi32, #tpu.memory_space<vmem>>) semaphore(%arg9 : memref<!tpu.dma_semaphore, #tpu.memory_space<semaphore_mem>>)
    %dma_start3A_44 = arith.constant 0 : i32
    %dma_start3A_45 = arith.constant 0 : i32
    %dma_start3A_46 = tpu.memref_slice %arg3[%dma_start3A_44, %dma_start3A_45] : memref<2048x1024xf32, #tpu.memory_space<hbm>> -> memref<2048x1024xf32, #tpu.memory_space<hbm>>
    tpu.enqueue_indirect_dma source(%dma_start3A_46 : memref<2048x1024xf32, #tpu.memory_space<hbm>>) target(%arg8 : memref<32x1024xf32, #tpu.memory_space<vmem>>) offsets(%arg6 : memref<32xi32, #tpu.memory_space<vmem>>) semaphore(%arg10 : memref<!tpu.dma_semaphore, #tpu.memory_space<semaphore_mem>>)
    %dma_wait3A_47 = arith.constant 0 : i32
    %dma_wait3A_48 = arith.constant 0 : i32
    %dma_wait3A_49 = tpu.memref_slice %arg3[%dma_wait3A_47, %dma_wait3A_48] : memref<2048x1024xf32, #tpu.memory_space<hbm>> -> memref<2048x1024xf32, #tpu.memory_space<hbm>>
    tpu.wait_indirect_dma semaphore(%arg9 : memref<!tpu.dma_semaphore, #tpu.memory_space<semaphore_mem>>) src(%dma_wait3A_49 : memref<2048x1024xf32, #tpu.memory_space<hbm>>) dst(%arg7 : memref<32x1024xf32, #tpu.memory_space<vmem>>)
    %dma_wait3A_50 = arith.constant 0 : i32
    %dma_wait3A_51 = arith.constant 0 : i32
    %dma_wait3A_52 = tpu.memref_slice %arg3[%dma_wait3A_50, %dma_wait3A_51] : memref<2048x1024xf32, #tpu.memory_space<hbm>> -> memref<2048x1024xf32, #tpu.memory_space<hbm>>
    tpu.wait_indirect_dma semaphore(%arg10 : memref<!tpu.dma_semaphore, #tpu.memory_space<semaphore_mem>>) src(%dma_wait3A_52 : memref<2048x1024xf32, #tpu.memory_space<hbm>>) dst(%arg8 : memref<32x1024xf32, #tpu.memory_space<vmem>>)
    "tpu.region"() ({
      %run_scoped3A = tpu.sem_alloc : memref<!tpu.dma_semaphore, #tpu.memory_space<semaphore_mem>>
      %dma_start3A_55 = arith.constant 0 : i32
      %dma_start3A_56 = tpu.memref_slice %arg4[%add3A_38, %dma_start3A_55] : memref<6144x1024xf32, #tpu.memory_space<hbm>> -> memref<32x1024xf32, #tpu.memory_space<hbm>>
      %dma_start3A_57 = arith.constant 0 : i32
      %dma_start3A_58 = tpu.memref_slice %arg4[%add3A_38, %dma_start3A_57] : memref<6144x1024xf32, #tpu.memory_space<hbm>> -> memref<32x1024xf32, #tpu.memory_space<hbm>>
      tpu.enqueue_dma source(%arg7 : memref<32x1024xf32, #tpu.memory_space<vmem>>) target(%dma_start3A_58 : memref<32x1024xf32, #tpu.memory_space<hbm>>) target_semaphore(%run_scoped3A : memref<!tpu.dma_semaphore, #tpu.memory_space<semaphore_mem>>)
      %dma_wait3A_59 = arith.constant 0 : i32
      %dma_wait3A_60 = tpu.memref_slice %arg4[%add3A_38, %dma_wait3A_59] : memref<6144x1024xf32, #tpu.memory_space<hbm>> -> memref<32x1024xf32, #tpu.memory_space<hbm>>
      %dma_wait3A_61 = arith.constant 0 : i32
      %dma_wait3A_62 = tpu.memref_slice %arg4[%add3A_38, %dma_wait3A_61] : memref<6144x1024xf32, #tpu.memory_space<hbm>> -> memref<32x1024xf32, #tpu.memory_space<hbm>>
      tpu.wait_dma2 semaphore(%run_scoped3A : memref<!tpu.dma_semaphore, #tpu.memory_space<semaphore_mem>>) src(%arg7 : memref<32x1024xf32, #tpu.memory_space<vmem>>) dst(%dma_wait3A_62 : memref<32x1024xf32, #tpu.memory_space<hbm>>)
      tpu.yield
    }) : () -> ()
    %add3A_53 = arith.constant 32 : i32
    %add3A_54 = arith.addi %add3A_38, %add3A_53 : i32
    "tpu.region"() ({
      %run_scoped3A = tpu.sem_alloc : memref<!tpu.dma_semaphore, #tpu.memory_space<semaphore_mem>>
      %dma_start3A_55 = arith.constant 0 : i32
      %dma_start3A_56 = tpu.memref_slice %arg4[%add3A_54, %dma_start3A_55] : memref<6144x1024xf32, #tpu.memory_space<hbm>> -> memref<32x1024xf32, #tpu.memory_space<hbm>>
      %dma_start3A_57 = arith.constant 0 : i32
      %dma_start3A_58 = tpu.memref_slice %arg4[%add3A_54, %dma_start3A_57] : memref<6144x1024xf32, #tpu.memory_space<hbm>> -> memref<32x1024xf32, #tpu.memory_space<hbm>>
      tpu.enqueue_dma source(%arg8 : memref<32x1024xf32, #tpu.memory_space<vmem>>) target(%dma_start3A_58 : memref<32x1024xf32, #tpu.memory_space<hbm>>) target_semaphore(%run_scoped3A : memref<!tpu.dma_semaphore, #tpu.memory_space<semaphore_mem>>)
      %dma_wait3A_59 = arith.constant 0 : i32
      %dma_wait3A_60 = tpu.memref_slice %arg4[%add3A_54, %dma_wait3A_59] : memref<6144x1024xf32, #tpu.memory_space<hbm>> -> memref<32x1024xf32, #tpu.memory_space<hbm>>
      %dma_wait3A_61 = arith.constant 0 : i32
      %dma_wait3A_62 = tpu.memref_slice %arg4[%add3A_54, %dma_wait3A_61] : memref<6144x1024xf32, #tpu.memory_space<hbm>> -> memref<32x1024xf32, #tpu.memory_space<hbm>>
      tpu.wait_dma2 semaphore(%run_scoped3A : memref<!tpu.dma_semaphore, #tpu.memory_space<semaphore_mem>>) src(%arg8 : memref<32x1024xf32, #tpu.memory_space<vmem>>) dst(%dma_wait3A_62 : memref<32x1024xf32, #tpu.memory_space<hbm>>)
      tpu.yield
    }) : () -> ()
    return
  }
}

module attributes {stable_mosaic.version = 14 : i64} {
  func.func @_grouped_body(%arg0: i32, %arg1: memref<48xi32, #tpu.memory_space<smem>>, %arg2: memref<128x1024xf32, #tpu.memory_space<vmem>>, %arg3: memref<1x512x1024xf32, #tpu.memory_space<vmem>>, %arg4: memref<1x512x1024xf32, #tpu.memory_space<vmem>>, %arg5: memref<1x1024x512xf32, #tpu.memory_space<vmem>>, %arg6: memref<128x1xf32, #tpu.memory_space<vmem>>, %arg7: memref<128x1024xf32, #tpu.memory_space<vmem>>) attributes {dimension_semantics = [#tpu.dimension_semantics<arbitrary>], iteration_bounds = array<i64: 48>, scalar_prefetch = 1 : i64, scratch_operands = 0 : i64, tpu.core_type = #tpu.core_type<tc>, window_params = [{transform_indices = @transform_0, window_bounds = array<i64: 128, 1024>}, {transform_indices = @transform_1, window_bounds = array<i64: 1, 512, 1024>}, {transform_indices = @transform_2, window_bounds = array<i64: 1, 512, 1024>}, {transform_indices = @transform_3, window_bounds = array<i64: 1, 1024, 512>}, {transform_indices = @transform_4, window_bounds = array<i64: 128, 1>}, {transform_indices = @transform_5, window_bounds = array<i64: 128, 1024>}]} {
    %get3A = arith.constant 0 : index
    %get3A_0 = arith.constant 0 : index
    %get3A_1 = vector.load %arg2[%get3A, %get3A_0] : memref<128x1024xf32, #tpu.memory_space<vmem>>, vector<128x1024xf32>
    %get3A_2 = arith.constant 0 : index
    %get3A_3 = arith.constant 0 : index
    %get3A_4 = arith.constant 0 : index
    %get3A_5 = vector.load %arg3[%get3A_2, %get3A_3, %get3A_4] : memref<1x512x1024xf32, #tpu.memory_space<vmem>>, vector<1x512x1024xf32>
    %get3A_6 = vector.shape_cast %get3A_5 : vector<1x512x1024xf32> to vector<512x1024xf32>
    %dot_general3A = arith.constant dense<0.000000e+00> : vector<128x512xf32>
    %dot_general3A_7 = tpu.matmul %get3A_1, %get3A_6, %dot_general3A {dimension_numbers = #tpu.dot_dimension_numbers<[1], [1], [0], [0], [0, 0, 1, 0], [], []>, transpose_lhs_hint = false} : vector<128x1024xf32>, vector<512x1024xf32>, vector<128x512xf32> -> vector<128x512xf32>
    %get3A_8 = arith.constant 0 : index
    %get3A_9 = arith.constant 0 : index
    %get3A_10 = arith.constant 0 : index
    %get3A_11 = vector.load %arg4[%get3A_8, %get3A_9, %get3A_10] : memref<1x512x1024xf32, #tpu.memory_space<vmem>>, vector<1x512x1024xf32>
    %get3A_12 = vector.shape_cast %get3A_11 : vector<1x512x1024xf32> to vector<512x1024xf32>
    %dot_general3A_13 = arith.constant dense<0.000000e+00> : vector<128x512xf32>
    %dot_general3A_14 = tpu.matmul %get3A_1, %get3A_12, %dot_general3A_13 {dimension_numbers = #tpu.dot_dimension_numbers<[1], [1], [0], [0], [0, 0, 1, 0], [], []>, transpose_lhs_hint = false} : vector<128x1024xf32>, vector<512x1024xf32>, vector<128x512xf32> -> vector<128x512xf32>
    %neg3A = arith.constant 0.000000e+00 : f32
    %neg3A_15 = vector.broadcast %neg3A : f32 to vector<128x512xf32>
    %neg3A_16 = arith.subf %neg3A_15, %dot_general3A_7 : vector<128x512xf32>
    %exp3A = math.exp %neg3A_16 : vector<128x512xf32>
    %add3A = arith.constant 1.000000e+00 : f32
    %add3A_17 = vector.broadcast %add3A : f32 to vector<128x512xf32>
    %add3A_18 = arith.addf %add3A_17, %exp3A : vector<128x512xf32>
    %div3A = arith.constant 1.000000e+00 : f32
    %div3A_19 = vector.broadcast %div3A : f32 to vector<128x512xf32>
    %div3A_20 = arith.divf %div3A_19, %add3A_18 : vector<128x512xf32>
    %mul3A = arith.mulf %dot_general3A_7, %div3A_20 : vector<128x512xf32>
    %mul3A_21 = arith.mulf %mul3A, %dot_general3A_14 : vector<128x512xf32>
    %get3A_22 = arith.constant 0 : index
    %get3A_23 = arith.constant 0 : index
    %get3A_24 = arith.constant 0 : index
    %get3A_25 = vector.load %arg5[%get3A_22, %get3A_23, %get3A_24] : memref<1x1024x512xf32, #tpu.memory_space<vmem>>, vector<1x1024x512xf32>
    %get3A_26 = vector.shape_cast %get3A_25 : vector<1x1024x512xf32> to vector<1024x512xf32>
    %dot_general3A_27 = arith.constant dense<0.000000e+00> : vector<128x1024xf32>
    %dot_general3A_28 = tpu.matmul %mul3A_21, %get3A_26, %dot_general3A_27 {dimension_numbers = #tpu.dot_dimension_numbers<[1], [1], [0], [0], [0, 0, 1, 0], [], []>, transpose_lhs_hint = false} : vector<128x512xf32>, vector<1024x512xf32>, vector<128x1024xf32> -> vector<128x1024xf32>
    %get3A_29 = arith.constant 0 : index
    %get3A_30 = arith.constant 0 : index
    %get3A_31 = vector.load %arg6[%get3A_29, %get3A_30] : memref<128x1xf32, #tpu.memory_space<vmem>>, vector<128x1xf32>
    %mul3A_32 = vector.broadcast %get3A_31 : vector<128x1xf32> to vector<128x1024xf32>
    %mul3A_33 = arith.mulf %dot_general3A_28, %mul3A_32 : vector<128x1024xf32>
    %swap3A = arith.constant 0 : index
    %swap3A_34 = arith.constant 0 : index
    %swap3A_35 = vector.load %arg7[%swap3A, %swap3A_34] : memref<128x1024xf32, #tpu.memory_space<vmem>>, vector<128x1024xf32>
    tpu.vector_store %arg7[%swap3A, %swap3A_34], %mul3A_33 {strides = array<i32>} : memref<128x1024xf32, #tpu.memory_space<vmem>>, vector<128x1024xf32>,
    return
  }
  func.func @transform_0(%arg0: i32, %arg1: memref<48xi32, #tpu.memory_space<smem>>) -> (i32, i32) {
    %c0_i32 = arith.constant 0 : i32
    %c0_i32_0 = arith.constant 0 : i32
    return %arg0, %c0_i32 : i32, i32
  }
  func.func @transform_1(%arg0: i32, %arg1: memref<48xi32, #tpu.memory_space<smem>>) -> (i32, i32, i32) {
    %get3A = arith.index_cast %arg0 : i32 to index
    %get3A_0 = memref.load %arg1[%get3A] : memref<48xi32, #tpu.memory_space<smem>>
    %c0_i32 = arith.constant 0 : i32
    %c0_i32_1 = arith.constant 0 : i32
    %c0_i32_2 = arith.constant 0 : i32
    return %get3A_0, %c0_i32, %c0_i32_1 : i32, i32, i32
  }
  func.func @transform_2(%arg0: i32, %arg1: memref<48xi32, #tpu.memory_space<smem>>) -> (i32, i32, i32) {
    %get3A = arith.index_cast %arg0 : i32 to index
    %get3A_0 = memref.load %arg1[%get3A] : memref<48xi32, #tpu.memory_space<smem>>
    %c0_i32 = arith.constant 0 : i32
    %c0_i32_1 = arith.constant 0 : i32
    %c0_i32_2 = arith.constant 0 : i32
    return %get3A_0, %c0_i32, %c0_i32_1 : i32, i32, i32
  }
  func.func @transform_3(%arg0: i32, %arg1: memref<48xi32, #tpu.memory_space<smem>>) -> (i32, i32, i32) {
    %get3A = arith.index_cast %arg0 : i32 to index
    %get3A_0 = memref.load %arg1[%get3A] : memref<48xi32, #tpu.memory_space<smem>>
    %c0_i32 = arith.constant 0 : i32
    %c0_i32_1 = arith.constant 0 : i32
    %c0_i32_2 = arith.constant 0 : i32
    return %get3A_0, %c0_i32, %c0_i32_1 : i32, i32, i32
  }
  func.func @transform_4(%arg0: i32, %arg1: memref<48xi32, #tpu.memory_space<smem>>) -> (i32, i32) {
    %c0_i32 = arith.constant 0 : i32
    %c0_i32_0 = arith.constant 0 : i32
    return %arg0, %c0_i32 : i32, i32
  }
  func.func @transform_5(%arg0: i32, %arg1: memref<48xi32, #tpu.memory_space<smem>>) -> (i32, i32) {
    %c0_i32 = arith.constant 0 : i32
    %c0_i32_0 = arith.constant 0 : i32
    return %arg0, %c0_i32 : i32, i32
  }
}

module attributes {stable_mosaic.version = 14 : i64} {
  func.func @_router_body(%arg0: memref<2048x1024xf32, #tpu.memory_space<vmem>>, %arg1: memref<16x1024xf32, #tpu.memory_space<vmem>>, %arg2: memref<2x2048xi32, #tpu.memory_space<vmem>>, %arg3: memref<2x2048xf32, #tpu.memory_space<vmem>>, %arg4: memref<1x48xi32, #tpu.memory_space<vmem>>) attributes {dimension_semantics = [], scalar_prefetch = 0 : i64, scratch_operands = 0 : i64, tpu.core_type = #tpu.core_type<tc>} {
    %get3A = arith.constant 0 : index
    %get3A_0 = arith.constant 0 : index
    %get3A_1 = vector.load %arg0[%get3A, %get3A_0] : memref<2048x1024xf32, #tpu.memory_space<vmem>>, vector<2048x1024xf32>
    %get3A_2 = arith.constant 0 : index
    %get3A_3 = arith.constant 0 : index
    %get3A_4 = vector.load %arg1[%get3A_2, %get3A_3] : memref<16x1024xf32, #tpu.memory_space<vmem>>, vector<16x1024xf32>
    %dot_general3A = arith.constant dense<0.000000e+00> : vector<16x2048xf32>
    %dot_general3A_5 = tpu.matmul %get3A_4, %get3A_1, %dot_general3A {dimension_numbers = #tpu.dot_dimension_numbers<[1], [1], [0], [0], [0, 0, 1, 0], [], []>, transpose_lhs_hint = false} : vector<16x1024xf32>, vector<2048x1024xf32>, vector<16x2048xf32> -> vector<16x2048xf32>
    %iota3A = tpu.iota {dimensions = array<i32: 0>} : vector<16x2048xi32>
    %reduce_max3A = arith.constant dense<0xFF800000> : vector<2048xf32>
    %reduce_max3A_6 = vector.multi_reduction <maximumf>, %dot_general3A_5, %reduce_max3A [0] : vector<16x2048xf32> to vector<2048xf32>
    %broadcast_in_dim3A = vector.shape_cast %reduce_max3A_6 : vector<2048xf32> to vector<1x2048xf32>
    %eq3A = vector.broadcast %broadcast_in_dim3A : vector<1x2048xf32> to vector<16x2048xf32>
    %eq3A_7 = arith.cmpf oeq, %dot_general3A_5, %eq3A : vector<16x2048xf32>
    %jit3A = arith.constant 16 : i32
    %broadcast_in_dim3A_8 = vector.broadcast %jit3A : i32 to vector<16x2048xi32>
    %select_n3A = arith.select %eq3A_7, %iota3A, %broadcast_in_dim3A_8 : vector<16x2048xi1>, vector<16x2048xi32>
    %reduce_min3A = arith.constant dense<2147483647> : vector<2048xi32>
    %reduce_min3A_9 = vector.multi_reduction <minsi>, %select_n3A, %reduce_min3A [0] : vector<16x2048xi32> to vector<2048xi32>
    %broadcast_in_dim3A_10 = vector.shape_cast %reduce_min3A_9 : vector<2048xi32> to vector<1x2048xi32>
    %eq3A_11 = vector.broadcast %broadcast_in_dim3A_10 : vector<1x2048xi32> to vector<16x2048xi32>
    %eq3A_12 = arith.cmpi eq, %iota3A, %eq3A_11 : vector<16x2048xi32>
    %jit3A_13 = arith.constant 0xFF800000 : f32
    %broadcast_in_dim3A_14 = vector.broadcast %jit3A_13 : f32 to vector<16x2048xf32>
    %select_n3A_15 = arith.select %eq3A_12, %broadcast_in_dim3A_14, %dot_general3A_5 : vector<16x2048xi1>, vector<16x2048xf32>
    %reduce_max3A_16 = arith.constant dense<0xFF800000> : vector<2048xf32>
    %reduce_max3A_17 = vector.multi_reduction <maximumf>, %select_n3A_15, %reduce_max3A_16 [0] : vector<16x2048xf32> to vector<2048xf32>
    %broadcast_in_dim3A_18 = vector.shape_cast %reduce_max3A_17 : vector<2048xf32> to vector<1x2048xf32>
    %eq3A_19 = vector.broadcast %broadcast_in_dim3A_18 : vector<1x2048xf32> to vector<16x2048xf32>
    %eq3A_20 = arith.cmpf oeq, %select_n3A_15, %eq3A_19 : vector<16x2048xf32>
    %jit3A_21 = arith.constant 16 : i32
    %broadcast_in_dim3A_22 = vector.broadcast %jit3A_21 : i32 to vector<16x2048xi32>
    %select_n3A_23 = arith.select %eq3A_20, %iota3A, %broadcast_in_dim3A_22 : vector<16x2048xi1>, vector<16x2048xi32>
    %reduce_min3A_24 = arith.constant dense<2147483647> : vector<2048xi32>
    %reduce_min3A_25 = vector.multi_reduction <minsi>, %select_n3A_23, %reduce_min3A_24 [0] : vector<16x2048xi32> to vector<2048xi32>
    %broadcast_in_dim3A_26 = vector.shape_cast %reduce_min3A_25 : vector<2048xi32> to vector<1x2048xi32>
    %sub3A = arith.subf %broadcast_in_dim3A_18, %broadcast_in_dim3A : vector<1x2048xf32>
    %exp3A = math.exp %sub3A : vector<1x2048xf32>
    %add3A = arith.constant 1.000000e+00 : f32
    %add3A_27 = vector.broadcast %add3A : f32 to vector<1x2048xf32>
    %add3A_28 = arith.addf %add3A_27, %exp3A : vector<1x2048xf32>
    %div3A = arith.constant 1.000000e+00 : f32
    %div3A_29 = vector.broadcast %div3A : f32 to vector<1x2048xf32>
    %div3A_30 = arith.divf %div3A_29, %add3A_28 : vector<1x2048xf32>
    %sub3A_31 = arith.constant 1.000000e+00 : f32
    %sub3A_32 = vector.broadcast %sub3A_31 : f32 to vector<1x2048xf32>
    %sub3A_33 = arith.subf %sub3A_32, %div3A_30 : vector<1x2048xf32>
    %eq3A_34 = vector.broadcast %broadcast_in_dim3A_10 : vector<1x2048xi32> to vector<16x2048xi32>
    %eq3A_35 = arith.cmpi eq, %iota3A, %eq3A_34 : vector<16x2048xi32>
    %eq3A_36 = vector.broadcast %broadcast_in_dim3A_26 : vector<1x2048xi32> to vector<16x2048xi32>
    %eq3A_37 = arith.cmpi eq, %iota3A, %eq3A_36 : vector<16x2048xi32>
    %or3A = arith.ori %eq3A_35, %eq3A_37 : vector<16x2048xi1>
    %convert_element_type3A = arith.extui %or3A : vector<16x2048xi1> to vector<16x2048xi32>
    %convert_element_type3A_38 = arith.sitofp %convert_element_type3A : vector<16x2048xi32> to vector<16x2048xf32>
    %iota3A_39 = tpu.iota {dimensions = array<i32: 0>} : vector<128x128xi32>
    %iota3A_40 = tpu.iota {dimensions = array<i32: 1>} : vector<128x128xi32>
    %le3A = arith.cmpi sle, %iota3A_39, %iota3A_40 : vector<128x128xi32>
    %convert_element_type3A_41 = arith.extui %le3A : vector<128x128xi1> to vector<128x128xi32>
    %convert_element_type3A_42 = arith.sitofp %convert_element_type3A_41 : vector<128x128xi32> to vector<128x128xf32>
    %broadcast_in_dim3A_43 = arith.constant 0.000000e+00 : f32
    %broadcast_in_dim3A_44 = vector.broadcast %broadcast_in_dim3A_43 : f32 to vector<16x1xf32>
    %slice3A = vector.extract_strided_slice %convert_element_type3A_38 {offsets = [0, 0], sizes = [16, 128], strides = [1, 1]} : vector<16x2048xf32> to vector<16x128xf32>
    %dot_general3A_45 = arith.constant dense<0.000000e+00> : vector<16x128xf32>
    %dot_general3A_46 = tpu.matmul %slice3A, %convert_element_type3A_42, %dot_general3A_45 {dimension_numbers = #tpu.dot_dimension_numbers<[1], [0], [0], [1], [0, 0, 1, 1], [], []>, transpose_lhs_hint = false} : vector<16x128xf32>, vector<128x128xf32>, vector<16x128xf32> -> vector<16x128xf32>
    %add3A_47 = vector.broadcast %broadcast_in_dim3A_44 : vector<16x1xf32> to vector<16x128xf32>
    %add3A_48 = arith.addf %dot_general3A_46, %add3A_47 : vector<16x128xf32>
    %slice3A_49 = vector.extract_strided_slice %dot_general3A_46 {offsets = [0, 127], sizes = [16, 1], strides = [1, 1]} : vector<16x128xf32> to vector<16x1xf32>
    %add3A_50 = arith.addf %broadcast_in_dim3A_44, %slice3A_49 : vector<16x1xf32>
    %slice3A_51 = vector.extract_strided_slice %convert_element_type3A_38 {offsets = [0, 128], sizes = [16, 128], strides = [1, 1]} : vector<16x2048xf32> to vector<16x128xf32>
    %dot_general3A_52 = arith.constant dense<0.000000e+00> : vector<16x128xf32>
    %dot_general3A_53 = tpu.matmul %slice3A_51, %convert_element_type3A_42, %dot_general3A_52 {dimension_numbers = #tpu.dot_dimension_numbers<[1], [0], [0], [1], [0, 0, 1, 1], [], []>, transpose_lhs_hint = false} : vector<16x128xf32>, vector<128x128xf32>, vector<16x128xf32> -> vector<16x128xf32>
    %add3A_54 = vector.broadcast %add3A_50 : vector<16x1xf32> to vector<16x128xf32>
    %add3A_55 = arith.addf %dot_general3A_53, %add3A_54 : vector<16x128xf32>
    %slice3A_56 = vector.extract_strided_slice %dot_general3A_53 {offsets = [0, 127], sizes = [16, 1], strides = [1, 1]} : vector<16x128xf32> to vector<16x1xf32>
    %add3A_57 = arith.addf %add3A_50, %slice3A_56 : vector<16x1xf32>
    %slice3A_58 = vector.extract_strided_slice %convert_element_type3A_38 {offsets = [0, 256], sizes = [16, 128], strides = [1, 1]} : vector<16x2048xf32> to vector<16x128xf32>
    %dot_general3A_59 = arith.constant dense<0.000000e+00> : vector<16x128xf32>
    %dot_general3A_60 = tpu.matmul %slice3A_58, %convert_element_type3A_42, %dot_general3A_59 {dimension_numbers = #tpu.dot_dimension_numbers<[1], [0], [0], [1], [0, 0, 1, 1], [], []>, transpose_lhs_hint = false} : vector<16x128xf32>, vector<128x128xf32>, vector<16x128xf32> -> vector<16x128xf32>
    %add3A_61 = vector.broadcast %add3A_57 : vector<16x1xf32> to vector<16x128xf32>
    %add3A_62 = arith.addf %dot_general3A_60, %add3A_61 : vector<16x128xf32>
    %slice3A_63 = vector.extract_strided_slice %dot_general3A_60 {offsets = [0, 127], sizes = [16, 1], strides = [1, 1]} : vector<16x128xf32> to vector<16x1xf32>
    %add3A_64 = arith.addf %add3A_57, %slice3A_63 : vector<16x1xf32>
    %slice3A_65 = vector.extract_strided_slice %convert_element_type3A_38 {offsets = [0, 384], sizes = [16, 128], strides = [1, 1]} : vector<16x2048xf32> to vector<16x128xf32>
    %dot_general3A_66 = arith.constant dense<0.000000e+00> : vector<16x128xf32>
    %dot_general3A_67 = tpu.matmul %slice3A_65, %convert_element_type3A_42, %dot_general3A_66 {dimension_numbers = #tpu.dot_dimension_numbers<[1], [0], [0], [1], [0, 0, 1, 1], [], []>, transpose_lhs_hint = false} : vector<16x128xf32>, vector<128x128xf32>, vector<16x128xf32> -> vector<16x128xf32>
    %add3A_68 = vector.broadcast %add3A_64 : vector<16x1xf32> to vector<16x128xf32>
    %add3A_69 = arith.addf %dot_general3A_67, %add3A_68 : vector<16x128xf32>
    %slice3A_70 = vector.extract_strided_slice %dot_general3A_67 {offsets = [0, 127], sizes = [16, 1], strides = [1, 1]} : vector<16x128xf32> to vector<16x1xf32>
    %add3A_71 = arith.addf %add3A_64, %slice3A_70 : vector<16x1xf32>
    %slice3A_72 = vector.extract_strided_slice %convert_element_type3A_38 {offsets = [0, 512], sizes = [16, 128], strides = [1, 1]} : vector<16x2048xf32> to vector<16x128xf32>
    %dot_general3A_73 = arith.constant dense<0.000000e+00> : vector<16x128xf32>
    %dot_general3A_74 = tpu.matmul %slice3A_72, %convert_element_type3A_42, %dot_general3A_73 {dimension_numbers = #tpu.dot_dimension_numbers<[1], [0], [0], [1], [0, 0, 1, 1], [], []>, transpose_lhs_hint = false} : vector<16x128xf32>, vector<128x128xf32>, vector<16x128xf32> -> vector<16x128xf32>
    %add3A_75 = vector.broadcast %add3A_71 : vector<16x1xf32> to vector<16x128xf32>
    %add3A_76 = arith.addf %dot_general3A_74, %add3A_75 : vector<16x128xf32>
    %slice3A_77 = vector.extract_strided_slice %dot_general3A_74 {offsets = [0, 127], sizes = [16, 1], strides = [1, 1]} : vector<16x128xf32> to vector<16x1xf32>
    %add3A_78 = arith.addf %add3A_71, %slice3A_77 : vector<16x1xf32>
    %slice3A_79 = vector.extract_strided_slice %convert_element_type3A_38 {offsets = [0, 640], sizes = [16, 128], strides = [1, 1]} : vector<16x2048xf32> to vector<16x128xf32>
    %dot_general3A_80 = arith.constant dense<0.000000e+00> : vector<16x128xf32>
    %dot_general3A_81 = tpu.matmul %slice3A_79, %convert_element_type3A_42, %dot_general3A_80 {dimension_numbers = #tpu.dot_dimension_numbers<[1], [0], [0], [1], [0, 0, 1, 1], [], []>, transpose_lhs_hint = false} : vector<16x128xf32>, vector<128x128xf32>, vector<16x128xf32> -> vector<16x128xf32>
    %add3A_82 = vector.broadcast %add3A_78 : vector<16x1xf32> to vector<16x128xf32>
    %add3A_83 = arith.addf %dot_general3A_81, %add3A_82 : vector<16x128xf32>
    %slice3A_84 = vector.extract_strided_slice %dot_general3A_81 {offsets = [0, 127], sizes = [16, 1], strides = [1, 1]} : vector<16x128xf32> to vector<16x1xf32>
    %add3A_85 = arith.addf %add3A_78, %slice3A_84 : vector<16x1xf32>
    %slice3A_86 = vector.extract_strided_slice %convert_element_type3A_38 {offsets = [0, 768], sizes = [16, 128], strides = [1, 1]} : vector<16x2048xf32> to vector<16x128xf32>
    %dot_general3A_87 = arith.constant dense<0.000000e+00> : vector<16x128xf32>
    %dot_general3A_88 = tpu.matmul %slice3A_86, %convert_element_type3A_42, %dot_general3A_87 {dimension_numbers = #tpu.dot_dimension_numbers<[1], [0], [0], [1], [0, 0, 1, 1], [], []>, transpose_lhs_hint = false} : vector<16x128xf32>, vector<128x128xf32>, vector<16x128xf32> -> vector<16x128xf32>
    %add3A_89 = vector.broadcast %add3A_85 : vector<16x1xf32> to vector<16x128xf32>
    %add3A_90 = arith.addf %dot_general3A_88, %add3A_89 : vector<16x128xf32>
    %slice3A_91 = vector.extract_strided_slice %dot_general3A_88 {offsets = [0, 127], sizes = [16, 1], strides = [1, 1]} : vector<16x128xf32> to vector<16x1xf32>
    %add3A_92 = arith.addf %add3A_85, %slice3A_91 : vector<16x1xf32>
    %slice3A_93 = vector.extract_strided_slice %convert_element_type3A_38 {offsets = [0, 896], sizes = [16, 128], strides = [1, 1]} : vector<16x2048xf32> to vector<16x128xf32>
    %dot_general3A_94 = arith.constant dense<0.000000e+00> : vector<16x128xf32>
    %dot_general3A_95 = tpu.matmul %slice3A_93, %convert_element_type3A_42, %dot_general3A_94 {dimension_numbers = #tpu.dot_dimension_numbers<[1], [0], [0], [1], [0, 0, 1, 1], [], []>, transpose_lhs_hint = false} : vector<16x128xf32>, vector<128x128xf32>, vector<16x128xf32> -> vector<16x128xf32>
    %add3A_96 = vector.broadcast %add3A_92 : vector<16x1xf32> to vector<16x128xf32>
    %add3A_97 = arith.addf %dot_general3A_95, %add3A_96 : vector<16x128xf32>
    %slice3A_98 = vector.extract_strided_slice %dot_general3A_95 {offsets = [0, 127], sizes = [16, 1], strides = [1, 1]} : vector<16x128xf32> to vector<16x1xf32>
    %add3A_99 = arith.addf %add3A_92, %slice3A_98 : vector<16x1xf32>
    %slice3A_100 = vector.extract_strided_slice %convert_element_type3A_38 {offsets = [0, 1024], sizes = [16, 128], strides = [1, 1]} : vector<16x2048xf32> to vector<16x128xf32>
    %dot_general3A_101 = arith.constant dense<0.000000e+00> : vector<16x128xf32>
    %dot_general3A_102 = tpu.matmul %slice3A_100, %convert_element_type3A_42, %dot_general3A_101 {dimension_numbers = #tpu.dot_dimension_numbers<[1], [0], [0], [1], [0, 0, 1, 1], [], []>, transpose_lhs_hint = false} : vector<16x128xf32>, vector<128x128xf32>, vector<16x128xf32> -> vector<16x128xf32>
    %add3A_103 = vector.broadcast %add3A_99 : vector<16x1xf32> to vector<16x128xf32>
    %add3A_104 = arith.addf %dot_general3A_102, %add3A_103 : vector<16x128xf32>
    %slice3A_105 = vector.extract_strided_slice %dot_general3A_102 {offsets = [0, 127], sizes = [16, 1], strides = [1, 1]} : vector<16x128xf32> to vector<16x1xf32>
    %add3A_106 = arith.addf %add3A_99, %slice3A_105 : vector<16x1xf32>
    %slice3A_107 = vector.extract_strided_slice %convert_element_type3A_38 {offsets = [0, 1152], sizes = [16, 128], strides = [1, 1]} : vector<16x2048xf32> to vector<16x128xf32>
    %dot_general3A_108 = arith.constant dense<0.000000e+00> : vector<16x128xf32>
    %dot_general3A_109 = tpu.matmul %slice3A_107, %convert_element_type3A_42, %dot_general3A_108 {dimension_numbers = #tpu.dot_dimension_numbers<[1], [0], [0], [1], [0, 0, 1, 1], [], []>, transpose_lhs_hint = false} : vector<16x128xf32>, vector<128x128xf32>, vector<16x128xf32> -> vector<16x128xf32>
    %add3A_110 = vector.broadcast %add3A_106 : vector<16x1xf32> to vector<16x128xf32>
    %add3A_111 = arith.addf %dot_general3A_109, %add3A_110 : vector<16x128xf32>
    %slice3A_112 = vector.extract_strided_slice %dot_general3A_109 {offsets = [0, 127], sizes = [16, 1], strides = [1, 1]} : vector<16x128xf32> to vector<16x1xf32>
    %add3A_113 = arith.addf %add3A_106, %slice3A_112 : vector<16x1xf32>
    %slice3A_114 = vector.extract_strided_slice %convert_element_type3A_38 {offsets = [0, 1280], sizes = [16, 128], strides = [1, 1]} : vector<16x2048xf32> to vector<16x128xf32>
    %dot_general3A_115 = arith.constant dense<0.000000e+00> : vector<16x128xf32>
    %dot_general3A_116 = tpu.matmul %slice3A_114, %convert_element_type3A_42, %dot_general3A_115 {dimension_numbers = #tpu.dot_dimension_numbers<[1], [0], [0], [1], [0, 0, 1, 1], [], []>, transpose_lhs_hint = false} : vector<16x128xf32>, vector<128x128xf32>, vector<16x128xf32> -> vector<16x128xf32>
    %add3A_117 = vector.broadcast %add3A_113 : vector<16x1xf32> to vector<16x128xf32>
    %add3A_118 = arith.addf %dot_general3A_116, %add3A_117 : vector<16x128xf32>
    %slice3A_119 = vector.extract_strided_slice %dot_general3A_116 {offsets = [0, 127], sizes = [16, 1], strides = [1, 1]} : vector<16x128xf32> to vector<16x1xf32>
    %add3A_120 = arith.addf %add3A_113, %slice3A_119 : vector<16x1xf32>
    %slice3A_121 = vector.extract_strided_slice %convert_element_type3A_38 {offsets = [0, 1408], sizes = [16, 128], strides = [1, 1]} : vector<16x2048xf32> to vector<16x128xf32>
    %dot_general3A_122 = arith.constant dense<0.000000e+00> : vector<16x128xf32>
    %dot_general3A_123 = tpu.matmul %slice3A_121, %convert_element_type3A_42, %dot_general3A_122 {dimension_numbers = #tpu.dot_dimension_numbers<[1], [0], [0], [1], [0, 0, 1, 1], [], []>, transpose_lhs_hint = false} : vector<16x128xf32>, vector<128x128xf32>, vector<16x128xf32> -> vector<16x128xf32>
    %add3A_124 = vector.broadcast %add3A_120 : vector<16x1xf32> to vector<16x128xf32>
    %add3A_125 = arith.addf %dot_general3A_123, %add3A_124 : vector<16x128xf32>
    %slice3A_126 = vector.extract_strided_slice %dot_general3A_123 {offsets = [0, 127], sizes = [16, 1], strides = [1, 1]} : vector<16x128xf32> to vector<16x1xf32>
    %add3A_127 = arith.addf %add3A_120, %slice3A_126 : vector<16x1xf32>
    %slice3A_128 = vector.extract_strided_slice %convert_element_type3A_38 {offsets = [0, 1536], sizes = [16, 128], strides = [1, 1]} : vector<16x2048xf32> to vector<16x128xf32>
    %dot_general3A_129 = arith.constant dense<0.000000e+00> : vector<16x128xf32>
    %dot_general3A_130 = tpu.matmul %slice3A_128, %convert_element_type3A_42, %dot_general3A_129 {dimension_numbers = #tpu.dot_dimension_numbers<[1], [0], [0], [1], [0, 0, 1, 1], [], []>, transpose_lhs_hint = false} : vector<16x128xf32>, vector<128x128xf32>, vector<16x128xf32> -> vector<16x128xf32>
    %add3A_131 = vector.broadcast %add3A_127 : vector<16x1xf32> to vector<16x128xf32>
    %add3A_132 = arith.addf %dot_general3A_130, %add3A_131 : vector<16x128xf32>
    %slice3A_133 = vector.extract_strided_slice %dot_general3A_130 {offsets = [0, 127], sizes = [16, 1], strides = [1, 1]} : vector<16x128xf32> to vector<16x1xf32>
    %add3A_134 = arith.addf %add3A_127, %slice3A_133 : vector<16x1xf32>
    %slice3A_135 = vector.extract_strided_slice %convert_element_type3A_38 {offsets = [0, 1664], sizes = [16, 128], strides = [1, 1]} : vector<16x2048xf32> to vector<16x128xf32>
    %dot_general3A_136 = arith.constant dense<0.000000e+00> : vector<16x128xf32>
    %dot_general3A_137 = tpu.matmul %slice3A_135, %convert_element_type3A_42, %dot_general3A_136 {dimension_numbers = #tpu.dot_dimension_numbers<[1], [0], [0], [1], [0, 0, 1, 1], [], []>, transpose_lhs_hint = false} : vector<16x128xf32>, vector<128x128xf32>, vector<16x128xf32> -> vector<16x128xf32>
    %add3A_138 = vector.broadcast %add3A_134 : vector<16x1xf32> to vector<16x128xf32>
    %add3A_139 = arith.addf %dot_general3A_137, %add3A_138 : vector<16x128xf32>
    %slice3A_140 = vector.extract_strided_slice %dot_general3A_137 {offsets = [0, 127], sizes = [16, 1], strides = [1, 1]} : vector<16x128xf32> to vector<16x1xf32>
    %add3A_141 = arith.addf %add3A_134, %slice3A_140 : vector<16x1xf32>
    %slice3A_142 = vector.extract_strided_slice %convert_element_type3A_38 {offsets = [0, 1792], sizes = [16, 128], strides = [1, 1]} : vector<16x2048xf32> to vector<16x128xf32>
    %dot_general3A_143 = arith.constant dense<0.000000e+00> : vector<16x128xf32>
    %dot_general3A_144 = tpu.matmul %slice3A_142, %convert_element_type3A_42, %dot_general3A_143 {dimension_numbers = #tpu.dot_dimension_numbers<[1], [0], [0], [1], [0, 0, 1, 1], [], []>, transpose_lhs_hint = false} : vector<16x128xf32>, vector<128x128xf32>, vector<16x128xf32> -> vector<16x128xf32>
    %add3A_145 = vector.broadcast %add3A_141 : vector<16x1xf32> to vector<16x128xf32>
    %add3A_146 = arith.addf %dot_general3A_144, %add3A_145 : vector<16x128xf32>
    %slice3A_147 = vector.extract_strided_slice %dot_general3A_144 {offsets = [0, 127], sizes = [16, 1], strides = [1, 1]} : vector<16x128xf32> to vector<16x1xf32>
    %add3A_148 = arith.addf %add3A_141, %slice3A_147 : vector<16x1xf32>
    %slice3A_149 = vector.extract_strided_slice %convert_element_type3A_38 {offsets = [0, 1920], sizes = [16, 128], strides = [1, 1]} : vector<16x2048xf32> to vector<16x128xf32>
    %dot_general3A_150 = arith.constant dense<0.000000e+00> : vector<16x128xf32>
    %dot_general3A_151 = tpu.matmul %slice3A_149, %convert_element_type3A_42, %dot_general3A_150 {dimension_numbers = #tpu.dot_dimension_numbers<[1], [0], [0], [1], [0, 0, 1, 1], [], []>, transpose_lhs_hint = false} : vector<16x128xf32>, vector<128x128xf32>, vector<16x128xf32> -> vector<16x128xf32>
    %add3A_152 = vector.broadcast %add3A_148 : vector<16x1xf32> to vector<16x128xf32>
    %add3A_153 = arith.addf %dot_general3A_151, %add3A_152 : vector<16x128xf32>
    %concatenate3A = tpu.concatenate %add3A_48, %add3A_55, %add3A_62, %add3A_69, %add3A_76, %add3A_83, %add3A_90, %add3A_97, %add3A_104, %add3A_111, %add3A_118, %add3A_125, %add3A_132, %add3A_139, %add3A_146, %add3A_153 in 1 : vector<16x128xf32>, vector<16x128xf32>, vector<16x128xf32>, vector<16x128xf32>, vector<16x128xf32>, vector<16x128xf32>, vector<16x128xf32>, vector<16x128xf32>, vector<16x128xf32>, vector<16x128xf32>, vector<16x128xf32>, vector<16x128xf32>, vector<16x128xf32>, vector<16x128xf32>, vector<16x128xf32>, vector<16x128xf32> -> vector<16x2048xf32>
    %slice3A_154 = vector.extract_strided_slice %concatenate3A {offsets = [0, 2047], sizes = [16, 1], strides = [1, 1]} : vector<16x2048xf32> to vector<16x1xf32>
    %mul3A = arith.constant 7.812500e-03 : f32
    %mul3A_155 = vector.broadcast %mul3A : f32 to vector<16x1xf32>
    %mul3A_156 = arith.mulf %slice3A_154, %mul3A_155 : vector<16x1xf32>
    %ceil3A = math.ceil %mul3A_156 : vector<16x1xf32>
    %mul3A_157 = arith.constant 1.280000e+02 : f32
    %mul3A_158 = vector.broadcast %mul3A_157 : f32 to vector<16x1xf32>
    %mul3A_159 = arith.mulf %ceil3A, %mul3A_158 : vector<16x1xf32>
    %iota3A_160 = tpu.iota {dimensions = array<i32: 1>} : vector<16x16xi32>
    %iota3A_161 = tpu.iota {dimensions = array<i32: 0>} : vector<16x16xi32>
    %lt3A = arith.cmpi slt, %iota3A_160, %iota3A_161 : vector<16x16xi32>
    %convert_element_type3A_162 = arith.extui %lt3A : vector<16x16xi1> to vector<16x16xi32>
    %convert_element_type3A_163 = arith.sitofp %convert_element_type3A_162 : vector<16x16xi32> to vector<16x16xf32>
    %dot_general3A_164 = arith.constant dense<0.000000e+00> : vector<16x1xf32>
    %dot_general3A_165 = tpu.matmul %convert_element_type3A_163, %mul3A_159, %dot_general3A_164 {dimension_numbers = #tpu.dot_dimension_numbers<[1], [0], [0], [1], [0, 0, 1, 1], [], []>, transpose_lhs_hint = false} : vector<16x16xf32>, vector<16x1xf32>, vector<16x1xf32> -> vector<16x1xf32>
    %add3A_166 = vector.broadcast %dot_general3A_165 : vector<16x1xf32> to vector<16x2048xf32>
    %add3A_167 = arith.addf %add3A_166, %concatenate3A : vector<16x2048xf32>
    %sub3A_168 = arith.constant 1.000000e+00 : f32
    %sub3A_169 = vector.broadcast %sub3A_168 : f32 to vector<16x2048xf32>
    %sub3A_170 = arith.subf %add3A_167, %sub3A_169 : vector<16x2048xf32>
    %eq3A_171 = vector.broadcast %broadcast_in_dim3A_10 : vector<1x2048xi32> to vector<16x2048xi32>
    %eq3A_172 = arith.cmpi eq, %iota3A, %eq3A_171 : vector<16x2048xi32>
    %convert_element_type3A_173 = arith.extui %eq3A_172 : vector<16x2048xi1> to vector<16x2048xi32>
    %convert_element_type3A_174 = arith.sitofp %convert_element_type3A_173 : vector<16x2048xi32> to vector<16x2048xf32>
    %eq3A_175 = vector.broadcast %broadcast_in_dim3A_26 : vector<1x2048xi32> to vector<16x2048xi32>
    %eq3A_176 = arith.cmpi eq, %iota3A, %eq3A_175 : vector<16x2048xi32>
    %convert_element_type3A_177 = arith.extui %eq3A_176 : vector<16x2048xi1> to vector<16x2048xi32>
    %convert_element_type3A_178 = arith.sitofp %convert_element_type3A_177 : vector<16x2048xi32> to vector<16x2048xf32>
    %mul3A_179 = arith.mulf %convert_element_type3A_174, %sub3A_170 : vector<16x2048xf32>
    %reduce_sum3A = arith.constant dense<0.000000e+00> : vector<2048xf32>
    %reduce_sum3A_180 = vector.multi_reduction <add>, %mul3A_179, %reduce_sum3A [0] : vector<16x2048xf32> to vector<2048xf32>
    %broadcast_in_dim3A_181 = vector.shape_cast %reduce_sum3A_180 : vector<2048xf32> to vector<1x2048xf32>
    %mul3A_182 = arith.mulf %convert_element_type3A_178, %sub3A_170 : vector<16x2048xf32>
    %reduce_sum3A_183 = arith.constant dense<0.000000e+00> : vector<2048xf32>
    %reduce_sum3A_184 = vector.multi_reduction <add>, %mul3A_182, %reduce_sum3A_183 [0] : vector<16x2048xf32> to vector<2048xf32>
    %broadcast_in_dim3A_185 = vector.shape_cast %reduce_sum3A_184 : vector<2048xf32> to vector<1x2048xf32>
    %concatenate3A_186 = tpu.concatenate %broadcast_in_dim3A_181, %broadcast_in_dim3A_185 in 0 : vector<1x2048xf32>, vector<1x2048xf32> -> vector<2x2048xf32>
    %convert_element_type3A_187 = arith.fptosi %concatenate3A_186 : vector<2x2048xf32> to vector<2x2048xi32>
    %swap3A = arith.constant 0 : index
    %swap3A_188 = arith.constant 0 : index
    %swap3A_189 = vector.load %arg2[%swap3A, %swap3A_188] : memref<2x2048xi32, #tpu.memory_space<vmem>>, vector<2x2048xi32>
    tpu.vector_store %arg2[%swap3A, %swap3A_188], %convert_element_type3A_187 {strides = array<i32>} : memref<2x2048xi32, #tpu.memory_space<vmem>>, vector<2x2048xi32>,
    %concatenate3A_190 = tpu.concatenate %div3A_30, %sub3A_33 in 0 : vector<1x2048xf32>, vector<1x2048xf32> -> vector<2x2048xf32>
    %swap3A_191 = arith.constant 0 : index
    %swap3A_192 = arith.constant 0 : index
    %swap3A_193 = vector.load %arg3[%swap3A_191, %swap3A_192] : memref<2x2048xf32, #tpu.memory_space<vmem>>, vector<2x2048xf32>
    tpu.vector_store %arg3[%swap3A_191, %swap3A_192], %concatenate3A_190 {strides = array<i32>} : memref<2x2048xf32, #tpu.memory_space<vmem>>, vector<2x2048xf32>,
    %add3A_194 = arith.addf %dot_general3A_165, %mul3A_159 : vector<16x1xf32>
    %iota3A_195 = tpu.iota {dimensions = array<i32: 1>} : vector<16x48xi32>
    %mul3A_196 = arith.constant 128 : i32
    %mul3A_197 = vector.broadcast %mul3A_196 : i32 to vector<16x48xi32>
    %mul3A_198 = arith.muli %iota3A_195, %mul3A_197 : vector<16x48xi32>
    %convert_element_type3A_199 = arith.sitofp %mul3A_198 : vector<16x48xi32> to vector<16x48xf32>
    %le3A_200 = vector.broadcast %add3A_194 : vector<16x1xf32> to vector<16x48xf32>
    %le3A_201 = arith.cmpf ole, %le3A_200, %convert_element_type3A_199 : vector<16x48xf32>
    %convert_element_type3A_202 = arith.extui %le3A_201 : vector<16x48xi1> to vector<16x48xi32>
    %convert_element_type3A_203 = arith.sitofp %convert_element_type3A_202 : vector<16x48xi32> to vector<16x48xf32>
    %reduce_sum3A_204 = arith.constant dense<0.000000e+00> : vector<48xf32>
    %reduce_sum3A_205 = vector.multi_reduction <add>, %convert_element_type3A_203, %reduce_sum3A_204 [0] : vector<16x48xf32> to vector<48xf32>
    %broadcast_in_dim3A_206 = vector.shape_cast %reduce_sum3A_205 : vector<48xf32> to vector<1x48xf32>
    %min3A = arith.constant 1.500000e+01 : f32
    %min3A_207 = vector.broadcast %min3A : f32 to vector<1x48xf32>
    %min3A_208 = arith.minimumf %broadcast_in_dim3A_206, %min3A_207 : vector<1x48xf32>
    %convert_element_type3A_209 = arith.fptosi %min3A_208 : vector<1x48xf32> to vector<1x48xi32>
    %swap3A_210 = arith.constant 0 : index
    %swap3A_211 = arith.constant 0 : index
    %swap3A_212 = vector.load %arg4[%swap3A_210, %swap3A_211] : memref<1x48xi32, #tpu.memory_space<vmem>>, vector<1x48xi32>
    tpu.vector_store %arg4[%swap3A_210, %swap3A_211], %convert_element_type3A_209 {strides = array<i32>} : memref<1x48xi32, #tpu.memory_space<vmem>>, vector<1x48xi32>,
    return
  }
}

</mosaic_0001>

<sc_bundles>
// kernel: kernel.10.cloned.1.call-start
scs
__scs_entry_jumppad:
0x0: {  	(pc) =	sbr.rel $0x88, $3  }
0x1: {  	(tag) =	ssettag $0x0;
	lr =	simm.s32 $0x1  }
0x2: {  	[smem:$0x3F9C] =	sst lr;
	_ =	strace $0xD0000000  }
0x3: {  	_ = 	snop  }
0x4: {  	_ = 	snop  }
0x5: {  	_ = 	snop  }
0x6: {  	_ = 	snop  }
0x7: {  	_ = 	snop  }
__scs_overlays_trampoline_lowered:
0x8: {  	[smem:$0x3FAB] =	sst s0  }
0x9: {  	[smem:$0x3FAC] =	sst s1  }
0xa: {  	[smem:$0x3FAD] =	sst s2  }
0xb: {  	[smem:$0x3FAE] =	sst s3  }
0xc: {  	[smem:$0x3FAF] =	sst s4  }
0xd: {  	[smem:$0x3FB0] =	sst s5  }
0xe: {  	[smem:$0x3FB1] =	sst s6  }
0xf: {  	[smem:$0x3FB2] =	sst s7  }
0x10: {  	[smem:$0x3FB3] =	sst s8  }
0x11: {  	[smem:$0x3FB4] =	sst s9;
	s0 =	simm.s32 @!p0 $0x0  }
0x12: {  	s1 =	sld [smem:$0x3F9A];
	s0 =	simm.s32 @p0 $0x1  }
0x13: {  	[smem:$0x3FB5] =	sst s0;
	s0 =	simm.s32 @!p1 $0x0  }
0x14: {  	s2 =	sld [smem:$0x3F99];
	s0 =	simm.s32 @p1 $0x1  }
0x15: {  	[smem:$0x3FB6] =	sst s0;
	s0 =	simm.s32 @!p2 $0x0  }
0x16: {  	s3 =	sld [smem:$0x3FDB];
	s0 =	simm.s32 @p2 $0x1  }
0x17: {  	s4 =	simm.s32 $0x1BF5;
	[smem:$0x3FB8] =	sst s0  }
0x18: {  	s0 =	sld [smem:$0x3F9B];
	_ =	swait.ge [sflag:s4], $0x0  }
0x19: {  	s7 =	sld [smem:$0x3F9C]  }
0x1a: {  	s8 =	sadd.s32 $0xFFFFE003, lr  }
0x1b: {  	s9 =	sadd.s32 $0xFFFFFEF7, lr;
	s5 =	simm.s32 $0xFFFFFFFF;
	p2 =	slt.u32 s8, $0xFFFFF086  }
0x1c: {  	p1 =	slt.u32 s9, $0xF7A;
	s5 =	simm.s32 @!p2 $0x0  }
0x1d: {  	s5 =	simm.s32 @p1 $0x1;
	p0 =	seq.s32 s7, s2  }
0x1e: {  	s7 =	smul.u32 @!p0 $0xF7A, s2;
	p2 =	seq.s32 @!p0 s5, $0x0  }
0x1f: {  	s9 =	smul.u32 $0xF7A, s1;
	s8 =	simm.s32 @!p0 $0x1BF5;
	p2 =	por !p2, p0  }
0x20: {  	[sflag:s8] =	ssyncset.s32 @!p0 $0xFFFFF086;
	s6 =	sadd.s32 @!p0 s3, s7;
	s7 =	simm.s32 @!p0 $0x108  }
0x21: {  	s3 =	sadd.s32 s3, s9;
	s6 =	sadd.s32 @!p0 $0x88, s6;
	s7 =	simm.s32 @p2 $0x1082  }
0x22: {  	[simem:s7], [sflag:s8] =	dma.local @!p0 [hbm:s6], $0xF7A  }
0x23: {  	s9 =	sor.u32 $0xD0000000, s2;
	s6 =	simm.s32 $0x108;
	_ =	swait.ge @!p0 [sflag:s8], $0x0  }
0x24: {  	s3 =	sadd.s32 $0x88, s3;
	s6 =	simm.s32 @!p1 $0x1082;
	[sflag:s4] =	ssyncset.s32 $0xFFFFF086  }
0x25: {  	[simem:s6], [sflag:s4] =	dma.local [hbm:s3], $0xF7A  }
0x26: {  	[smem:$0x3F9C] =	sst s1;
	(tag) =	ssettag s2;
	_ =	strace s9  }
0x27: {  	s1 =	sld [smem:$0x3FAC]  }
0x28: {  	s2 =	sld [smem:$0x3FAD]  }
0x29: {  	s4 =	sld [smem:$0x3FAF]  }
0x2a: {  	p0 =	seq.s32 s5, $0x0;
	s5 =	sld [smem:$0x3FB0]  }
0x2b: {  	s6 =	sld [smem:$0x3FB1]  }
0x2c: {  	s7 =	sld [smem:$0x3FB2]  }
0x2d: {  	s3 =	simm.s32 $0x108;
	s8 =	sld [smem:$0x3FB3]  }
0x2e: {  	s3 =	simm.s32 @!p0 $0x1082;
	s9 =	sld [smem:$0x3FB4]  }
0x2f: {  	lr =	sadd.s32 s0, s3;
	s0 =	sld [smem:$0x3FAB]  }
0x30: {  	s3 =	sld [smem:$0x3FAE]  }
0x31: {  	[smem:$0x3FB7] =	sst s10  }
0x32: {  	s10 =	sld [smem:$0x3FB5];
	_ =	sdelay $0x3  }
0x33: {  	p0 =	seq.s32 s10, $0x1;
	s10 =	sld [smem:$0x3FB7];
	_ =	sdelay $0x3  }
0x34: {  	[smem:$0x3FB7] =	sst s10  }
0x35: {  	s10 =	sld [smem:$0x3FB6];
	_ =	sdelay $0x3  }
0x36: {  	p1 =	seq.s32 s10, $0x1;
	s10 =	sld [smem:$0x3FB7];
	_ =	sdelay $0x3  }
0x37: {  	[smem:$0x3FB7] =	sst s10  }
0x38: {  	s10 =	sld [smem:$0x3FB8]  }
0x39: {  	_ = 	snop;
	(pc) =	sbr.ind lr, $3  }
0x3a: {  	_ = 	snop  }
0x3b: {  	_ = 	snop  }
0x3c: {  	p2 =	seq.s32 s10, $0x1;
	s10 =	sld [smem:$0x3FB7]  }
0x3d: {  	_ =	shalt  }
0x3e: {  	_ =	shalt  }
0x3f: {  	_ =	shalt  }
0x40: {  	_ =	shalt  }
0x41: {  	_ =	shalt  }
0x42: {  	_ =	shalt  }
0x43: {  	_ =	shalt  }
0x44: {  	_ =	shalt  }
0x45: {  	_ =	shalt  }
0x46: {  	_ =	shalt  }
0x47: {  	_ =	shalt  }
0x48: {  	_ =	shalt  }
0x49: {  	_ =	shalt  }
0x4a: {  	_ =	shalt  }
0x4b: {  	_ =	shalt  }
0x4c: {  	_ =	shalt  }
0x4d: {  	_ =	shalt  }
0x4e: {  	_ =	shalt  }
0x4f: {  	_ =	shalt  }
0x50: {  	_ =	shalt  }
0x51: {  	_ =	shalt  }
0x52: {  	_ =	shalt  }
0x53: {  	_ =	shalt  }
0x54: {  	_ =	shalt  }
0x55: {  	_ =	shalt  }
0x56: {  	_ =	shalt  }
0x57: {  	_ =	shalt  }
0x58: {  	_ =	shalt  }
0x59: {  	_ =	shalt  }
0x5a: {  	_ =	shalt  }
0x5b: {  	_ =	shalt  }
0x5c: {  	_ =	shalt  }
0x5d: {  	_ =	shalt  }
0x5e: {  	_ =	shalt  }
0x5f: {  	_ =	shalt  }
0x60: {  	_ =	shalt  }
0x61: {  	_ =	shalt  }
0x62: {  	_ =	shalt  }
0x63: {  	_ =	shalt  }
0x64: {  	_ =	shalt  }
0x65: {  	_ =	shalt  }
0x66: {  	_ =	shalt  }
0x67: {  	_ =	shalt  }
0x68: {  	_ =	shalt  }
0x69: {  	_ =	shalt  }
0x6a: {  	_ =	shalt  }
0x6b: {  	_ =	shalt  }
0x6c: {  	_ =	shalt  }
0x6d: {  	_ =	shalt  }
0x6e: {  	_ =	shalt  }
0x6f: {  	_ =	shalt  }
0x70: {  	_ =	shalt  }
0x71: {  	_ =	shalt  }
0x72: {  	_ =	shalt  }
0x73: {  	_ =	shalt  }
0x74: {  	_ =	shalt  }
0x75: {  	_ =	shalt  }
0x76: {  	_ =	shalt  }
0x77: {  	_ =	shalt  }
0x78: {  	_ =	shalt  }
0x79: {  	_ =	shalt  }
0x7a: {  	_ =	shalt  }
0x7b: {  	_ =	shalt  }
0x7c: {  	_ =	shalt  }
0x7d: {  	_ =	shalt  }
0x7e: {  	_ =	shalt  }
0x7f: {  	_ =	shalt  }
0x80: {  	_ =	shalt  }
0x81: {  	_ =	shalt  }
0x82: {  	_ =	shalt  }
0x83: {  	_ =	shalt  }
0x84: {  	_ =	shalt  }
0x85: {  	_ =	shalt  }
0x86: {  	_ =	shalt  }
0x87: {  	_ =	shalt  }
.Lfunc_end0:
.L_simem_size_0:
called_computation.1_lowered:
.L_overlay_start_0:
0x88: {  	s2 =	sld [smem:$0x3FD9]  }
0x89: {  	s3 =	sld [smem:$0x3FFE];
	_ =	sdelay $0x1  }
0x8a: {  	s1 =	srdreg.scid  }
0x8b: {  	s0 =	sand.u32 $0x1, s1  }
0x8c: {  	s17 =	sshll.u32 s0, $0xA;
	s2 =	sadd.s32 s3, s2  }
0x8d: {  	s2 =	sadd.s32 s2, s17  }
0x8e: {  	[smem:$0x3FC3] =	sst s2  }
0x8f: {  	_ = 	snop  }
0x90: {  	s2 =	sld [smem:$0x3FC9]  }
0x91: {  	s18 =	sld [smem:$0x3FD0];
	(tm) =	ssettm $0x1  }
0x92: {  	s4 =	sld [smem:$0x3FFB];
	_ =	sdelay $0x3  }
0x93: {  	_ =	strace s4  }
0x94: {  	s4 =	sld [smem:$0x3FFC];
	_ =	sdelay $0x3  }
0x95: {  	_ =	strace s4  }
0x96: {  	s4 =	sld [smem:$0x3FFD];
	_ =	sdelay $0x3  }
0x97: {  	_ =	strace s4  }
0x98: {  	_ =	strace $0x8FFFFFFF  }
0x99: {  	s19 =	sld [smem:$0x3FDB];
	_ =	sdelay $0x1  }
0x9a: {  	s5 =	simm.s32 $_scs_section_size  }
0x9b: {  	s6 =	simm.s32 $_size__tile_overlayer_lowered;
	s7 =	simm.s32 $_tile_overlayer_lowered  }
0x9c: {  	s22 =	simm.s32 $0x1BFF;
	s21 =	sshll.u32 s7, $0x1;
	s4 =	sadd.s32 s5, s19  }
0x9d: {  	s8 =	simm.s32 $0x0;
	s20 =	sshll.u32 s6, $0x1;
	s6 =	sadd.s32 s21, s4  }
0x9e: {  	[timem:s8], [sflag:s22] =	dma.local [hbm:s6], s20  }
0x9f: {  	_ =	swait.ge [sflag:s22], s20  }
0xa0: {  	s5 =	ssub.s32 $0x0, s20;
	[sflag:s22] =	ssyncset.done $0x0  }
0xa1: {  	[sflag:s22] =	ssyncadd.s32 s5;
	_ =	sdelay $0x1  }
0xa2: {  	s23 =	simm.s32 $0x1B8B  }
0xa3: {  	_ =	swait.ge [sflag:s23], $0x1  }
0xa4: {  	[sflag:s23] =	ssyncset.done $0x0  }
0xa5: {  	s25 =	simm.s32 $0x1B8E;
	s24 =	sld [smem:$0x3FFE];
	[sflag:s23] =	ssyncadd.s32 $0xFFFFFFFF  }
0xa6: {  	s26 =	simm.s32 $execute0_lowered;
	[smem:$0x3FD2] =	sst s25  }
0xa7: {  	s6 =	sshll.u32 s26, $0x1;
	_ =	strace $0x80000049;
	[dreg:$0x1] =	wrdreg $0xFFFFFFFF  }
0xa8: {  	s28 =	simm.s32 $_size_execute0_lowered;
	s4 =	sadd.s32 s4, s6;
	[dreg:$0x0] =	wrdreg $0x0  }
0xa9: {  	s6 =	sshll.u32 s28, $0x1;
	[dreg:$0x2] =	wrdreg s4  }
0xaa: {  	[dreg:$0x3] =	wrdreg s6  }
0xab: {  	[dreg:$0x4] =	wrdreg $0xC0  }
0xac: {  	_ =	task [dreg:s8], $0x5FFFF  }
0xad: {  	[dreg:$0x1] =	wrdreg $0xFFFFFFFF  }
0xae: {  	[dreg:$0x0] =	wrdreg $0x60  }
0xaf: {  	[dreg:$0x2] =	wrdreg s18  }
0xb0: {  	[dreg:$0x3] =	wrdreg s2  }
0xb1: {  	[dreg:$0x4] =	wrdreg s24  }
0xb2: {  	[dreg:$0x5] =	wrdreg $0x9  }
0xb3: {  	_ =	task.clear_ibuf [dreg:s8], $0x6FFFF;
	_ =	strace $0x90000049  }
0xb4: {  	s29 =	simm.s32 $0x9;
	_ =	strace $0x8000004B  }
0xb5: {  	_ =	swait.ge [sflag:s29], $0x1  }
0xb6: {  	[sflag:s29] =	ssyncadd.s32 $0xFFFFFFFF  }
0xb7: {  	_ =	strace $0x9000004B  }
0xb8: {  	_ =	sfence  }
0xb9: {  	s30 =	sld [smem:$0x0];
	_ =	sdelay $0x2  }
0xba: {  	s31 =	sshll.u32 s1, $0xD;
	s1 =	sshrl.u32 s1, $0x2  }
0xbb: {  	s3 =	sand.u32 $0x4000, s31;
	s1 =	sadd.s32 s1, s30  }
0xbc: {  	s0 =	sor.u32 s3, s0;
	s1 =	sshll.u32 s1, $0x11  }
0xbd: {  	s0 =	sor.u32 s1, s0  }
0xbe: {  	s0 =	sadd.s32 $0x8F2B, s0  }
0xbf: {  	[sflag:s0] =	ssyncadd.remote.s32 $0x1  }
0xc0: {  	_ =	sfence.sel $0xFFFF  }
0xc1: {  	[dreg:$0x0] =	wrdreg $0xFFFFFFFF;
	(pc) =	sbr.abs _section_cstart, $3  }
0xc2: {  	[dreg:$0x1] =	wrdreg $0xFFFFFFFF  }
0xc3: {  	_ =	task.clear_ibuf [dreg:s8], $0x2FFFF;
	_ =	strace $0x9FFFFFFF  }
0xc4: {  	(tm) =	ssettm $0x7FFFFFFF  }
0xc5: {  	_ =	shalt  }
tec
execute0_lowered:
.L_overlay_start_1:
0x0: {  	(tag) =	ssettag $0x1  }
0x1: {  	s0 =	rddreg [dreg:$0x0]  }
0x2: {  	s2 =	rddreg [dreg:$0x1];
	s1 =	srdreg.scid  }
0x3: {  	s3 =	stileid.u32;
	s4 =	rddreg [dreg:$0x2]  }
0x4: {  	s28 =	simm.s32 $0x2100;
	s1 =	sand.u32 $0x1, s1;
	s5 =	sshll.u32 s3, $0x1  }
0x5: {  	s29 =	simm.s32 $0x2900;
	s30 =	simm.s32 $0x3100;
	s5 =	sor.u32 s1, s5  }
0x6: {  	s31 =	simm.s32 $0x3900;
	s3 =	simm.s32 $0x0;
	s6 =	smul.u32 $0xC0, s5  }
0x7: {  	s7 =	sadd.s32 $0x2400, s4;
	[smem:$0x7FF] =	sst s3;
	s5 =	smul.u32 $0x6000, s5  }
0x8: {  	s1 =	ssub.s32 $0x2, s1;
	_ =	strace $0x8000004A;
	s10 =	sshrl.u32 s6, $0x3  }
0x9: {  	s8 =	sor.u32 $0x20, s6;
	s12 =	sadd.s32 s7, s5;
	s14 =	sadd.s32 $0x40, s6  }
0xa: {  	s16 =	sadd.s32 $0x60, s6;
	s20 =	sadd.s32 $0x80, s6;
	s6 =	sadd.s32 $0xA0, s6  }
0xb: {  	s4 =	sadd.s32 s0, s10;
	s9 =	sshrl.u32 s8, $0x3;
	s10 =	sshrl.u32 s1, $0x1  }
0xc: {  	[dreg:$0x6] =	wrdreg s12;
	s13 =	sshll.u32 s8, $0x7;
	s15 =	sshrl.u32 s14, $0x3  }
0xd: {  	s18 =	sshrl.u32 s16, $0x3;
	s5 =	sshll.u32 s14, $0x7;
	s19 =	sshll.u32 s16, $0x7  }
0xe: {  	s21 =	sshrl.u32 s20, $0x3;
	s23 =	sshrl.u32 s6, $0x3;
	s24 =	sshll.u32 s20, $0x7  }
0xf: {  	s6 =	sshll.u32 s6, $0x7;
	s20 =	simm.s32 $0x2;
	s12 =	simm.s32 $0x6100  }
0x10: {  	s14 =	simm.s32 $0x7100;
	s16 =	simm.s32 $0x8900;
	[dreg:$0x4] =	wrdreg s4  }
0x11: {  	s11 =	sadd.s32 s0, s9;
	s1 =	ssub.s32 s1, s10;
	s4 =	sadd.s32 s7, s13  }
0x12: {  	s17 =	sadd.s32 s0, s15;
	s8 =	sadd.s32 s0, s18;
	[dreg:$0x5] =	wrdreg s11  }
0x13: {  	s5 =	sadd.s32 s7, s5;
	s22 =	sadd.s32 s0, s21;
	[dreg:$0x7] =	wrdreg s4  }
0x14: {  	s0 =	sadd.s32 s0, s23;
	s25 =	sadd.s32 s7, s24;
	[dreg:$0x8] =	wrdreg s17  }
0x15: {  	s26 =	sadd.s32 s7, s6;
	s6 =	sadd.s32 $0x300, s2;
	[dreg:$0x9] =	wrdreg s8  }
0x16: {  	s23 =	simm.s32 $0x900;
	s24 =	simm.s32 $0x1100;
	[dreg:$0xa] =	wrdreg s5  }
0x17: {  	s9 =	simm.s32 $0x5100;
	s13 =	simm.s32 $0x6900;
	[dreg:$0xc] =	wrdreg s22  }
0x18: {  	s15 =	simm.s32 $0x7900;
	s18 =	simm.s32 $0x9900;
	[dreg:$0xd] =	wrdreg s0  }
0x19: {  	s10 =	simm.s32 $0xA100;
	s4 =	sadd.s32 $0x100, s2;
	[dreg:$0xe] =	wrdreg s25  }
0x1a: {  	s5 =	sadd.s32 s7, s19;
	[dreg:$0xf] =	wrdreg s26;
	s7 =	smax.u32 s1, $0x1  }
0x1b: {  	v2 =	vlaneseq.u32;
	s8 =	simm.s32 $0x3;
	s19 =	simm.s32 $0x1;
	s22 =	simm.s32 $0x80  }
0x1c: {  	vm0 =	vmmov $0xffff;
	v1 =	vshrl.u32 v2, $0x3;
	s26 =	simm.s32 $0x100;
	s25 =	simm.s32 $0x1900;
	s11 =	simm.s32 $0x5900  }
0x1d: {  	v0 =	vand.u32 $0x7, v2;
	v2 =	vor.u32 $0x8, v2;
	v1 =	vmul.u32 $0x8, v1;
	s17 =	simm.s32 $0x9100;
	[dreg:$0xb] =	wrdreg s5;
	s5 =	sadd.s32 $0x200, s2  }
.LBB2_1:
0x1e: {  	s21 =	rddreg [dreg:$0x4]  }
0x1f: {  	[tilespmem:s3], [sflag:$0x3] =	stream.linear.gather [hbm4b:s21+s3], $0x20, $0x38;
	[tilespmem:$0x10100] =	vst v63  }
0x20: {  	_ =	swait.ge [sflag:s8], $0x20  }
0x21: {  	[sflag:s8] =	ssyncset.done $0x0  }
0x22: {  	s1 =	rddreg [dreg:$0x5];
	[sflag:s8] =	ssyncadd.s32 $0xFFFFFFE0  }
0x23: {  	[tilespmem:s22], [sflag:$0x3] =	stream.linear.gather [hbm4b:s1+s3], $0x20, $0x38;
	[tilespmem:$0x10100] =	vst v63  }
0x24: {  	_ =	swait.ge [sflag:s8], $0x20  }
0x25: {  	[sflag:s8] =	ssyncset.done $0x0  }
0x26: {  	[sflag:s8] =	ssyncadd.s32 $0xFFFFFFE0  }
0x27: {  	v3 =	vld [tilespmem:$0x0];
	_ =	sdelay $0x4  }
0x28: {  	v4 =	vshll.u32 v3, $0x3  }
0x29: {  	v3 =	vand.u32 $0x7, v3;
	v4 =	vand.u32 $0xFFFFFFC0, v4  }
0x2a: {  	v3 =	vor.u32 v3, v4  }
0x2b: {  	v4 =	vperm.xlane v3, v0;
	_ =	sdelay $0x1  }
0x2c: {  	v4 =	vadd.s32 v1, v4;
	_ =	sdelay $0x4  }
0x2d: {  	[tilespmem:s26], [sflag:$0x1] =	stream.indirect_vreg.gather [hbm4b:s2+s3], $0x80, v4, vm0, $0xb8;
	[tilespmem:$0x10100] =	vst v63  }
0x2e: {  	v3 =	vperm.xlane v3, v2  }
0x2f: {  	[tilespmem:s23], [sflag:$0x1] =	stream.indirect_vreg.gather [hbm4b:s4+s3], $0x80, v4, vm0, $0xb8;
	[tilespmem:$0x10100] =	vst v63  }
0x30: {  	v3 =	vadd.s32 v1, v3  }
0x31: {  	[tilespmem:s24], [sflag:$0x1] =	stream.indirect_vreg.gather [hbm4b:s5+s3], $0x80, v4, vm0, $0xb8;
	[tilespmem:$0x10100] =	vst v63  }
0x32: {  	_ = 	snop  }
0x33: {  	[tilespmem:s25], [sflag:$0x1] =	stream.indirect_vreg.gather [hbm4b:s6+s3], $0x80, v4, vm0, $0xb8;
	[tilespmem:$0x10100] =	vst v63  }
0x34: {  	_ = 	snop  }
0x35: {  	[tilespmem:s28], [sflag:$0x1] =	stream.indirect_vreg.gather [hbm4b:s2+s3], $0x80, v3, vm0, $0xb8;
	[tilespmem:$0x10100] =	vst v63  }
0x36: {  	_ = 	snop  }
0x37: {  	[tilespmem:s29], [sflag:$0x1] =	stream.indirect_vreg.gather [hbm4b:s4+s3], $0x80, v3, vm0, $0xb8;
	[tilespmem:$0x10100] =	vst v63  }
0x38: {  	_ = 	snop  }
0x39: {  	[tilespmem:s30], [sflag:$0x1] =	stream.indirect_vreg.gather [hbm4b:s5+s3], $0x80, v3, vm0, $0xb8;
	[tilespmem:$0x10100] =	vst v63  }
0x3a: {  	_ = 	snop  }
0x3b: {  	[tilespmem:s31], [sflag:$0x1] =	stream.indirect_vreg.gather [hbm4b:s6+s3], $0x80, v3, vm0, $0xb8;
	[tilespmem:$0x10100] =	vst v63  }
0x3c: {  	v3 =	vld [tilespmem:$0x10];
	_ =	sdelay $0x4  }
0x3d: {  	v53 =	vshll.u32 v3, $0x3  }
0x3e: {  	v3 =	vand.u32 $0x7, v3;
	v4 =	vand.u32 $0xFFFFFFC0, v53  }
0x3f: {  	v3 =	vor.u32 v3, v4  }
0x40: {  	v4 =	vperm.xlane v3, v0;
	_ =	sdelay $0x1  }
0x41: {  	v4 =	vadd.s32 v1, v4;
	_ =	sdelay $0x3  }
0x42: {  	s1 =	simm.s32 $0x4100  }
0x43: {  	[tilespmem:s1], [sflag:$0x1] =	stream.indirect_vreg.gather [hbm4b:s2+s3], $0x80, v4, vm0, $0xb8;
	[tilespmem:$0x10100] =	vst v63  }
0x44: {  	s0 =	simm.s32 $0x4900;
	v3 =	vperm.xlane v3, v2  }
0x45: {  	[tilespmem:s0], [sflag:$0x1] =	stream.indirect_vreg.gather [hbm4b:s4+s3], $0x80, v4, vm0, $0xb8;
	[tilespmem:$0x10100] =	vst v63  }
0x46: {  	v3 =	vadd.s32 v1, v3  }
0x47: {  	[tilespmem:s9], [sflag:$0x1] =	stream.indirect_vreg.gather [hbm4b:s5+s3], $0x80, v4, vm0, $0xb8;
	[tilespmem:$0x10100] =	vst v63  }
0x48: {  	_ = 	snop  }
0x49: {  	[tilespmem:s11], [sflag:$0x1] =	stream.indirect_vreg.gather [hbm4b:s6+s3], $0x80, v4, vm0, $0xb8;
	[tilespmem:$0x10100] =	vst v63  }
0x4a: {  	_ = 	snop  }
0x4b: {  	[tilespmem:s12], [sflag:$0x1] =	stream.indirect_vreg.gather [hbm4b:s2+s3], $0x80, v3, vm0, $0xb8;
	[tilespmem:$0x10100] =	vst v63  }
0x4c: {  	_ = 	snop  }
0x4d: {  	[tilespmem:s13], [sflag:$0x1] =	stream.indirect_vreg.gather [hbm4b:s4+s3], $0x80, v3, vm0, $0xb8;
	[tilespmem:$0x10100] =	vst v63  }
0x4e: {  	_ = 	snop  }
0x4f: {  	[tilespmem:s14], [sflag:$0x1] =	stream.indirect_vreg.gather [hbm4b:s5+s3], $0x80, v3, vm0, $0xb8;
	[tilespmem:$0x10100] =	vst v63  }
0x50: {  	_ = 	snop  }
0x51: {  	[tilespmem:s15], [sflag:$0x1] =	stream.indirect_vreg.gather [hbm4b:s6+s3], $0x80, v3, vm0, $0xb8;
	[tilespmem:$0x10100] =	vst v63  }
0x52: {  	v3 =	vld [tilespmem:$0x80];
	_ =	sdelay $0x4  }
0x53: {  	v54 =	vshll.u32 v3, $0x3  }
0x54: {  	v3 =	vand.u32 $0x7, v3;
	v4 =	vand.u32 $0xFFFFFFC0, v54  }
0x55: {  	v3 =	vor.u32 v3, v4  }
0x56: {  	v4 =	vperm.xlane v3, v0;
	_ =	sdelay $0x1  }
0x57: {  	v4 =	vadd.s32 v1, v4;
	_ =	sdelay $0x3  }
0x58: {  	s0 =	simm.s32 $0x8100  }
0x59: {  	[tilespmem:s0], [sflag:$0x2] =	stream.indirect_vreg.gather [hbm4b:s2+s3], $0x80, v4, vm0, $0xb8;
	[tilespmem:$0x10100] =	vst v63  }
0x5a: {  	v3 =	vperm.xlane v3, v2  }
0x5b: {  	[tilespmem:s16], [sflag:$0x2] =	stream.indirect_vreg.gather [hbm4b:s4+s3], $0x80, v4, vm0, $0xb8;
	[tilespmem:$0x10100] =	vst v63  }
0x5c: {  	v3 =	vadd.s32 v1, v3  }
0x5d: {  	[tilespmem:s17], [sflag:$0x2] =	stream.indirect_vreg.gather [hbm4b:s5+s3], $0x80, v4, vm0, $0xb8;
	[tilespmem:$0x10100] =	vst v63  }
0x5e: {  	_ = 	snop  }
0x5f: {  	[tilespmem:s18], [sflag:$0x2] =	stream.indirect_vreg.gather [hbm4b:s6+s3], $0x80, v4, vm0, $0xb8;
	[tilespmem:$0x10100] =	vst v63  }
0x60: {  	_ = 	snop  }
0x61: {  	[tilespmem:s10], [sflag:$0x2] =	stream.indirect_vreg.gather [hbm4b:s2+s3], $0x80, v3, vm0, $0xb8;
	[tilespmem:$0x10100] =	vst v63  }
0x62: {  	s21 =	simm.s32 $0xA900  }
0x63: {  	[tilespmem:s21], [sflag:$0x2] =	stream.indirect_vreg.gather [hbm4b:s4+s3], $0x80, v3, vm0, $0xb8;
	[tilespmem:$0x10100] =	vst v63  }
0x64: {  	s21 =	simm.s32 $0xB100  }
0x65: {  	[tilespmem:s21], [sflag:$0x2] =	stream.indirect_vreg.gather [hbm4b:s5+s3], $0x80, v3, vm0, $0xb8;
	[tilespmem:$0x10100] =	vst v63  }
0x66: {  	s21 =	simm.s32 $0xB900  }
0x67: {  	[tilespmem:s21], [sflag:$0x2] =	stream.indirect_vreg.gather [hbm4b:s6+s3], $0x80, v3, vm0, $0xb8;
	[tilespmem:$0x10100] =	vst v63  }
0x68: {  	v3 =	vld [tilespmem:$0x90];
	_ =	sdelay $0x4  }
0x69: {  	v55 =	vshll.u32 v3, $0x3  }
0x6a: {  	v3 =	vand.u32 $0x7, v3;
	v4 =	vand.u32 $0xFFFFFFC0, v55  }
0x6b: {  	v3 =	vor.u32 v3, v4  }
0x6c: {  	v4 =	vperm.xlane v3, v0;
	_ =	sdelay $0x1  }
0x6d: {  	v4 =	vadd.s32 v1, v4;
	_ =	sdelay $0x3  }
0x6e: {  	s21 =	simm.s32 $0xC100  }
0x6f: {  	[tilespmem:s21], [sflag:$0x2] =	stream.indirect_vreg.gather [hbm4b:s2+s3], $0x80, v4, vm0, $0xb8;
	[tilespmem:$0x10100] =	vst v63  }
0x70: {  	v3 =	vperm.xlane v3, v2;
	s21 =	simm.s32 $0xC900  }
0x71: {  	[tilespmem:s21], [sflag:$0x2] =	stream.indirect_vreg.gather [hbm4b:s4+s3], $0x80, v4, vm0, $0xb8;
	[tilespmem:$0x10100] =	vst v63  }
0x72: {  	v3 =	vadd.s32 v1, v3;
	s21 =	simm.s32 $0xD100  }
0x73: {  	[tilespmem:s21], [sflag:$0x2] =	stream.indirect_vreg.gather [hbm4b:s5+s3], $0x80, v4, vm0, $0xb8;
	[tilespmem:$0x10100] =	vst v63  }
0x74: {  	s21 =	simm.s32 $0xD900  }
0x75: {  	[tilespmem:s21], [sflag:$0x2] =	stream.indirect_vreg.gather [hbm4b:s6+s3], $0x80, v4, vm0, $0xb8;
	[tilespmem:$0x10100] =	vst v63  }
0x76: {  	s21 =	simm.s32 $0xE100  }
0x77: {  	[tilespmem:s21], [sflag:$0x2] =	stream.indirect_vreg.gather [hbm4b:s2+s3], $0x80, v3, vm0, $0xb8;
	[tilespmem:$0x10100] =	vst v63  }
0x78: {  	s21 =	simm.s32 $0xE900  }
0x79: {  	[tilespmem:s21], [sflag:$0x2] =	stream.indirect_vreg.gather [hbm4b:s4+s3], $0x80, v3, vm0, $0xb8;
	[tilespmem:$0x10100] =	vst v63  }
0x7a: {  	s21 =	simm.s32 $0xF100  }
0x7b: {  	[tilespmem:s21], [sflag:$0x2] =	stream.indirect_vreg.gather [hbm4b:s5+s3], $0x80, v3, vm0, $0xb8;
	[tilespmem:$0x10100] =	vst v63  }
0x7c: {  	s21 =	simm.s32 $0xF900  }
0x7d: {  	[tilespmem:s21], [sflag:$0x2] =	stream.indirect_vreg.gather [hbm4b:s6+s3], $0x80, v3, vm0, $0xb8;
	[tilespmem:$0x10100] =	vst v63  }
0x7e: {  	_ =	swait.ge [sflag:s19], $0x8000  }
0x7f: {  	[sflag:s19] =	ssyncset.done $0x0  }
0x80: {  	[sflag:s19] =	ssyncadd.s32 $0xFFFF8000  }
0x81: {  	_ =	swait.ge [sflag:s20], $0x8000  }
0x82: {  	[sflag:s20] =	ssyncset.done $0x0  }
0x83: {  	s21 =	rddreg [dreg:$0x6];
	[sflag:s20] =	ssyncadd.s32 $0xFFFF8000  }
0x84: {  	[hbm4b:s21+s3] =	stream.linear.scatter [tilespmem:s26], [sflag:$0x3], $0x8000, $0x38;
	[tilespmem:$0x10100] =	vst v63  }
0x85: {  	_ =	swait.ge [sflag:s8], $0x8000  }
0x86: {  	[sflag:s8] =	ssyncset.done $0x0  }
0x87: {  	s21 =	rddreg [dreg:$0x7];
	[sflag:s8] =	ssyncadd.s32 $0xFFFF8000  }
0x88: {  	[hbm4b:s21+s3] =	stream.linear.scatter [tilespmem:s0], [sflag:$0x3], $0x8000, $0x38;
	[tilespmem:$0x10100] =	vst v63  }
0x89: {  	_ =	swait.ge [sflag:s8], $0x8000  }
0x8a: {  	[sflag:s8] =	ssyncset.done $0x0  }
0x8b: {  	s21 =	rddreg [dreg:$0x8];
	[sflag:s8] =	ssyncadd.s32 $0xFFFF8000  }
0x8c: {  	[tilespmem:s3], [sflag:$0x3] =	stream.linear.gather [hbm4b:s21+s3], $0x20, $0x38;
	[tilespmem:$0x10100] =	vst v63  }
0x8d: {  	_ =	swait.ge [sflag:s8], $0x20  }
0x8e: {  	[sflag:s8] =	ssyncset.done $0x0  }
0x8f: {  	s21 =	rddreg [dreg:$0x9];
	[sflag:s8] =	ssyncadd.s32 $0xFFFFFFE0  }
0x90: {  	[tilespmem:s22], [sflag:$0x3] =	stream.linear.gather [hbm4b:s21+s3], $0x20, $0x38;
	[tilespmem:$0x10100] =	vst v63  }
0x91: {  	_ =	swait.ge [sflag:s8], $0x20  }
0x92: {  	[sflag:s8] =	ssyncset.done $0x0  }
0x93: {  	[sflag:s8] =	ssyncadd.s32 $0xFFFFFFE0  }
0x94: {  	v3 =	vld [tilespmem:$0x0];
	_ =	sdelay $0x4  }
0x95: {  	v56 =	vshll.u32 v3, $0x3  }
0x96: {  	v3 =	vand.u32 $0x7, v3;
	v4 =	vand.u32 $0xFFFFFFC0, v56  }
0x97: {  	v3 =	vor.u32 v3, v4  }
0x98: {  	v4 =	vperm.xlane v3, v0;
	_ =	sdelay $0x1  }
0x99: {  	v4 =	vadd.s32 v1, v4;
	_ =	sdelay $0x4  }
0x9a: {  	[tilespmem:s26], [sflag:$0x1] =	stream.indirect_vreg.gather [hbm4b:s2+s3], $0x80, v4, vm0, $0xb8;
	[tilespmem:$0x10100] =	vst v63  }
0x9b: {  	v3 =	vperm.xlane v3, v2  }
0x9c: {  	[tilespmem:s23], [sflag:$0x1] =	stream.indirect_vreg.gather [hbm4b:s4+s3], $0x80, v4, vm0, $0xb8;
	[tilespmem:$0x10100] =	vst v63  }
0x9d: {  	v3 =	vadd.s32 v1, v3  }
0x9e: {  	[tilespmem:s24], [sflag:$0x1] =	stream.indirect_vreg.gather [hbm4b:s5+s3], $0x80, v4, vm0, $0xb8;
	[tilespmem:$0x10100] =	vst v63  }
0x9f: {  	_ = 	snop  }
0xa0: {  	[tilespmem:s25], [sflag:$0x1] =	stream.indirect_vreg.gather [hbm4b:s6+s3], $0x80, v4, vm0, $0xb8;
	[tilespmem:$0x10100] =	vst v63  }
0xa1: {  	_ = 	snop  }
0xa2: {  	[tilespmem:s28], [sflag:$0x1] =	stream.indirect_vreg.gather [hbm4b:s2+s3], $0x80, v3, vm0, $0xb8;
	[tilespmem:$0x10100] =	vst v63  }
0xa3: {  	_ = 	snop  }
0xa4: {  	[tilespmem:s29], [sflag:$0x1] =	stream.indirect_vreg.gather [hbm4b:s4+s3], $0x80, v3, vm0, $0xb8;
	[tilespmem:$0x10100] =	vst v63  }
0xa5: {  	_ = 	snop  }
0xa6: {  	[tilespmem:s30], [sflag:$0x1] =	stream.indirect_vreg.gather [hbm4b:s5+s3], $0x80, v3, vm0, $0xb8;
	[tilespmem:$0x10100] =	vst v63  }
0xa7: {  	_ = 	snop  }
0xa8: {  	[tilespmem:s31], [sflag:$0x1] =	stream.indirect_vreg.gather [hbm4b:s6+s3], $0x80, v3, vm0, $0xb8;
	[tilespmem:$0x10100] =	vst v63  }
0xa9: {  	v3 =	vld [tilespmem:$0x10];
	_ =	sdelay $0x4  }
0xaa: {  	v57 =	vshll.u32 v3, $0x3  }
0xab: {  	v3 =	vand.u32 $0x7, v3;
	v4 =	vand.u32 $0xFFFFFFC0, v57  }
0xac: {  	v3 =	vor.u32 v3, v4  }
0xad: {  	v4 =	vperm.xlane v3, v0;
	_ =	sdelay $0x1  }
0xae: {  	v4 =	vadd.s32 v1, v4;
	_ =	sdelay $0x4  }
0xaf: {  	[tilespmem:s1], [sflag:$0x1] =	stream.indirect_vreg.gather [hbm4b:s2+s3], $0x80, v4, vm0, $0xb8;
	[tilespmem:$0x10100] =	vst v63  }
0xb0: {  	s21 =	simm.s32 $0x4900;
	v3 =	vperm.xlane v3, v2  }
0xb1: {  	[tilespmem:s21], [sflag:$0x1] =	stream.indirect_vreg.gather [hbm4b:s4+s3], $0x80, v4, vm0, $0xb8;
	[tilespmem:$0x10100] =	vst v63  }
0xb2: {  	v3 =	vadd.s32 v1, v3  }
0xb3: {  	[tilespmem:s9], [sflag:$0x1] =	stream.indirect_vreg.gather [hbm4b:s5+s3], $0x80, v4, vm0, $0xb8;
	[tilespmem:$0x10100] =	vst v63  }
0xb4: {  	_ = 	snop  }
0xb5: {  	[tilespmem:s11], [sflag:$0x1] =	stream.indirect_vreg.gather [hbm4b:s6+s3], $0x80, v4, vm0, $0xb8;
	[tilespmem:$0x10100] =	vst v63  }
0xb6: {  	_ = 	snop  }
0xb7: {  	[tilespmem:s12], [sflag:$0x1] =	stream.indirect_vreg.gather [hbm4b:s2+s3], $0x80, v3, vm0, $0xb8;
	[tilespmem:$0x10100] =	vst v63  }
0xb8: {  	_ = 	snop  }
0xb9: {  	[tilespmem:s13], [sflag:$0x1] =	stream.indirect_vreg.gather [hbm4b:s4+s3], $0x80, v3, vm0, $0xb8;
	[tilespmem:$0x10100] =	vst v63  }
0xba: {  	_ = 	snop  }
0xbb: {  	[tilespmem:s14], [sflag:$0x1] =	stream.indirect_vreg.gather [hbm4b:s5+s3], $0x80, v3, vm0, $0xb8;
	[tilespmem:$0x10100] =	vst v63  }
0xbc: {  	_ = 	snop  }
0xbd: {  	[tilespmem:s15], [sflag:$0x1] =	stream.indirect_vreg.gather [hbm4b:s6+s3], $0x80, v3, vm0, $0xb8;
	[tilespmem:$0x10100] =	vst v63  }
0xbe: {  	v3 =	vld [tilespmem:$0x80];
	_ =	sdelay $0x4  }
0xbf: {  	v58 =	vshll.u32 v3, $0x3  }
0xc0: {  	v3 =	vand.u32 $0x7, v3;
	v4 =	vand.u32 $0xFFFFFFC0, v58  }
0xc1: {  	v3 =	vor.u32 v3, v4  }
0xc2: {  	v4 =	vperm.xlane v3, v0;
	_ =	sdelay $0x1  }
0xc3: {  	v4 =	vadd.s32 v1, v4;
	_ =	sdelay $0x4  }
0xc4: {  	[tilespmem:s0], [sflag:$0x2] =	stream.indirect_vreg.gather [hbm4b:s2+s3], $0x80, v4, vm0, $0xb8;
	[tilespmem:$0x10100] =	vst v63  }
0xc5: {  	v3 =	vperm.xlane v3, v2  }
0xc6: {  	[tilespmem:s16], [sflag:$0x2] =	stream.indirect_vreg.gather [hbm4b:s4+s3], $0x80, v4, vm0, $0xb8;
	[tilespmem:$0x10100] =	vst v63  }
0xc7: {  	v3 =	vadd.s32 v1, v3  }
0xc8: {  	[tilespmem:s17], [sflag:$0x2] =	stream.indirect_vreg.gather [hbm4b:s5+s3], $0x80, v4, vm0, $0xb8;
	[tilespmem:$0x10100] =	vst v63  }
0xc9: {  	_ = 	snop  }
0xca: {  	[tilespmem:s18], [sflag:$0x2] =	stream.indirect_vreg.gather [hbm4b:s6+s3], $0x80, v4, vm0, $0xb8;
	[tilespmem:$0x10100] =	vst v63  }
0xcb: {  	_ = 	snop  }
0xcc: {  	[tilespmem:s10], [sflag:$0x2] =	stream.indirect_vreg.gather [hbm4b:s2+s3], $0x80, v3, vm0, $0xb8;
	[tilespmem:$0x10100] =	vst v63  }
0xcd: {  	s21 =	simm.s32 $0xA900  }
0xce: {  	[tilespmem:s21], [sflag:$0x2] =	stream.indirect_vreg.gather [hbm4b:s4+s3], $0x80, v3, vm0, $0xb8;
	[tilespmem:$0x10100] =	vst v63  }
0xcf: {  	s21 =	simm.s32 $0xB100  }
0xd0: {  	[tilespmem:s21], [sflag:$0x2] =	stream.indirect_vreg.gather [hbm4b:s5+s3], $0x80, v3, vm0, $0xb8;
	[tilespmem:$0x10100] =	vst v63  }
0xd1: {  	s21 =	simm.s32 $0xB900  }
0xd2: {  	[tilespmem:s21], [sflag:$0x2] =	stream.indirect_vreg.gather [hbm4b:s6+s3], $0x80, v3, vm0, $0xb8;
	[tilespmem:$0x10100] =	vst v63  }
0xd3: {  	v3 =	vld [tilespmem:$0x90];
	_ =	sdelay $0x4  }
0xd4: {  	v59 =	vshll.u32 v3, $0x3  }
0xd5: {  	v3 =	vand.u32 $0x7, v3;
	v4 =	vand.u32 $0xFFFFFFC0, v59  }
0xd6: {  	v3 =	vor.u32 v3, v4  }
0xd7: {  	v4 =	vperm.xlane v3, v0;
	_ =	sdelay $0x1  }
0xd8: {  	v4 =	vadd.s32 v1, v4;
	_ =	sdelay $0x3  }
0xd9: {  	s21 =	simm.s32 $0xC100  }
0xda: {  	[tilespmem:s21], [sflag:$0x2] =	stream.indirect_vreg.gather [hbm4b:s2+s3], $0x80, v4, vm0, $0xb8;
	[tilespmem:$0x10100] =	vst v63  }
0xdb: {  	v3 =	vperm.xlane v3, v2;
	s21 =	simm.s32 $0xC900  }
0xdc: {  	[tilespmem:s21], [sflag:$0x2] =	stream.indirect_vreg.gather [hbm4b:s4+s3], $0x80, v4, vm0, $0xb8;
	[tilespmem:$0x10100] =	vst v63  }
0xdd: {  	v3 =	vadd.s32 v1, v3;
	s21 =	simm.s32 $0xD100  }
0xde: {  	[tilespmem:s21], [sflag:$0x2] =	stream.indirect_vreg.gather [hbm4b:s5+s3], $0x80, v4, vm0, $0xb8;
	[tilespmem:$0x10100] =	vst v63  }
0xdf: {  	s21 =	simm.s32 $0xD900  }
0xe0: {  	[tilespmem:s21], [sflag:$0x2] =	stream.indirect_vreg.gather [hbm4b:s6+s3], $0x80, v4, vm0, $0xb8;
	[tilespmem:$0x10100] =	vst v63  }
0xe1: {  	s21 =	simm.s32 $0xE100  }
0xe2: {  	[tilespmem:s21], [sflag:$0x2] =	stream.indirect_vreg.gather [hbm4b:s2+s3], $0x80, v3, vm0, $0xb8;
	[tilespmem:$0x10100] =	vst v63  }
0xe3: {  	s21 =	simm.s32 $0xE900  }
0xe4: {  	[tilespmem:s21], [sflag:$0x2] =	stream.indirect_vreg.gather [hbm4b:s4+s3], $0x80, v3, vm0, $0xb8;
	[tilespmem:$0x10100] =	vst v63  }
0xe5: {  	s21 =	simm.s32 $0xF100  }
0xe6: {  	[tilespmem:s21], [sflag:$0x2] =	stream.indirect_vreg.gather [hbm4b:s5+s3], $0x80, v3, vm0, $0xb8;
	[tilespmem:$0x10100] =	vst v63  }
0xe7: {  	s21 =	simm.s32 $0xF900  }
0xe8: {  	[tilespmem:s21], [sflag:$0x2] =	stream.indirect_vreg.gather [hbm4b:s6+s3], $0x80, v3, vm0, $0xb8;
	[tilespmem:$0x10100] =	vst v63  }
0xe9: {  	_ =	swait.ge [sflag:s19], $0x8000  }
0xea: {  	[sflag:s19] =	ssyncset.done $0x0  }
0xeb: {  	[sflag:s19] =	ssyncadd.s32 $0xFFFF8000  }
0xec: {  	_ =	swait.ge [sflag:s20], $0x8000  }
0xed: {  	[sflag:s20] =	ssyncset.done $0x0  }
0xee: {  	s21 =	rddreg [dreg:$0xa];
	[sflag:s20] =	ssyncadd.s32 $0xFFFF8000  }
0xef: {  	[hbm4b:s21+s3] =	stream.linear.scatter [tilespmem:s26], [sflag:$0x3], $0x8000, $0x38;
	[tilespmem:$0x10100] =	vst v63  }
0xf0: {  	_ =	swait.ge [sflag:s8], $0x8000  }
0xf1: {  	[sflag:s8] =	ssyncset.done $0x0  }
0xf2: {  	s21 =	rddreg [dreg:$0xb];
	[sflag:s8] =	ssyncadd.s32 $0xFFFF8000  }
0xf3: {  	[hbm4b:s21+s3] =	stream.linear.scatter [tilespmem:s0], [sflag:$0x3], $0x8000, $0x38;
	[tilespmem:$0x10100] =	vst v63  }
0xf4: {  	_ =	swait.ge [sflag:s8], $0x8000  }
0xf5: {  	[sflag:s8] =	ssyncset.done $0x0  }
0xf6: {  	s21 =	rddreg [dreg:$0xc];
	[sflag:s8] =	ssyncadd.s32 $0xFFFF8000  }
0xf7: {  	[tilespmem:s3], [sflag:$0x3] =	stream.linear.gather [hbm4b:s21+s3], $0x20, $0x38;
	[tilespmem:$0x10100] =	vst v63  }
0xf8: {  	_ =	swait.ge [sflag:s8], $0x20  }
0xf9: {  	[sflag:s8] =	ssyncset.done $0x0  }
0xfa: {  	s21 =	rddreg [dreg:$0xd];
	[sflag:s8] =	ssyncadd.s32 $0xFFFFFFE0  }
0xfb: {  	[tilespmem:s22], [sflag:$0x3] =	stream.linear.gather [hbm4b:s21+s3], $0x20, $0x38;
	[tilespmem:$0x10100] =	vst v63  }
0xfc: {  	_ =	swait.ge [sflag:s8], $0x20  }
0xfd: {  	[sflag:s8] =	ssyncset.done $0x0  }
0xfe: {  	[sflag:s8] =	ssyncadd.s32 $0xFFFFFFE0  }
0xff: {  	v3 =	vld [tilespmem:$0x0];
	_ =	sdelay $0x4  }
0x100: {  	v60 =	vshll.u32 v3, $0x3  }
0x101: {  	v3 =	vand.u32 $0x7, v3;
	v4 =	vand.u32 $0xFFFFFFC0, v60  }
0x102: {  	v3 =	vor.u32 v3, v4  }
0x103: {  	v4 =	vperm.xlane v3, v0;
	_ =	sdelay $0x1  }
0x104: {  	v4 =	vadd.s32 v1, v4;
	_ =	sdelay $0x4  }
0x105: {  	[tilespmem:s26], [sflag:$0x1] =	stream.indirect_vreg.gather [hbm4b:s2+s3], $0x80, v4, vm0, $0xb8;
	[tilespmem:$0x10100] =	vst v63  }
0x106: {  	v3 =	vperm.xlane v3, v2  }
0x107: {  	[tilespmem:s23], [sflag:$0x1] =	stream.indirect_vreg.gather [hbm4b:s4+s3], $0x80, v4, vm0, $0xb8;
	[tilespmem:$0x10100] =	vst v63  }
0x108: {  	v3 =	vadd.s32 v1, v3  }
0x109: {  	[tilespmem:s24], [sflag:$0x1] =	stream.indirect_vreg.gather [hbm4b:s5+s3], $0x80, v4, vm0, $0xb8;
	[tilespmem:$0x10100] =	vst v63  }
0x10a: {  	_ = 	snop  }
0x10b: {  	[tilespmem:s25], [sflag:$0x1] =	stream.indirect_vreg.gather [hbm4b:s6+s3], $0x80, v4, vm0, $0xb8;
	[tilespmem:$0x10100] =	vst v63  }
0x10c: {  	_ = 	snop  }
0x10d: {  	[tilespmem:s28], [sflag:$0x1] =	stream.indirect_vreg.gather [hbm4b:s2+s3], $0x80, v3, vm0, $0xb8;
	[tilespmem:$0x10100] =	vst v63  }
0x10e: {  	_ = 	snop  }
0x10f: {  	[tilespmem:s29], [sflag:$0x1] =	stream.indirect_vreg.gather [hbm4b:s4+s3], $0x80, v3, vm0, $0xb8;
	[tilespmem:$0x10100] =	vst v63  }
0x110: {  	_ = 	snop  }
0x111: {  	[tilespmem:s30], [sflag:$0x1] =	stream.indirect_vreg.gather [hbm4b:s5+s3], $0x80, v3, vm0, $0xb8;
	[tilespmem:$0x10100] =	vst v63  }
0x112: {  	_ = 	snop  }
0x113: {  	[tilespmem:s31], [sflag:$0x1] =	stream.indirect_vreg.gather [hbm4b:s6+s3], $0x80, v3, vm0, $0xb8;
	[tilespmem:$0x10100] =	vst v63  }
0x114: {  	v3 =	vld [tilespmem:$0x10];
	_ =	sdelay $0x4  }
0x115: {  	v61 =	vshll.u32 v3, $0x3  }
0x116: {  	v3 =	vand.u32 $0x7, v3;
	v4 =	vand.u32 $0xFFFFFFC0, v61  }
0x117: {  	v3 =	vor.u32 v3, v4  }
0x118: {  	v4 =	vperm.xlane v3, v0;
	_ =	sdelay $0x1  }
0x119: {  	v4 =	vadd.s32 v1, v4;
	_ =	sdelay $0x4  }
0x11a: {  	[tilespmem:s1], [sflag:$0x1] =	stream.indirect_vreg.gather [hbm4b:s2+s3], $0x80, v4, vm0, $0xb8;
	[tilespmem:$0x10100] =	vst v63  }
0x11b: {  	s21 =	simm.s32 $0x4900;
	v3 =	vperm.xlane v3, v2  }
0x11c: {  	[tilespmem:s21], [sflag:$0x1] =	stream.indirect_vreg.gather [hbm4b:s4+s3], $0x80, v4, vm0, $0xb8;
	[tilespmem:$0x10100] =	vst v63  }
0x11d: {  	v3 =	vadd.s32 v1, v3  }
0x11e: {  	[tilespmem:s9], [sflag:$0x1] =	stream.indirect_vreg.gather [hbm4b:s5+s3], $0x80, v4, vm0, $0xb8;
	[tilespmem:$0x10100] =	vst v63  }
0x11f: {  	_ = 	snop  }
0x120: {  	[tilespmem:s11], [sflag:$0x1] =	stream.indirect_vreg.gather [hbm4b:s6+s3], $0x80, v4, vm0, $0xb8;
	[tilespmem:$0x10100] =	vst v63  }
0x121: {  	_ = 	snop  }
0x122: {  	[tilespmem:s12], [sflag:$0x1] =	stream.indirect_vreg.gather [hbm4b:s2+s3], $0x80, v3, vm0, $0xb8;
	[tilespmem:$0x10100] =	vst v63  }
0x123: {  	_ = 	snop  }
0x124: {  	[tilespmem:s13], [sflag:$0x1] =	stream.indirect_vreg.gather [hbm4b:s4+s3], $0x80, v3, vm0, $0xb8;
	[tilespmem:$0x10100] =	vst v63  }
0x125: {  	_ = 	snop  }
0x126: {  	[tilespmem:s14], [sflag:$0x1] =	stream.indirect_vreg.gather [hbm4b:s5+s3], $0x80, v3, vm0, $0xb8;
	[tilespmem:$0x10100] =	vst v63  }
0x127: {  	_ = 	snop  }
0x128: {  	[tilespmem:s15], [sflag:$0x1] =	stream.indirect_vreg.gather [hbm4b:s6+s3], $0x80, v3, vm0, $0xb8;
	[tilespmem:$0x10100] =	vst v63  }
0x129: {  	v3 =	vld [tilespmem:$0x80];
	_ =	sdelay $0x4  }
0x12a: {  	v62 =	vshll.u32 v3, $0x3  }
0x12b: {  	v3 =	vand.u32 $0x7, v3;
	v4 =	vand.u32 $0xFFFFFFC0, v62  }
0x12c: {  	v3 =	vor.u32 v3, v4  }
0x12d: {  	v4 =	vperm.xlane v3, v0;
	_ =	sdelay $0x1  }
0x12e: {  	v4 =	vadd.s32 v1, v4;
	_ =	sdelay $0x4  }
0x12f: {  	[tilespmem:s0], [sflag:$0x2] =	stream.indirect_vreg.gather [hbm4b:s2+s3], $0x80, v4, vm0, $0xb8;
	[tilespmem:$0x10100] =	vst v63  }
0x130: {  	v3 =	vperm.xlane v3, v2  }
0x131: {  	[tilespmem:s16], [sflag:$0x2] =	stream.indirect_vreg.gather [hbm4b:s4+s3], $0x80, v4, vm0, $0xb8;
	[tilespmem:$0x10100] =	vst v63  }
0x132: {  	v3 =	vadd.s32 v1, v3  }
0x133: {  	[tilespmem:s17], [sflag:$0x2] =	stream.indirect_vreg.gather [hbm4b:s5+s3], $0x80, v4, vm0, $0xb8;
	[tilespmem:$0x10100] =	vst v63  }
0x134: {  	_ = 	snop  }
0x135: {  	[tilespmem:s18], [sflag:$0x2] =	stream.indirect_vreg.gather [hbm4b:s6+s3], $0x80, v4, vm0, $0xb8;
	[tilespmem:$0x10100] =	vst v63  }
0x136: {  	_ = 	snop  }
0x137: {  	[tilespmem:s10], [sflag:$0x2] =	stream.indirect_vreg.gather [hbm4b:s2+s3], $0x80, v3, vm0, $0xb8;
	[tilespmem:$0x10100] =	vst v63  }
0x138: {  	s21 =	simm.s32 $0xA900  }
0x139: {  	[tilespmem:s21], [sflag:$0x2] =	stream.indirect_vreg.gather [hbm4b:s4+s3], $0x80, v3, vm0, $0xb8;
	[tilespmem:$0x10100] =	vst v63  }
0x13a: {  	s21 =	simm.s32 $0xB100  }
0x13b: {  	[tilespmem:s21], [sflag:$0x2] =	stream.indirect_vreg.gather [hbm4b:s5+s3], $0x80, v3, vm0, $0xb8;
	[tilespmem:$0x10100] =	vst v63  }
0x13c: {  	s21 =	simm.s32 $0xB900  }
0x13d: {  	[tilespmem:s21], [sflag:$0x2] =	stream.indirect_vreg.gather [hbm4b:s6+s3], $0x80, v3, vm0, $0xb8;
	[tilespmem:$0x10100] =	vst v63  }
0x13e: {  	v3 =	vld [tilespmem:$0x90];
	_ =	sdelay $0x4  }
0x13f: {  	v63 =	vshll.u32 v3, $0x3  }
0x140: {  	v3 =	vand.u32 $0x7, v3;
	v4 =	vand.u32 $0xFFFFFFC0, v63  }
0x141: {  	v3 =	vor.u32 v3, v4  }
0x142: {  	v4 =	vperm.xlane v3, v0;
	_ =	sdelay $0x1  }
0x143: {  	v4 =	vadd.s32 v1, v4;
	_ =	sdelay $0x3  }
0x144: {  	s21 =	simm.s32 $0xC100  }
0x145: {  	[tilespmem:s21], [sflag:$0x2] =	stream.indirect_vreg.gather [hbm4b:s2+s3], $0x80, v4, vm0, $0xb8;
	[tilespmem:$0x10100] =	vst v63  }
0x146: {  	v3 =	vperm.xlane v3, v2;
	s21 =	simm.s32 $0xC900  }
0x147: {  	[tilespmem:s21], [sflag:$0x2] =	stream.indirect_vreg.gather [hbm4b:s4+s3], $0x80, v4, vm0, $0xb8;
	[tilespmem:$0x10100] =	vst v63  }
0x148: {  	v3 =	vadd.s32 v1, v3;
	s21 =	simm.s32 $0xD100  }
0x149: {  	[tilespmem:s21], [sflag:$0x2] =	stream.indirect_vreg.gather [hbm4b:s5+s3], $0x80, v4, vm0, $0xb8;
	[tilespmem:$0x10100] =	vst v63  }
0x14a: {  	s21 =	simm.s32 $0xD900  }
0x14b: {  	[tilespmem:s21], [sflag:$0x2] =	stream.indirect_vreg.gather [hbm4b:s6+s3], $0x80, v4, vm0, $0xb8;
	[tilespmem:$0x10100] =	vst v63  }
0x14c: {  	s21 =	simm.s32 $0xE100  }
0x14d: {  	[tilespmem:s21], [sflag:$0x2] =	stream.indirect_vreg.gather [hbm4b:s2+s3], $0x80, v3, vm0, $0xb8;
	[tilespmem:$0x10100] =	vst v63  }
0x14e: {  	s21 =	simm.s32 $0xE900  }
0x14f: {  	[tilespmem:s21], [sflag:$0x2] =	stream.indirect_vreg.gather [hbm4b:s4+s3], $0x80, v3, vm0, $0xb8;
	[tilespmem:$0x10100] =	vst v63  }
0x150: {  	s21 =	simm.s32 $0xF100  }
0x151: {  	[tilespmem:s21], [sflag:$0x2] =	stream.indirect_vreg.gather [hbm4b:s5+s3], $0x80, v3, vm0, $0xb8;
	[tilespmem:$0x10100] =	vst v63  }
0x152: {  	s21 =	simm.s32 $0xF900  }
0x153: {  	[tilespmem:s21], [sflag:$0x2] =	stream.indirect_vreg.gather [hbm4b:s6+s3], $0x80, v3, vm0, $0xb8;
	[tilespmem:$0x10100] =	vst v63  }
0x154: {  	_ =	swait.ge [sflag:s19], $0x8000  }
0x155: {  	[sflag:s19] =	ssyncset.done $0x0  }
0x156: {  	[sflag:s19] =	ssyncadd.s32 $0xFFFF8000  }
0x157: {  	_ =	swait.ge [sflag:s20], $0x8000  }
0x158: {  	[sflag:s20] =	ssyncset.done $0x0  }
0x159: {  	s1 =	rddreg [dreg:$0xe];
	[sflag:s20] =	ssyncadd.s32 $0xFFFF8000  }
0x15a: {  	[hbm4b:s1+s3] =	stream.linear.scatter [tilespmem:s26], [sflag:$0x3], $0x8000, $0x38;
	[tilespmem:$0x10100] =	vst v63  }
0x15b: {  	_ =	swait.ge [sflag:s8], $0x8000  }
0x15c: {  	p0 =	sne.s32 s7, $0x1;
	[sflag:s8] =	ssyncset.done $0x0  }
.Ltmp0:
0x15d: {  	s1 =	rddreg [dreg:$0xf];
	[sflag:s8] =	ssyncadd.s32 $0xFFFF8000;
	(pc) =	sbr.rel @p0 .LBB2_1-.Ltmp0, $4  }
0x15e: {  	[hbm4b:s1+s3] =	stream.linear.scatter [tilespmem:s0], [sflag:$0x3], $0x8000, $0x38;
	[tilespmem:$0x10100] =	vst v63  }
0x15f: {  	_ =	swait.ge [sflag:s8], $0x8000  }
0x160: {  	[sflag:s8] =	ssyncset.done $0x0  }
0x161: {  	s7 =	sadd.s32 $0xFFFFFFFF, s7;
	[sflag:s8] =	ssyncadd.s32 $0xFFFF8000  }
0x162: {  	_ =	sfence.sel $0x180000  }
0x163: {  	[bflag:$0x0] =	sbarrier.arrive $0xFFFF  }
0x164: {  	_ =	strace $0x9000004A  }
0x165: {  	s0 =	stileid.u32;
	[bflag:$0x2] =	sbarrier.arrive $0xFFFF  }
0x166: {  	p0 =	sne.s32 s0, $0x0;
	s0 =	rddreg [dreg:$0x3]  }
0x167: {  	s0 =	sadd.s32 @!p0 $0x100000, s0  }
0x168: {  	[sflag:s0] =	ssyncadd.tile.s32 @!p0 $0x1;
	_ =	shalt  }
.Lfunc_end2:
_tile_overlayer_lowered:
.L_overlay_start_2:
0x169: {  	(tag) =	ssettag $0x2  }
0x16a: {  	s0 =	rddreg [dreg:$0x0];
	s2 =	stileid.u32  }
0x16b: {  	s1 =	rddreg [dreg:$0x1];
	p0 =	sne.s32 s2, $0x0  }
0x16c: {  	s3 =	rddreg [dreg:$0x2];
	[bflag:$0x3] =	sbarrier.arrive $0xFFFF;
	s2 =	simm.s32 @!p0 $0x1C03  }
0x16d: {  	[timem:s3], [sflag:s2] =	dma.local @!p0 [hbm:s0], s1  }
0x16e: {  	s0 =	simm.s32 @!p0 $0x3  }
0x16f: {  	_ =	swait.ge @!p0 [sflag:s0], s1  }
0x170: {  	s1 =	ssub.s32 @!p0 $0x0, s1;
	[sflag:s0] =	ssyncset.done @!p0 $0x0  }
0x171: {  	[sflag:s0] =	ssyncadd.s32 @!p0 s1  }
0x172: {  	[bflag:$0x3] =	sbarrier.arrive $0xFFFF  }
0x173: {  	_ =	shalt  }

// kernel: kernel.13.cloned.1.call-start
scs
__scs_entry_jumppad:
0x0: {  	(pc) =	sbr.rel $0x88, $3  }
0x1: {  	(tag) =	ssettag $0x0;
	lr =	simm.s32 $0x1  }
0x2: {  	[smem:$0x3F9C] =	sst lr;
	_ =	strace $0xD0000000  }
0x3: {  	_ = 	snop  }
0x4: {  	_ = 	snop  }
0x5: {  	_ = 	snop  }
0x6: {  	_ = 	snop  }
0x7: {  	_ = 	snop  }
__scs_overlays_trampoline_lowered:
0x8: {  	[smem:$0x3FAB] =	sst s0  }
0x9: {  	[smem:$0x3FAC] =	sst s1  }
0xa: {  	[smem:$0x3FAD] =	sst s2  }
0xb: {  	[smem:$0x3FAE] =	sst s3  }
0xc: {  	[smem:$0x3FAF] =	sst s4  }
0xd: {  	[smem:$0x3FB0] =	sst s5  }
0xe: {  	[smem:$0x3FB1] =	sst s6  }
0xf: {  	[smem:$0x3FB2] =	sst s7  }
0x10: {  	[smem:$0x3FB3] =	sst s8  }
0x11: {  	[smem:$0x3FB4] =	sst s9;
	s0 =	simm.s32 @!p0 $0x0  }
0x12: {  	s1 =	sld [smem:$0x3F9A];
	s0 =	simm.s32 @p0 $0x1  }
0x13: {  	[smem:$0x3FB5] =	sst s0;
	s0 =	simm.s32 @!p1 $0x0  }
0x14: {  	s2 =	sld [smem:$0x3F99];
	s0 =	simm.s32 @p1 $0x1  }
0x15: {  	[smem:$0x3FB6] =	sst s0;
	s0 =	simm.s32 @!p2 $0x0  }
0x16: {  	s3 =	sld [smem:$0x3FDB];
	s0 =	simm.s32 @p2 $0x1  }
0x17: {  	s4 =	simm.s32 $0x1BF5;
	[smem:$0x3FB8] =	sst s0  }
0x18: {  	s0 =	sld [smem:$0x3F9B];
	_ =	swait.ge [sflag:s4], $0x0  }
0x19: {  	s7 =	sld [smem:$0x3F9C]  }
0x1a: {  	s8 =	sadd.s32 $0xFFFFE003, lr  }
0x1b: {  	s9 =	sadd.s32 $0xFFFFFEF7, lr;
	s5 =	simm.s32 $0xFFFFFFFF;
	p2 =	slt.u32 s8, $0xFFFFF086  }
0x1c: {  	p1 =	slt.u32 s9, $0xF7A;
	s5 =	simm.s32 @!p2 $0x0  }
0x1d: {  	s5 =	simm.s32 @p1 $0x1;
	p0 =	seq.s32 s7, s2  }
0x1e: {  	s7 =	smul.u32 @!p0 $0xF7A, s2;
	p2 =	seq.s32 @!p0 s5, $0x0  }
0x1f: {  	s9 =	smul.u32 $0xF7A, s1;
	s8 =	simm.s32 @!p0 $0x1BF5;
	p2 =	por !p2, p0  }
0x20: {  	[sflag:s8] =	ssyncset.s32 @!p0 $0xFFFFF086;
	s6 =	sadd.s32 @!p0 s3, s7;
	s7 =	simm.s32 @!p0 $0x108  }
0x21: {  	s3 =	sadd.s32 s3, s9;
	s6 =	sadd.s32 @!p0 $0x88, s6;
	s7 =	simm.s32 @p2 $0x1082  }
0x22: {  	[simem:s7], [sflag:s8] =	dma.local @!p0 [hbm:s6], $0xF7A  }
0x23: {  	s9 =	sor.u32 $0xD0000000, s2;
	s6 =	simm.s32 $0x108;
	_ =	swait.ge @!p0 [sflag:s8], $0x0  }
0x24: {  	s3 =	sadd.s32 $0x88, s3;
	s6 =	simm.s32 @!p1 $0x1082;
	[sflag:s4] =	ssyncset.s32 $0xFFFFF086  }
0x25: {  	[simem:s6], [sflag:s4] =	dma.local [hbm:s3], $0xF7A  }
0x26: {  	[smem:$0x3F9C] =	sst s1;
	(tag) =	ssettag s2;
	_ =	strace s9  }
0x27: {  	s1 =	sld [smem:$0x3FAC]  }
0x28: {  	s2 =	sld [smem:$0x3FAD]  }
0x29: {  	s4 =	sld [smem:$0x3FAF]  }
0x2a: {  	p0 =	seq.s32 s5, $0x0;
	s5 =	sld [smem:$0x3FB0]  }
0x2b: {  	s6 =	sld [smem:$0x3FB1]  }
0x2c: {  	s7 =	sld [smem:$0x3FB2]  }
0x2d: {  	s3 =	simm.s32 $0x108;
	s8 =	sld [smem:$0x3FB3]  }
0x2e: {  	s3 =	simm.s32 @!p0 $0x1082;
	s9 =	sld [smem:$0x3FB4]  }
0x2f: {  	lr =	sadd.s32 s0, s3;
	s0 =	sld [smem:$0x3FAB]  }
0x30: {  	s3 =	sld [smem:$0x3FAE]  }
0x31: {  	[smem:$0x3FB7] =	sst s10  }
0x32: {  	s10 =	sld [smem:$0x3FB5];
	_ =	sdelay $0x3  }
0x33: {  	p0 =	seq.s32 s10, $0x1;
	s10 =	sld [smem:$0x3FB7];
	_ =	sdelay $0x3  }
0x34: {  	[smem:$0x3FB7] =	sst s10  }
0x35: {  	s10 =	sld [smem:$0x3FB6];
	_ =	sdelay $0x3  }
0x36: {  	p1 =	seq.s32 s10, $0x1;
	s10 =	sld [smem:$0x3FB7];
	_ =	sdelay $0x3  }
0x37: {  	[smem:$0x3FB7] =	sst s10  }
0x38: {  	s10 =	sld [smem:$0x3FB8]  }
0x39: {  	_ = 	snop;
	(pc) =	sbr.ind lr, $3  }
0x3a: {  	_ = 	snop  }
0x3b: {  	_ = 	snop  }
0x3c: {  	p2 =	seq.s32 s10, $0x1;
	s10 =	sld [smem:$0x3FB7]  }
0x3d: {  	_ =	shalt  }
0x3e: {  	_ =	shalt  }
0x3f: {  	_ =	shalt  }
0x40: {  	_ =	shalt  }
0x41: {  	_ =	shalt  }
0x42: {  	_ =	shalt  }
0x43: {  	_ =	shalt  }
0x44: {  	_ =	shalt  }
0x45: {  	_ =	shalt  }
0x46: {  	_ =	shalt  }
0x47: {  	_ =	shalt  }
0x48: {  	_ =	shalt  }
0x49: {  	_ =	shalt  }
0x4a: {  	_ =	shalt  }
0x4b: {  	_ =	shalt  }
0x4c: {  	_ =	shalt  }
0x4d: {  	_ =	shalt  }
0x4e: {  	_ =	shalt  }
0x4f: {  	_ =	shalt  }
0x50: {  	_ =	shalt  }
0x51: {  	_ =	shalt  }
0x52: {  	_ =	shalt  }
0x53: {  	_ =	shalt  }
0x54: {  	_ =	shalt  }
0x55: {  	_ =	shalt  }
0x56: {  	_ =	shalt  }
0x57: {  	_ =	shalt  }
0x58: {  	_ =	shalt  }
0x59: {  	_ =	shalt  }
0x5a: {  	_ =	shalt  }
0x5b: {  	_ =	shalt  }
0x5c: {  	_ =	shalt  }
0x5d: {  	_ =	shalt  }
0x5e: {  	_ =	shalt  }
0x5f: {  	_ =	shalt  }
0x60: {  	_ =	shalt  }
0x61: {  	_ =	shalt  }
0x62: {  	_ =	shalt  }
0x63: {  	_ =	shalt  }
0x64: {  	_ =	shalt  }
0x65: {  	_ =	shalt  }
0x66: {  	_ =	shalt  }
0x67: {  	_ =	shalt  }
0x68: {  	_ =	shalt  }
0x69: {  	_ =	shalt  }
0x6a: {  	_ =	shalt  }
0x6b: {  	_ =	shalt  }
0x6c: {  	_ =	shalt  }
0x6d: {  	_ =	shalt  }
0x6e: {  	_ =	shalt  }
0x6f: {  	_ =	shalt  }
0x70: {  	_ =	shalt  }
0x71: {  	_ =	shalt  }
0x72: {  	_ =	shalt  }
0x73: {  	_ =	shalt  }
0x74: {  	_ =	shalt  }
0x75: {  	_ =	shalt  }
0x76: {  	_ =	shalt  }
0x77: {  	_ =	shalt  }
0x78: {  	_ =	shalt  }
0x79: {  	_ =	shalt  }
0x7a: {  	_ =	shalt  }
0x7b: {  	_ =	shalt  }
0x7c: {  	_ =	shalt  }
0x7d: {  	_ =	shalt  }
0x7e: {  	_ =	shalt  }
0x7f: {  	_ =	shalt  }
0x80: {  	_ =	shalt  }
0x81: {  	_ =	shalt  }
0x82: {  	_ =	shalt  }
0x83: {  	_ =	shalt  }
0x84: {  	_ =	shalt  }
0x85: {  	_ =	shalt  }
0x86: {  	_ =	shalt  }
0x87: {  	_ =	shalt  }
.Lfunc_end0:
.L_simem_size_0:
called_computation.2_lowered:
.L_overlay_start_0:
0x88: {  	s2 =	sld [smem:$0x3FD9]  }
0x89: {  	s3 =	sld [smem:$0x3FFE];
	_ =	sdelay $0x1  }
0x8a: {  	s1 =	srdreg.scid  }
0x8b: {  	s0 =	sand.u32 $0x1, s1  }
0x8c: {  	s17 =	sshll.u32 s0, $0xA;
	s2 =	sadd.s32 s3, s2  }
0x8d: {  	s2 =	sadd.s32 s2, s17  }
0x8e: {  	[smem:$0x3FC3] =	sst s2  }
0x8f: {  	_ = 	snop  }
0x90: {  	s2 =	sld [smem:$0x3FD0];
	(tm) =	ssettm $0x1  }
0x91: {  	s18 =	sld [smem:$0x3FFB];
	_ =	sdelay $0x3  }
0x92: {  	_ =	strace s18  }
0x93: {  	s3 =	sld [smem:$0x3FFC];
	_ =	sdelay $0x3  }
0x94: {  	_ =	strace s3  }
0x95: {  	s3 =	sld [smem:$0x3FFD];
	_ =	sdelay $0x3  }
0x96: {  	_ =	strace s3  }
0x97: {  	_ =	strace $0x8FFFFFFF  }
0x98: {  	s19 =	sld [smem:$0x3FDB];
	_ =	sdelay $0x1  }
0x99: {  	s4 =	simm.s32 $_scs_section_size  }
0x9a: {  	s5 =	simm.s32 $_size__tile_overlayer_lowered;
	s6 =	simm.s32 $_tile_overlayer_lowered  }
0x9b: {  	s22 =	simm.s32 $0x1BFF;
	s21 =	sshll.u32 s6, $0x1;
	s3 =	sadd.s32 s4, s19  }
0x9c: {  	s7 =	simm.s32 $0x0;
	s20 =	sshll.u32 s5, $0x1;
	s5 =	sadd.s32 s21, s3  }
0x9d: {  	[timem:s7], [sflag:s22] =	dma.local [hbm:s5], s20  }
0x9e: {  	_ =	swait.ge [sflag:s22], s20  }
0x9f: {  	s4 =	ssub.s32 $0x0, s20;
	[sflag:s22] =	ssyncset.done $0x0  }
0xa0: {  	[sflag:s22] =	ssyncadd.s32 s4;
	_ =	sdelay $0x1  }
0xa1: {  	s23 =	simm.s32 $0x1B8B  }
0xa2: {  	_ =	swait.ge [sflag:s23], $0x1  }
0xa3: {  	[sflag:s23] =	ssyncset.done $0x0  }
0xa4: {  	s25 =	simm.s32 $0x1B8E;
	s24 =	sld [smem:$0x3FFE];
	[sflag:s23] =	ssyncadd.s32 $0xFFFFFFFF  }
0xa5: {  	s26 =	simm.s32 $execute0_lowered;
	[smem:$0x3FD2] =	sst s25  }
0xa6: {  	s5 =	sshll.u32 s26, $0x1;
	_ =	strace $0x8000004C;
	[dreg:$0x1] =	wrdreg $0xFFFFFFFF  }
0xa7: {  	s28 =	simm.s32 $_size_execute0_lowered;
	s3 =	sadd.s32 s3, s5;
	[dreg:$0x0] =	wrdreg $0x0  }
0xa8: {  	s5 =	sshll.u32 s28, $0x1;
	[dreg:$0x2] =	wrdreg s3  }
0xa9: {  	[dreg:$0x3] =	wrdreg s5  }
0xaa: {  	[dreg:$0x4] =	wrdreg $0xC0  }
0xab: {  	_ =	task [dreg:s7], $0x5FFFF  }
0xac: {  	[dreg:$0x1] =	wrdreg $0xFFFFFFFF  }
0xad: {  	[dreg:$0x0] =	wrdreg $0x60  }
0xae: {  	[dreg:$0x2] =	wrdreg s24  }
0xaf: {  	[dreg:$0x3] =	wrdreg s2  }
0xb0: {  	[dreg:$0x4] =	wrdreg $0x9  }
0xb1: {  	_ =	task.clear_ibuf [dreg:s7], $0x5FFFF;
	_ =	strace $0x9000004C  }
0xb2: {  	s29 =	simm.s32 $0x9;
	_ =	strace $0x8000004E  }
0xb3: {  	_ =	swait.ge [sflag:s29], $0x1  }
0xb4: {  	[sflag:s29] =	ssyncadd.s32 $0xFFFFFFFF  }
0xb5: {  	_ =	strace $0x9000004E  }
0xb6: {  	_ =	sfence  }
0xb7: {  	s30 =	sld [smem:$0x0];
	_ =	sdelay $0x2  }
0xb8: {  	s31 =	sshll.u32 s1, $0xD;
	s1 =	sshrl.u32 s1, $0x2  }
0xb9: {  	s3 =	sand.u32 $0x4000, s31;
	s1 =	sadd.s32 s1, s30  }
0xba: {  	s0 =	sor.u32 s3, s0;
	s1 =	sshll.u32 s1, $0x11  }
0xbb: {  	s0 =	sor.u32 s1, s0  }
0xbc: {  	s0 =	sadd.s32 $0x8F2B, s0  }
0xbd: {  	[sflag:s0] =	ssyncadd.remote.s32 $0x1  }
0xbe: {  	_ =	sfence.sel $0xFFFF  }
0xbf: {  	[dreg:$0x0] =	wrdreg $0xFFFFFFFF;
	(pc) =	sbr.abs _section_cstart, $3  }
0xc0: {  	[dreg:$0x1] =	wrdreg $0xFFFFFFFF  }
0xc1: {  	_ =	task.clear_ibuf [dreg:s7], $0x2FFFF;
	_ =	strace $0x9FFFFFFF  }
0xc2: {  	(tm) =	ssettm $0x7FFFFFFF  }
0xc3: {  	_ =	shalt  }
tec
execute0_lowered:
.L_overlay_start_1:
0x0: {  	(tag) =	ssettag $0x1  }
0x1: {  	s0 =	rddreg [dreg:$0x0]  }
0x2: {  	s1 =	rddreg [dreg:$0x1]  }
0x3: {  	s2 =	srdreg.scid;
	s3 =	stileid.u32;
	s14 =	simm.s32 $0x3  }
0x4: {  	s16 =	simm.s32 $0x100;
	s15 =	simm.s32 $0x9900;
	s17 =	simm.s32 $0xA100  }
0x5: {  	s18 =	simm.s32 $0xA900;
	s19 =	simm.s32 $0xB900;
	s20 =	simm.s32 $0xC100  }
0x6: {  	s21 =	simm.s32 $0xC900;
	s22 =	simm.s32 $0xD900;
	s23 =	simm.s32 $0xE900  }
0x7: {  	s24 =	simm.s32 $0xF100;
	s25 =	simm.s32 $0x1;
	s4 =	sand.u32 $0x1, s2  }
0x8: {  	s2 =	simm.s32 $0x0;
	s3 =	sshll.u32 s3, $0x7;
	s11 =	sadd.s32 $0x1A00, s0  }
0x9: {  	s8 =	sadd.s32 $0xC2700, s0;
	s5 =	sshll.u32 s4, $0x6;
	[smem:$0x7FF] =	sst s2  }
0xa: {  	s4 =	ssub.s32 $0x2, s4;
	s9 =	sor.u32 s5, s3;
	_ =	strace $0x8000004D  }
0xb: {  	s3 =	sadd.s32 $0xC2400, s0;
	s6 =	sshrl.u32 s4, $0x1;
	s10 =	sshll.u32 s9, $0x1  }
0xc: {  	s4 =	ssub.s32 s4, s6;
	s13 =	sor.u32 $0x20, s9;
	s9 =	sshll.u32 s9, $0x7  }
0xd: {  	s12 =	sand.u32 $0xF00, s10;
	s28 =	sand.u32 $0x60, s13;
	s9 =	sadd.s32 s1, s9  }
0xe: {  	s30 =	sshll.u32 s13, $0x7;
	s31 =	smax.u32 s4, $0x1;
	s13 =	simm.s32 $0x2  }
0xf: {  	s7 =	sor.u32 s5, s12;
	s5 =	sor.u32 s5, s10;
	[dreg:$0x5] =	wrdreg s9  }
0x10: {  	s29 =	sor.u32 s10, s28;
	[dreg:$0x9] =	wrdreg s31;
	s26 =	sshrl.u32 s7, $0x3  }
0x11: {  	s9 =	simm.s32 $0xB100;
	s5 =	sshrl.u32 s5, $0x3;
	s6 =	sadd.s32 s11, s26  }
0x12: {  	s7 =	sadd.s32 $0xC2600, s0;
	s5 =	sor.u32 $0x10, s5;
	[dreg:$0x3] =	wrdreg s6  }
0x13: {  	s5 =	sadd.s32 s11, s5;
	s6 =	sadd.s32 $0xC2500, s0;
	s0 =	sshrl.u32 s29, $0x3  }
0x14: {  	[dreg:$0x4] =	wrdreg s5;
	s5 =	sor.u32 s28, s12;
	s0 =	sor.u32 $0x10, s0  }
0x15: {  	s10 =	simm.s32 $0xD100;
	s5 =	sshrl.u32 s5, $0x3;
	s0 =	sadd.s32 s11, s0  }
0x16: {  	v2 =	vlaneseq.u32;
	s26 =	simm.s32 $0x0;
	s5 =	sadd.s32 s11, s5;
	[dreg:$0x7] =	wrdreg s0  }
0x17: {  	vm0 =	vmmov $0xffff;
	v1 =	vshrl.u32 v2, $0x3;
	s12 =	simm.s32 $0xF900;
	s0 =	sadd.s32 s1, s30;
	[dreg:$0x6] =	wrdreg s5  }
0x18: {  	v0 =	vand.u32 $0x7, v2;
	v2 =	vor.u32 $0x8, v2;
	v1 =	vmul.u32 $0x8, v1;
	s11 =	simm.s32 $0xE100;
	[dreg:$0x8] =	wrdreg s0;
	s5 =	simm.s32 $0x9100  }
.LBB2_1:
0x19: {  	s0 =	rddreg [dreg:$0x3]  }
0x1a: {  	[tilespmem:s2], [sflag:$0x3] =	stream.linear.gather [hbm4b:s0+s2], $0x20, $0x38;
	[tilespmem:$0x10100] =	vst v63  }
0x1b: {  	_ =	swait.ge [sflag:s14], $0x20  }
0x1c: {  	[sflag:s14] =	ssyncset.done $0x0  }
0x1d: {  	s1 =	simm.s32 $0x80;
	s4 =	rddreg [dreg:$0x4];
	[sflag:s14] =	ssyncadd.s32 $0xFFFFFFE0  }
0x1e: {  	[tilespmem:s1], [sflag:$0x3] =	stream.linear.gather [hbm4b:s4+s2], $0x20, $0x38;
	[tilespmem:$0x10100] =	vst v63  }
0x1f: {  	_ =	swait.ge [sflag:s14], $0x20  }
0x20: {  	[sflag:s14] =	ssyncset.done $0x0  }
0x21: {  	[sflag:s14] =	ssyncadd.s32 $0xFFFFFFE0  }
0x22: {  	v3 =	vld [tilespmem:$0x0];
	_ =	sdelay $0x4  }
0x23: {  	v4 =	vshll.u32 v3, $0x3  }
0x24: {  	v3 =	vand.u32 $0x7, v3;
	v4 =	vand.u32 $0xFFFFFFC0, v4  }
0x25: {  	v3 =	vor.u32 v3, v4  }
0x26: {  	v4 =	vperm.xlane v3, v0;
	_ =	sdelay $0x1  }
0x27: {  	v4 =	vadd.s32 v1, v4;
	_ =	sdelay $0x4  }
0x28: {  	[tilespmem:s16], [sflag:$0x1] =	stream.indirect_vreg.gather [hbm4b:s3+s2], $0x80, v4, vm0, $0xb8;
	[tilespmem:$0x10100] =	vst v63  }
0x29: {  	s4 =	simm.s32 $0x900;
	v3 =	vperm.xlane v3, v2  }
0x2a: {  	[tilespmem:s4], [sflag:$0x1] =	stream.indirect_vreg.gather [hbm4b:s6+s2], $0x80, v4, vm0, $0xb8;
	[tilespmem:$0x10100] =	vst v63  }
0x2b: {  	s1 =	simm.s32 $0x1100;
	v3 =	vadd.s32 v1, v3  }
0x2c: {  	[tilespmem:s1], [sflag:$0x1] =	stream.indirect_vreg.gather [hbm4b:s7+s2], $0x80, v4, vm0, $0xb8;
	[tilespmem:$0x10100] =	vst v63  }
0x2d: {  	s4 =	simm.s32 $0x1900  }
0x2e: {  	[tilespmem:s4], [sflag:$0x1] =	stream.indirect_vreg.gather [hbm4b:s8+s2], $0x80, v4, vm0, $0xb8;
	[tilespmem:$0x10100] =	vst v63  }
0x2f: {  	s1 =	simm.s32 $0x2100  }
0x30: {  	[tilespmem:s1], [sflag:$0x1] =	stream.indirect_vreg.gather [hbm4b:s3+s2], $0x80, v3, vm0, $0xb8;
	[tilespmem:$0x10100] =	vst v63  }
0x31: {  	s4 =	simm.s32 $0x2900  }
0x32: {  	[tilespmem:s4], [sflag:$0x1] =	stream.indirect_vreg.gather [hbm4b:s6+s2], $0x80, v3, vm0, $0xb8;
	[tilespmem:$0x10100] =	vst v63  }
0x33: {  	s1 =	simm.s32 $0x3100  }
0x34: {  	[tilespmem:s1], [sflag:$0x1] =	stream.indirect_vreg.gather [hbm4b:s7+s2], $0x80, v3, vm0, $0xb8;
	[tilespmem:$0x10100] =	vst v63  }
0x35: {  	s4 =	simm.s32 $0x3900  }
0x36: {  	[tilespmem:s4], [sflag:$0x1] =	stream.indirect_vreg.gather [hbm4b:s8+s2], $0x80, v3, vm0, $0xb8;
	[tilespmem:$0x10100] =	vst v63  }
0x37: {  	v3 =	vld [tilespmem:$0x10];
	_ =	sdelay $0x4  }
0x38: {  	v61 =	vshll.u32 v3, $0x3  }
0x39: {  	v3 =	vand.u32 $0x7, v3;
	v4 =	vand.u32 $0xFFFFFFC0, v61  }
0x3a: {  	v3 =	vor.u32 v3, v4  }
0x3b: {  	v4 =	vperm.xlane v3, v0;
	_ =	sdelay $0x1  }
0x3c: {  	v4 =	vadd.s32 v1, v4;
	_ =	sdelay $0x3  }
0x3d: {  	s1 =	simm.s32 $0x4100  }
0x3e: {  	[tilespmem:s1], [sflag:$0x1] =	stream.indirect_vreg.gather [hbm4b:s3+s2], $0x80, v4, vm0, $0xb8;
	[tilespmem:$0x10100] =	vst v63  }
0x3f: {  	s4 =	simm.s32 $0x4900;
	v3 =	vperm.xlane v3, v2  }
0x40: {  	[tilespmem:s4], [sflag:$0x1] =	stream.indirect_vreg.gather [hbm4b:s6+s2], $0x80, v4, vm0, $0xb8;
	[tilespmem:$0x10100] =	vst v63  }
0x41: {  	v3 =	vadd.s32 v1, v3;
	s1 =	simm.s32 $0x5100  }
0x42: {  	[tilespmem:s1], [sflag:$0x1] =	stream.indirect_vreg.gather [hbm4b:s7+s2], $0x80, v4, vm0, $0xb8;
	[tilespmem:$0x10100] =	vst v63  }
0x43: {  	s4 =	simm.s32 $0x5900  }
0x44: {  	[tilespmem:s4], [sflag:$0x1] =	stream.indirect_vreg.gather [hbm4b:s8+s2], $0x80, v4, vm0, $0xb8;
	[tilespmem:$0x10100] =	vst v63  }
0x45: {  	s1 =	simm.s32 $0x6100  }
0x46: {  	[tilespmem:s1], [sflag:$0x1] =	stream.indirect_vreg.gather [hbm4b:s3+s2], $0x80, v3, vm0, $0xb8;
	[tilespmem:$0x10100] =	vst v63  }
0x47: {  	s4 =	simm.s32 $0x6900  }
0x48: {  	[tilespmem:s4], [sflag:$0x1] =	stream.indirect_vreg.gather [hbm4b:s6+s2], $0x80, v3, vm0, $0xb8;
	[tilespmem:$0x10100] =	vst v63  }
0x49: {  	s1 =	simm.s32 $0x7100  }
0x4a: {  	[tilespmem:s1], [sflag:$0x1] =	stream.indirect_vreg.gather [hbm4b:s7+s2], $0x80, v3, vm0, $0xb8;
	[tilespmem:$0x10100] =	vst v63  }
0x4b: {  	s4 =	simm.s32 $0x7900  }
0x4c: {  	[tilespmem:s4], [sflag:$0x1] =	stream.indirect_vreg.gather [hbm4b:s8+s2], $0x80, v3, vm0, $0xb8;
	[tilespmem:$0x10100] =	vst v63  }
0x4d: {  	v3 =	vld [tilespmem:$0x80];
	_ =	sdelay $0x4  }
0x4e: {  	v62 =	vshll.u32 v3, $0x3  }
0x4f: {  	v3 =	vand.u32 $0x7, v3;
	v4 =	vand.u32 $0xFFFFFFC0, v62  }
0x50: {  	v3 =	vor.u32 v3, v4  }
0x51: {  	v4 =	vperm.xlane v3, v0;
	_ =	sdelay $0x1  }
0x52: {  	v4 =	vadd.s32 v1, v4;
	_ =	sdelay $0x3  }
0x53: {  	s1 =	simm.s32 $0x8100  }
0x54: {  	[tilespmem:s1], [sflag:$0x2] =	stream.indirect_vreg.gather [hbm4b:s3+s2], $0x80, v4, vm0, $0xb8;
	[tilespmem:$0x10100] =	vst v63  }
0x55: {  	s4 =	simm.s32 $0x8900;
	v3 =	vperm.xlane v3, v2  }
0x56: {  	[tilespmem:s4], [sflag:$0x2] =	stream.indirect_vreg.gather [hbm4b:s6+s2], $0x80, v4, vm0, $0xb8;
	[tilespmem:$0x10100] =	vst v63  }
0x57: {  	v3 =	vadd.s32 v1, v3  }
0x58: {  	[tilespmem:s5], [sflag:$0x2] =	stream.indirect_vreg.gather [hbm4b:s7+s2], $0x80, v4, vm0, $0xb8;
	[tilespmem:$0x10100] =	vst v63  }
0x59: {  	_ = 	snop  }
0x5a: {  	[tilespmem:s15], [sflag:$0x2] =	stream.indirect_vreg.gather [hbm4b:s8+s2], $0x80, v4, vm0, $0xb8;
	[tilespmem:$0x10100] =	vst v63  }
0x5b: {  	_ = 	snop  }
0x5c: {  	[tilespmem:s17], [sflag:$0x2] =	stream.indirect_vreg.gather [hbm4b:s3+s2], $0x80, v3, vm0, $0xb8;
	[tilespmem:$0x10100] =	vst v63  }
0x5d: {  	_ = 	snop  }
0x5e: {  	[tilespmem:s18], [sflag:$0x2] =	stream.indirect_vreg.gather [hbm4b:s6+s2], $0x80, v3, vm0, $0xb8;
	[tilespmem:$0x10100] =	vst v63  }
0x5f: {  	_ = 	snop  }
0x60: {  	[tilespmem:s9], [sflag:$0x2] =	stream.indirect_vreg.gather [hbm4b:s7+s2], $0x80, v3, vm0, $0xb8;
	[tilespmem:$0x10100] =	vst v63  }
0x61: {  	_ = 	snop  }
0x62: {  	[tilespmem:s19], [sflag:$0x2] =	stream.indirect_vreg.gather [hbm4b:s8+s2], $0x80, v3, vm0, $0xb8;
	[tilespmem:$0x10100] =	vst v63  }
0x63: {  	v3 =	vld [tilespmem:$0x90];
	_ =	sdelay $0x4  }
0x64: {  	v63 =	vshll.u32 v3, $0x3  }
0x65: {  	v3 =	vand.u32 $0x7, v3;
	v4 =	vand.u32 $0xFFFFFFC0, v63  }
0x66: {  	v3 =	vor.u32 v3, v4  }
0x67: {  	v4 =	vperm.xlane v3, v0;
	_ =	sdelay $0x1  }
0x68: {  	v4 =	vadd.s32 v1, v4;
	_ =	sdelay $0x4  }
0x69: {  	[tilespmem:s20], [sflag:$0x2] =	stream.indirect_vreg.gather [hbm4b:s3+s2], $0x80, v4, vm0, $0xb8;
	[tilespmem:$0x10100] =	vst v63  }
0x6a: {  	v3 =	vperm.xlane v3, v2  }
0x6b: {  	[tilespmem:s21], [sflag:$0x2] =	stream.indirect_vreg.gather [hbm4b:s6+s2], $0x80, v4, vm0, $0xb8;
	[tilespmem:$0x10100] =	vst v63  }
0x6c: {  	v3 =	vadd.s32 v1, v3  }
0x6d: {  	[tilespmem:s10], [sflag:$0x2] =	stream.indirect_vreg.gather [hbm4b:s7+s2], $0x80, v4, vm0, $0xb8;
	[tilespmem:$0x10100] =	vst v63  }
0x6e: {  	_ = 	snop  }
0x6f: {  	[tilespmem:s22], [sflag:$0x2] =	stream.indirect_vreg.gather [hbm4b:s8+s2], $0x80, v4, vm0, $0xb8;
	[tilespmem:$0x10100] =	vst v63  }
0x70: {  	_ = 	snop  }
0x71: {  	[tilespmem:s11], [sflag:$0x2] =	stream.indirect_vreg.gather [hbm4b:s3+s2], $0x80, v3, vm0, $0xb8;
	[tilespmem:$0x10100] =	vst v63  }
0x72: {  	_ = 	snop  }
0x73: {  	[tilespmem:s23], [sflag:$0x2] =	stream.indirect_vreg.gather [hbm4b:s6+s2], $0x80, v3, vm0, $0xb8;
	[tilespmem:$0x10100] =	vst v63  }
0x74: {  	_ = 	snop  }
0x75: {  	[tilespmem:s24], [sflag:$0x2] =	stream.indirect_vreg.gather [hbm4b:s7+s2], $0x80, v3, vm0, $0xb8;
	[tilespmem:$0x10100] =	vst v63  }
0x76: {  	_ = 	snop  }
0x77: {  	[tilespmem:s12], [sflag:$0x2] =	stream.indirect_vreg.gather [hbm4b:s8+s2], $0x80, v3, vm0, $0xb8;
	[tilespmem:$0x10100] =	vst v63  }
0x78: {  	_ =	swait.ge [sflag:s25], $0x8000  }
0x79: {  	[sflag:s25] =	ssyncset.done $0x0  }
0x7a: {  	[sflag:s25] =	ssyncadd.s32 $0xFFFF8000  }
0x7b: {  	_ =	swait.ge [sflag:s13], $0x8000  }
0x7c: {  	s28 =	simm.s32 $0xFFFF8000;
	s29 =	simm.s32 $0x0;
	[sflag:s13] =	ssyncset.done $0x0  }
0x7d: {  	s30 =	simm.s32 $0x0;
	s31 =	simm.s32 $0x0;
	[sflag:s13] =	ssyncadd.s32 $0xFFFF8000  }
.LBB2_2:
0x7e: {  	s0 =	sadd.s32 $0x8000, s28  }
0x7f: {  	s1 =	sand.u32 $0x380, s31;
	s0 =	sand.u32 $0x6000, s0  }
0x80: {  	s0 =	sor.u32 s1, s0  }
0x81: {  	v3 =	vld [tilespmem:s0+$0x100]  }
0x82: {  	v4 =	vld [tilespmem:s0+$0x8100]  }
0x83: {  	v5 =	vld [tilespmem:s0+$0x110]  }
0x84: {  	v6 =	vld [tilespmem:s0+$0x8110]  }
0x85: {  	v7 =	vld [tilespmem:s0+$0x120]  }
0x86: {  	v8 =	vld [tilespmem:s0+$0x8120]  }
0x87: {  	v9 =	vld [tilespmem:s0+$0x130]  }
0x88: {  	v10 =	vld [tilespmem:s0+$0x8130]  }
0x89: {  	v11 =	vld [tilespmem:s0+$0x140]  }
0x8a: {  	v12 =	vld [tilespmem:s0+$0x8140]  }
0x8b: {  	v13 =	vld [tilespmem:s0+$0x150]  }
0x8c: {  	v14 =	vld [tilespmem:s0+$0x8150]  }
0x8d: {  	v15 =	vld [tilespmem:s0+$0x160]  }
0x8e: {  	v16 =	vld [tilespmem:s0+$0x8160]  }
0x8f: {  	v17 =	vld [tilespmem:s0+$0x170]  }
0x90: {  	v18 =	vld [tilespmem:s0+$0x8170]  }
0x91: {  	v19 =	vld [tilespmem:s0+$0x500]  }
0x92: {  	v20 =	vld [tilespmem:s0+$0x8500]  }
0x93: {  	v21 =	vld [tilespmem:s0+$0x510]  }
0x94: {  	v22 =	vld [tilespmem:s0+$0x8510]  }
0x95: {  	v23 =	vld [tilespmem:s0+$0x520]  }
0x96: {  	v24 =	vld [tilespmem:s0+$0x8520]  }
0x97: {  	v25 =	vld [tilespmem:s0+$0x530]  }
0x98: {  	v26 =	vld [tilespmem:s0+$0x8530]  }
0x99: {  	v27 =	vld [tilespmem:s0+$0x540]  }
0x9a: {  	v28 =	vld [tilespmem:s0+$0x8540]  }
0x9b: {  	v29 =	vld [tilespmem:s0+$0x550]  }
0x9c: {  	v30 =	vld [tilespmem:s0+$0x8550]  }
0x9d: {  	v31 =	vld [tilespmem:s0+$0x560]  }
0x9e: {  	v32 =	vld [tilespmem:s0+$0x8560]  }
0x9f: {  	v33 =	vld [tilespmem:s0+$0x570]  }
0xa0: {  	v34 =	vld [tilespmem:s0+$0x8570]  }
0xa1: {  	v35 =	vld [tilespmem:s0+$0x900]  }
0xa2: {  	v36 =	vld [tilespmem:s0+$0x8900]  }
0xa3: {  	v37 =	vld [tilespmem:s0+$0x910]  }
0xa4: {  	v38 =	vld [tilespmem:s0+$0x8910]  }
0xa5: {  	v39 =	vld [tilespmem:s0+$0x920]  }
0xa6: {  	v40 =	vld [tilespmem:s0+$0x8920]  }
0xa7: {  	v41 =	vld [tilespmem:s0+$0x930]  }
0xa8: {  	v42 =	vld [tilespmem:s0+$0x8930]  }
0xa9: {  	v43 =	vld [tilespmem:s0+$0x940]  }
0xaa: {  	v44 =	vld [tilespmem:s0+$0x8940]  }
0xab: {  	v45 =	vld [tilespmem:s0+$0x950]  }
0xac: {  	v46 =	vld [tilespmem:s0+$0x8950]  }
0xad: {  	v47 =	vld [tilespmem:s0+$0x960]  }
0xae: {  	v48 =	vld [tilespmem:s0+$0x8960]  }
0xaf: {  	v49 =	vld [tilespmem:s0+$0x970]  }
0xb0: {  	v50 =	vld [tilespmem:s0+$0x8970]  }
0xb1: {  	v51 =	vld [tilespmem:s0+$0xD00]  }
0xb2: {  	v52 =	vld [tilespmem:s0+$0x8D00]  }
0xb3: {  	v53 =	vld [tilespmem:s0+$0xD10]  }
0xb4: {  	v54 =	vld [tilespmem:s0+$0x8D10]  }
0xb5: {  	v55 =	vld [tilespmem:s0+$0xD20]  }
0xb6: {  	v56 =	vld [tilespmem:s0+$0x8D20]  }
0xb7: {  	v57 =	vld [tilespmem:s0+$0xD30]  }
0xb8: {  	v58 =	vld [tilespmem:s0+$0x8D30]  }
0xb9: {  	v59 =	vld [tilespmem:s0+$0xD40]  }
0xba: {  	v60 =	vld [tilespmem:s0+$0x8D40]  }
0xbb: {  	v61 =	vld [tilespmem:s0+$0xD50]  }
0xbc: {  	v62 =	vld [tilespmem:s0+$0x8D50]  }
0xbd: {  	v63 =	vld [tilespmem:s0+$0xD60]  }
0xbe: {  	v3 =	vadd.f32 v4, v3;
	v4 =	vld [tilespmem:s0+$0x8D60]  }
0xbf: {  	v5 =	vadd.f32 v6, v5;
	v6 =	vld [tilespmem:s0+$0xD70]  }
0xc0: {  	v14 =	vadd.f32 v14, v13;
	v13 =	vld [tilespmem:s0+$0x9120];
	[tilespmem:s0+$0x100] =	vst v3;
	v3 =	vadd.f32 v8, v7  }
0xc1: {  	v18 =	vadd.f32 v18, v17;
	v17 =	vld [tilespmem:s0+$0x9140];
	[tilespmem:s0+$0x110] =	vst v5  }
0xc2: {  	v22 =	vadd.f32 v22, v21;
	v21 =	vld [tilespmem:s0+$0x9160];
	[tilespmem:s0+$0x120] =	vst v3;
	v3 =	vadd.f32 v12, v11  }
0xc3: {  	v7 =	vld [tilespmem:s0+$0x8D70];
	[tilespmem:s0+$0x150] =	vst v14  }
0xc4: {  	v8 =	vld [tilespmem:s0+$0x1100];
	[tilespmem:s0+$0x140] =	vst v3;
	v3 =	vadd.f32 v16, v15  }
0xc5: {  	v5 =	vadd.f32 v10, v9;
	v9 =	vld [tilespmem:s0+$0x9100];
	[tilespmem:s0+$0x170] =	vst v18  }
0xc6: {  	v10 =	vld [tilespmem:s0+$0x1110];
	[tilespmem:s0+$0x160] =	vst v3;
	v3 =	vadd.f32 v20, v19  }
0xc7: {  	v26 =	vadd.f32 v26, v25;
	v14 =	vld [tilespmem:s0+$0x1130];
	[tilespmem:s0+$0x510] =	vst v22  }
0xc8: {  	v18 =	vld [tilespmem:s0+$0x1150];
	[tilespmem:s0+$0x500] =	vst v3;
	v3 =	vadd.f32 v24, v23  }
0xc9: {  	v30 =	vadd.f32 v30, v29;
	[tilespmem:s0+$0x530] =	vst v26;
	v22 =	vld [tilespmem:s0+$0x1170]  }
0xca: {  	v19 =	vld [tilespmem:s0+$0x9150];
	[tilespmem:s0+$0x520] =	vst v3;
	v3 =	vadd.f32 v28, v27  }
0xcb: {  	v34 =	vadd.f32 v34, v33;
	[tilespmem:s0+$0x550] =	vst v30;
	v11 =	vld [tilespmem:s0+$0x9110]  }
0xcc: {  	v12 =	vld [tilespmem:s0+$0x1120];
	[tilespmem:s0+$0x540] =	vst v3;
	v3 =	vadd.f32 v32, v31  }
0xcd: {  	[tilespmem:s0+$0x570] =	vst v34;
	v15 =	vld [tilespmem:s0+$0x9130]  }
0xce: {  	v16 =	vld [tilespmem:s0+$0x1140];
	[tilespmem:s0+$0x560] =	vst v3;
	v3 =	vadd.f32 v36, v35  }
0xcf: {  	[tilespmem:s0+$0x130] =	vst v5;
	v20 =	vld [tilespmem:s0+$0x1160];
	v19 =	vadd.f32 v19, v18  }
0xd0: {  	v24 =	vld [tilespmem:s0+$0x1500];
	[tilespmem:s0+$0x900] =	vst v3;
	v3 =	vadd.f32 v40, v39  }
0xd1: {  	[tilespmem:s0+$0x1150] =	vst v19;
	v36 =	vadd.f32 v38, v37;
	v37 =	vld [tilespmem:s0+$0x9170]  }
0xd2: {  	v38 =	vadd.f32 v42, v41;
	v41 =	vld [tilespmem:s0+$0x1510];
	[tilespmem:s0+$0x920] =	vst v3;
	v3 =	vadd.f32 v44, v43  }
0xd3: {  	v42 =	vld [tilespmem:s0+$0x9510];
	[tilespmem:s0+$0x910] =	vst v36  }
0xd4: {  	v35 =	vld [tilespmem:s0+$0x1910];
	[tilespmem:s0+$0x940] =	vst v3;
	v3 =	vadd.f32 v48, v47  }
0xd5: {  	v39 =	vld [tilespmem:s0+$0x9500];
	[tilespmem:s0+$0x930] =	vst v38;
	v40 =	vadd.f32 v46, v45  }
0xd6: {  	v45 =	vld [tilespmem:s0+$0x9520];
	[tilespmem:s0+$0x960] =	vst v3;
	v3 =	vadd.f32 v52, v51  }
0xd7: {  	v46 =	vadd.f32 v54, v53;
	v53 =	vld [tilespmem:s0+$0x1550];
	[tilespmem:s0+$0x950] =	vst v40  }
0xd8: {  	v54 =	vld [tilespmem:s0+$0x9550];
	[tilespmem:s0+$0xD00] =	vst v3;
	v3 =	vadd.f32 v56, v55  }
0xd9: {  	v36 =	vld [tilespmem:s0+$0x9910];
	v43 =	vadd.f32 v50, v49;
	[tilespmem:s0+$0xD10] =	vst v46  }
0xda: {  	v38 =	vld [tilespmem:s0+$0x1920];
	[tilespmem:s0+$0xD20] =	vst v3;
	v3 =	vadd.f32 v60, v59  }
0xdb: {  	v44 =	vld [tilespmem:s0+$0x1520];
	v49 =	vadd.f32 v58, v57;
	[tilespmem:s0+$0x970] =	vst v43  }
0xdc: {  	v50 =	vld [tilespmem:s0+$0x1540];
	[tilespmem:s0+$0xD40] =	vst v3;
	v3 =	vadd.f32 v4, v63  }
0xdd: {  	v57 =	vld [tilespmem:s0+$0x9560];
	v58 =	vadd.f32 v11, v10;
	[tilespmem:s0+$0xD30] =	vst v49  }
0xde: {  	v46 =	vld [tilespmem:s0+$0x9950];
	[tilespmem:s0+$0xD60] =	vst v3;
	v3 =	vadd.f32 v9, v8  }
0xdf: {  	v37 =	vadd.f32 v37, v22;
	v40 =	vadd.f32 v42, v41;
	v41 =	vld [tilespmem:s0+$0x1930];
	[tilespmem:s0+$0x1110] =	vst v58  }
0xe0: {  	v42 =	vld [tilespmem:s0+$0x9930];
	[tilespmem:s0+$0x1100] =	vst v3;
	v3 =	vadd.f32 v13, v12  }
0xe1: {  	v47 =	vld [tilespmem:s0+$0x1530];
	[tilespmem:s0+$0x1170] =	vst v37  }
0xe2: {  	v48 =	vld [tilespmem:s0+$0x9530];
	[tilespmem:s0+$0x1120] =	vst v3;
	v3 =	vadd.f32 v17, v16  }
0xe3: {  	v49 =	vld [tilespmem:s0+$0x9960];
	[tilespmem:s0+$0x1510] =	vst v40;
	v52 =	vadd.f32 v62, v61  }
0xe4: {  	v51 =	vld [tilespmem:s0+$0x9540];
	[tilespmem:s0+$0x1140] =	vst v3;
	v3 =	vadd.f32 v21, v20  }
0xe5: {  	v61 =	vadd.f32 v15, v14;
	v62 =	vld [tilespmem:s0+$0x1900];
	[tilespmem:s0+$0xD50] =	vst v52  }
0xe6: {  	v56 =	vld [tilespmem:s0+$0x1560];
	[tilespmem:s0+$0x1160] =	vst v3;
	v3 =	vadd.f32 v39, v24  }
0xe7: {  	v55 =	vadd.f32 v7, v6;
	[tilespmem:s0+$0x1130] =	vst v61;
	v52 =	vld [tilespmem:s0+$0x9970]  }
0xe8: {  	v43 =	vadd.f32 v48, v47;
	v47 =	vld [tilespmem:s0+$0x1960];
	[tilespmem:s0+$0x1500] =	vst v3;
	v3 =	vadd.f32 v45, v44  }
0xe9: {  	[tilespmem:s0+$0xD70] =	vst v55;
	v63 =	vld [tilespmem:s0+$0x9900]  }
0xea: {  	v59 =	vld [tilespmem:s0+$0x1570];
	[tilespmem:s0+$0x1520] =	vst v3;
	v3 =	vadd.f32 v51, v50  }
0xeb: {  	[tilespmem:s0+$0x1530] =	vst v43;
	v4 =	vadd.f32 v54, v53;
	v39 =	vld [tilespmem:s0+$0x9920]  }
0xec: {  	v60 =	vld [tilespmem:s0+$0x9570];
	[tilespmem:s0+$0x1540] =	vst v3;
	v3 =	vadd.f32 v57, v56  }
0xed: {  	v54 =	vadd.f32 v42, v41;
	[tilespmem:s0+$0x1550] =	vst v4;
	v45 =	vld [tilespmem:s0+$0x1950]  }
0xee: {  	v53 =	vld [tilespmem:s0+$0x9940];
	[tilespmem:s0+$0x1560] =	vst v3;
	v3 =	vadd.f32 v63, v62  }
0xef: {  	[tilespmem:s0+$0x1930] =	vst v54;
	v55 =	vadd.f32 v49, v47;
	v50 =	vld [tilespmem:s0+$0x1970]  }
0xf0: {  	v44 =	vld [tilespmem:s0+$0x1940];
	[tilespmem:s0+$0x1900] =	vst v3;
	v3 =	vadd.f32 v39, v38  }
0xf1: {  	v48 =	vadd.f32 v60, v59;
	[tilespmem:s0+$0x1960] =	vst v55  }
0xf2: {  	[tilespmem:s0+$0x1920] =	vst v3;
	v3 =	vadd.f32 v46, v45  }
0xf3: {  	s4 =	sand.u32 $0x7, s29;
	[tilespmem:s0+$0x1570] =	vst v48;
	v51 =	vadd.f32 v36, v35  }
0xf4: {  	s1 =	sshll.u32 s4, $0x7;
	[tilespmem:s0+$0x1950] =	vst v3;
	v3 =	vadd.f32 v52, v50  }
0xf5: {  	s1 =	sadd.s32 s1, s30;
	[tilespmem:s0+$0x1910] =	vst v51;
	v56 =	vadd.f32 v53, v44  }
0xf6: {  	s4 =	sor.u32 $0x1C00, s1;
	[tilespmem:s0+$0x1970] =	vst v3  }
0xf7: {  	[tilespmem:s0+$0x1940] =	vst v56;
	v3 =	vld [tilespmem:s4+$0x100]  }
0xf8: {  	v4 =	vld [tilespmem:s4+$0x8100];
	_ =	sdelay $0x4  }
0xf9: {  	v3 =	vadd.f32 v4, v3;
	_ =	sdelay $0x1  }
0xfa: {  	[tilespmem:s4+$0x100] =	vst v3;
	s4 =	sor.u32 $0x1C10, s1  }
0xfb: {  	v3 =	vld [tilespmem:s4+$0x100]  }
0xfc: {  	v57 =	vld [tilespmem:s4+$0x8100];
	_ =	sdelay $0x4  }
0xfd: {  	v3 =	vadd.f32 v57, v3;
	_ =	sdelay $0x1  }
0xfe: {  	[tilespmem:s4+$0x100] =	vst v3;
	s4 =	sor.u32 $0x1C20, s1  }
0xff: {  	v3 =	vld [tilespmem:s4+$0x100]  }
0x100: {  	v58 =	vld [tilespmem:s4+$0x8100];
	_ =	sdelay $0x4  }
0x101: {  	v3 =	vadd.f32 v58, v3;
	_ =	sdelay $0x1  }
0x102: {  	[tilespmem:s4+$0x100] =	vst v3;
	s4 =	sor.u32 $0x1C30, s1  }
0x103: {  	v3 =	vld [tilespmem:s4+$0x100]  }
0x104: {  	v59 =	vld [tilespmem:s4+$0x8100];
	_ =	sdelay $0x4  }
0x105: {  	v3 =	vadd.f32 v59, v3;
	_ =	sdelay $0x1  }
0x106: {  	[tilespmem:s4+$0x100] =	vst v3;
	s4 =	sor.u32 $0x1C40, s1  }
0x107: {  	v3 =	vld [tilespmem:s4+$0x100]  }
0x108: {  	v60 =	vld [tilespmem:s4+$0x8100];
	_ =	sdelay $0x4  }
0x109: {  	v3 =	vadd.f32 v60, v3;
	_ =	sdelay $0x1  }
0x10a: {  	[tilespmem:s4+$0x100] =	vst v3;
	s4 =	sor.u32 $0x1C50, s1  }
0x10b: {  	v3 =	vld [tilespmem:s4+$0x100]  }
0x10c: {  	v61 =	vld [tilespmem:s4+$0x8100];
	_ =	sdelay $0x4  }
0x10d: {  	v3 =	vadd.f32 v61, v3;
	_ =	sdelay $0x1  }
0x10e: {  	[tilespmem:s4+$0x100] =	vst v3;
	s4 =	sor.u32 $0x1C60, s1  }
0x10f: {  	v3 =	vld [tilespmem:s4+$0x100]  }
0x110: {  	v62 =	vld [tilespmem:s4+$0x8100];
	_ =	sdelay $0x4  }
0x111: {  	v3 =	vadd.f32 v62, v3;
	_ =	sdelay $0x1  }
0x112: {  	[tilespmem:s4+$0x100] =	vst v3;
	s4 =	sor.u32 $0x1C70, s1  }
0x113: {  	v3 =	vld [tilespmem:s4+$0x100]  }
0x114: {  	v63 =	vld [tilespmem:s4+$0x8100];
	_ =	sdelay $0x1  }
0x115: {  	p0 =	sne.s32 s31, $0xF80  }
.Ltmp0:
0x116: {  	_ = 	snop;
	(pc) =	sbr.rel @p0 .LBB2_2-.Ltmp0, $4  }
0x117: {  	_ = 	snop  }
0x118: {  	v3 =	vadd.f32 v63, v3  }
0x119: {  	s29 =	sadd.s32 $0x1, s29  }
0x11a: {  	s28 =	sadd.s32 $0x400, s28;
	s31 =	sadd.s32 $0x80, s31;
	s30 =	sadd.s32 $0x400, s30;
	[tilespmem:s4+$0x100] =	vst v3  }
0x11b: {  	s28 =	simm.s32 $0x0;
	s0 =	rddreg [dreg:$0x5]  }
0x11c: {  	[hbm4b:s0+s28] =	stream.linear.scatter [tilespmem:s16], [sflag:$0x3], $0x8000, $0x38;
	[tilespmem:$0x10100] =	vst v63  }
0x11d: {  	_ =	swait.ge [sflag:s14], $0x8000  }
0x11e: {  	[sflag:s14] =	ssyncset.done $0x0  }
0x11f: {  	s1 =	rddreg [dreg:$0x6];
	[sflag:s14] =	ssyncadd.s32 $0xFFFF8000  }
0x120: {  	[tilespmem:s28], [sflag:$0x3] =	stream.linear.gather [hbm4b:s1+s28], $0x20, $0x38;
	[tilespmem:$0x10100] =	vst v63  }
0x121: {  	_ =	swait.ge [sflag:s14], $0x20  }
0x122: {  	[sflag:s14] =	ssyncset.done $0x0  }
0x123: {  	s1 =	simm.s32 $0x80;
	s4 =	rddreg [dreg:$0x7];
	[sflag:s14] =	ssyncadd.s32 $0xFFFFFFE0  }
0x124: {  	[tilespmem:s1], [sflag:$0x3] =	stream.linear.gather [hbm4b:s4+s28], $0x20, $0x38;
	[tilespmem:$0x10100] =	vst v63  }
0x125: {  	_ =	swait.ge [sflag:s14], $0x20  }
0x126: {  	[sflag:s14] =	ssyncset.done $0x0  }
0x127: {  	[sflag:s14] =	ssyncadd.s32 $0xFFFFFFE0  }
0x128: {  	v3 =	vld [tilespmem:$0x0];
	_ =	sdelay $0x4  }
0x129: {  	v4 =	vshll.u32 v3, $0x3  }
0x12a: {  	v3 =	vand.u32 $0x7, v3;
	v4 =	vand.u32 $0xFFFFFFC0, v4  }
0x12b: {  	v3 =	vor.u32 v3, v4  }
0x12c: {  	v4 =	vperm.xlane v3, v0;
	_ =	sdelay $0x1  }
0x12d: {  	v4 =	vadd.s32 v1, v4;
	_ =	sdelay $0x4  }
0x12e: {  	[tilespmem:s16], [sflag:$0x1] =	stream.indirect_vreg.gather [hbm4b:s3+s28], $0x80, v4, vm0, $0xb8;
	[tilespmem:$0x10100] =	vst v63  }
0x12f: {  	s4 =	simm.s32 $0x900;
	v3 =	vperm.xlane v3, v2  }
0x130: {  	[tilespmem:s4], [sflag:$0x1] =	stream.indirect_vreg.gather [hbm4b:s6+s28], $0x80, v4, vm0, $0xb8;
	[tilespmem:$0x10100] =	vst v63  }
0x131: {  	s1 =	simm.s32 $0x1100;
	v3 =	vadd.s32 v1, v3  }
0x132: {  	[tilespmem:s1], [sflag:$0x1] =	stream.indirect_vreg.gather [hbm4b:s7+s28], $0x80, v4, vm0, $0xb8;
	[tilespmem:$0x10100] =	vst v63  }
0x133: {  	s4 =	simm.s32 $0x1900  }
0x134: {  	[tilespmem:s4], [sflag:$0x1] =	stream.indirect_vreg.gather [hbm4b:s8+s28], $0x80, v4, vm0, $0xb8;
	[tilespmem:$0x10100] =	vst v63  }
0x135: {  	s1 =	simm.s32 $0x2100  }
0x136: {  	[tilespmem:s1], [sflag:$0x1] =	stream.indirect_vreg.gather [hbm4b:s3+s28], $0x80, v3, vm0, $0xb8;
	[tilespmem:$0x10100] =	vst v63  }
0x137: {  	s4 =	simm.s32 $0x2900  }
0x138: {  	[tilespmem:s4], [sflag:$0x1] =	stream.indirect_vreg.gather [hbm4b:s6+s28], $0x80, v3, vm0, $0xb8;
	[tilespmem:$0x10100] =	vst v63  }
0x139: {  	s1 =	simm.s32 $0x3100  }
0x13a: {  	[tilespmem:s1], [sflag:$0x1] =	stream.indirect_vreg.gather [hbm4b:s7+s28], $0x80, v3, vm0, $0xb8;
	[tilespmem:$0x10100] =	vst v63  }
0x13b: {  	s4 =	simm.s32 $0x3900  }
0x13c: {  	[tilespmem:s4], [sflag:$0x1] =	stream.indirect_vreg.gather [hbm4b:s8+s28], $0x80, v3, vm0, $0xb8;
	[tilespmem:$0x10100] =	vst v63  }
0x13d: {  	v3 =	vld [tilespmem:$0x10];
	_ =	sdelay $0x4  }
0x13e: {  	v61 =	vshll.u32 v3, $0x3  }
0x13f: {  	v3 =	vand.u32 $0x7, v3;
	v4 =	vand.u32 $0xFFFFFFC0, v61  }
0x140: {  	v3 =	vor.u32 v3, v4  }
0x141: {  	v4 =	vperm.xlane v3, v0;
	_ =	sdelay $0x1  }
0x142: {  	v4 =	vadd.s32 v1, v4;
	_ =	sdelay $0x3  }
0x143: {  	s1 =	simm.s32 $0x4100  }
0x144: {  	[tilespmem:s1], [sflag:$0x1] =	stream.indirect_vreg.gather [hbm4b:s3+s28], $0x80, v4, vm0, $0xb8;
	[tilespmem:$0x10100] =	vst v63  }
0x145: {  	s4 =	simm.s32 $0x4900;
	v3 =	vperm.xlane v3, v2  }
0x146: {  	[tilespmem:s4], [sflag:$0x1] =	stream.indirect_vreg.gather [hbm4b:s6+s28], $0x80, v4, vm0, $0xb8;
	[tilespmem:$0x10100] =	vst v63  }
0x147: {  	v3 =	vadd.s32 v1, v3;
	s1 =	simm.s32 $0x5100  }
0x148: {  	[tilespmem:s1], [sflag:$0x1] =	stream.indirect_vreg.gather [hbm4b:s7+s28], $0x80, v4, vm0, $0xb8;
	[tilespmem:$0x10100] =	vst v63  }
0x149: {  	s4 =	simm.s32 $0x5900  }
0x14a: {  	[tilespmem:s4], [sflag:$0x1] =	stream.indirect_vreg.gather [hbm4b:s8+s28], $0x80, v4, vm0, $0xb8;
	[tilespmem:$0x10100] =	vst v63  }
0x14b: {  	s1 =	simm.s32 $0x6100  }
0x14c: {  	[tilespmem:s1], [sflag:$0x1] =	stream.indirect_vreg.gather [hbm4b:s3+s28], $0x80, v3, vm0, $0xb8;
	[tilespmem:$0x10100] =	vst v63  }
0x14d: {  	s4 =	simm.s32 $0x6900  }
0x14e: {  	[tilespmem:s4], [sflag:$0x1] =	stream.indirect_vreg.gather [hbm4b:s6+s28], $0x80, v3, vm0, $0xb8;
	[tilespmem:$0x10100] =	vst v63  }
0x14f: {  	s1 =	simm.s32 $0x7100  }
0x150: {  	[tilespmem:s1], [sflag:$0x1] =	stream.indirect_vreg.gather [hbm4b:s7+s28], $0x80, v3, vm0, $0xb8;
	[tilespmem:$0x10100] =	vst v63  }
0x151: {  	s4 =	simm.s32 $0x7900  }
0x152: {  	[tilespmem:s4], [sflag:$0x1] =	stream.indirect_vreg.gather [hbm4b:s8+s28], $0x80, v3, vm0, $0xb8;
	[tilespmem:$0x10100] =	vst v63  }
0x153: {  	v3 =	vld [tilespmem:$0x80];
	_ =	sdelay $0x4  }
0x154: {  	v62 =	vshll.u32 v3, $0x3  }
0x155: {  	v3 =	vand.u32 $0x7, v3;
	v4 =	vand.u32 $0xFFFFFFC0, v62  }
0x156: {  	v3 =	vor.u32 v3, v4  }
0x157: {  	v4 =	vperm.xlane v3, v0;
	_ =	sdelay $0x1  }
0x158: {  	v4 =	vadd.s32 v1, v4;
	_ =	sdelay $0x3  }
0x159: {  	s1 =	simm.s32 $0x8100  }
0x15a: {  	[tilespmem:s1], [sflag:$0x2] =	stream.indirect_vreg.gather [hbm4b:s3+s28], $0x80, v4, vm0, $0xb8;
	[tilespmem:$0x10100] =	vst v63  }
0x15b: {  	s4 =	simm.s32 $0x8900;
	v3 =	vperm.xlane v3, v2  }
0x15c: {  	[tilespmem:s4], [sflag:$0x2] =	stream.indirect_vreg.gather [hbm4b:s6+s28], $0x80, v4, vm0, $0xb8;
	[tilespmem:$0x10100] =	vst v63  }
0x15d: {  	v3 =	vadd.s32 v1, v3  }
0x15e: {  	[tilespmem:s5], [sflag:$0x2] =	stream.indirect_vreg.gather [hbm4b:s7+s28], $0x80, v4, vm0, $0xb8;
	[tilespmem:$0x10100] =	vst v63  }
0x15f: {  	_ = 	snop  }
0x160: {  	[tilespmem:s15], [sflag:$0x2] =	stream.indirect_vreg.gather [hbm4b:s8+s28], $0x80, v4, vm0, $0xb8;
	[tilespmem:$0x10100] =	vst v63  }
0x161: {  	_ = 	snop  }
0x162: {  	[tilespmem:s17], [sflag:$0x2] =	stream.indirect_vreg.gather [hbm4b:s3+s28], $0x80, v3, vm0, $0xb8;
	[tilespmem:$0x10100] =	vst v63  }
0x163: {  	_ = 	snop  }
0x164: {  	[tilespmem:s18], [sflag:$0x2] =	stream.indirect_vreg.gather [hbm4b:s6+s28], $0x80, v3, vm0, $0xb8;
	[tilespmem:$0x10100] =	vst v63  }
0x165: {  	_ = 	snop  }
0x166: {  	[tilespmem:s9], [sflag:$0x2] =	stream.indirect_vreg.gather [hbm4b:s7+s28], $0x80, v3, vm0, $0xb8;
	[tilespmem:$0x10100] =	vst v63  }
0x167: {  	_ = 	snop  }
0x168: {  	[tilespmem:s19], [sflag:$0x2] =	stream.indirect_vreg.gather [hbm4b:s8+s28], $0x80, v3, vm0, $0xb8;
	[tilespmem:$0x10100] =	vst v63  }
0x169: {  	v3 =	vld [tilespmem:$0x90];
	_ =	sdelay $0x4  }
0x16a: {  	v63 =	vshll.u32 v3, $0x3  }
0x16b: {  	v3 =	vand.u32 $0x7, v3;
	v4 =	vand.u32 $0xFFFFFFC0, v63  }
0x16c: {  	v3 =	vor.u32 v3, v4  }
0x16d: {  	v4 =	vperm.xlane v3, v0;
	_ =	sdelay $0x1  }
0x16e: {  	v4 =	vadd.s32 v1, v4;
	_ =	sdelay $0x4  }
0x16f: {  	[tilespmem:s20], [sflag:$0x2] =	stream.indirect_vreg.gather [hbm4b:s3+s28], $0x80, v4, vm0, $0xb8;
	[tilespmem:$0x10100] =	vst v63  }
0x170: {  	v3 =	vperm.xlane v3, v2  }
0x171: {  	[tilespmem:s21], [sflag:$0x2] =	stream.indirect_vreg.gather [hbm4b:s6+s28], $0x80, v4, vm0, $0xb8;
	[tilespmem:$0x10100] =	vst v63  }
0x172: {  	v3 =	vadd.s32 v1, v3  }
0x173: {  	[tilespmem:s10], [sflag:$0x2] =	stream.indirect_vreg.gather [hbm4b:s7+s28], $0x80, v4, vm0, $0xb8;
	[tilespmem:$0x10100] =	vst v63  }
0x174: {  	_ = 	snop  }
0x175: {  	[tilespmem:s22], [sflag:$0x2] =	stream.indirect_vreg.gather [hbm4b:s8+s28], $0x80, v4, vm0, $0xb8;
	[tilespmem:$0x10100] =	vst v63  }
0x176: {  	_ = 	snop  }
0x177: {  	[tilespmem:s11], [sflag:$0x2] =	stream.indirect_vreg.gather [hbm4b:s3+s28], $0x80, v3, vm0, $0xb8;
	[tilespmem:$0x10100] =	vst v63  }
0x178: {  	_ = 	snop  }
0x179: {  	[tilespmem:s23], [sflag:$0x2] =	stream.indirect_vreg.gather [hbm4b:s6+s28], $0x80, v3, vm0, $0xb8;
	[tilespmem:$0x10100] =	vst v63  }
0x17a: {  	_ = 	snop  }
0x17b: {  	[tilespmem:s24], [sflag:$0x2] =	stream.indirect_vreg.gather [hbm4b:s7+s28], $0x80, v3, vm0, $0xb8;
	[tilespmem:$0x10100] =	vst v63  }
0x17c: {  	_ = 	snop  }
0x17d: {  	[tilespmem:s12], [sflag:$0x2] =	stream.indirect_vreg.gather [hbm4b:s8+s28], $0x80, v3, vm0, $0xb8;
	[tilespmem:$0x10100] =	vst v63  }
0x17e: {  	_ =	swait.ge [sflag:s25], $0x8000  }
0x17f: {  	[sflag:s25] =	ssyncset.done $0x0  }
0x180: {  	[sflag:s25] =	ssyncadd.s32 $0xFFFF8000  }
0x181: {  	_ =	swait.ge [sflag:s13], $0x8000  }
0x182: {  	s29 =	simm.s32 $0xFFFF8000;
	[sflag:s13] =	ssyncset.done $0x0  }
0x183: {  	s30 =	simm.s32 $0x0;
	s31 =	simm.s32 $0x0;
	[sflag:s13] =	ssyncadd.s32 $0xFFFF8000  }
.LBB2_4:
0x184: {  	s0 =	sadd.s32 $0x8000, s29  }
0x185: {  	s1 =	sand.u32 $0x380, s31;
	s0 =	sand.u32 $0x6000, s0  }
0x186: {  	s0 =	sor.u32 s1, s0  }
0x187: {  	v3 =	vld [tilespmem:s0+$0x100]  }
0x188: {  	v4 =	vld [tilespmem:s0+$0x8100]  }
0x189: {  	v5 =	vld [tilespmem:s0+$0x110]  }
0x18a: {  	v6 =	vld [tilespmem:s0+$0x8110]  }
0x18b: {  	v7 =	vld [tilespmem:s0+$0x120]  }
0x18c: {  	v8 =	vld [tilespmem:s0+$0x8120]  }
0x18d: {  	v9 =	vld [tilespmem:s0+$0x130]  }
0x18e: {  	v10 =	vld [tilespmem:s0+$0x8130]  }
0x18f: {  	v11 =	vld [tilespmem:s0+$0x140]  }
0x190: {  	v12 =	vld [tilespmem:s0+$0x8140]  }
0x191: {  	v13 =	vld [tilespmem:s0+$0x150]  }
0x192: {  	v14 =	vld [tilespmem:s0+$0x8150]  }
0x193: {  	v15 =	vld [tilespmem:s0+$0x160]  }
0x194: {  	v16 =	vld [tilespmem:s0+$0x8160]  }
0x195: {  	v17 =	vld [tilespmem:s0+$0x170]  }
0x196: {  	v18 =	vld [tilespmem:s0+$0x8170]  }
0x197: {  	v19 =	vld [tilespmem:s0+$0x500]  }
0x198: {  	v20 =	vld [tilespmem:s0+$0x8500]  }
0x199: {  	v21 =	vld [tilespmem:s0+$0x510]  }
0x19a: {  	v22 =	vld [tilespmem:s0+$0x8510]  }
0x19b: {  	v23 =	vld [tilespmem:s0+$0x520]  }
0x19c: {  	v24 =	vld [tilespmem:s0+$0x8520]  }
0x19d: {  	v25 =	vld [tilespmem:s0+$0x530]  }
0x19e: {  	v26 =	vld [tilespmem:s0+$0x8530]  }
0x19f: {  	v27 =	vld [tilespmem:s0+$0x540]  }
0x1a0: {  	v28 =	vld [tilespmem:s0+$0x8540]  }
0x1a1: {  	v29 =	vld [tilespmem:s0+$0x550]  }
0x1a2: {  	v30 =	vld [tilespmem:s0+$0x8550]  }
0x1a3: {  	v31 =	vld [tilespmem:s0+$0x560]  }
0x1a4: {  	v32 =	vld [tilespmem:s0+$0x8560]  }
0x1a5: {  	v33 =	vld [tilespmem:s0+$0x570]  }
0x1a6: {  	v34 =	vld [tilespmem:s0+$0x8570]  }
0x1a7: {  	v35 =	vld [tilespmem:s0+$0x900]  }
0x1a8: {  	v36 =	vld [tilespmem:s0+$0x8900]  }
0x1a9: {  	v37 =	vld [tilespmem:s0+$0x910]  }
0x1aa: {  	v38 =	vld [tilespmem:s0+$0x8910]  }
0x1ab: {  	v39 =	vld [tilespmem:s0+$0x920]  }
0x1ac: {  	v40 =	vld [tilespmem:s0+$0x8920]  }
0x1ad: {  	v41 =	vld [tilespmem:s0+$0x930]  }
0x1ae: {  	v42 =	vld [tilespmem:s0+$0x8930]  }
0x1af: {  	v43 =	vld [tilespmem:s0+$0x940]  }
0x1b0: {  	v44 =	vld [tilespmem:s0+$0x8940]  }
0x1b1: {  	v45 =	vld [tilespmem:s0+$0x950]  }
0x1b2: {  	v46 =	vld [tilespmem:s0+$0x8950]  }
0x1b3: {  	v47 =	vld [tilespmem:s0+$0x960]  }
0x1b4: {  	v48 =	vld [tilespmem:s0+$0x8960]  }
0x1b5: {  	v49 =	vld [tilespmem:s0+$0x970]  }
0x1b6: {  	v50 =	vld [tilespmem:s0+$0x8970]  }
0x1b7: {  	v51 =	vld [tilespmem:s0+$0xD00]  }
0x1b8: {  	v52 =	vld [tilespmem:s0+$0x8D00]  }
0x1b9: {  	v53 =	vld [tilespmem:s0+$0xD10]  }
0x1ba: {  	v54 =	vld [tilespmem:s0+$0x8D10]  }
0x1bb: {  	v55 =	vld [tilespmem:s0+$0xD20]  }
0x1bc: {  	v56 =	vld [tilespmem:s0+$0x8D20]  }
0x1bd: {  	v57 =	vld [tilespmem:s0+$0xD30]  }
0x1be: {  	v58 =	vld [tilespmem:s0+$0x8D30]  }
0x1bf: {  	v59 =	vld [tilespmem:s0+$0xD40]  }
0x1c0: {  	v60 =	vld [tilespmem:s0+$0x8D40]  }
0x1c1: {  	v61 =	vld [tilespmem:s0+$0xD50]  }
0x1c2: {  	v62 =	vld [tilespmem:s0+$0x8D50]  }
0x1c3: {  	v63 =	vld [tilespmem:s0+$0xD60]  }
0x1c4: {  	v3 =	vadd.f32 v4, v3;
	v4 =	vld [tilespmem:s0+$0x8D60]  }
0x1c5: {  	v5 =	vadd.f32 v6, v5;
	v6 =	vld [tilespmem:s0+$0xD70]  }
0x1c6: {  	v14 =	vadd.f32 v14, v13;
	v13 =	vld [tilespmem:s0+$0x9120];
	[tilespmem:s0+$0x100] =	vst v3;
	v3 =	vadd.f32 v8, v7  }
0x1c7: {  	v18 =	vadd.f32 v18, v17;
	v17 =	vld [tilespmem:s0+$0x9140];
	[tilespmem:s0+$0x110] =	vst v5  }
0x1c8: {  	v22 =	vadd.f32 v22, v21;
	v21 =	vld [tilespmem:s0+$0x9160];
	[tilespmem:s0+$0x120] =	vst v3;
	v3 =	vadd.f32 v12, v11  }
0x1c9: {  	v7 =	vld [tilespmem:s0+$0x8D70];
	[tilespmem:s0+$0x150] =	vst v14  }
0x1ca: {  	v8 =	vld [tilespmem:s0+$0x1100];
	[tilespmem:s0+$0x140] =	vst v3;
	v3 =	vadd.f32 v16, v15  }
0x1cb: {  	v5 =	vadd.f32 v10, v9;
	v9 =	vld [tilespmem:s0+$0x9100];
	[tilespmem:s0+$0x170] =	vst v18  }
0x1cc: {  	v10 =	vld [tilespmem:s0+$0x1110];
	[tilespmem:s0+$0x160] =	vst v3;
	v3 =	vadd.f32 v20, v19  }
0x1cd: {  	v26 =	vadd.f32 v26, v25;
	v14 =	vld [tilespmem:s0+$0x1130];
	[tilespmem:s0+$0x510] =	vst v22  }
0x1ce: {  	v18 =	vld [tilespmem:s0+$0x1150];
	[tilespmem:s0+$0x500] =	vst v3;
	v3 =	vadd.f32 v24, v23  }
0x1cf: {  	v30 =	vadd.f32 v30, v29;
	[tilespmem:s0+$0x530] =	vst v26;
	v22 =	vld [tilespmem:s0+$0x1170]  }
0x1d0: {  	v19 =	vld [tilespmem:s0+$0x9150];
	[tilespmem:s0+$0x520] =	vst v3;
	v3 =	vadd.f32 v28, v27  }
0x1d1: {  	v34 =	vadd.f32 v34, v33;
	[tilespmem:s0+$0x550] =	vst v30;
	v11 =	vld [tilespmem:s0+$0x9110]  }
0x1d2: {  	v12 =	vld [tilespmem:s0+$0x1120];
	[tilespmem:s0+$0x540] =	vst v3;
	v3 =	vadd.f32 v32, v31  }
0x1d3: {  	[tilespmem:s0+$0x570] =	vst v34;
	v15 =	vld [tilespmem:s0+$0x9130]  }
0x1d4: {  	v16 =	vld [tilespmem:s0+$0x1140];
	[tilespmem:s0+$0x560] =	vst v3;
	v3 =	vadd.f32 v36, v35  }
0x1d5: {  	[tilespmem:s0+$0x130] =	vst v5;
	v20 =	vld [tilespmem:s0+$0x1160];
	v19 =	vadd.f32 v19, v18  }
0x1d6: {  	v24 =	vld [tilespmem:s0+$0x1500];
	[tilespmem:s0+$0x900] =	vst v3;
	v3 =	vadd.f32 v40, v39  }
0x1d7: {  	[tilespmem:s0+$0x1150] =	vst v19;
	v36 =	vadd.f32 v38, v37;
	v37 =	vld [tilespmem:s0+$0x9170]  }
0x1d8: {  	v38 =	vadd.f32 v42, v41;
	v41 =	vld [tilespmem:s0+$0x1510];
	[tilespmem:s0+$0x920] =	vst v3;
	v3 =	vadd.f32 v44, v43  }
0x1d9: {  	v42 =	vld [tilespmem:s0+$0x9510];
	[tilespmem:s0+$0x910] =	vst v36  }
0x1da: {  	v35 =	vld [tilespmem:s0+$0x1910];
	[tilespmem:s0+$0x940] =	vst v3;
	v3 =	vadd.f32 v48, v47  }
0x1db: {  	v39 =	vld [tilespmem:s0+$0x9500];
	[tilespmem:s0+$0x930] =	vst v38;
	v40 =	vadd.f32 v46, v45  }
0x1dc: {  	v45 =	vld [tilespmem:s0+$0x9520];
	[tilespmem:s0+$0x960] =	vst v3;
	v3 =	vadd.f32 v52, v51  }
0x1dd: {  	v46 =	vadd.f32 v54, v53;
	v53 =	vld [tilespmem:s0+$0x1550];
	[tilespmem:s0+$0x950] =	vst v40  }
0x1de: {  	v54 =	vld [tilespmem:s0+$0x9550];
	[tilespmem:s0+$0xD00] =	vst v3;
	v3 =	vadd.f32 v56, v55  }
0x1df: {  	v36 =	vld [tilespmem:s0+$0x9910];
	v43 =	vadd.f32 v50, v49;
	[tilespmem:s0+$0xD10] =	vst v46  }
0x1e0: {  	v38 =	vld [tilespmem:s0+$0x1920];
	[tilespmem:s0+$0xD20] =	vst v3;
	v3 =	vadd.f32 v60, v59  }
0x1e1: {  	v44 =	vld [tilespmem:s0+$0x1520];
	v49 =	vadd.f32 v58, v57;
	[tilespmem:s0+$0x970] =	vst v43  }
0x1e2: {  	v50 =	vld [tilespmem:s0+$0x1540];
	[tilespmem:s0+$0xD40] =	vst v3;
	v3 =	vadd.f32 v4, v63  }
0x1e3: {  	v57 =	vld [tilespmem:s0+$0x9560];
	v58 =	vadd.f32 v11, v10;
	[tilespmem:s0+$0xD30] =	vst v49  }
0x1e4: {  	v46 =	vld [tilespmem:s0+$0x9950];
	[tilespmem:s0+$0xD60] =	vst v3;
	v3 =	vadd.f32 v9, v8  }
0x1e5: {  	v37 =	vadd.f32 v37, v22;
	v40 =	vadd.f32 v42, v41;
	v41 =	vld [tilespmem:s0+$0x1930];
	[tilespmem:s0+$0x1110] =	vst v58  }
0x1e6: {  	v42 =	vld [tilespmem:s0+$0x9930];
	[tilespmem:s0+$0x1100] =	vst v3;
	v3 =	vadd.f32 v13, v12  }
0x1e7: {  	v47 =	vld [tilespmem:s0+$0x1530];
	[tilespmem:s0+$0x1170] =	vst v37  }
0x1e8: {  	v48 =	vld [tilespmem:s0+$0x9530];
	[tilespmem:s0+$0x1120] =	vst v3;
	v3 =	vadd.f32 v17, v16  }
0x1e9: {  	v49 =	vld [tilespmem:s0+$0x9960];
	[tilespmem:s0+$0x1510] =	vst v40;
	v52 =	vadd.f32 v62, v61  }
0x1ea: {  	v51 =	vld [tilespmem:s0+$0x9540];
	[tilespmem:s0+$0x1140] =	vst v3;
	v3 =	vadd.f32 v21, v20  }
0x1eb: {  	v61 =	vadd.f32 v15, v14;
	v62 =	vld [tilespmem:s0+$0x1900];
	[tilespmem:s0+$0xD50] =	vst v52  }
0x1ec: {  	v56 =	vld [tilespmem:s0+$0x1560];
	[tilespmem:s0+$0x1160] =	vst v3;
	v3 =	vadd.f32 v39, v24  }
0x1ed: {  	v55 =	vadd.f32 v7, v6;
	[tilespmem:s0+$0x1130] =	vst v61;
	v52 =	vld [tilespmem:s0+$0x9970]  }
0x1ee: {  	v43 =	vadd.f32 v48, v47;
	v47 =	vld [tilespmem:s0+$0x1960];
	[tilespmem:s0+$0x1500] =	vst v3;
	v3 =	vadd.f32 v45, v44  }
0x1ef: {  	[tilespmem:s0+$0xD70] =	vst v55;
	v63 =	vld [tilespmem:s0+$0x9900]  }
0x1f0: {  	v59 =	vld [tilespmem:s0+$0x1570];
	[tilespmem:s0+$0x1520] =	vst v3;
	v3 =	vadd.f32 v51, v50  }
0x1f1: {  	[tilespmem:s0+$0x1530] =	vst v43;
	v4 =	vadd.f32 v54, v53;
	v39 =	vld [tilespmem:s0+$0x9920]  }
0x1f2: {  	v60 =	vld [tilespmem:s0+$0x9570];
	[tilespmem:s0+$0x1540] =	vst v3;
	v3 =	vadd.f32 v57, v56  }
0x1f3: {  	v54 =	vadd.f32 v42, v41;
	[tilespmem:s0+$0x1550] =	vst v4;
	v45 =	vld [tilespmem:s0+$0x1950]  }
0x1f4: {  	v53 =	vld [tilespmem:s0+$0x9940];
	[tilespmem:s0+$0x1560] =	vst v3;
	v3 =	vadd.f32 v63, v62  }
0x1f5: {  	[tilespmem:s0+$0x1930] =	vst v54;
	v55 =	vadd.f32 v49, v47;
	v50 =	vld [tilespmem:s0+$0x1970]  }
0x1f6: {  	v44 =	vld [tilespmem:s0+$0x1940];
	[tilespmem:s0+$0x1900] =	vst v3;
	v3 =	vadd.f32 v39, v38  }
0x1f7: {  	v48 =	vadd.f32 v60, v59;
	[tilespmem:s0+$0x1960] =	vst v55  }
0x1f8: {  	[tilespmem:s0+$0x1920] =	vst v3;
	v3 =	vadd.f32 v46, v45  }
0x1f9: {  	s4 =	sand.u32 $0x7, s28;
	[tilespmem:s0+$0x1570] =	vst v48;
	v51 =	vadd.f32 v36, v35  }
0x1fa: {  	s1 =	sshll.u32 s4, $0x7;
	[tilespmem:s0+$0x1950] =	vst v3;
	v3 =	vadd.f32 v52, v50  }
0x1fb: {  	s1 =	sadd.s32 s1, s30;
	[tilespmem:s0+$0x1910] =	vst v51;
	v56 =	vadd.f32 v53, v44  }
0x1fc: {  	s4 =	sor.u32 $0x1C00, s1;
	[tilespmem:s0+$0x1970] =	vst v3  }
0x1fd: {  	[tilespmem:s0+$0x1940] =	vst v56;
	v3 =	vld [tilespmem:s4+$0x100]  }
0x1fe: {  	v4 =	vld [tilespmem:s4+$0x8100];
	_ =	sdelay $0x4  }
0x1ff: {  	v3 =	vadd.f32 v4, v3;
	_ =	sdelay $0x1  }
0x200: {  	[tilespmem:s4+$0x100] =	vst v3;
	s4 =	sor.u32 $0x1C10, s1  }
0x201: {  	v3 =	vld [tilespmem:s4+$0x100]  }
0x202: {  	v57 =	vld [tilespmem:s4+$0x8100];
	_ =	sdelay $0x4  }
0x203: {  	v3 =	vadd.f32 v57, v3;
	_ =	sdelay $0x1  }
0x204: {  	[tilespmem:s4+$0x100] =	vst v3;
	s4 =	sor.u32 $0x1C20, s1  }
0x205: {  	v3 =	vld [tilespmem:s4+$0x100]  }
0x206: {  	v58 =	vld [tilespmem:s4+$0x8100];
	_ =	sdelay $0x4  }
0x207: {  	v3 =	vadd.f32 v58, v3;
	_ =	sdelay $0x1  }
0x208: {  	[tilespmem:s4+$0x100] =	vst v3;
	s4 =	sor.u32 $0x1C30, s1  }
0x209: {  	v3 =	vld [tilespmem:s4+$0x100]  }
0x20a: {  	v59 =	vld [tilespmem:s4+$0x8100];
	_ =	sdelay $0x4  }
0x20b: {  	v3 =	vadd.f32 v59, v3;
	_ =	sdelay $0x1  }
0x20c: {  	[tilespmem:s4+$0x100] =	vst v3;
	s4 =	sor.u32 $0x1C40, s1  }
0x20d: {  	v3 =	vld [tilespmem:s4+$0x100]  }
0x20e: {  	v60 =	vld [tilespmem:s4+$0x8100];
	_ =	sdelay $0x4  }
0x20f: {  	v3 =	vadd.f32 v60, v3;
	_ =	sdelay $0x1  }
0x210: {  	[tilespmem:s4+$0x100] =	vst v3;
	s4 =	sor.u32 $0x1C50, s1  }
0x211: {  	v3 =	vld [tilespmem:s4+$0x100]  }
0x212: {  	v61 =	vld [tilespmem:s4+$0x8100];
	_ =	sdelay $0x4  }
0x213: {  	v3 =	vadd.f32 v61, v3;
	_ =	sdelay $0x1  }
0x214: {  	[tilespmem:s4+$0x100] =	vst v3;
	s4 =	sor.u32 $0x1C60, s1  }
0x215: {  	v3 =	vld [tilespmem:s4+$0x100]  }
0x216: {  	v62 =	vld [tilespmem:s4+$0x8100];
	_ =	sdelay $0x4  }
0x217: {  	v3 =	vadd.f32 v62, v3;
	_ =	sdelay $0x1  }
0x218: {  	[tilespmem:s4+$0x100] =	vst v3;
	s4 =	sor.u32 $0x1C70, s1  }
0x219: {  	v3 =	vld [tilespmem:s4+$0x100]  }
0x21a: {  	v63 =	vld [tilespmem:s4+$0x8100];
	_ =	sdelay $0x1  }
0x21b: {  	p0 =	sne.s32 s31, $0xF80  }
.Ltmp1:
0x21c: {  	_ = 	snop;
	(pc) =	sbr.rel @p0 .LBB2_4-.Ltmp1, $4  }
0x21d: {  	_ = 	snop  }
0x21e: {  	v3 =	vadd.f32 v63, v3  }
0x21f: {  	s28 =	sadd.s32 $0x1, s28  }
0x220: {  	s29 =	sadd.s32 $0x400, s29;
	s31 =	sadd.s32 $0x80, s31;
	s30 =	sadd.s32 $0x400, s30;
	[tilespmem:s4+$0x100] =	vst v3  }
0x221: {  	s0 =	rddreg [dreg:$0x8]  }
0x222: {  	[hbm4b:s0+s2] =	stream.linear.scatter [tilespmem:s16], [sflag:$0x3], $0x8000, $0x38;
	[tilespmem:$0x10100] =	vst v63  }
0x223: {  	_ =	swait.ge [sflag:s14], $0x8000  }
0x224: {  	s26 =	sadd.s32 $0x1, s26;
	s31 =	rddreg [dreg:$0x9]  }
0x225: {  	p0 =	sne.s32 s26, s31  }
.Ltmp2:
0x226: {  	_ = 	snop;
	(pc) =	sbr.rel @p0 .LBB2_1-.Ltmp2, $3  }
0x227: {  	_ =	sdelay $0x1  }
0x228: {  	[sflag:s14] =	ssyncset.done $0x0  }
0x229: {  	[sflag:s14] =	ssyncadd.s32 $0xFFFF8000  }
0x22a: {  	_ =	sfence.sel $0x180000  }
0x22b: {  	[bflag:$0x0] =	sbarrier.arrive $0xFFFF  }
0x22c: {  	_ =	strace $0x9000004D  }
0x22d: {  	s0 =	stileid.u32;
	[bflag:$0x2] =	sbarrier.arrive $0xFFFF  }
0x22e: {  	p0 =	sne.s32 s0, $0x0;
	s0 =	rddreg [dreg:$0x2]  }
0x22f: {  	s0 =	sadd.s32 @!p0 $0x100000, s0  }
0x230: {  	[sflag:s0] =	ssyncadd.tile.s32 @!p0 $0x1;
	_ =	shalt  }
.Lfunc_end2:
_tile_overlayer_lowered:
.L_overlay_start_2:
0x231: {  	(tag) =	ssettag $0x2  }
0x232: {  	s0 =	rddreg [dreg:$0x0];
	s2 =	stileid.u32  }
0x233: {  	s1 =	rddreg [dreg:$0x1];
	p0 =	sne.s32 s2, $0x0  }
0x234: {  	s3 =	rddreg [dreg:$0x2];
	[bflag:$0x3] =	sbarrier.arrive $0xFFFF;
	s2 =	simm.s32 @!p0 $0x1C03  }
0x235: {  	[timem:s3], [sflag:s2] =	dma.local @!p0 [hbm:s0], s1  }
0x236: {  	s0 =	simm.s32 @!p0 $0x3  }
0x237: {  	_ =	swait.ge @!p0 [sflag:s0], s1  }
0x238: {  	s1 =	ssub.s32 @!p0 $0x0, s1;
	[sflag:s0] =	ssyncset.done @!p0 $0x0  }
0x239: {  	[sflag:s0] =	ssyncadd.s32 @!p0 s1  }
0x23a: {  	[bflag:$0x3] =	sbarrier.arrive $0xFFFF  }
0x23b: {  	_ =	shalt  }

// kernel: kernel.7.cloned.1.call-start
scs
__scs_entry_jumppad:
0x0: {  	(pc) =	sbr.rel $0x88, $3  }
0x1: {  	(tag) =	ssettag $0x0;
	lr =	simm.s32 $0x1  }
0x2: {  	[smem:$0x3F9C] =	sst lr;
	_ =	strace $0xD0000000  }
0x3: {  	_ = 	snop  }
0x4: {  	_ = 	snop  }
0x5: {  	_ = 	snop  }
0x6: {  	_ = 	snop  }
0x7: {  	_ = 	snop  }
__scs_overlays_trampoline_lowered:
0x8: {  	[smem:$0x3FAB] =	sst s0  }
0x9: {  	[smem:$0x3FAC] =	sst s1  }
0xa: {  	[smem:$0x3FAD] =	sst s2  }
0xb: {  	[smem:$0x3FAE] =	sst s3  }
0xc: {  	[smem:$0x3FAF] =	sst s4  }
0xd: {  	[smem:$0x3FB0] =	sst s5  }
0xe: {  	[smem:$0x3FB1] =	sst s6  }
0xf: {  	[smem:$0x3FB2] =	sst s7  }
0x10: {  	[smem:$0x3FB3] =	sst s8  }
0x11: {  	[smem:$0x3FB4] =	sst s9;
	s0 =	simm.s32 @!p0 $0x0  }
0x12: {  	s1 =	sld [smem:$0x3F9A];
	s0 =	simm.s32 @p0 $0x1  }
0x13: {  	[smem:$0x3FB5] =	sst s0;
	s0 =	simm.s32 @!p1 $0x0  }
0x14: {  	s2 =	sld [smem:$0x3F99];
	s0 =	simm.s32 @p1 $0x1  }
0x15: {  	[smem:$0x3FB6] =	sst s0;
	s0 =	simm.s32 @!p2 $0x0  }
0x16: {  	s3 =	sld [smem:$0x3FDB];
	s0 =	simm.s32 @p2 $0x1  }
0x17: {  	s4 =	simm.s32 $0x1BF5;
	[smem:$0x3FB8] =	sst s0  }
0x18: {  	s0 =	sld [smem:$0x3F9B];
	_ =	swait.ge [sflag:s4], $0x0  }
0x19: {  	s7 =	sld [smem:$0x3F9C]  }
0x1a: {  	s8 =	sadd.s32 $0xFFFFE003, lr  }
0x1b: {  	s9 =	sadd.s32 $0xFFFFFEF7, lr;
	s5 =	simm.s32 $0xFFFFFFFF;
	p2 =	slt.u32 s8, $0xFFFFF086  }
0x1c: {  	p1 =	slt.u32 s9, $0xF7A;
	s5 =	simm.s32 @!p2 $0x0  }
0x1d: {  	s5 =	simm.s32 @p1 $0x1;
	p0 =	seq.s32 s7, s2  }
0x1e: {  	s7 =	smul.u32 @!p0 $0xF7A, s2;
	p2 =	seq.s32 @!p0 s5, $0x0  }
0x1f: {  	s9 =	smul.u32 $0xF7A, s1;
	s8 =	simm.s32 @!p0 $0x1BF5;
	p2 =	por !p2, p0  }
0x20: {  	[sflag:s8] =	ssyncset.s32 @!p0 $0xFFFFF086;
	s6 =	sadd.s32 @!p0 s3, s7;
	s7 =	simm.s32 @!p0 $0x108  }
0x21: {  	s3 =	sadd.s32 s3, s9;
	s6 =	sadd.s32 @!p0 $0x88, s6;
	s7 =	simm.s32 @p2 $0x1082  }
0x22: {  	[simem:s7], [sflag:s8] =	dma.local @!p0 [hbm:s6], $0xF7A  }
0x23: {  	s9 =	sor.u32 $0xD0000000, s2;
	s6 =	simm.s32 $0x108;
	_ =	swait.ge @!p0 [sflag:s8], $0x0  }
0x24: {  	s3 =	sadd.s32 $0x88, s3;
	s6 =	simm.s32 @!p1 $0x1082;
	[sflag:s4] =	ssyncset.s32 $0xFFFFF086  }
0x25: {  	[simem:s6], [sflag:s4] =	dma.local [hbm:s3], $0xF7A  }
0x26: {  	[smem:$0x3F9C] =	sst s1;
	(tag) =	ssettag s2;
	_ =	strace s9  }
0x27: {  	s1 =	sld [smem:$0x3FAC]  }
0x28: {  	s2 =	sld [smem:$0x3FAD]  }
0x29: {  	s4 =	sld [smem:$0x3FAF]  }
0x2a: {  	p0 =	seq.s32 s5, $0x0;
	s5 =	sld [smem:$0x3FB0]  }
0x2b: {  	s6 =	sld [smem:$0x3FB1]  }
0x2c: {  	s7 =	sld [smem:$0x3FB2]  }
0x2d: {  	s3 =	simm.s32 $0x108;
	s8 =	sld [smem:$0x3FB3]  }
0x2e: {  	s3 =	simm.s32 @!p0 $0x1082;
	s9 =	sld [smem:$0x3FB4]  }
0x2f: {  	lr =	sadd.s32 s0, s3;
	s0 =	sld [smem:$0x3FAB]  }
0x30: {  	s3 =	sld [smem:$0x3FAE]  }
0x31: {  	[smem:$0x3FB7] =	sst s10  }
0x32: {  	s10 =	sld [smem:$0x3FB5];
	_ =	sdelay $0x3  }
0x33: {  	p0 =	seq.s32 s10, $0x1;
	s10 =	sld [smem:$0x3FB7];
	_ =	sdelay $0x3  }
0x34: {  	[smem:$0x3FB7] =	sst s10  }
0x35: {  	s10 =	sld [smem:$0x3FB6];
	_ =	sdelay $0x3  }
0x36: {  	p1 =	seq.s32 s10, $0x1;
	s10 =	sld [smem:$0x3FB7];
	_ =	sdelay $0x3  }
0x37: {  	[smem:$0x3FB7] =	sst s10  }
0x38: {  	s10 =	sld [smem:$0x3FB8]  }
0x39: {  	_ = 	snop;
	(pc) =	sbr.ind lr, $3  }
0x3a: {  	_ = 	snop  }
0x3b: {  	_ = 	snop  }
0x3c: {  	p2 =	seq.s32 s10, $0x1;
	s10 =	sld [smem:$0x3FB7]  }
0x3d: {  	_ =	shalt  }
0x3e: {  	_ =	shalt  }
0x3f: {  	_ =	shalt  }
0x40: {  	_ =	shalt  }
0x41: {  	_ =	shalt  }
0x42: {  	_ =	shalt  }
0x43: {  	_ =	shalt  }
0x44: {  	_ =	shalt  }
0x45: {  	_ =	shalt  }
0x46: {  	_ =	shalt  }
0x47: {  	_ =	shalt  }
0x48: {  	_ =	shalt  }
0x49: {  	_ =	shalt  }
0x4a: {  	_ =	shalt  }
0x4b: {  	_ =	shalt  }
0x4c: {  	_ =	shalt  }
0x4d: {  	_ =	shalt  }
0x4e: {  	_ =	shalt  }
0x4f: {  	_ =	shalt  }
0x50: {  	_ =	shalt  }
0x51: {  	_ =	shalt  }
0x52: {  	_ =	shalt  }
0x53: {  	_ =	shalt  }
0x54: {  	_ =	shalt  }
0x55: {  	_ =	shalt  }
0x56: {  	_ =	shalt  }
0x57: {  	_ =	shalt  }
0x58: {  	_ =	shalt  }
0x59: {  	_ =	shalt  }
0x5a: {  	_ =	shalt  }
0x5b: {  	_ =	shalt  }
0x5c: {  	_ =	shalt  }
0x5d: {  	_ =	shalt  }
0x5e: {  	_ =	shalt  }
0x5f: {  	_ =	shalt  }
0x60: {  	_ =	shalt  }
0x61: {  	_ =	shalt  }
0x62: {  	_ =	shalt  }
0x63: {  	_ =	shalt  }
0x64: {  	_ =	shalt  }
0x65: {  	_ =	shalt  }
0x66: {  	_ =	shalt  }
0x67: {  	_ =	shalt  }
0x68: {  	_ =	shalt  }
0x69: {  	_ =	shalt  }
0x6a: {  	_ =	shalt  }
0x6b: {  	_ =	shalt  }
0x6c: {  	_ =	shalt  }
0x6d: {  	_ =	shalt  }
0x6e: {  	_ =	shalt  }
0x6f: {  	_ =	shalt  }
0x70: {  	_ =	shalt  }
0x71: {  	_ =	shalt  }
0x72: {  	_ =	shalt  }
0x73: {  	_ =	shalt  }
0x74: {  	_ =	shalt  }
0x75: {  	_ =	shalt  }
0x76: {  	_ =	shalt  }
0x77: {  	_ =	shalt  }
0x78: {  	_ =	shalt  }
0x79: {  	_ =	shalt  }
0x7a: {  	_ =	shalt  }
0x7b: {  	_ =	shalt  }
0x7c: {  	_ =	shalt  }
0x7d: {  	_ =	shalt  }
0x7e: {  	_ =	shalt  }
0x7f: {  	_ =	shalt  }
0x80: {  	_ =	shalt  }
0x81: {  	_ =	shalt  }
0x82: {  	_ =	shalt  }
0x83: {  	_ =	shalt  }
0x84: {  	_ =	shalt  }
0x85: {  	_ =	shalt  }
0x86: {  	_ =	shalt  }
0x87: {  	_ =	shalt  }
.Lfunc_end0:
.L_simem_size_0:
called_computation_lowered:
.L_overlay_start_0:
0x88: {  	s2 =	sld [smem:$0x3FD9]  }
0x89: {  	s3 =	sld [smem:$0x3FFE];
	_ =	sdelay $0x1  }
0x8a: {  	s1 =	srdreg.scid  }
0x8b: {  	s0 =	sand.u32 $0x1, s1  }
0x8c: {  	s17 =	sshll.u32 s0, $0xA;
	s2 =	sadd.s32 s3, s2  }
0x8d: {  	s2 =	sadd.s32 s2, s17  }
0x8e: {  	[smem:$0x3FC3] =	sst s2  }
0x8f: {  	_ = 	snop  }
0x90: {  	s2 =	sld [smem:$0x3FD0];
	(tm) =	ssettm $0x1  }
0x91: {  	s18 =	sld [smem:$0x3FFB];
	_ =	sdelay $0x3  }
0x92: {  	_ =	strace s18  }
0x93: {  	s3 =	sld [smem:$0x3FFC];
	_ =	sdelay $0x3  }
0x94: {  	_ =	strace s3  }
0x95: {  	s3 =	sld [smem:$0x3FFD];
	_ =	sdelay $0x3  }
0x96: {  	_ =	strace s3  }
0x97: {  	_ =	strace $0x8FFFFFFF  }
0x98: {  	s19 =	sld [smem:$0x3FDB];
	_ =	sdelay $0x1  }
0x99: {  	s4 =	simm.s32 $_scs_section_size  }
0x9a: {  	s5 =	simm.s32 $_size__tile_overlayer_lowered;
	s6 =	simm.s32 $_tile_overlayer_lowered  }
0x9b: {  	s22 =	simm.s32 $0x1BFF;
	s21 =	sshll.u32 s6, $0x1;
	s3 =	sadd.s32 s4, s19  }
0x9c: {  	s7 =	simm.s32 $0x0;
	s20 =	sshll.u32 s5, $0x1;
	s5 =	sadd.s32 s21, s3  }
0x9d: {  	[timem:s7], [sflag:s22] =	dma.local [hbm:s5], s20  }
0x9e: {  	_ =	swait.ge [sflag:s22], s20  }
0x9f: {  	s4 =	ssub.s32 $0x0, s20;
	[sflag:s22] =	ssyncset.done $0x0  }
0xa0: {  	[sflag:s22] =	ssyncadd.s32 s4;
	_ =	sdelay $0x1  }
0xa1: {  	s23 =	simm.s32 $0x1B8B  }
0xa2: {  	_ =	swait.ge [sflag:s23], $0x1  }
0xa3: {  	[sflag:s23] =	ssyncset.done $0x0  }
0xa4: {  	s25 =	simm.s32 $0x1B8E;
	s24 =	sld [smem:$0x3FFE];
	[sflag:s23] =	ssyncadd.s32 $0xFFFFFFFF  }
0xa5: {  	s26 =	simm.s32 $execute0_lowered;
	[smem:$0x3FD2] =	sst s25  }
0xa6: {  	s5 =	sshll.u32 s26, $0x1;
	_ =	strace $0x80000046;
	[dreg:$0x1] =	wrdreg $0xFFFFFFFF  }
0xa7: {  	s28 =	simm.s32 $_size_execute0_lowered;
	s3 =	sadd.s32 s3, s5;
	[dreg:$0x0] =	wrdreg $0x0  }
0xa8: {  	s5 =	sshll.u32 s28, $0x1;
	[dreg:$0x2] =	wrdreg s3  }
0xa9: {  	[dreg:$0x3] =	wrdreg s5  }
0xaa: {  	[dreg:$0x4] =	wrdreg $0xC0  }
0xab: {  	_ =	task [dreg:s7], $0x5FFFF  }
0xac: {  	[dreg:$0x1] =	wrdreg $0xFFFFFFFF  }
0xad: {  	[dreg:$0x0] =	wrdreg $0x60  }
0xae: {  	[dreg:$0x2] =	wrdreg s24  }
0xaf: {  	[dreg:$0x3] =	wrdreg s2  }
0xb0: {  	[dreg:$0x4] =	wrdreg $0x9  }
0xb1: {  	_ =	task.clear_ibuf [dreg:s7], $0x5FFFF;
	_ =	strace $0x90000046  }
0xb2: {  	s29 =	simm.s32 $0x9;
	_ =	strace $0x80000048  }
0xb3: {  	_ =	swait.ge [sflag:s29], $0x1  }
0xb4: {  	[sflag:s29] =	ssyncadd.s32 $0xFFFFFFFF  }
0xb5: {  	_ =	strace $0x90000048  }
0xb6: {  	_ =	sfence  }
0xb7: {  	s30 =	sld [smem:$0x0];
	_ =	sdelay $0x2  }
0xb8: {  	s31 =	sshll.u32 s1, $0xD;
	s1 =	sshrl.u32 s1, $0x2  }
0xb9: {  	s3 =	sand.u32 $0x4000, s31;
	s1 =	sadd.s32 s1, s30  }
0xba: {  	s0 =	sor.u32 s3, s0;
	s1 =	sshll.u32 s1, $0x11  }
0xbb: {  	s0 =	sor.u32 s1, s0  }
0xbc: {  	s0 =	sadd.s32 $0x8F2B, s0  }
0xbd: {  	[sflag:s0] =	ssyncadd.remote.s32 $0x1  }
0xbe: {  	_ =	sfence.sel $0xFFFF  }
0xbf: {  	[dreg:$0x0] =	wrdreg $0xFFFFFFFF;
	(pc) =	sbr.abs _section_cstart, $3  }
0xc0: {  	[dreg:$0x1] =	wrdreg $0xFFFFFFFF  }
0xc1: {  	_ =	task.clear_ibuf [dreg:s7], $0x2FFFF;
	_ =	strace $0x9FFFFFFF  }
0xc2: {  	(tm) =	ssettm $0x7FFFFFFF  }
0xc3: {  	_ =	shalt  }
tec
execute0_lowered:
.L_overlay_start_1:
0x0: {  	(tag) =	ssettag $0x1  }
0x1: {  	s0 =	srdreg.scid  }
0x2: {  	s3 =	sand.u32 $0x1, s0;
	s0 =	stileid.u32  }
0x3: {  	s4 =	sor.u32 s0, s3  }
0x4: {  	p0 =	sne.s32 s4, $0x0  }
.Ltmp0:
0x5: {  	_ = 	snop;
	(pc) =	sbr.rel @p0 .LBB2_7-.Ltmp0, $4  }
0x6: {  	_ = 	snop  }
0x7: {  	s5 =	rddreg [dreg:$0x0]  }
0x8: {  	s2 =	rddreg [dreg:$0x1]  }
0x9: {  	s1 =	rddreg [dreg:$0x2];
	_ =	strace $0x80000047  }
0xa: {  	s6 =	ssub.s32 $0x2, s3;
	s3 =	sadd.s32 $0x1E00, s5;
	s4 =	sadd.s32 $0x1C00, s5  }
0xb: {  	s5 =	sadd.s32 $0x2000, s5;
	s8 =	simm.s32 $0x1;
	s9 =	simm.s32 $0x1000  }
0xc: {  	s10 =	simm.s32 $0x2000;
	s11 =	simm.s32 $0x3800;
	s7 =	sshrl.u32 s6, $0x1  }
0xd: {  	v0 =	vlaneseq.u32;
	v1 =	vimm.f32 $0.0e+00;
	s12 =	simm.s32 $0x0;
	s6 =	ssub.s32 s6, s7;
	s7 =	simm.s32 $0x0  }
.LBB2_2:
0xe: {  	[tilespmem:s7], [sflag:$0x1] =	stream.linear.gather [hbm4b:s3+s7], $0x1000, $0x38;
	[tilespmem:$0x5000] =	vst v63  }
0xf: {  	_ =	swait.ge [sflag:s8], $0x1000  }
0x10: {  	[sflag:s8] =	ssyncset.done $0x0  }
0x11: {  	[sflag:s8] =	ssyncadd.s32 $0xFFFFF000  }
0x12: {  	[tilespmem:s9], [sflag:$0x1] =	stream.linear.gather [hbm4b:s4+s7], $0x1000, $0x38;
	[tilespmem:$0x5000] =	vst v63  }
0x13: {  	_ =	swait.ge [sflag:s8], $0x1000  }
0x14: {  	s13 =	simm.s32 $0x3800;
	[sflag:s8] =	ssyncset.done $0x0  }
0x15: {  	s14 =	simm.s32 $0x2000;
	s15 =	simm.s32 $0x0;
	[sflag:s8] =	ssyncadd.s32 $0xFFFFF000  }
.LBB2_3:
0x16: {  	p0 =	sne.s32 s15, $0x17F0  }
.Ltmp1:
0x17: {  	_ = 	snop;
	(pc) =	sbr.rel @p0 .LBB2_3-.Ltmp1, $4  }
0x18: {  	s16 =	sand.u32 $0x7F0, s15  }
0x19: {  	v2 =	vor.u32 s16, v0  }
0x1a: {  	[tilespmem:s14+$0x0] =	vst v2  }
0x1b: {  	s15 =	sadd.s32 $0x10, s15;
	s14 =	sadd.s32 $0x10, s14;
	[tilespmem:s13+$0x0] =	vst v1;
	s13 =	sadd.s32 $0x10, s13  }
0x1c: {  	s14 =	simm.s32 $0x0  }
0x1d: {  	v2 =	vld [tilespmem:s14+$0x0];
	_ =	sdelay $0x2  }
0x1e: {  	s13 =	simm.s32 $0x1000  }
0x1f: {  	v3 =	vld [tilespmem:s13+$0x0];
	_ =	sdelay $0x1  }
0x20: {  	s14 =	sand.u32 $0x7F0, s14  }
0x21: {  	v4 =	vor.u32 s14, v0  }
0x22: {  	[tilespmem:v2+s10+$0x0] =	vst.idx.msk $0xffff, v4  }
0x23: {  	s14 =	simm.s32 $0x10;
	[tilespmem:v2+s11+$0x0] =	vst.idx.msk $0xffff, v3  }
0x24: {  	v2 =	vld [tilespmem:s14+$0x0]  }
0x25: {  	s15 =	simm.s32 $0x20;
	s16 =	simm.s32 $0x10  }
.LBB2_5:
0x26: {  	p0 =	sne.s32 s15, $0xFF0  }
0x27: {  	s13 =	sadd.s32 $0x10, s13  }
0x28: {  	v3 =	vld [tilespmem:s13+$0x0];
	_ =	sdelay $0x1  }
0x29: {  	s17 =	sand.u32 $0x7F0, s14;
	s14 =	smov.u32 s15  }
.Ltmp2:
0x2a: {  	v4 =	vor.u32 s17, v0;
	(pc) =	sbr.rel @p0 .LBB2_5-.Ltmp2, $4  }
0x2b: {  	[tilespmem:v2+s10+$0x0] =	vst.idx.msk $0xffff, v4  }
0x2c: {  	s16 =	sadd.s32 $0x10, s16;
	[tilespmem:v2+s11+$0x0] =	vst.idx.msk $0xffff, v3  }
0x2d: {  	v2 =	vld [tilespmem:s16+$0x0]  }
0x2e: {  	s15 =	sadd.s32 $0x10, s15  }
0x2f: {  	_ =	sdelay $0x1  }
0x30: {  	s13 =	sadd.s32 $0x10, s13  }
0x31: {  	v3 =	vld [tilespmem:s13+$0x0];
	_ =	sdelay $0x1  }
0x32: {  	s31 =	sand.u32 $0x7F0, s14  }
0x33: {  	v4 =	vor.u32 s31, v0  }
0x34: {  	[tilespmem:v2+s10+$0x0] =	vst.idx.msk $0xffff, v4  }
0x35: {  	[tilespmem:v2+s11+$0x0] =	vst.idx.msk $0xffff, v3  }
0x36: {  	[hbm4b:s2+s7] =	stream.linear.scatter [tilespmem:s10], [sflag:$0x1], $0x1800, $0x38;
	[tilespmem:$0x5000] =	vst v63  }
0x37: {  	s12 =	sadd.s32 $0x1, s12;
	_ =	swait.ge [sflag:s8], $0x1800  }
0x38: {  	p0 =	sne.s32 s12, s6;
	[sflag:s8] =	ssyncset.done $0x0  }
.Ltmp3:
0x39: {  	[sflag:s8] =	ssyncadd.s32 $0xFFFFE800;
	(pc) =	sbr.rel @p0 .LBB2_2-.Ltmp3, $4  }
0x3a: {  	[hbm4b:s5+s7] =	stream.linear.scatter [tilespmem:s11], [sflag:$0x1], $0x1800, $0x38;
	[tilespmem:$0x5000] =	vst v63  }
0x3b: {  	_ =	swait.ge [sflag:s8], $0x1800  }
0x3c: {  	[sflag:s8] =	ssyncset.done $0x0  }
0x3d: {  	[sflag:s8] =	ssyncadd.s32 $0xFFFFE800  }
.LBB2_7:
0x3e: {  	_ =	sfence.sel $0x180000  }
0x3f: {  	[bflag:$0x0] =	sbarrier.arrive $0xFFFF  }
0x40: {  	p0 =	sne.s32 s0, $0x0;
	_ =	strace $0x90000047  }
0x41: {  	s0 =	sadd.s32 @!p0 $0x100000, s1;
	[bflag:$0x2] =	sbarrier.arrive $0xFFFF  }
0x42: {  	[sflag:s0] =	ssyncadd.tile.s32 @!p0 $0x1;
	_ =	shalt  }
.Lfunc_end2:
_tile_overlayer_lowered:
.L_overlay_start_2:
0x43: {  	(tag) =	ssettag $0x2  }
0x44: {  	s0 =	rddreg [dreg:$0x0];
	s2 =	stileid.u32  }
0x45: {  	s1 =	rddreg [dreg:$0x1];
	p0 =	sne.s32 s2, $0x0  }
0x46: {  	s3 =	rddreg [dreg:$0x2];
	[bflag:$0x3] =	sbarrier.arrive $0xFFFF;
	s2 =	simm.s32 @!p0 $0x1C01  }
0x47: {  	[timem:s3], [sflag:s2] =	dma.local @!p0 [hbm:s0], s1  }
0x48: {  	s0 =	simm.s32 @!p0 $0x1  }
0x49: {  	_ =	swait.ge @!p0 [sflag:s0], s1  }
0x4a: {  	s1 =	ssub.s32 @!p0 $0x0, s1;
	[sflag:s0] =	ssyncset.done @!p0 $0x0  }
0x4b: {  	[sflag:s0] =	ssyncadd.s32 @!p0 s1  }
0x4c: {  	[bflag:$0x3] =	sbarrier.arrive $0xFFFF  }
0x4d: {  	_ =	shalt  }

</sc_bundles>
